<compile_context>
chip_gen: v7x
topology: tpu7x:2x2x1
jax: 0.10.2.dev20260603
libtpu: 0.0.44.dev20260713+nightly
codegen_flags: <defaults>
</compile_context>

<pallas_src>
import functools

import jax
import jax.numpy as jnp
from jax import lax
from jax.experimental import pallas as pl
from jax.experimental.pallas import tpu as pltpu
from jax.experimental.pallas import tpu_sc as plsc

_NEWTON_ITERS = 6


def _sparsemax_tau(x):
    rmax = jnp.max(x, axis=1, keepdims=True)
    lo = rmax - 1.0
    hi = rmax
    tau = lo
    for _ in range(_NEWTON_ITERS):
        pos = x > tau
        s = jnp.sum(jnp.where(pos, x, 0.0), axis=1, keepdims=True)
        cnt = jnp.sum(jnp.where(pos, 1.0, 0.0), axis=1, keepdims=True)
        g = s - cnt * tau - 1.0
        gpos = g > 0.0
        lo = jnp.where(gpos, tau, lo)
        hi = jnp.where(gpos, hi, tau)
        newt = tau + g / jnp.maximum(cnt, 1.0)
        mid = 0.5 * (lo + hi)
        take_newt = (newt > lo) & (newt < hi)
        tau = jnp.where(g == 0.0, tau, jnp.where(take_newt, newt, mid))
    return tau


def _sparsemax(x):
    return jnp.maximum(x - _sparsemax_tau(x), 0.0)


def _levels_body(conn2_ref, conn3_ref, root_ref, out_ref):
    level2 = jnp.dot(_sparsemax(conn3_ref[:]), root_ref[:],
                     preferred_element_type=jnp.float32)
    out_ref[:] = jnp.dot(_sparsemax(conn2_ref[:]), level2,
                         preferred_element_type=jnp.float32)


def _compute_level1(conn2, conn3, rootMatrix):
    n1, n2 = conn2.shape
    d = rootMatrix.shape[1]
    return pl.pallas_call(
        _levels_body,
        out_shape=jax.ShapeDtypeStruct((n1, d), jnp.float32),
    )(conn2, conn3, rootMatrix)


def _sparsemax_tau_hybrid(x):
    rmax = jnp.max(x, axis=1, keepdims=True)
    lo = rmax - 1.0
    hi = rmax
    xb = x.astype(jnp.bfloat16)
    tau = lo
    for _ in range(3):
        tb = tau.astype(jnp.bfloat16)
        pos = xb > tb
        s = jnp.sum(jnp.where(pos, xb, jnp.bfloat16(0.0)), axis=1,
                    keepdims=True, dtype=jnp.bfloat16).astype(jnp.float32)
        cnt = jnp.sum(jnp.where(pos, jnp.bfloat16(1.0), jnp.bfloat16(0.0)),
                      axis=1, keepdims=True,
                      dtype=jnp.bfloat16).astype(jnp.float32)
        g = s - cnt * tau - 1.0
        gpos = g > 0.0
        lo = jnp.where(gpos, tau, lo)
        hi = jnp.where(gpos, hi, tau)
        newt = tau + g / jnp.maximum(cnt, 1.0)
        mid = 0.5 * (lo + hi)
        take_newt = (newt > lo) & (newt < hi)
        tau = jnp.where(take_newt, newt, mid)
    lo = rmax - 1.0
    hi = rmax
    tau = jnp.maximum(tau - 0.06, lo)
    for _ in range(3):
        pos = x > tau
        s = jnp.sum(jnp.where(pos, x, 0.0), axis=1, keepdims=True)
        cnt = jnp.sum(jnp.where(pos, 1.0, 0.0), axis=1, keepdims=True)
        g = s - cnt * tau - 1.0
        gpos = g > 0.0
        lo = jnp.where(gpos, tau, lo)
        hi = jnp.where(gpos, hi, tau)
        newt = tau + g / jnp.maximum(cnt, 1.0)
        mid = 0.5 * (lo + hi)
        take_newt = (newt > lo) & (newt < hi)
        tau = jnp.where(g == 0.0, tau, jnp.where(take_newt, newt, mid))
    return tau


def _main_body(rows_ref, l1_ref, out_ref):
    x = rows_ref[:]
    sm = jnp.maximum(x - _sparsemax_tau_hybrid(x), 0.0)
    out_ref[:] = jnp.dot(sm, l1_ref[:], preferred_element_type=jnp.float32)


def _sc_gather(table, idx):
    batch = idx.shape[0]
    depth = table.shape[1]
    num_cores, num_subcores = 2, 16
    num_workers = num_cores * num_subcores
    per_worker = batch // num_workers
    chunk = 32 if per_worker % 32 == 0 else per_worker
    n_ch = per_worker // chunk

    mesh = plsc.VectorSubcoreMesh(core_axis_name="c", subcore_axis_name="s")

    @functools.partial(
        pl.kernel,
        mesh=mesh,
        out_type=jax.ShapeDtypeStruct((batch, depth), jnp.float32),
        scratch_types=[
            pltpu.VMEM((per_worker,), jnp.int32),
            pltpu.VMEM((chunk, depth), jnp.float32),
            pltpu.VMEM((chunk, depth), jnp.float32),
            pltpu.SemaphoreType.DMA,
            pltpu.SemaphoreType.DMA,
            pltpu.SemaphoreType.DMA,
            pltpu.SemaphoreType.DMA,
        ],
    )
    def gather_kernel(table_hbm, idx_hbm, out_hbm,
                      idx_v, buf0, buf1, gs0, gs1, ws0, ws1):
        wid = lax.axis_index("s") * num_cores + lax.axis_index("c")
        base = wid * per_worker
        pltpu.sync_copy(idx_hbm.at[pl.ds(base, per_worker)], idx_v)
        bufs, gsems, wsems = (buf0, buf1), (gs0, gs1), (ws0, ws1)
        gd = [None] * n_ch
        wd = [None] * n_ch
        for c in range(n_ch):
            b = c & 1
            if c >= 2:
                wd[c - 2].wait()
            gd[c] = pltpu.async_copy(
                table_hbm.at[idx_v.at[pl.ds(c * chunk, chunk)]],
                bufs[b], gsems[b])
            if c >= 1:
                gd[c - 1].wait()
                wd[c - 1] = pltpu.async_copy(
                    bufs[(c - 1) & 1],
                    out_hbm.at[pl.ds(base + (c - 1) * chunk, chunk)],
                    wsems[(c - 1) & 1])
        gd[n_ch - 1].wait()
        wd[n_ch - 1] = pltpu.async_copy(
            bufs[(n_ch - 1) & 1],
            out_hbm.at[pl.ds(base + (n_ch - 1) * chunk, chunk)],
            wsems[(n_ch - 1) & 1])
        if n_ch >= 2:
            wd[n_ch - 2].wait()
        wd[n_ch - 1].wait()

    return gather_kernel(table, idx)


def _main_body_first(rows_ref, l1_ref, out_ref):
    _main_body(rows_ref, l1_ref, out_ref)


def _main_body_carry(rows_ref, l1_ref, carry_ref, out_ref):
    del carry_ref
    _main_body(rows_ref, l1_ref, out_ref)


def kernel(ids, conn1, conn2, conn3, rootMatrix):
    batch = ids.shape[0]
    k_dim = conn1.shape[1]
    d = rootMatrix.shape[1]

    level1 = _compute_level1(conn2, conn3, rootMatrix)
    ids32 = ids.astype(jnp.int32)

    if batch % 16384 == 0:
        chunk_sizes = [2048, 4096, 5120, 5120] * (batch // 16384)
    else:
        chunk_sizes = [batch // 4] * 4
    block_rows = 512

    out = None
    offset = 0
    for c, chunk_b in enumerate(chunk_sizes):
        blocks_per_chunk = chunk_b // block_rows
        block_off = offset // block_rows
        ids_c = ids32[offset:offset + chunk_b]
        offset += chunk_b
        rows = _sc_gather(conn1, ids_c)
        row_spec = pl.BlockSpec((block_rows, k_dim), lambda i: (i, 0))
        l1_spec = pl.BlockSpec((k_dim, d), lambda i: (0, 0))
        out_spec = pl.BlockSpec(
            (block_rows, d), lambda i, o=block_off: (o + i, 0))
        if c == 0:
            out = pl.pallas_call(
                _main_body_first,
                grid=(blocks_per_chunk,),
                in_specs=[row_spec, l1_spec],
                out_specs=out_spec,
                out_shape=jax.ShapeDtypeStruct((batch, d), jnp.float32),
            )(rows, level1)
        else:
            out = pl.pallas_call(
                _main_body_carry,
                grid=(blocks_per_chunk,),
                in_specs=[row_spec, l1_spec,
                          pl.BlockSpec(memory_space=pltpu.MemorySpace.HBM)],
                out_specs=out_spec,
                out_shape=jax.ShapeDtypeStruct((batch, d), jnp.float32),
                input_output_aliases={2: 0},
            )(rows, level1, out)
    return out

# --- scband reference (transcript-rebuilt; emitter-appended) ---
"""Pipeline reference for scband-hse-2233382994367 (READ-ONLY COPY).

The authoritative reference and input builder live on the scoring server;
editing this copy changes nothing except your own understanding.
"""

import jax, jax.numpy as jnp
import numpy as np


def sparsemax(x):
    idxs = (jnp.arange(x.shape[1]) + 1).reshape(1, -1)
    sorted_x = jnp.flip(jax.lax.sort(x, dimension=1), axis=1)
    cum = jnp.cumsum(sorted_x, axis=1)
    k = jnp.sum(jnp.where(1 + sorted_x * idxs > cum, 1, 0), axis=1, keepdims=True)
    threshold = (jnp.take_along_axis(cum, k - 1, axis=1) - 1) / k
    return jnp.maximum(x - threshold, 0)


def setup_inputs(seed: int = 0) -> dict:
    key = jax.random.key(seed)
    k1, k2, k3, k4, k5 = jax.random.split(key, 5)
    objNum = 100000
    clusterNums = [1024, 256, 64]
    embedDim = 128
    batch = 16384
    ids = jax.random.randint(k1, (batch,), 0, objNum)
    conn1 = jax.random.normal(k2, (objNum, clusterNums[0]), jnp.float32)
    conn2 = jax.random.normal(k3, (clusterNums[0], clusterNums[1]), jnp.float32)
    conn3 = jax.random.normal(k4, (clusterNums[1], clusterNums[2]), jnp.float32)
    rootMatrix = jax.random.normal(k5, (clusterNums[2], embedDim), jnp.float32)
    return {"ids": ids, "conn1": conn1, "conn2": conn2, "conn3": conn3, "rootMatrix": rootMatrix}


def reference(ids, conn1, conn2, conn3, rootMatrix):
    # getEmbedByLevel(3) == rootMatrix (depth == 3)
    # getEmbedByLevel(2) = sparsemax(conn3) @ rootMatrix
    level2 = sparsemax(conn3) @ rootMatrix
    # getEmbedByLevel(1) = sparsemax(conn2) @ level2
    level1 = sparsemax(conn2) @ level2
    # getEmbed(ids) = sparsemax(conn1[ids]) @ level1
    rows = jnp.take(conn1, ids, axis=0)
    return sparsemax(rows) @ level1

if __name__ == "__main__":
    import jax
    _d = setup_inputs()
    print(jax.jit(kernel)(*tuple(_d.values())))

</pallas_src>

<mosaic_0001>
#map = affine_map<(d0, d1) -> (0, 0)>
#map1 = affine_map<(d0, d1) -> (0)>
module attributes {stable_mosaic.version = 14 : i64} {
  func.func @gather_kernel(%arg0: i32, %arg1: i32, %arg2: memref<100000x1024xf32, #tpu.memory_space<hbm>>, %arg3: memref<2048xi32, #tpu.memory_space<hbm>>, %arg4: memref<2048x1024xf32, #tpu.memory_space<hbm>>, %arg5: memref<64xi32, #tpu.memory_space<vmem>>, %arg6: memref<32x1024xf32, #tpu.memory_space<vmem>>, %arg7: memref<32x1024xf32, #tpu.memory_space<vmem>>, %arg8: memref<!tpu.dma_semaphore, #tpu.memory_space<semaphore_mem>>, %arg9: memref<!tpu.dma_semaphore, #tpu.memory_space<semaphore_mem>>, %arg10: memref<!tpu.dma_semaphore, #tpu.memory_space<semaphore_mem>>, %arg11: memref<!tpu.dma_semaphore, #tpu.memory_space<semaphore_mem>>) attributes {dimension_semantics = [#tpu.dimension_semantics<core_parallel>, #tpu.dimension_semantics<subcore_parallel>], iteration_bounds = array<i64: 2, 16>, scalar_prefetch = 0 : i64, scratch_operands = 7 : i64, tpu.core_type = #tpu.core_type<sc_vector_subcore>, window_params = [{transform_indices = #map}, {transform_indices = #map1}, {transform_indices = #map}]} {
    %mul3A = arith.constant 2 : i32
    %mul3A_0 = arith.muli %arg1, %mul3A : i32
    %add3A = arith.addi %mul3A_0, %arg0 : i32
    %mul3A_1 = arith.constant 64 : i32
    %mul3A_2 = arith.muli %add3A, %mul3A_1 : i32
    "tpu.region"() ({
      %run_scoped3A = tpu.sem_alloc : memref<!tpu.dma_semaphore, #tpu.memory_space<semaphore_mem>>
      %dma_start3A_41 = tpu.memref_slice %arg3[%mul3A_2] : memref<2048xi32, #tpu.memory_space<hbm>> -> memref<64xi32, #tpu.memory_space<hbm>>
      %dma_start3A_42 = tpu.memref_slice %arg3[%mul3A_2] : memref<2048xi32, #tpu.memory_space<hbm>> -> memref<64xi32, #tpu.memory_space<hbm>>
      tpu.enqueue_dma source(%dma_start3A_42 : memref<64xi32, #tpu.memory_space<hbm>>) target(%arg5 : memref<64xi32, #tpu.memory_space<vmem>>) target_semaphore(%run_scoped3A : memref<!tpu.dma_semaphore, #tpu.memory_space<semaphore_mem>>)
      %dma_wait3A_43 = tpu.memref_slice %arg3[%mul3A_2] : memref<2048xi32, #tpu.memory_space<hbm>> -> memref<64xi32, #tpu.memory_space<hbm>>
      %dma_wait3A_44 = tpu.memref_slice %arg3[%mul3A_2] : memref<2048xi32, #tpu.memory_space<hbm>> -> memref<64xi32, #tpu.memory_space<hbm>>
      tpu.wait_dma2 semaphore(%run_scoped3A : memref<!tpu.dma_semaphore, #tpu.memory_space<semaphore_mem>>) src(%dma_wait3A_44 : memref<64xi32, #tpu.memory_space<hbm>>) dst(%arg5 : memref<64xi32, #tpu.memory_space<vmem>>)
      tpu.yield
    }) : () -> ()
    %dma_start3A = arith.constant 0 : i32
    %dma_start3A_3 = tpu.memref_slice %arg5[%dma_start3A] : memref<64xi32, #tpu.memory_space<vmem>> -> memref<32xi32, #tpu.memory_space<vmem>>
    %dma_start3A_4 = arith.constant 0 : i32
    %dma_start3A_5 = arith.constant 0 : i32
    %dma_start3A_6 = tpu.memref_slice %arg2[%dma_start3A_4, %dma_start3A_5] : memref<100000x1024xf32, #tpu.memory_space<hbm>> -> memref<100000x1024xf32, #tpu.memory_space<hbm>>
    tpu.enqueue_indirect_dma source(%dma_start3A_6 : memref<100000x1024xf32, #tpu.memory_space<hbm>>) target(%arg6 : memref<32x1024xf32, #tpu.memory_space<vmem>>) offsets(%dma_start3A_3 : memref<32xi32, #tpu.memory_space<vmem>>) semaphore(%arg8 : memref<!tpu.dma_semaphore, #tpu.memory_space<semaphore_mem>>)
    %dma_start3A_7 = arith.constant 32 : i32
    %dma_start3A_8 = tpu.memref_slice %arg5[%dma_start3A_7] : memref<64xi32, #tpu.memory_space<vmem>> -> memref<32xi32, #tpu.memory_space<vmem>>
    %dma_start3A_9 = arith.constant 0 : i32
    %dma_start3A_10 = arith.constant 0 : i32
    %dma_start3A_11 = tpu.memref_slice %arg2[%dma_start3A_9, %dma_start3A_10] : memref<100000x1024xf32, #tpu.memory_space<hbm>> -> memref<100000x1024xf32, #tpu.memory_space<hbm>>
    tpu.enqueue_indirect_dma source(%dma_start3A_11 : memref<100000x1024xf32, #tpu.memory_space<hbm>>) target(%arg7 : memref<32x1024xf32, #tpu.memory_space<vmem>>) offsets(%dma_start3A_8 : memref<32xi32, #tpu.memory_space<vmem>>) semaphore(%arg9 : memref<!tpu.dma_semaphore, #tpu.memory_space<semaphore_mem>>)
    %dma_wait3A = arith.constant 0 : i32
    %dma_wait3A_12 = tpu.memref_slice %arg5[%dma_wait3A] : memref<64xi32, #tpu.memory_space<vmem>> -> memref<32xi32, #tpu.memory_space<vmem>>
    %dma_wait3A_13 = arith.constant 0 : i32
    %dma_wait3A_14 = arith.constant 0 : i32
    %dma_wait3A_15 = tpu.memref_slice %arg2[%dma_wait3A_13, %dma_wait3A_14] : memref<100000x1024xf32, #tpu.memory_space<hbm>> -> memref<100000x1024xf32, #tpu.memory_space<hbm>>
    tpu.wait_indirect_dma semaphore(%arg8 : memref<!tpu.dma_semaphore, #tpu.memory_space<semaphore_mem>>) src(%dma_wait3A_15 : memref<100000x1024xf32, #tpu.memory_space<hbm>>) dst(%arg6 : memref<32x1024xf32, #tpu.memory_space<vmem>>)
    %add3A_16 = arith.constant 0 : i32
    %add3A_17 = arith.addi %mul3A_2, %add3A_16 : i32
    %dma_start3A_18 = arith.constant 0 : i32
    %dma_start3A_19 = tpu.memref_slice %arg4[%add3A_17, %dma_start3A_18] : memref<2048x1024xf32, #tpu.memory_space<hbm>> -> memref<32x1024xf32, #tpu.memory_space<hbm>>
    %dma_start3A_20 = arith.constant 0 : i32
    %dma_start3A_21 = tpu.memref_slice %arg4[%add3A_17, %dma_start3A_20] : memref<2048x1024xf32, #tpu.memory_space<hbm>> -> memref<32x1024xf32, #tpu.memory_space<hbm>>
    tpu.enqueue_dma source(%arg6 : memref<32x1024xf32, #tpu.memory_space<vmem>>) target(%dma_start3A_21 : memref<32x1024xf32, #tpu.memory_space<hbm>>) target_semaphore(%arg10 : memref<!tpu.dma_semaphore, #tpu.memory_space<semaphore_mem>>)
    %dma_wait3A_22 = arith.constant 32 : i32
    %dma_wait3A_23 = tpu.memref_slice %arg5[%dma_wait3A_22] : memref<64xi32, #tpu.memory_space<vmem>> -> memref<32xi32, #tpu.memory_space<vmem>>
    %dma_wait3A_24 = arith.constant 0 : i32
    %dma_wait3A_25 = arith.constant 0 : i32
    %dma_wait3A_26 = tpu.memref_slice %arg2[%dma_wait3A_24, %dma_wait3A_25] : memref<100000x1024xf32, #tpu.memory_space<hbm>> -> memref<100000x1024xf32, #tpu.memory_space<hbm>>
    tpu.wait_indirect_dma semaphore(%arg9 : memref<!tpu.dma_semaphore, #tpu.memory_space<semaphore_mem>>) src(%dma_wait3A_26 : memref<100000x1024xf32, #tpu.memory_space<hbm>>) dst(%arg7 : memref<32x1024xf32, #tpu.memory_space<vmem>>)
    %add3A_27 = arith.constant 32 : i32
    %add3A_28 = arith.addi %mul3A_2, %add3A_27 : i32
    %dma_start3A_29 = arith.constant 0 : i32
    %dma_start3A_30 = tpu.memref_slice %arg4[%add3A_28, %dma_start3A_29] : memref<2048x1024xf32, #tpu.memory_space<hbm>> -> memref<32x1024xf32, #tpu.memory_space<hbm>>
    %dma_start3A_31 = arith.constant 0 : i32
    %dma_start3A_32 = tpu.memref_slice %arg4[%add3A_28, %dma_start3A_31] : memref<2048x1024xf32, #tpu.memory_space<hbm>> -> memref<32x1024xf32, #tpu.memory_space<hbm>>
    tpu.enqueue_dma source(%arg7 : memref<32x1024xf32, #tpu.memory_space<vmem>>) target(%dma_start3A_32 : memref<32x1024xf32, #tpu.memory_space<hbm>>) target_semaphore(%arg11 : memref<!tpu.dma_semaphore, #tpu.memory_space<semaphore_mem>>)
    %dma_wait3A_33 = arith.constant 0 : i32
    %dma_wait3A_34 = tpu.memref_slice %arg4[%add3A_17, %dma_wait3A_33] : memref<2048x1024xf32, #tpu.memory_space<hbm>> -> memref<32x1024xf32, #tpu.memory_space<hbm>>
    %dma_wait3A_35 = arith.constant 0 : i32
    %dma_wait3A_36 = tpu.memref_slice %arg4[%add3A_17, %dma_wait3A_35] : memref<2048x1024xf32, #tpu.memory_space<hbm>> -> memref<32x1024xf32, #tpu.memory_space<hbm>>
    tpu.wait_dma2 semaphore(%arg10 : memref<!tpu.dma_semaphore, #tpu.memory_space<semaphore_mem>>) src(%arg6 : memref<32x1024xf32, #tpu.memory_space<vmem>>) dst(%dma_wait3A_36 : memref<32x1024xf32, #tpu.memory_space<hbm>>)
    %dma_wait3A_37 = arith.constant 0 : i32
    %dma_wait3A_38 = tpu.memref_slice %arg4[%add3A_28, %dma_wait3A_37] : memref<2048x1024xf32, #tpu.memory_space<hbm>> -> memref<32x1024xf32, #tpu.memory_space<hbm>>
    %dma_wait3A_39 = arith.constant 0 : i32
    %dma_wait3A_40 = tpu.memref_slice %arg4[%add3A_28, %dma_wait3A_39] : memref<2048x1024xf32, #tpu.memory_space<hbm>> -> memref<32x1024xf32, #tpu.memory_space<hbm>>
    tpu.wait_dma2 semaphore(%arg11 : memref<!tpu.dma_semaphore, #tpu.memory_space<semaphore_mem>>) src(%arg7 : memref<32x1024xf32, #tpu.memory_space<vmem>>) dst(%dma_wait3A_40 : memref<32x1024xf32, #tpu.memory_space<hbm>>)
    return
  }
}

#map = affine_map<(d0, d1) -> (0, 0)>
#map1 = affine_map<(d0, d1) -> (0)>
module attributes {stable_mosaic.version = 14 : i64} {
  func.func @gather_kernel(%arg0: i32, %arg1: i32, %arg2: memref<100000x1024xf32, #tpu.memory_space<hbm>>, %arg3: memref<5120xi32, #tpu.memory_space<hbm>>, %arg4: memref<5120x1024xf32, #tpu.memory_space<hbm>>, %arg5: memref<160xi32, #tpu.memory_space<vmem>>, %arg6: memref<32x1024xf32, #tpu.memory_space<vmem>>, %arg7: memref<32x1024xf32, #tpu.memory_space<vmem>>, %arg8: memref<!tpu.dma_semaphore, #tpu.memory_space<semaphore_mem>>, %arg9: memref<!tpu.dma_semaphore, #tpu.memory_space<semaphore_mem>>, %arg10: memref<!tpu.dma_semaphore, #tpu.memory_space<semaphore_mem>>, %arg11: memref<!tpu.dma_semaphore, #tpu.memory_space<semaphore_mem>>) attributes {dimension_semantics = [#tpu.dimension_semantics<core_parallel>, #tpu.dimension_semantics<subcore_parallel>], iteration_bounds = array<i64: 2, 16>, scalar_prefetch = 0 : i64, scratch_operands = 7 : i64, tpu.core_type = #tpu.core_type<sc_vector_subcore>, window_params = [{transform_indices = #map}, {transform_indices = #map1}, {transform_indices = #map}]} {
    %mul3A = arith.constant 2 : i32
    %mul3A_0 = arith.muli %arg1, %mul3A : i32
    %add3A = arith.addi %mul3A_0, %arg0 : i32
    %mul3A_1 = arith.constant 160 : i32
    %mul3A_2 = arith.muli %add3A, %mul3A_1 : i32
    "tpu.region"() ({
      %run_scoped3A = tpu.sem_alloc : memref<!tpu.dma_semaphore, #tpu.memory_space<semaphore_mem>>
      %dma_start3A_101 = tpu.memref_slice %arg3[%mul3A_2] : memref<5120xi32, #tpu.memory_space<hbm>> -> memref<160xi32, #tpu.memory_space<hbm>>
      %dma_start3A_102 = tpu.memref_slice %arg3[%mul3A_2] : memref<5120xi32, #tpu.memory_space<hbm>> -> memref<160xi32, #tpu.memory_space<hbm>>
      tpu.enqueue_dma source(%dma_start3A_102 : memref<160xi32, #tpu.memory_space<hbm>>) target(%arg5 : memref<160xi32, #tpu.memory_space<vmem>>) target_semaphore(%run_scoped3A : memref<!tpu.dma_semaphore, #tpu.memory_space<semaphore_mem>>)
      %dma_wait3A_103 = tpu.memref_slice %arg3[%mul3A_2] : memref<5120xi32, #tpu.memory_space<hbm>> -> memref<160xi32, #tpu.memory_space<hbm>>
      %dma_wait3A_104 = tpu.memref_slice %arg3[%mul3A_2] : memref<5120xi32, #tpu.memory_space<hbm>> -> memref<160xi32, #tpu.memory_space<hbm>>
      tpu.wait_dma2 semaphore(%run_scoped3A : memref<!tpu.dma_semaphore, #tpu.memory_space<semaphore_mem>>) src(%dma_wait3A_104 : memref<160xi32, #tpu.memory_space<hbm>>) dst(%arg5 : memref<160xi32, #tpu.memory_space<vmem>>)
      tpu.yield
    }) : () -> ()
    %dma_start3A = arith.constant 0 : i32
    %dma_start3A_3 = tpu.memref_slice %arg5[%dma_start3A] : memref<160xi32, #tpu.memory_space<vmem>> -> memref<32xi32, #tpu.memory_space<vmem>>
    %dma_start3A_4 = arith.constant 0 : i32
    %dma_start3A_5 = arith.constant 0 : i32
    %dma_start3A_6 = tpu.memref_slice %arg2[%dma_start3A_4, %dma_start3A_5] : memref<100000x1024xf32, #tpu.memory_space<hbm>> -> memref<100000x1024xf32, #tpu.memory_space<hbm>>
    tpu.enqueue_indirect_dma source(%dma_start3A_6 : memref<100000x1024xf32, #tpu.memory_space<hbm>>) target(%arg6 : memref<32x1024xf32, #tpu.memory_space<vmem>>) offsets(%dma_start3A_3 : memref<32xi32, #tpu.memory_space<vmem>>) semaphore(%arg8 : memref<!tpu.dma_semaphore, #tpu.memory_space<semaphore_mem>>)
    %dma_start3A_7 = arith.constant 32 : i32
    %dma_start3A_8 = tpu.memref_slice %arg5[%dma_start3A_7] : memref<160xi32, #tpu.memory_space<vmem>> -> memref<32xi32, #tpu.memory_space<vmem>>
    %dma_start3A_9 = arith.constant 0 : i32
    %dma_start3A_10 = arith.constant 0 : i32
    %dma_start3A_11 = tpu.memref_slice %arg2[%dma_start3A_9, %dma_start3A_10] : memref<100000x1024xf32, #tpu.memory_space<hbm>> -> memref<100000x1024xf32, #tpu.memory_space<hbm>>
    tpu.enqueue_indirect_dma source(%dma_start3A_11 : memref<100000x1024xf32, #tpu.memory_space<hbm>>) target(%arg7 : memref<32x1024xf32, #tpu.memory_space<vmem>>) offsets(%dma_start3A_8 : memref<32xi32, #tpu.memory_space<vmem>>) semaphore(%arg9 : memref<!tpu.dma_semaphore, #tpu.memory_space<semaphore_mem>>)
    %dma_wait3A = arith.constant 0 : i32
    %dma_wait3A_12 = tpu.memref_slice %arg5[%dma_wait3A] : memref<160xi32, #tpu.memory_space<vmem>> -> memref<32xi32, #tpu.memory_space<vmem>>
    %dma_wait3A_13 = arith.constant 0 : i32
    %dma_wait3A_14 = arith.constant 0 : i32
    %dma_wait3A_15 = tpu.memref_slice %arg2[%dma_wait3A_13, %dma_wait3A_14] : memref<100000x1024xf32, #tpu.memory_space<hbm>> -> memref<100000x1024xf32, #tpu.memory_space<hbm>>
    tpu.wait_indirect_dma semaphore(%arg8 : memref<!tpu.dma_semaphore, #tpu.memory_space<semaphore_mem>>) src(%dma_wait3A_15 : memref<100000x1024xf32, #tpu.memory_space<hbm>>) dst(%arg6 : memref<32x1024xf32, #tpu.memory_space<vmem>>)
    %add3A_16 = arith.constant 0 : i32
    %add3A_17 = arith.addi %mul3A_2, %add3A_16 : i32
    %dma_start3A_18 = arith.constant 0 : i32
    %dma_start3A_19 = tpu.memref_slice %arg4[%add3A_17, %dma_start3A_18] : memref<5120x1024xf32, #tpu.memory_space<hbm>> -> memref<32x1024xf32, #tpu.memory_space<hbm>>
    %dma_start3A_20 = arith.constant 0 : i32
    %dma_start3A_21 = tpu.memref_slice %arg4[%add3A_17, %dma_start3A_20] : memref<5120x1024xf32, #tpu.memory_space<hbm>> -> memref<32x1024xf32, #tpu.memory_space<hbm>>
    tpu.enqueue_dma source(%arg6 : memref<32x1024xf32, #tpu.memory_space<vmem>>) target(%dma_start3A_21 : memref<32x1024xf32, #tpu.memory_space<hbm>>) target_semaphore(%arg10 : memref<!tpu.dma_semaphore, #tpu.memory_space<semaphore_mem>>)
    %dma_wait3A_22 = arith.constant 0 : i32
    %dma_wait3A_23 = tpu.memref_slice %arg4[%add3A_17, %dma_wait3A_22] : memref<5120x1024xf32, #tpu.memory_space<hbm>> -> memref<32x1024xf32, #tpu.memory_space<hbm>>
    %dma_wait3A_24 = arith.constant 0 : i32
    %dma_wait3A_25 = tpu.memref_slice %arg4[%add3A_17, %dma_wait3A_24] : memref<5120x1024xf32, #tpu.memory_space<hbm>> -> memref<32x1024xf32, #tpu.memory_space<hbm>>
    tpu.wait_dma2 semaphore(%arg10 : memref<!tpu.dma_semaphore, #tpu.memory_space<semaphore_mem>>) src(%arg6 : memref<32x1024xf32, #tpu.memory_space<vmem>>) dst(%dma_wait3A_25 : memref<32x1024xf32, #tpu.memory_space<hbm>>)
    %dma_start3A_26 = arith.constant 64 : i32
    %dma_start3A_27 = tpu.memref_slice %arg5[%dma_start3A_26] : memref<160xi32, #tpu.memory_space<vmem>> -> memref<32xi32, #tpu.memory_space<vmem>>
    %dma_start3A_28 = arith.constant 0 : i32
    %dma_start3A_29 = arith.constant 0 : i32
    %dma_start3A_30 = tpu.memref_slice %arg2[%dma_start3A_28, %dma_start3A_29] : memref<100000x1024xf32, #tpu.memory_space<hbm>> -> memref<100000x1024xf32, #tpu.memory_space<hbm>>
    tpu.enqueue_indirect_dma source(%dma_start3A_30 : memref<100000x1024xf32, #tpu.memory_space<hbm>>) target(%arg6 : memref<32x1024xf32, #tpu.memory_space<vmem>>) offsets(%dma_start3A_27 : memref<32xi32, #tpu.memory_space<vmem>>) semaphore(%arg8 : memref<!tpu.dma_semaphore, #tpu.memory_space<semaphore_mem>>)
    %dma_wait3A_31 = arith.constant 32 : i32
    %dma_wait3A_32 = tpu.memref_slice %arg5[%dma_wait3A_31] : memref<160xi32, #tpu.memory_space<vmem>> -> memref<32xi32, #tpu.memory_space<vmem>>
    %dma_wait3A_33 = arith.constant 0 : i32
    %dma_wait3A_34 = arith.constant 0 : i32
    %dma_wait3A_35 = tpu.memref_slice %arg2[%dma_wait3A_33, %dma_wait3A_34] : memref<100000x1024xf32, #tpu.memory_space<hbm>> -> memref<100000x1024xf32, #tpu.memory_space<hbm>>
    tpu.wait_indirect_dma semaphore(%arg9 : memref<!tpu.dma_semaphore, #tpu.memory_space<semaphore_mem>>) src(%dma_wait3A_35 : memref<100000x1024xf32, #tpu.memory_space<hbm>>) dst(%arg7 : memref<32x1024xf32, #tpu.memory_space<vmem>>)
    %add3A_36 = arith.constant 32 : i32
    %add3A_37 = arith.addi %mul3A_2, %add3A_36 : i32
    %dma_start3A_38 = arith.constant 0 : i32
    %dma_start3A_39 = tpu.memref_slice %arg4[%add3A_37, %dma_start3A_38] : memref<5120x1024xf32, #tpu.memory_space<hbm>> -> memref<32x1024xf32, #tpu.memory_space<hbm>>
    %dma_start3A_40 = arith.constant 0 : i32
    %dma_start3A_41 = tpu.memref_slice %arg4[%add3A_37, %dma_start3A_40] : memref<5120x1024xf32, #tpu.memory_space<hbm>> -> memref<32x1024xf32, #tpu.memory_space<hbm>>
    tpu.enqueue_dma source(%arg7 : memref<32x1024xf32, #tpu.memory_space<vmem>>) target(%dma_start3A_41 : memref<32x1024xf32, #tpu.memory_space<hbm>>) target_semaphore(%arg11 : memref<!tpu.dma_semaphore, #tpu.memory_space<semaphore_mem>>)
    %dma_wait3A_42 = arith.constant 0 : i32
    %dma_wait3A_43 = tpu.memref_slice %arg4[%add3A_37, %dma_wait3A_42] : memref<5120x1024xf32, #tpu.memory_space<hbm>> -> memref<32x1024xf32, #tpu.memory_space<hbm>>
    %dma_wait3A_44 = arith.constant 0 : i32
    %dma_wait3A_45 = tpu.memref_slice %arg4[%add3A_37, %dma_wait3A_44] : memref<5120x1024xf32, #tpu.memory_space<hbm>> -> memref<32x1024xf32, #tpu.memory_space<hbm>>
    tpu.wait_dma2 semaphore(%arg11 : memref<!tpu.dma_semaphore, #tpu.memory_space<semaphore_mem>>) src(%arg7 : memref<32x1024xf32, #tpu.memory_space<vmem>>) dst(%dma_wait3A_45 : memref<32x1024xf32, #tpu.memory_space<hbm>>)
    %dma_start3A_46 = arith.constant 96 : i32
    %dma_start3A_47 = tpu.memref_slice %arg5[%dma_start3A_46] : memref<160xi32, #tpu.memory_space<vmem>> -> memref<32xi32, #tpu.memory_space<vmem>>
    %dma_start3A_48 = arith.constant 0 : i32
    %dma_start3A_49 = arith.constant 0 : i32
    %dma_start3A_50 = tpu.memref_slice %arg2[%dma_start3A_48, %dma_start3A_49] : memref<100000x1024xf32, #tpu.memory_space<hbm>> -> memref<100000x1024xf32, #tpu.memory_space<hbm>>
    tpu.enqueue_indirect_dma source(%dma_start3A_50 : memref<100000x1024xf32, #tpu.memory_space<hbm>>) target(%arg7 : memref<32x1024xf32, #tpu.memory_space<vmem>>) offsets(%dma_start3A_47 : memref<32xi32, #tpu.memory_space<vmem>>) semaphore(%arg9 : memref<!tpu.dma_semaphore, #tpu.memory_space<semaphore_mem>>)
    %dma_wait3A_51 = arith.constant 64 : i32
    %dma_wait3A_52 = tpu.memref_slice %arg5[%dma_wait3A_51] : memref<160xi32, #tpu.memory_space<vmem>> -> memref<32xi32, #tpu.memory_space<vmem>>
    %dma_wait3A_53 = arith.constant 0 : i32
    %dma_wait3A_54 = arith.constant 0 : i32
    %dma_wait3A_55 = tpu.memref_slice %arg2[%dma_wait3A_53, %dma_wait3A_54] : memref<100000x1024xf32, #tpu.memory_space<hbm>> -> memref<100000x1024xf32, #tpu.memory_space<hbm>>
    tpu.wait_indirect_dma semaphore(%arg8 : memref<!tpu.dma_semaphore, #tpu.memory_space<semaphore_mem>>) src(%dma_wait3A_55 : memref<100000x1024xf32, #tpu.memory_space<hbm>>) dst(%arg6 : memref<32x1024xf32, #tpu.memory_space<vmem>>)
    %add3A_56 = arith.constant 64 : i32
    %add3A_57 = arith.addi %mul3A_2, %add3A_56 : i32
    %dma_start3A_58 = arith.constant 0 : i32
    %dma_start3A_59 = tpu.memref_slice %arg4[%add3A_57, %dma_start3A_58] : memref<5120x1024xf32, #tpu.memory_space<hbm>> -> memref<32x1024xf32, #tpu.memory_space<hbm>>
    %dma_start3A_60 = arith.constant 0 : i32
    %dma_start3A_61 = tpu.memref_slice %arg4[%add3A_57, %dma_start3A_60] : memref<5120x1024xf32, #tpu.memory_space<hbm>> -> memref<32x1024xf32, #tpu.memory_space<hbm>>
    tpu.enqueue_dma source(%arg6 : memref<32x1024xf32, #tpu.memory_space<vmem>>) target(%dma_start3A_61 : memref<32x1024xf32, #tpu.memory_space<hbm>>) target_semaphore(%arg10 : memref<!tpu.dma_semaphore, #tpu.memory_space<semaphore_mem>>)
    %dma_wait3A_62 = arith.constant 0 : i32
    %dma_wait3A_63 = tpu.memref_slice %arg4[%add3A_57, %dma_wait3A_62] : memref<5120x1024xf32, #tpu.memory_space<hbm>> -> memref<32x1024xf32, #tpu.memory_space<hbm>>
    %dma_wait3A_64 = arith.constant 0 : i32
    %dma_wait3A_65 = tpu.memref_slice %arg4[%add3A_57, %dma_wait3A_64] : memref<5120x1024xf32, #tpu.memory_space<hbm>> -> memref<32x1024xf32, #tpu.memory_space<hbm>>
    tpu.wait_dma2 semaphore(%arg10 : memref<!tpu.dma_semaphore, #tpu.memory_space<semaphore_mem>>) src(%arg6 : memref<32x1024xf32, #tpu.memory_space<vmem>>) dst(%dma_wait3A_65 : memref<32x1024xf32, #tpu.memory_space<hbm>>)
    %dma_start3A_66 = arith.constant 128 : i32
    %dma_start3A_67 = tpu.memref_slice %arg5[%dma_start3A_66] : memref<160xi32, #tpu.memory_space<vmem>> -> memref<32xi32, #tpu.memory_space<vmem>>
    %dma_start3A_68 = arith.constant 0 : i32
    %dma_start3A_69 = arith.constant 0 : i32
    %dma_start3A_70 = tpu.memref_slice %arg2[%dma_start3A_68, %dma_start3A_69] : memref<100000x1024xf32, #tpu.memory_space<hbm>> -> memref<100000x1024xf32, #tpu.memory_space<hbm>>
    tpu.enqueue_indirect_dma source(%dma_start3A_70 : memref<100000x1024xf32, #tpu.memory_space<hbm>>) target(%arg6 : memref<32x1024xf32, #tpu.memory_space<vmem>>) offsets(%dma_start3A_67 : memref<32xi32, #tpu.memory_space<vmem>>) semaphore(%arg8 : memref<!tpu.dma_semaphore, #tpu.memory_space<semaphore_mem>>)
    %dma_wait3A_71 = arith.constant 96 : i32
    %dma_wait3A_72 = tpu.memref_slice %arg5[%dma_wait3A_71] : memref<160xi32, #tpu.memory_space<vmem>> -> memref<32xi32, #tpu.memory_space<vmem>>
    %dma_wait3A_73 = arith.constant 0 : i32
    %dma_wait3A_74 = arith.constant 0 : i32
    %dma_wait3A_75 = tpu.memref_slice %arg2[%dma_wait3A_73, %dma_wait3A_74] : memref<100000x1024xf32, #tpu.memory_space<hbm>> -> memref<100000x1024xf32, #tpu.memory_space<hbm>>
    tpu.wait_indirect_dma semaphore(%arg9 : memref<!tpu.dma_semaphore, #tpu.memory_space<semaphore_mem>>) src(%dma_wait3A_75 : memref<100000x1024xf32, #tpu.memory_space<hbm>>) dst(%arg7 : memref<32x1024xf32, #tpu.memory_space<vmem>>)
    %add3A_76 = arith.constant 96 : i32
    %add3A_77 = arith.addi %mul3A_2, %add3A_76 : i32
    %dma_start3A_78 = arith.constant 0 : i32
    %dma_start3A_79 = tpu.memref_slice %arg4[%add3A_77, %dma_start3A_78] : memref<5120x1024xf32, #tpu.memory_space<hbm>> -> memref<32x1024xf32, #tpu.memory_space<hbm>>
    %dma_start3A_80 = arith.constant 0 : i32
    %dma_start3A_81 = tpu.memref_slice %arg4[%add3A_77, %dma_start3A_80] : memref<5120x1024xf32, #tpu.memory_space<hbm>> -> memref<32x1024xf32, #tpu.memory_space<hbm>>
    tpu.enqueue_dma source(%arg7 : memref<32x1024xf32, #tpu.memory_space<vmem>>) target(%dma_start3A_81 : memref<32x1024xf32, #tpu.memory_space<hbm>>) target_semaphore(%arg11 : memref<!tpu.dma_semaphore, #tpu.memory_space<semaphore_mem>>)
    %dma_wait3A_82 = arith.constant 128 : i32
    %dma_wait3A_83 = tpu.memref_slice %arg5[%dma_wait3A_82] : memref<160xi32, #tpu.memory_space<vmem>> -> memref<32xi32, #tpu.memory_space<vmem>>
    %dma_wait3A_84 = arith.constant 0 : i32
    %dma_wait3A_85 = arith.constant 0 : i32
    %dma_wait3A_86 = tpu.memref_slice %arg2[%dma_wait3A_84, %dma_wait3A_85] : memref<100000x1024xf32, #tpu.memory_space<hbm>> -> memref<100000x1024xf32, #tpu.memory_space<hbm>>
    tpu.wait_indirect_dma semaphore(%arg8 : memref<!tpu.dma_semaphore, #tpu.memory_space<semaphore_mem>>) src(%dma_wait3A_86 : memref<100000x1024xf32, #tpu.memory_space<hbm>>) dst(%arg6 : memref<32x1024xf32, #tpu.memory_space<vmem>>)
    %add3A_87 = arith.constant 128 : i32
    %add3A_88 = arith.addi %mul3A_2, %add3A_87 : i32
    %dma_start3A_89 = arith.constant 0 : i32
    %dma_start3A_90 = tpu.memref_slice %arg4[%add3A_88, %dma_start3A_89] : memref<5120x1024xf32, #tpu.memory_space<hbm>> -> memref<32x1024xf32, #tpu.memory_space<hbm>>
    %dma_start3A_91 = arith.constant 0 : i32
    %dma_start3A_92 = tpu.memref_slice %arg4[%add3A_88, %dma_start3A_91] : memref<5120x1024xf32, #tpu.memory_space<hbm>> -> memref<32x1024xf32, #tpu.memory_space<hbm>>
    tpu.enqueue_dma source(%arg6 : memref<32x1024xf32, #tpu.memory_space<vmem>>) target(%dma_start3A_92 : memref<32x1024xf32, #tpu.memory_space<hbm>>) target_semaphore(%arg10 : memref<!tpu.dma_semaphore, #tpu.memory_space<semaphore_mem>>)
    %dma_wait3A_93 = arith.constant 0 : i32
    %dma_wait3A_94 = tpu.memref_slice %arg4[%add3A_77, %dma_wait3A_93] : memref<5120x1024xf32, #tpu.memory_space<hbm>> -> memref<32x1024xf32, #tpu.memory_space<hbm>>
    %dma_wait3A_95 = arith.constant 0 : i32
    %dma_wait3A_96 = tpu.memref_slice %arg4[%add3A_77, %dma_wait3A_95] : memref<5120x1024xf32, #tpu.memory_space<hbm>> -> memref<32x1024xf32, #tpu.memory_space<hbm>>
    tpu.wait_dma2 semaphore(%arg11 : memref<!tpu.dma_semaphore, #tpu.memory_space<semaphore_mem>>) src(%arg7 : memref<32x1024xf32, #tpu.memory_space<vmem>>) dst(%dma_wait3A_96 : memref<32x1024xf32, #tpu.memory_space<hbm>>)
    %dma_wait3A_97 = arith.constant 0 : i32
    %dma_wait3A_98 = tpu.memref_slice %arg4[%add3A_88, %dma_wait3A_97] : memref<5120x1024xf32, #tpu.memory_space<hbm>> -> memref<32x1024xf32, #tpu.memory_space<hbm>>
    %dma_wait3A_99 = arith.constant 0 : i32
    %dma_wait3A_100 = tpu.memref_slice %arg4[%add3A_88, %dma_wait3A_99] : memref<5120x1024xf32, #tpu.memory_space<hbm>> -> memref<32x1024xf32, #tpu.memory_space<hbm>>
    tpu.wait_dma2 semaphore(%arg10 : memref<!tpu.dma_semaphore, #tpu.memory_space<semaphore_mem>>) src(%arg6 : memref<32x1024xf32, #tpu.memory_space<vmem>>) dst(%dma_wait3A_100 : memref<32x1024xf32, #tpu.memory_space<hbm>>)
    return
  }
}

#map = affine_map<(d0, d1) -> (0, 0)>
#map1 = affine_map<(d0, d1) -> (0)>
module attributes {stable_mosaic.version = 14 : i64} {
  func.func @gather_kernel(%arg0: i32, %arg1: i32, %arg2: memref<100000x1024xf32, #tpu.memory_space<hbm>>, %arg3: memref<4096xi32, #tpu.memory_space<hbm>>, %arg4: memref<4096x1024xf32, #tpu.memory_space<hbm>>, %arg5: memref<128xi32, #tpu.memory_space<vmem>>, %arg6: memref<32x1024xf32, #tpu.memory_space<vmem>>, %arg7: memref<32x1024xf32, #tpu.memory_space<vmem>>, %arg8: memref<!tpu.dma_semaphore, #tpu.memory_space<semaphore_mem>>, %arg9: memref<!tpu.dma_semaphore, #tpu.memory_space<semaphore_mem>>, %arg10: memref<!tpu.dma_semaphore, #tpu.memory_space<semaphore_mem>>, %arg11: memref<!tpu.dma_semaphore, #tpu.memory_space<semaphore_mem>>) attributes {dimension_semantics = [#tpu.dimension_semantics<core_parallel>, #tpu.dimension_semantics<subcore_parallel>], iteration_bounds = array<i64: 2, 16>, scalar_prefetch = 0 : i64, scratch_operands = 7 : i64, tpu.core_type = #tpu.core_type<sc_vector_subcore>, window_params = [{transform_indices = #map}, {transform_indices = #map1}, {transform_indices = #map}]} {
    %mul3A = arith.constant 2 : i32
    %mul3A_0 = arith.muli %arg1, %mul3A : i32
    %add3A = arith.addi %mul3A_0, %arg0 : i32
    %mul3A_1 = arith.constant 128 : i32
    %mul3A_2 = arith.muli %add3A, %mul3A_1 : i32
    "tpu.region"() ({
      %run_scoped3A = tpu.sem_alloc : memref<!tpu.dma_semaphore, #tpu.memory_space<semaphore_mem>>
      %dma_start3A_81 = tpu.memref_slice %arg3[%mul3A_2] : memref<4096xi32, #tpu.memory_space<hbm>> -> memref<128xi32, #tpu.memory_space<hbm>>
      %dma_start3A_82 = tpu.memref_slice %arg3[%mul3A_2] : memref<4096xi32, #tpu.memory_space<hbm>> -> memref<128xi32, #tpu.memory_space<hbm>>
      tpu.enqueue_dma source(%dma_start3A_82 : memref<128xi32, #tpu.memory_space<hbm>>) target(%arg5 : memref<128xi32, #tpu.memory_space<vmem>>) target_semaphore(%run_scoped3A : memref<!tpu.dma_semaphore, #tpu.memory_space<semaphore_mem>>)
      %dma_wait3A_83 = tpu.memref_slice %arg3[%mul3A_2] : memref<4096xi32, #tpu.memory_space<hbm>> -> memref<128xi32, #tpu.memory_space<hbm>>
      %dma_wait3A_84 = tpu.memref_slice %arg3[%mul3A_2] : memref<4096xi32, #tpu.memory_space<hbm>> -> memref<128xi32, #tpu.memory_space<hbm>>
      tpu.wait_dma2 semaphore(%run_scoped3A : memref<!tpu.dma_semaphore, #tpu.memory_space<semaphore_mem>>) src(%dma_wait3A_84 : memref<128xi32, #tpu.memory_space<hbm>>) dst(%arg5 : memref<128xi32, #tpu.memory_space<vmem>>)
      tpu.yield
    }) : () -> ()
    %dma_start3A = arith.constant 0 : i32
    %dma_start3A_3 = tpu.memref_slice %arg5[%dma_start3A] : memref<128xi32, #tpu.memory_space<vmem>> -> memref<32xi32, #tpu.memory_space<vmem>>
    %dma_start3A_4 = arith.constant 0 : i32
    %dma_start3A_5 = arith.constant 0 : i32
    %dma_start3A_6 = tpu.memref_slice %arg2[%dma_start3A_4, %dma_start3A_5] : memref<100000x1024xf32, #tpu.memory_space<hbm>> -> memref<100000x1024xf32, #tpu.memory_space<hbm>>
    tpu.enqueue_indirect_dma source(%dma_start3A_6 : memref<100000x1024xf32, #tpu.memory_space<hbm>>) target(%arg6 : memref<32x1024xf32, #tpu.memory_space<vmem>>) offsets(%dma_start3A_3 : memref<32xi32, #tpu.memory_space<vmem>>) semaphore(%arg8 : memref<!tpu.dma_semaphore, #tpu.memory_space<semaphore_mem>>)
    %dma_start3A_7 = arith.constant 32 : i32
    %dma_start3A_8 = tpu.memref_slice %arg5[%dma_start3A_7] : memref<128xi32, #tpu.memory_space<vmem>> -> memref<32xi32, #tpu.memory_space<vmem>>
    %dma_start3A_9 = arith.constant 0 : i32
    %dma_start3A_10 = arith.constant 0 : i32
    %dma_start3A_11 = tpu.memref_slice %arg2[%dma_start3A_9, %dma_start3A_10] : memref<100000x1024xf32, #tpu.memory_space<hbm>> -> memref<100000x1024xf32, #tpu.memory_space<hbm>>
    tpu.enqueue_indirect_dma source(%dma_start3A_11 : memref<100000x1024xf32, #tpu.memory_space<hbm>>) target(%arg7 : memref<32x1024xf32, #tpu.memory_space<vmem>>) offsets(%dma_start3A_8 : memref<32xi32, #tpu.memory_space<vmem>>) semaphore(%arg9 : memref<!tpu.dma_semaphore, #tpu.memory_space<semaphore_mem>>)
    %dma_wait3A = arith.constant 0 : i32
    %dma_wait3A_12 = tpu.memref_slice %arg5[%dma_wait3A] : memref<128xi32, #tpu.memory_space<vmem>> -> memref<32xi32, #tpu.memory_space<vmem>>
    %dma_wait3A_13 = arith.constant 0 : i32
    %dma_wait3A_14 = arith.constant 0 : i32
    %dma_wait3A_15 = tpu.memref_slice %arg2[%dma_wait3A_13, %dma_wait3A_14] : memref<100000x1024xf32, #tpu.memory_space<hbm>> -> memref<100000x1024xf32, #tpu.memory_space<hbm>>
    tpu.wait_indirect_dma semaphore(%arg8 : memref<!tpu.dma_semaphore, #tpu.memory_space<semaphore_mem>>) src(%dma_wait3A_15 : memref<100000x1024xf32, #tpu.memory_space<hbm>>) dst(%arg6 : memref<32x1024xf32, #tpu.memory_space<vmem>>)
    %add3A_16 = arith.constant 0 : i32
    %add3A_17 = arith.addi %mul3A_2, %add3A_16 : i32
    %dma_start3A_18 = arith.constant 0 : i32
    %dma_start3A_19 = tpu.memref_slice %arg4[%add3A_17, %dma_start3A_18] : memref<4096x1024xf32, #tpu.memory_space<hbm>> -> memref<32x1024xf32, #tpu.memory_space<hbm>>
    %dma_start3A_20 = arith.constant 0 : i32
    %dma_start3A_21 = tpu.memref_slice %arg4[%add3A_17, %dma_start3A_20] : memref<4096x1024xf32, #tpu.memory_space<hbm>> -> memref<32x1024xf32, #tpu.memory_space<hbm>>
    tpu.enqueue_dma source(%arg6 : memref<32x1024xf32, #tpu.memory_space<vmem>>) target(%dma_start3A_21 : memref<32x1024xf32, #tpu.memory_space<hbm>>) target_semaphore(%arg10 : memref<!tpu.dma_semaphore, #tpu.memory_space<semaphore_mem>>)
    %dma_wait3A_22 = arith.constant 0 : i32
    %dma_wait3A_23 = tpu.memref_slice %arg4[%add3A_17, %dma_wait3A_22] : memref<4096x1024xf32, #tpu.memory_space<hbm>> -> memref<32x1024xf32, #tpu.memory_space<hbm>>
    %dma_wait3A_24 = arith.constant 0 : i32
    %dma_wait3A_25 = tpu.memref_slice %arg4[%add3A_17, %dma_wait3A_24] : memref<4096x1024xf32, #tpu.memory_space<hbm>> -> memref<32x1024xf32, #tpu.memory_space<hbm>>
    tpu.wait_dma2 semaphore(%arg10 : memref<!tpu.dma_semaphore, #tpu.memory_space<semaphore_mem>>) src(%arg6 : memref<32x1024xf32, #tpu.memory_space<vmem>>) dst(%dma_wait3A_25 : memref<32x1024xf32, #tpu.memory_space<hbm>>)
    %dma_start3A_26 = arith.constant 64 : i32
    %dma_start3A_27 = tpu.memref_slice %arg5[%dma_start3A_26] : memref<128xi32, #tpu.memory_space<vmem>> -> memref<32xi32, #tpu.memory_space<vmem>>
    %dma_start3A_28 = arith.constant 0 : i32
    %dma_start3A_29 = arith.constant 0 : i32
    %dma_start3A_30 = tpu.memref_slice %arg2[%dma_start3A_28, %dma_start3A_29] : memref<100000x1024xf32, #tpu.memory_space<hbm>> -> memref<100000x1024xf32, #tpu.memory_space<hbm>>
    tpu.enqueue_indirect_dma source(%dma_start3A_30 : memref<100000x1024xf32, #tpu.memory_space<hbm>>) target(%arg6 : memref<32x1024xf32, #tpu.memory_space<vmem>>) offsets(%dma_start3A_27 : memref<32xi32, #tpu.memory_space<vmem>>) semaphore(%arg8 : memref<!tpu.dma_semaphore, #tpu.memory_space<semaphore_mem>>)
    %dma_wait3A_31 = arith.constant 32 : i32
    %dma_wait3A_32 = tpu.memref_slice %arg5[%dma_wait3A_31] : memref<128xi32, #tpu.memory_space<vmem>> -> memref<32xi32, #tpu.memory_space<vmem>>
    %dma_wait3A_33 = arith.constant 0 : i32
    %dma_wait3A_34 = arith.constant 0 : i32
    %dma_wait3A_35 = tpu.memref_slice %arg2[%dma_wait3A_33, %dma_wait3A_34] : memref<100000x1024xf32, #tpu.memory_space<hbm>> -> memref<100000x1024xf32, #tpu.memory_space<hbm>>
    tpu.wait_indirect_dma semaphore(%arg9 : memref<!tpu.dma_semaphore, #tpu.memory_space<semaphore_mem>>) src(%dma_wait3A_35 : memref<100000x1024xf32, #tpu.memory_space<hbm>>) dst(%arg7 : memref<32x1024xf32, #tpu.memory_space<vmem>>)
    %add3A_36 = arith.constant 32 : i32
    %add3A_37 = arith.addi %mul3A_2, %add3A_36 : i32
    %dma_start3A_38 = arith.constant 0 : i32
    %dma_start3A_39 = tpu.memref_slice %arg4[%add3A_37, %dma_start3A_38] : memref<4096x1024xf32, #tpu.memory_space<hbm>> -> memref<32x1024xf32, #tpu.memory_space<hbm>>
    %dma_start3A_40 = arith.constant 0 : i32
    %dma_start3A_41 = tpu.memref_slice %arg4[%add3A_37, %dma_start3A_40] : memref<4096x1024xf32, #tpu.memory_space<hbm>> -> memref<32x1024xf32, #tpu.memory_space<hbm>>
    tpu.enqueue_dma source(%arg7 : memref<32x1024xf32, #tpu.memory_space<vmem>>) target(%dma_start3A_41 : memref<32x1024xf32, #tpu.memory_space<hbm>>) target_semaphore(%arg11 : memref<!tpu.dma_semaphore, #tpu.memory_space<semaphore_mem>>)
    %dma_wait3A_42 = arith.constant 0 : i32
    %dma_wait3A_43 = tpu.memref_slice %arg4[%add3A_37, %dma_wait3A_42] : memref<4096x1024xf32, #tpu.memory_space<hbm>> -> memref<32x1024xf32, #tpu.memory_space<hbm>>
    %dma_wait3A_44 = arith.constant 0 : i32
    %dma_wait3A_45 = tpu.memref_slice %arg4[%add3A_37, %dma_wait3A_44] : memref<4096x1024xf32, #tpu.memory_space<hbm>> -> memref<32x1024xf32, #tpu.memory_space<hbm>>
    tpu.wait_dma2 semaphore(%arg11 : memref<!tpu.dma_semaphore, #tpu.memory_space<semaphore_mem>>) src(%arg7 : memref<32x1024xf32, #tpu.memory_space<vmem>>) dst(%dma_wait3A_45 : memref<32x1024xf32, #tpu.memory_space<hbm>>)
    %dma_start3A_46 = arith.constant 96 : i32
    %dma_start3A_47 = tpu.memref_slice %arg5[%dma_start3A_46] : memref<128xi32, #tpu.memory_space<vmem>> -> memref<32xi32, #tpu.memory_space<vmem>>
    %dma_start3A_48 = arith.constant 0 : i32
    %dma_start3A_49 = arith.constant 0 : i32
    %dma_start3A_50 = tpu.memref_slice %arg2[%dma_start3A_48, %dma_start3A_49] : memref<100000x1024xf32, #tpu.memory_space<hbm>> -> memref<100000x1024xf32, #tpu.memory_space<hbm>>
    tpu.enqueue_indirect_dma source(%dma_start3A_50 : memref<100000x1024xf32, #tpu.memory_space<hbm>>) target(%arg7 : memref<32x1024xf32, #tpu.memory_space<vmem>>) offsets(%dma_start3A_47 : memref<32xi32, #tpu.memory_space<vmem>>) semaphore(%arg9 : memref<!tpu.dma_semaphore, #tpu.memory_space<semaphore_mem>>)
    %dma_wait3A_51 = arith.constant 64 : i32
    %dma_wait3A_52 = tpu.memref_slice %arg5[%dma_wait3A_51] : memref<128xi32, #tpu.memory_space<vmem>> -> memref<32xi32, #tpu.memory_space<vmem>>
    %dma_wait3A_53 = arith.constant 0 : i32
    %dma_wait3A_54 = arith.constant 0 : i32
    %dma_wait3A_55 = tpu.memref_slice %arg2[%dma_wait3A_53, %dma_wait3A_54] : memref<100000x1024xf32, #tpu.memory_space<hbm>> -> memref<100000x1024xf32, #tpu.memory_space<hbm>>
    tpu.wait_indirect_dma semaphore(%arg8 : memref<!tpu.dma_semaphore, #tpu.memory_space<semaphore_mem>>) src(%dma_wait3A_55 : memref<100000x1024xf32, #tpu.memory_space<hbm>>) dst(%arg6 : memref<32x1024xf32, #tpu.memory_space<vmem>>)
    %add3A_56 = arith.constant 64 : i32
    %add3A_57 = arith.addi %mul3A_2, %add3A_56 : i32
    %dma_start3A_58 = arith.constant 0 : i32
    %dma_start3A_59 = tpu.memref_slice %arg4[%add3A_57, %dma_start3A_58] : memref<4096x1024xf32, #tpu.memory_space<hbm>> -> memref<32x1024xf32, #tpu.memory_space<hbm>>
    %dma_start3A_60 = arith.constant 0 : i32
    %dma_start3A_61 = tpu.memref_slice %arg4[%add3A_57, %dma_start3A_60] : memref<4096x1024xf32, #tpu.memory_space<hbm>> -> memref<32x1024xf32, #tpu.memory_space<hbm>>
    tpu.enqueue_dma source(%arg6 : memref<32x1024xf32, #tpu.memory_space<vmem>>) target(%dma_start3A_61 : memref<32x1024xf32, #tpu.memory_space<hbm>>) target_semaphore(%arg10 : memref<!tpu.dma_semaphore, #tpu.memory_space<semaphore_mem>>)
    %dma_wait3A_62 = arith.constant 96 : i32
    %dma_wait3A_63 = tpu.memref_slice %arg5[%dma_wait3A_62] : memref<128xi32, #tpu.memory_space<vmem>> -> memref<32xi32, #tpu.memory_space<vmem>>
    %dma_wait3A_64 = arith.constant 0 : i32
    %dma_wait3A_65 = arith.constant 0 : i32
    %dma_wait3A_66 = tpu.memref_slice %arg2[%dma_wait3A_64, %dma_wait3A_65] : memref<100000x1024xf32, #tpu.memory_space<hbm>> -> memref<100000x1024xf32, #tpu.memory_space<hbm>>
    tpu.wait_indirect_dma semaphore(%arg9 : memref<!tpu.dma_semaphore, #tpu.memory_space<semaphore_mem>>) src(%dma_wait3A_66 : memref<100000x1024xf32, #tpu.memory_space<hbm>>) dst(%arg7 : memref<32x1024xf32, #tpu.memory_space<vmem>>)
    %add3A_67 = arith.constant 96 : i32
    %add3A_68 = arith.addi %mul3A_2, %add3A_67 : i32
    %dma_start3A_69 = arith.constant 0 : i32
    %dma_start3A_70 = tpu.memref_slice %arg4[%add3A_68, %dma_start3A_69] : memref<4096x1024xf32, #tpu.memory_space<hbm>> -> memref<32x1024xf32, #tpu.memory_space<hbm>>
    %dma_start3A_71 = arith.constant 0 : i32
    %dma_start3A_72 = tpu.memref_slice %arg4[%add3A_68, %dma_start3A_71] : memref<4096x1024xf32, #tpu.memory_space<hbm>> -> memref<32x1024xf32, #tpu.memory_space<hbm>>
    tpu.enqueue_dma source(%arg7 : memref<32x1024xf32, #tpu.memory_space<vmem>>) target(%dma_start3A_72 : memref<32x1024xf32, #tpu.memory_space<hbm>>) target_semaphore(%arg11 : memref<!tpu.dma_semaphore, #tpu.memory_space<semaphore_mem>>)
    %dma_wait3A_73 = arith.constant 0 : i32
    %dma_wait3A_74 = tpu.memref_slice %arg4[%add3A_57, %dma_wait3A_73] : memref<4096x1024xf32, #tpu.memory_space<hbm>> -> memref<32x1024xf32, #tpu.memory_space<hbm>>
    %dma_wait3A_75 = arith.constant 0 : i32
    %dma_wait3A_76 = tpu.memref_slice %arg4[%add3A_57, %dma_wait3A_75] : memref<4096x1024xf32, #tpu.memory_space<hbm>> -> memref<32x1024xf32, #tpu.memory_space<hbm>>
    tpu.wait_dma2 semaphore(%arg10 : memref<!tpu.dma_semaphore, #tpu.memory_space<semaphore_mem>>) src(%arg6 : memref<32x1024xf32, #tpu.memory_space<vmem>>) dst(%dma_wait3A_76 : memref<32x1024xf32, #tpu.memory_space<hbm>>)
    %dma_wait3A_77 = arith.constant 0 : i32
    %dma_wait3A_78 = tpu.memref_slice %arg4[%add3A_68, %dma_wait3A_77] : memref<4096x1024xf32, #tpu.memory_space<hbm>> -> memref<32x1024xf32, #tpu.memory_space<hbm>>
    %dma_wait3A_79 = arith.constant 0 : i32
    %dma_wait3A_80 = tpu.memref_slice %arg4[%add3A_68, %dma_wait3A_79] : memref<4096x1024xf32, #tpu.memory_space<hbm>> -> memref<32x1024xf32, #tpu.memory_space<hbm>>
    tpu.wait_dma2 semaphore(%arg11 : memref<!tpu.dma_semaphore, #tpu.memory_space<semaphore_mem>>) src(%arg7 : memref<32x1024xf32, #tpu.memory_space<vmem>>) dst(%dma_wait3A_80 : memref<32x1024xf32, #tpu.memory_space<hbm>>)
    return
  }
}

#map = affine_map<(d0, d1) -> (0, 0)>
#map1 = affine_map<(d0, d1) -> (0)>
module attributes {stable_mosaic.version = 14 : i64} {
  func.func @gather_kernel(%arg0: i32, %arg1: i32, %arg2: memref<100000x1024xf32, #tpu.memory_space<hbm>>, %arg3: memref<5120xi32, #tpu.memory_space<hbm>>, %arg4: memref<5120x1024xf32, #tpu.memory_space<hbm>>, %arg5: memref<160xi32, #tpu.memory_space<vmem>>, %arg6: memref<32x1024xf32, #tpu.memory_space<vmem>>, %arg7: memref<32x1024xf32, #tpu.memory_space<vmem>>, %arg8: memref<!tpu.dma_semaphore, #tpu.memory_space<semaphore_mem>>, %arg9: memref<!tpu.dma_semaphore, #tpu.memory_space<semaphore_mem>>, %arg10: memref<!tpu.dma_semaphore, #tpu.memory_space<semaphore_mem>>, %arg11: memref<!tpu.dma_semaphore, #tpu.memory_space<semaphore_mem>>) attributes {dimension_semantics = [#tpu.dimension_semantics<core_parallel>, #tpu.dimension_semantics<subcore_parallel>], iteration_bounds = array<i64: 2, 16>, scalar_prefetch = 0 : i64, scratch_operands = 7 : i64, tpu.core_type = #tpu.core_type<sc_vector_subcore>, window_params = [{transform_indices = #map}, {transform_indices = #map1}, {transform_indices = #map}]} {
    %mul3A = arith.constant 2 : i32
    %mul3A_0 = arith.muli %arg1, %mul3A : i32
    %add3A = arith.addi %mul3A_0, %arg0 : i32
    %mul3A_1 = arith.constant 160 : i32
    %mul3A_2 = arith.muli %add3A, %mul3A_1 : i32
    "tpu.region"() ({
      %run_scoped3A = tpu.sem_alloc : memref<!tpu.dma_semaphore, #tpu.memory_space<semaphore_mem>>
      %dma_start3A_101 = tpu.memref_slice %arg3[%mul3A_2] : memref<5120xi32, #tpu.memory_space<hbm>> -> memref<160xi32, #tpu.memory_space<hbm>>
      %dma_start3A_102 = tpu.memref_slice %arg3[%mul3A_2] : memref<5120xi32, #tpu.memory_space<hbm>> -> memref<160xi32, #tpu.memory_space<hbm>>
      tpu.enqueue_dma source(%dma_start3A_102 : memref<160xi32, #tpu.memory_space<hbm>>) target(%arg5 : memref<160xi32, #tpu.memory_space<vmem>>) target_semaphore(%run_scoped3A : memref<!tpu.dma_semaphore, #tpu.memory_space<semaphore_mem>>)
      %dma_wait3A_103 = tpu.memref_slice %arg3[%mul3A_2] : memref<5120xi32, #tpu.memory_space<hbm>> -> memref<160xi32, #tpu.memory_space<hbm>>
      %dma_wait3A_104 = tpu.memref_slice %arg3[%mul3A_2] : memref<5120xi32, #tpu.memory_space<hbm>> -> memref<160xi32, #tpu.memory_space<hbm>>
      tpu.wait_dma2 semaphore(%run_scoped3A : memref<!tpu.dma_semaphore, #tpu.memory_space<semaphore_mem>>) src(%dma_wait3A_104 : memref<160xi32, #tpu.memory_space<hbm>>) dst(%arg5 : memref<160xi32, #tpu.memory_space<vmem>>)
      tpu.yield
    }) : () -> ()
    %dma_start3A = arith.constant 0 : i32
    %dma_start3A_3 = tpu.memref_slice %arg5[%dma_start3A] : memref<160xi32, #tpu.memory_space<vmem>> -> memref<32xi32, #tpu.memory_space<vmem>>
    %dma_start3A_4 = arith.constant 0 : i32
    %dma_start3A_5 = arith.constant 0 : i32
    %dma_start3A_6 = tpu.memref_slice %arg2[%dma_start3A_4, %dma_start3A_5] : memref<100000x1024xf32, #tpu.memory_space<hbm>> -> memref<100000x1024xf32, #tpu.memory_space<hbm>>
    tpu.enqueue_indirect_dma source(%dma_start3A_6 : memref<100000x1024xf32, #tpu.memory_space<hbm>>) target(%arg6 : memref<32x1024xf32, #tpu.memory_space<vmem>>) offsets(%dma_start3A_3 : memref<32xi32, #tpu.memory_space<vmem>>) semaphore(%arg8 : memref<!tpu.dma_semaphore, #tpu.memory_space<semaphore_mem>>)
    %dma_start3A_7 = arith.constant 32 : i32
    %dma_start3A_8 = tpu.memref_slice %arg5[%dma_start3A_7] : memref<160xi32, #tpu.memory_space<vmem>> -> memref<32xi32, #tpu.memory_space<vmem>>
    %dma_start3A_9 = arith.constant 0 : i32
    %dma_start3A_10 = arith.constant 0 : i32
    %dma_start3A_11 = tpu.memref_slice %arg2[%dma_start3A_9, %dma_start3A_10] : memref<100000x1024xf32, #tpu.memory_space<hbm>> -> memref<100000x1024xf32, #tpu.memory_space<hbm>>
    tpu.enqueue_indirect_dma source(%dma_start3A_11 : memref<100000x1024xf32, #tpu.memory_space<hbm>>) target(%arg7 : memref<32x1024xf32, #tpu.memory_space<vmem>>) offsets(%dma_start3A_8 : memref<32xi32, #tpu.memory_space<vmem>>) semaphore(%arg9 : memref<!tpu.dma_semaphore, #tpu.memory_space<semaphore_mem>>)
    %dma_wait3A = arith.constant 0 : i32
    %dma_wait3A_12 = tpu.memref_slice %arg5[%dma_wait3A] : memref<160xi32, #tpu.memory_space<vmem>> -> memref<32xi32, #tpu.memory_space<vmem>>
    %dma_wait3A_13 = arith.constant 0 : i32
    %dma_wait3A_14 = arith.constant 0 : i32
    %dma_wait3A_15 = tpu.memref_slice %arg2[%dma_wait3A_13, %dma_wait3A_14] : memref<100000x1024xf32, #tpu.memory_space<hbm>> -> memref<100000x1024xf32, #tpu.memory_space<hbm>>
    tpu.wait_indirect_dma semaphore(%arg8 : memref<!tpu.dma_semaphore, #tpu.memory_space<semaphore_mem>>) src(%dma_wait3A_15 : memref<100000x1024xf32, #tpu.memory_space<hbm>>) dst(%arg6 : memref<32x1024xf32, #tpu.memory_space<vmem>>)
    %add3A_16 = arith.constant 0 : i32
    %add3A_17 = arith.addi %mul3A_2, %add3A_16 : i32
    %dma_start3A_18 = arith.constant 0 : i32
    %dma_start3A_19 = tpu.memref_slice %arg4[%add3A_17, %dma_start3A_18] : memref<5120x1024xf32, #tpu.memory_space<hbm>> -> memref<32x1024xf32, #tpu.memory_space<hbm>>
    %dma_start3A_20 = arith.constant 0 : i32
    %dma_start3A_21 = tpu.memref_slice %arg4[%add3A_17, %dma_start3A_20] : memref<5120x1024xf32, #tpu.memory_space<hbm>> -> memref<32x1024xf32, #tpu.memory_space<hbm>>
    tpu.enqueue_dma source(%arg6 : memref<32x1024xf32, #tpu.memory_space<vmem>>) target(%dma_start3A_21 : memref<32x1024xf32, #tpu.memory_space<hbm>>) target_semaphore(%arg10 : memref<!tpu.dma_semaphore, #tpu.memory_space<semaphore_mem>>)
    %dma_wait3A_22 = arith.constant 0 : i32
    %dma_wait3A_23 = tpu.memref_slice %arg4[%add3A_17, %dma_wait3A_22] : memref<5120x1024xf32, #tpu.memory_space<hbm>> -> memref<32x1024xf32, #tpu.memory_space<hbm>>
    %dma_wait3A_24 = arith.constant 0 : i32
    %dma_wait3A_25 = tpu.memref_slice %arg4[%add3A_17, %dma_wait3A_24] : memref<5120x1024xf32, #tpu.memory_space<hbm>> -> memref<32x1024xf32, #tpu.memory_space<hbm>>
    tpu.wait_dma2 semaphore(%arg10 : memref<!tpu.dma_semaphore, #tpu.memory_space<semaphore_mem>>) src(%arg6 : memref<32x1024xf32, #tpu.memory_space<vmem>>) dst(%dma_wait3A_25 : memref<32x1024xf32, #tpu.memory_space<hbm>>)
    %dma_start3A_26 = arith.constant 64 : i32
    %dma_start3A_27 = tpu.memref_slice %arg5[%dma_start3A_26] : memref<160xi32, #tpu.memory_space<vmem>> -> memref<32xi32, #tpu.memory_space<vmem>>
    %dma_start3A_28 = arith.constant 0 : i32
    %dma_start3A_29 = arith.constant 0 : i32
    %dma_start3A_30 = tpu.memref_slice %arg2[%dma_start3A_28, %dma_start3A_29] : memref<100000x1024xf32, #tpu.memory_space<hbm>> -> memref<100000x1024xf32, #tpu.memory_space<hbm>>
    tpu.enqueue_indirect_dma source(%dma_start3A_30 : memref<100000x1024xf32, #tpu.memory_space<hbm>>) target(%arg6 : memref<32x1024xf32, #tpu.memory_space<vmem>>) offsets(%dma_start3A_27 : memref<32xi32, #tpu.memory_space<vmem>>) semaphore(%arg8 : memref<!tpu.dma_semaphore, #tpu.memory_space<semaphore_mem>>)
    %dma_wait3A_31 = arith.constant 32 : i32
    %dma_wait3A_32 = tpu.memref_slice %arg5[%dma_wait3A_31] : memref<160xi32, #tpu.memory_space<vmem>> -> memref<32xi32, #tpu.memory_space<vmem>>
    %dma_wait3A_33 = arith.constant 0 : i32
    %dma_wait3A_34 = arith.constant 0 : i32
    %dma_wait3A_35 = tpu.memref_slice %arg2[%dma_wait3A_33, %dma_wait3A_34] : memref<100000x1024xf32, #tpu.memory_space<hbm>> -> memref<100000x1024xf32, #tpu.memory_space<hbm>>
    tpu.wait_indirect_dma semaphore(%arg9 : memref<!tpu.dma_semaphore, #tpu.memory_space<semaphore_mem>>) src(%dma_wait3A_35 : memref<100000x1024xf32, #tpu.memory_space<hbm>>) dst(%arg7 : memref<32x1024xf32, #tpu.memory_space<vmem>>)
    %add3A_36 = arith.constant 32 : i32
    %add3A_37 = arith.addi %mul3A_2, %add3A_36 : i32
    %dma_start3A_38 = arith.constant 0 : i32
    %dma_start3A_39 = tpu.memref_slice %arg4[%add3A_37, %dma_start3A_38] : memref<5120x1024xf32, #tpu.memory_space<hbm>> -> memref<32x1024xf32, #tpu.memory_space<hbm>>
    %dma_start3A_40 = arith.constant 0 : i32
    %dma_start3A_41 = tpu.memref_slice %arg4[%add3A_37, %dma_start3A_40] : memref<5120x1024xf32, #tpu.memory_space<hbm>> -> memref<32x1024xf32, #tpu.memory_space<hbm>>
    tpu.enqueue_dma source(%arg7 : memref<32x1024xf32, #tpu.memory_space<vmem>>) target(%dma_start3A_41 : memref<32x1024xf32, #tpu.memory_space<hbm>>) target_semaphore(%arg11 : memref<!tpu.dma_semaphore, #tpu.memory_space<semaphore_mem>>)
    %dma_wait3A_42 = arith.constant 0 : i32
    %dma_wait3A_43 = tpu.memref_slice %arg4[%add3A_37, %dma_wait3A_42] : memref<5120x1024xf32, #tpu.memory_space<hbm>> -> memref<32x1024xf32, #tpu.memory_space<hbm>>
    %dma_wait3A_44 = arith.constant 0 : i32
    %dma_wait3A_45 = tpu.memref_slice %arg4[%add3A_37, %dma_wait3A_44] : memref<5120x1024xf32, #tpu.memory_space<hbm>> -> memref<32x1024xf32, #tpu.memory_space<hbm>>
    tpu.wait_dma2 semaphore(%arg11 : memref<!tpu.dma_semaphore, #tpu.memory_space<semaphore_mem>>) src(%arg7 : memref<32x1024xf32, #tpu.memory_space<vmem>>) dst(%dma_wait3A_45 : memref<32x1024xf32, #tpu.memory_space<hbm>>)
    %dma_start3A_46 = arith.constant 96 : i32
    %dma_start3A_47 = tpu.memref_slice %arg5[%dma_start3A_46] : memref<160xi32, #tpu.memory_space<vmem>> -> memref<32xi32, #tpu.memory_space<vmem>>
    %dma_start3A_48 = arith.constant 0 : i32
    %dma_start3A_49 = arith.constant 0 : i32
    %dma_start3A_50 = tpu.memref_slice %arg2[%dma_start3A_48, %dma_start3A_49] : memref<100000x1024xf32, #tpu.memory_space<hbm>> -> memref<100000x1024xf32, #tpu.memory_space<hbm>>
    tpu.enqueue_indirect_dma source(%dma_start3A_50 : memref<100000x1024xf32, #tpu.memory_space<hbm>>) target(%arg7 : memref<32x1024xf32, #tpu.memory_space<vmem>>) offsets(%dma_start3A_47 : memref<32xi32, #tpu.memory_space<vmem>>) semaphore(%arg9 : memref<!tpu.dma_semaphore, #tpu.memory_space<semaphore_mem>>)
    %dma_wait3A_51 = arith.constant 64 : i32
    %dma_wait3A_52 = tpu.memref_slice %arg5[%dma_wait3A_51] : memref<160xi32, #tpu.memory_space<vmem>> -> memref<32xi32, #tpu.memory_space<vmem>>
    %dma_wait3A_53 = arith.constant 0 : i32
    %dma_wait3A_54 = arith.constant 0 : i32
    %dma_wait3A_55 = tpu.memref_slice %arg2[%dma_wait3A_53, %dma_wait3A_54] : memref<100000x1024xf32, #tpu.memory_space<hbm>> -> memref<100000x1024xf32, #tpu.memory_space<hbm>>
    tpu.wait_indirect_dma semaphore(%arg8 : memref<!tpu.dma_semaphore, #tpu.memory_space<semaphore_mem>>) src(%dma_wait3A_55 : memref<100000x1024xf32, #tpu.memory_space<hbm>>) dst(%arg6 : memref<32x1024xf32, #tpu.memory_space<vmem>>)
    %add3A_56 = arith.constant 64 : i32
    %add3A_57 = arith.addi %mul3A_2, %add3A_56 : i32
    %dma_start3A_58 = arith.constant 0 : i32
    %dma_start3A_59 = tpu.memref_slice %arg4[%add3A_57, %dma_start3A_58] : memref<5120x1024xf32, #tpu.memory_space<hbm>> -> memref<32x1024xf32, #tpu.memory_space<hbm>>
    %dma_start3A_60 = arith.constant 0 : i32
    %dma_start3A_61 = tpu.memref_slice %arg4[%add3A_57, %dma_start3A_60] : memref<5120x1024xf32, #tpu.memory_space<hbm>> -> memref<32x1024xf32, #tpu.memory_space<hbm>>
    tpu.enqueue_dma source(%arg6 : memref<32x1024xf32, #tpu.memory_space<vmem>>) target(%dma_start3A_61 : memref<32x1024xf32, #tpu.memory_space<hbm>>) target_semaphore(%arg10 : memref<!tpu.dma_semaphore, #tpu.memory_space<semaphore_mem>>)
    %dma_wait3A_62 = arith.constant 0 : i32
    %dma_wait3A_63 = tpu.memref_slice %arg4[%add3A_57, %dma_wait3A_62] : memref<5120x1024xf32, #tpu.memory_space<hbm>> -> memref<32x1024xf32, #tpu.memory_space<hbm>>
    %dma_wait3A_64 = arith.constant 0 : i32
    %dma_wait3A_65 = tpu.memref_slice %arg4[%add3A_57, %dma_wait3A_64] : memref<5120x1024xf32, #tpu.memory_space<hbm>> -> memref<32x1024xf32, #tpu.memory_space<hbm>>
    tpu.wait_dma2 semaphore(%arg10 : memref<!tpu.dma_semaphore, #tpu.memory_space<semaphore_mem>>) src(%arg6 : memref<32x1024xf32, #tpu.memory_space<vmem>>) dst(%dma_wait3A_65 : memref<32x1024xf32, #tpu.memory_space<hbm>>)
    %dma_start3A_66 = arith.constant 128 : i32
    %dma_start3A_67 = tpu.memref_slice %arg5[%dma_start3A_66] : memref<160xi32, #tpu.memory_space<vmem>> -> memref<32xi32, #tpu.memory_space<vmem>>
    %dma_start3A_68 = arith.constant 0 : i32
    %dma_start3A_69 = arith.constant 0 : i32
    %dma_start3A_70 = tpu.memref_slice %arg2[%dma_start3A_68, %dma_start3A_69] : memref<100000x1024xf32, #tpu.memory_space<hbm>> -> memref<100000x1024xf32, #tpu.memory_space<hbm>>
    tpu.enqueue_indirect_dma source(%dma_start3A_70 : memref<100000x1024xf32, #tpu.memory_space<hbm>>) target(%arg6 : memref<32x1024xf32, #tpu.memory_space<vmem>>) offsets(%dma_start3A_67 : memref<32xi32, #tpu.memory_space<vmem>>) semaphore(%arg8 : memref<!tpu.dma_semaphore, #tpu.memory_space<semaphore_mem>>)
    %dma_wait3A_71 = arith.constant 96 : i32
    %dma_wait3A_72 = tpu.memref_slice %arg5[%dma_wait3A_71] : memref<160xi32, #tpu.memory_space<vmem>> -> memref<32xi32, #tpu.memory_space<vmem>>
    %dma_wait3A_73 = arith.constant 0 : i32
    %dma_wait3A_74 = arith.constant 0 : i32
    %dma_wait3A_75 = tpu.memref_slice %arg2[%dma_wait3A_73, %dma_wait3A_74] : memref<100000x1024xf32, #tpu.memory_space<hbm>> -> memref<100000x1024xf32, #tpu.memory_space<hbm>>
    tpu.wait_indirect_dma semaphore(%arg9 : memref<!tpu.dma_semaphore, #tpu.memory_space<semaphore_mem>>) src(%dma_wait3A_75 : memref<100000x1024xf32, #tpu.memory_space<hbm>>) dst(%arg7 : memref<32x1024xf32, #tpu.memory_space<vmem>>)
    %add3A_76 = arith.constant 96 : i32
    %add3A_77 = arith.addi %mul3A_2, %add3A_76 : i32
    %dma_start3A_78 = arith.constant 0 : i32
    %dma_start3A_79 = tpu.memref_slice %arg4[%add3A_77, %dma_start3A_78] : memref<5120x1024xf32, #tpu.memory_space<hbm>> -> memref<32x1024xf32, #tpu.memory_space<hbm>>
    %dma_start3A_80 = arith.constant 0 : i32
    %dma_start3A_81 = tpu.memref_slice %arg4[%add3A_77, %dma_start3A_80] : memref<5120x1024xf32, #tpu.memory_space<hbm>> -> memref<32x1024xf32, #tpu.memory_space<hbm>>
    tpu.enqueue_dma source(%arg7 : memref<32x1024xf32, #tpu.memory_space<vmem>>) target(%dma_start3A_81 : memref<32x1024xf32, #tpu.memory_space<hbm>>) target_semaphore(%arg11 : memref<!tpu.dma_semaphore, #tpu.memory_space<semaphore_mem>>)
    %dma_wait3A_82 = arith.constant 128 : i32
    %dma_wait3A_83 = tpu.memref_slice %arg5[%dma_wait3A_82] : memref<160xi32, #tpu.memory_space<vmem>> -> memref<32xi32, #tpu.memory_space<vmem>>
    %dma_wait3A_84 = arith.constant 0 : i32
    %dma_wait3A_85 = arith.constant 0 : i32
    %dma_wait3A_86 = tpu.memref_slice %arg2[%dma_wait3A_84, %dma_wait3A_85] : memref<100000x1024xf32, #tpu.memory_space<hbm>> -> memref<100000x1024xf32, #tpu.memory_space<hbm>>
    tpu.wait_indirect_dma semaphore(%arg8 : memref<!tpu.dma_semaphore, #tpu.memory_space<semaphore_mem>>) src(%dma_wait3A_86 : memref<100000x1024xf32, #tpu.memory_space<hbm>>) dst(%arg6 : memref<32x1024xf32, #tpu.memory_space<vmem>>)
    %add3A_87 = arith.constant 128 : i32
    %add3A_88 = arith.addi %mul3A_2, %add3A_87 : i32
    %dma_start3A_89 = arith.constant 0 : i32
    %dma_start3A_90 = tpu.memref_slice %arg4[%add3A_88, %dma_start3A_89] : memref<5120x1024xf32, #tpu.memory_space<hbm>> -> memref<32x1024xf32, #tpu.memory_space<hbm>>
    %dma_start3A_91 = arith.constant 0 : i32
    %dma_start3A_92 = tpu.memref_slice %arg4[%add3A_88, %dma_start3A_91] : memref<5120x1024xf32, #tpu.memory_space<hbm>> -> memref<32x1024xf32, #tpu.memory_space<hbm>>
    tpu.enqueue_dma source(%arg6 : memref<32x1024xf32, #tpu.memory_space<vmem>>) target(%dma_start3A_92 : memref<32x1024xf32, #tpu.memory_space<hbm>>) target_semaphore(%arg10 : memref<!tpu.dma_semaphore, #tpu.memory_space<semaphore_mem>>)
    %dma_wait3A_93 = arith.constant 0 : i32
    %dma_wait3A_94 = tpu.memref_slice %arg4[%add3A_77, %dma_wait3A_93] : memref<5120x1024xf32, #tpu.memory_space<hbm>> -> memref<32x1024xf32, #tpu.memory_space<hbm>>
    %dma_wait3A_95 = arith.constant 0 : i32
    %dma_wait3A_96 = tpu.memref_slice %arg4[%add3A_77, %dma_wait3A_95] : memref<5120x1024xf32, #tpu.memory_space<hbm>> -> memref<32x1024xf32, #tpu.memory_space<hbm>>
    tpu.wait_dma2 semaphore(%arg11 : memref<!tpu.dma_semaphore, #tpu.memory_space<semaphore_mem>>) src(%arg7 : memref<32x1024xf32, #tpu.memory_space<vmem>>) dst(%dma_wait3A_96 : memref<32x1024xf32, #tpu.memory_space<hbm>>)
    %dma_wait3A_97 = arith.constant 0 : i32
    %dma_wait3A_98 = tpu.memref_slice %arg4[%add3A_88, %dma_wait3A_97] : memref<5120x1024xf32, #tpu.memory_space<hbm>> -> memref<32x1024xf32, #tpu.memory_space<hbm>>
    %dma_wait3A_99 = arith.constant 0 : i32
    %dma_wait3A_100 = tpu.memref_slice %arg4[%add3A_88, %dma_wait3A_99] : memref<5120x1024xf32, #tpu.memory_space<hbm>> -> memref<32x1024xf32, #tpu.memory_space<hbm>>
    tpu.wait_dma2 semaphore(%arg10 : memref<!tpu.dma_semaphore, #tpu.memory_space<semaphore_mem>>) src(%arg6 : memref<32x1024xf32, #tpu.memory_space<vmem>>) dst(%dma_wait3A_100 : memref<32x1024xf32, #tpu.memory_space<hbm>>)
    return
  }
}

module attributes {stable_mosaic.version = 14 : i64} {
  func.func @_main_body_carry(%arg0: i32, %arg1: memref<512x1024xf32, #tpu.memory_space<vmem>>, %arg2: memref<1024x128xf32, #tpu.memory_space<vmem>>, %arg3: memref<16384x128xf32, #tpu.memory_space<hbm>>, %arg4: memref<512x128xf32, #tpu.memory_space<vmem>>) attributes {dimension_semantics = [#tpu.dimension_semantics<arbitrary>], iteration_bounds = array<i64: 8>, scalar_prefetch = 0 : i64, scratch_operands = 0 : i64, tpu.core_type = #tpu.core_type<tc>, window_params = [{transform_indices = @transform_0, window_bounds = array<i64: 512, 1024>}, {pipeline_mode = #tpu.pipeline_mode<synchronous>, transform_indices = @transform_1, window_bounds = array<i64: 1024, 128>}, {}, {transform_indices = @transform_3, window_bounds = array<i64: 512, 128>}]} {
    %get3A = arith.constant 0 : index
    %get3A_0 = arith.constant 0 : index
    %get3A_1 = vector.load %arg1[%get3A, %get3A_0] : memref<512x1024xf32, #tpu.memory_space<vmem>>, vector<512x1024xf32>
    %reduce_max3A = arith.constant dense<0xFF800000> : vector<512xf32>
    %reduce_max3A_2 = vector.multi_reduction <maximumf>, %get3A_1, %reduce_max3A [1] : vector<512x1024xf32> to vector<512xf32>
    %broadcast_in_dim3A = vector.shape_cast %reduce_max3A_2 : vector<512xf32> to vector<512x1xf32>
    %sub3A = arith.constant 1.000000e+00 : f32
    %sub3A_3 = vector.broadcast %sub3A : f32 to vector<512x1xf32>
    %sub3A_4 = arith.subf %broadcast_in_dim3A, %sub3A_3 : vector<512x1xf32>
    %convert_element_type3A = arith.truncf %get3A_1 : vector<512x1024xf32> to vector<512x1024xbf16>
    %convert_element_type3A_5 = arith.truncf %sub3A_4 : vector<512x1xf32> to vector<512x1xbf16>
    %gt3A = vector.broadcast %convert_element_type3A_5 : vector<512x1xbf16> to vector<512x1024xbf16>
    %gt3A_6 = arith.cmpf ogt, %convert_element_type3A, %gt3A : vector<512x1024xbf16>
    %jit3A = arith.constant 0.000000e+00 : bf16
    %broadcast_in_dim3A_7 = vector.broadcast %jit3A : bf16 to vector<512x1024xbf16>
    %select_n3A = arith.select %gt3A_6, %convert_element_type3A, %broadcast_in_dim3A_7 : vector<512x1024xi1>, vector<512x1024xbf16>
    %reduce_sum3A = arith.constant dense<0.000000e+00> : vector<512xbf16>
    %reduce_sum3A_8 = vector.multi_reduction <add>, %select_n3A, %reduce_sum3A [1] : vector<512x1024xbf16> to vector<512xbf16>
    %broadcast_in_dim3A_9 = vector.shape_cast %reduce_sum3A_8 : vector<512xbf16> to vector<512x1xbf16>
    %convert_element_type3A_10 = arith.extf %broadcast_in_dim3A_9 : vector<512x1xbf16> to vector<512x1xf32>
    %jit3A_11 = arith.constant 1.000000e+00 : bf16
    %jit3A_12 = arith.constant 0.000000e+00 : bf16
    %broadcast_in_dim3A_13 = vector.broadcast %jit3A_11 : bf16 to vector<512x1024xbf16>
    %broadcast_in_dim3A_14 = vector.broadcast %jit3A_12 : bf16 to vector<512x1024xbf16>
    %select_n3A_15 = arith.select %gt3A_6, %broadcast_in_dim3A_13, %broadcast_in_dim3A_14 : vector<512x1024xi1>, vector<512x1024xbf16>
    %reduce_sum3A_16 = arith.constant dense<0.000000e+00> : vector<512xbf16>
    %reduce_sum3A_17 = vector.multi_reduction <add>, %select_n3A_15, %reduce_sum3A_16 [1] : vector<512x1024xbf16> to vector<512xbf16>
    %broadcast_in_dim3A_18 = vector.shape_cast %reduce_sum3A_17 : vector<512xbf16> to vector<512x1xbf16>
    %convert_element_type3A_19 = arith.extf %broadcast_in_dim3A_18 : vector<512x1xbf16> to vector<512x1xf32>
    %mul3A = arith.mulf %convert_element_type3A_19, %sub3A_4 : vector<512x1xf32>
    %sub3A_20 = arith.subf %convert_element_type3A_10, %mul3A : vector<512x1xf32>
    %sub3A_21 = arith.constant 1.000000e+00 : f32
    %sub3A_22 = vector.broadcast %sub3A_21 : f32 to vector<512x1xf32>
    %sub3A_23 = arith.subf %sub3A_20, %sub3A_22 : vector<512x1xf32>
    %gt3A_24 = arith.constant 0.000000e+00 : f32
    %gt3A_25 = vector.broadcast %gt3A_24 : f32 to vector<512x1xf32>
    %gt3A_26 = arith.cmpf ogt, %sub3A_23, %gt3A_25 : vector<512x1xf32>
    %select_n3A_27 = arith.select %gt3A_26, %sub3A_4, %sub3A_4 : vector<512x1xi1>, vector<512x1xf32>
    %select_n3A_28 = arith.select %gt3A_26, %broadcast_in_dim3A, %sub3A_4 : vector<512x1xi1>, vector<512x1xf32>
    %max3A = arith.constant 1.000000e+00 : f32
    %max3A_29 = vector.broadcast %max3A : f32 to vector<512x1xf32>
    %max3A_30 = arith.maximumf %convert_element_type3A_19, %max3A_29 : vector<512x1xf32>
    %div3A = arith.divf %sub3A_23, %max3A_30 : vector<512x1xf32>
    %add3A = arith.addf %sub3A_4, %div3A : vector<512x1xf32>
    %add3A_31 = arith.addf %select_n3A_27, %select_n3A_28 : vector<512x1xf32>
    %mul3A_32 = arith.constant 5.000000e-01 : f32
    %mul3A_33 = vector.broadcast %mul3A_32 : f32 to vector<512x1xf32>
    %mul3A_34 = arith.mulf %mul3A_33, %add3A_31 : vector<512x1xf32>
    %gt3A_35 = arith.cmpf ogt, %add3A, %select_n3A_27 : vector<512x1xf32>
    %lt3A = arith.cmpf olt, %add3A, %select_n3A_28 : vector<512x1xf32>
    %and3A = arith.andi %gt3A_35, %lt3A : vector<512x1xi1>
    %select_n3A_36 = arith.select %and3A, %add3A, %mul3A_34 : vector<512x1xi1>, vector<512x1xf32>
    %convert_element_type3A_37 = arith.truncf %select_n3A_36 : vector<512x1xf32> to vector<512x1xbf16>
    %gt3A_38 = vector.broadcast %convert_element_type3A_37 : vector<512x1xbf16> to vector<512x1024xbf16>
    %gt3A_39 = arith.cmpf ogt, %convert_element_type3A, %gt3A_38 : vector<512x1024xbf16>
    %jit3A_40 = arith.constant 0.000000e+00 : bf16
    %broadcast_in_dim3A_41 = vector.broadcast %jit3A_40 : bf16 to vector<512x1024xbf16>
    %select_n3A_42 = arith.select %gt3A_39, %convert_element_type3A, %broadcast_in_dim3A_41 : vector<512x1024xi1>, vector<512x1024xbf16>
    %reduce_sum3A_43 = arith.constant dense<0.000000e+00> : vector<512xbf16>
    %reduce_sum3A_44 = vector.multi_reduction <add>, %select_n3A_42, %reduce_sum3A_43 [1] : vector<512x1024xbf16> to vector<512xbf16>
    %broadcast_in_dim3A_45 = vector.shape_cast %reduce_sum3A_44 : vector<512xbf16> to vector<512x1xbf16>
    %convert_element_type3A_46 = arith.extf %broadcast_in_dim3A_45 : vector<512x1xbf16> to vector<512x1xf32>
    %jit3A_47 = arith.constant 1.000000e+00 : bf16
    %jit3A_48 = arith.constant 0.000000e+00 : bf16
    %broadcast_in_dim3A_49 = vector.broadcast %jit3A_47 : bf16 to vector<512x1024xbf16>
    %broadcast_in_dim3A_50 = vector.broadcast %jit3A_48 : bf16 to vector<512x1024xbf16>
    %select_n3A_51 = arith.select %gt3A_39, %broadcast_in_dim3A_49, %broadcast_in_dim3A_50 : vector<512x1024xi1>, vector<512x1024xbf16>
    %reduce_sum3A_52 = arith.constant dense<0.000000e+00> : vector<512xbf16>
    %reduce_sum3A_53 = vector.multi_reduction <add>, %select_n3A_51, %reduce_sum3A_52 [1] : vector<512x1024xbf16> to vector<512xbf16>
    %broadcast_in_dim3A_54 = vector.shape_cast %reduce_sum3A_53 : vector<512xbf16> to vector<512x1xbf16>
    %convert_element_type3A_55 = arith.extf %broadcast_in_dim3A_54 : vector<512x1xbf16> to vector<512x1xf32>
    %mul3A_56 = arith.mulf %convert_element_type3A_55, %select_n3A_36 : vector<512x1xf32>
    %sub3A_57 = arith.subf %convert_element_type3A_46, %mul3A_56 : vector<512x1xf32>
    %sub3A_58 = arith.constant 1.000000e+00 : f32
    %sub3A_59 = vector.broadcast %sub3A_58 : f32 to vector<512x1xf32>
    %sub3A_60 = arith.subf %sub3A_57, %sub3A_59 : vector<512x1xf32>
    %gt3A_61 = arith.constant 0.000000e+00 : f32
    %gt3A_62 = vector.broadcast %gt3A_61 : f32 to vector<512x1xf32>
    %gt3A_63 = arith.cmpf ogt, %sub3A_60, %gt3A_62 : vector<512x1xf32>
    %select_n3A_64 = arith.select %gt3A_63, %select_n3A_36, %select_n3A_27 : vector<512x1xi1>, vector<512x1xf32>
    %select_n3A_65 = arith.select %gt3A_63, %select_n3A_28, %select_n3A_36 : vector<512x1xi1>, vector<512x1xf32>
    %max3A_66 = arith.constant 1.000000e+00 : f32
    %max3A_67 = vector.broadcast %max3A_66 : f32 to vector<512x1xf32>
    %max3A_68 = arith.maximumf %convert_element_type3A_55, %max3A_67 : vector<512x1xf32>
    %div3A_69 = arith.divf %sub3A_60, %max3A_68 : vector<512x1xf32>
    %add3A_70 = arith.addf %select_n3A_36, %div3A_69 : vector<512x1xf32>
    %add3A_71 = arith.addf %select_n3A_64, %select_n3A_65 : vector<512x1xf32>
    %mul3A_72 = arith.constant 5.000000e-01 : f32
    %mul3A_73 = vector.broadcast %mul3A_72 : f32 to vector<512x1xf32>
    %mul3A_74 = arith.mulf %mul3A_73, %add3A_71 : vector<512x1xf32>
    %gt3A_75 = arith.cmpf ogt, %add3A_70, %select_n3A_64 : vector<512x1xf32>
    %lt3A_76 = arith.cmpf olt, %add3A_70, %select_n3A_65 : vector<512x1xf32>
    %and3A_77 = arith.andi %gt3A_75, %lt3A_76 : vector<512x1xi1>
    %select_n3A_78 = arith.select %and3A_77, %add3A_70, %mul3A_74 : vector<512x1xi1>, vector<512x1xf32>
    %convert_element_type3A_79 = arith.truncf %select_n3A_78 : vector<512x1xf32> to vector<512x1xbf16>
    %gt3A_80 = vector.broadcast %convert_element_type3A_79 : vector<512x1xbf16> to vector<512x1024xbf16>
    %gt3A_81 = arith.cmpf ogt, %convert_element_type3A, %gt3A_80 : vector<512x1024xbf16>
    %jit3A_82 = arith.constant 0.000000e+00 : bf16
    %broadcast_in_dim3A_83 = vector.broadcast %jit3A_82 : bf16 to vector<512x1024xbf16>
    %select_n3A_84 = arith.select %gt3A_81, %convert_element_type3A, %broadcast_in_dim3A_83 : vector<512x1024xi1>, vector<512x1024xbf16>
    %reduce_sum3A_85 = arith.constant dense<0.000000e+00> : vector<512xbf16>
    %reduce_sum3A_86 = vector.multi_reduction <add>, %select_n3A_84, %reduce_sum3A_85 [1] : vector<512x1024xbf16> to vector<512xbf16>
    %broadcast_in_dim3A_87 = vector.shape_cast %reduce_sum3A_86 : vector<512xbf16> to vector<512x1xbf16>
    %convert_element_type3A_88 = arith.extf %broadcast_in_dim3A_87 : vector<512x1xbf16> to vector<512x1xf32>
    %jit3A_89 = arith.constant 1.000000e+00 : bf16
    %jit3A_90 = arith.constant 0.000000e+00 : bf16
    %broadcast_in_dim3A_91 = vector.broadcast %jit3A_89 : bf16 to vector<512x1024xbf16>
    %broadcast_in_dim3A_92 = vector.broadcast %jit3A_90 : bf16 to vector<512x1024xbf16>
    %select_n3A_93 = arith.select %gt3A_81, %broadcast_in_dim3A_91, %broadcast_in_dim3A_92 : vector<512x1024xi1>, vector<512x1024xbf16>
    %reduce_sum3A_94 = arith.constant dense<0.000000e+00> : vector<512xbf16>
    %reduce_sum3A_95 = vector.multi_reduction <add>, %select_n3A_93, %reduce_sum3A_94 [1] : vector<512x1024xbf16> to vector<512xbf16>
    %broadcast_in_dim3A_96 = vector.shape_cast %reduce_sum3A_95 : vector<512xbf16> to vector<512x1xbf16>
    %convert_element_type3A_97 = arith.extf %broadcast_in_dim3A_96 : vector<512x1xbf16> to vector<512x1xf32>
    %mul3A_98 = arith.mulf %convert_element_type3A_97, %select_n3A_78 : vector<512x1xf32>
    %sub3A_99 = arith.subf %convert_element_type3A_88, %mul3A_98 : vector<512x1xf32>
    %sub3A_100 = arith.constant 1.000000e+00 : f32
    %sub3A_101 = vector.broadcast %sub3A_100 : f32 to vector<512x1xf32>
    %sub3A_102 = arith.subf %sub3A_99, %sub3A_101 : vector<512x1xf32>
    %gt3A_103 = arith.constant 0.000000e+00 : f32
    %gt3A_104 = vector.broadcast %gt3A_103 : f32 to vector<512x1xf32>
    %gt3A_105 = arith.cmpf ogt, %sub3A_102, %gt3A_104 : vector<512x1xf32>
    %select_n3A_106 = arith.select %gt3A_105, %select_n3A_78, %select_n3A_64 : vector<512x1xi1>, vector<512x1xf32>
    %select_n3A_107 = arith.select %gt3A_105, %select_n3A_65, %select_n3A_78 : vector<512x1xi1>, vector<512x1xf32>
    %max3A_108 = arith.constant 1.000000e+00 : f32
    %max3A_109 = vector.broadcast %max3A_108 : f32 to vector<512x1xf32>
    %max3A_110 = arith.maximumf %convert_element_type3A_97, %max3A_109 : vector<512x1xf32>
    %div3A_111 = arith.divf %sub3A_102, %max3A_110 : vector<512x1xf32>
    %add3A_112 = arith.addf %select_n3A_78, %div3A_111 : vector<512x1xf32>
    %add3A_113 = arith.addf %select_n3A_106, %select_n3A_107 : vector<512x1xf32>
    %mul3A_114 = arith.constant 5.000000e-01 : f32
    %mul3A_115 = vector.broadcast %mul3A_114 : f32 to vector<512x1xf32>
    %mul3A_116 = arith.mulf %mul3A_115, %add3A_113 : vector<512x1xf32>
    %gt3A_117 = arith.cmpf ogt, %add3A_112, %select_n3A_106 : vector<512x1xf32>
    %lt3A_118 = arith.cmpf olt, %add3A_112, %select_n3A_107 : vector<512x1xf32>
    %and3A_119 = arith.andi %gt3A_117, %lt3A_118 : vector<512x1xi1>
    %select_n3A_120 = arith.select %and3A_119, %add3A_112, %mul3A_116 : vector<512x1xi1>, vector<512x1xf32>
    %sub3A_121 = arith.constant 1.000000e+00 : f32
    %sub3A_122 = vector.broadcast %sub3A_121 : f32 to vector<512x1xf32>
    %sub3A_123 = arith.subf %broadcast_in_dim3A, %sub3A_122 : vector<512x1xf32>
    %sub3A_124 = arith.constant 6.000000e-02 : f32
    %sub3A_125 = vector.broadcast %sub3A_124 : f32 to vector<512x1xf32>
    %sub3A_126 = arith.subf %select_n3A_120, %sub3A_125 : vector<512x1xf32>
    %max3A_127 = arith.maximumf %sub3A_126, %sub3A_123 : vector<512x1xf32>
    %gt3A_128 = vector.broadcast %max3A_127 : vector<512x1xf32> to vector<512x1024xf32>
    %gt3A_129 = arith.cmpf ogt, %get3A_1, %gt3A_128 : vector<512x1024xf32>
    %jit3A_130 = arith.constant 0.000000e+00 : f32
    %broadcast_in_dim3A_131 = vector.broadcast %jit3A_130 : f32 to vector<512x1024xf32>
    %select_n3A_132 = arith.select %gt3A_129, %get3A_1, %broadcast_in_dim3A_131 : vector<512x1024xi1>, vector<512x1024xf32>
    %reduce_sum3A_133 = arith.constant dense<0.000000e+00> : vector<512xf32>
    %reduce_sum3A_134 = vector.multi_reduction <add>, %select_n3A_132, %reduce_sum3A_133 [1] : vector<512x1024xf32> to vector<512xf32>
    %broadcast_in_dim3A_135 = vector.shape_cast %reduce_sum3A_134 : vector<512xf32> to vector<512x1xf32>
    %jit3A_136 = arith.constant 1.000000e+00 : f32
    %jit3A_137 = arith.constant 0.000000e+00 : f32
    %broadcast_in_dim3A_138 = vector.broadcast %jit3A_136 : f32 to vector<512x1024xf32>
    %broadcast_in_dim3A_139 = vector.broadcast %jit3A_137 : f32 to vector<512x1024xf32>
    %select_n3A_140 = arith.select %gt3A_129, %broadcast_in_dim3A_138, %broadcast_in_dim3A_139 : vector<512x1024xi1>, vector<512x1024xf32>
    %reduce_sum3A_141 = arith.constant dense<0.000000e+00> : vector<512xf32>
    %reduce_sum3A_142 = vector.multi_reduction <add>, %select_n3A_140, %reduce_sum3A_141 [1] : vector<512x1024xf32> to vector<512xf32>
    %broadcast_in_dim3A_143 = vector.shape_cast %reduce_sum3A_142 : vector<512xf32> to vector<512x1xf32>
    %mul3A_144 = arith.mulf %broadcast_in_dim3A_143, %max3A_127 : vector<512x1xf32>
    %sub3A_145 = arith.subf %broadcast_in_dim3A_135, %mul3A_144 : vector<512x1xf32>
    %sub3A_146 = arith.constant 1.000000e+00 : f32
    %sub3A_147 = vector.broadcast %sub3A_146 : f32 to vector<512x1xf32>
    %sub3A_148 = arith.subf %sub3A_145, %sub3A_147 : vector<512x1xf32>
    %gt3A_149 = arith.constant 0.000000e+00 : f32
    %gt3A_150 = vector.broadcast %gt3A_149 : f32 to vector<512x1xf32>
    %gt3A_151 = arith.cmpf ogt, %sub3A_148, %gt3A_150 : vector<512x1xf32>
    %select_n3A_152 = arith.select %gt3A_151, %max3A_127, %sub3A_123 : vector<512x1xi1>, vector<512x1xf32>
    %select_n3A_153 = arith.select %gt3A_151, %broadcast_in_dim3A, %max3A_127 : vector<512x1xi1>, vector<512x1xf32>
    %max3A_154 = arith.constant 1.000000e+00 : f32
    %max3A_155 = vector.broadcast %max3A_154 : f32 to vector<512x1xf32>
    %max3A_156 = arith.maximumf %broadcast_in_dim3A_143, %max3A_155 : vector<512x1xf32>
    %div3A_157 = arith.divf %sub3A_148, %max3A_156 : vector<512x1xf32>
    %add3A_158 = arith.addf %max3A_127, %div3A_157 : vector<512x1xf32>
    %add3A_159 = arith.addf %select_n3A_152, %select_n3A_153 : vector<512x1xf32>
    %mul3A_160 = arith.constant 5.000000e-01 : f32
    %mul3A_161 = vector.broadcast %mul3A_160 : f32 to vector<512x1xf32>
    %mul3A_162 = arith.mulf %mul3A_161, %add3A_159 : vector<512x1xf32>
    %gt3A_163 = arith.cmpf ogt, %add3A_158, %select_n3A_152 : vector<512x1xf32>
    %lt3A_164 = arith.cmpf olt, %add3A_158, %select_n3A_153 : vector<512x1xf32>
    %and3A_165 = arith.andi %gt3A_163, %lt3A_164 : vector<512x1xi1>
    %eq3A = arith.constant 0.000000e+00 : f32
    %eq3A_166 = vector.broadcast %eq3A : f32 to vector<512x1xf32>
    %eq3A_167 = arith.cmpf oeq, %sub3A_148, %eq3A_166 : vector<512x1xf32>
    %select_n3A_168 = arith.select %and3A_165, %add3A_158, %mul3A_162 : vector<512x1xi1>, vector<512x1xf32>
    %select_n3A_169 = arith.select %eq3A_167, %max3A_127, %select_n3A_168 : vector<512x1xi1>, vector<512x1xf32>
    %gt3A_170 = vector.broadcast %select_n3A_169 : vector<512x1xf32> to vector<512x1024xf32>
    %gt3A_171 = arith.cmpf ogt, %get3A_1, %gt3A_170 : vector<512x1024xf32>
    %jit3A_172 = arith.constant 0.000000e+00 : f32
    %broadcast_in_dim3A_173 = vector.broadcast %jit3A_172 : f32 to vector<512x1024xf32>
    %select_n3A_174 = arith.select %gt3A_171, %get3A_1, %broadcast_in_dim3A_173 : vector<512x1024xi1>, vector<512x1024xf32>
    %reduce_sum3A_175 = arith.constant dense<0.000000e+00> : vector<512xf32>
    %reduce_sum3A_176 = vector.multi_reduction <add>, %select_n3A_174, %reduce_sum3A_175 [1] : vector<512x1024xf32> to vector<512xf32>
    %broadcast_in_dim3A_177 = vector.shape_cast %reduce_sum3A_176 : vector<512xf32> to vector<512x1xf32>
    %jit3A_178 = arith.constant 1.000000e+00 : f32
    %jit3A_179 = arith.constant 0.000000e+00 : f32
    %broadcast_in_dim3A_180 = vector.broadcast %jit3A_178 : f32 to vector<512x1024xf32>
    %broadcast_in_dim3A_181 = vector.broadcast %jit3A_179 : f32 to vector<512x1024xf32>
    %select_n3A_182 = arith.select %gt3A_171, %broadcast_in_dim3A_180, %broadcast_in_dim3A_181 : vector<512x1024xi1>, vector<512x1024xf32>
    %reduce_sum3A_183 = arith.constant dense<0.000000e+00> : vector<512xf32>
    %reduce_sum3A_184 = vector.multi_reduction <add>, %select_n3A_182, %reduce_sum3A_183 [1] : vector<512x1024xf32> to vector<512xf32>
    %broadcast_in_dim3A_185 = vector.shape_cast %reduce_sum3A_184 : vector<512xf32> to vector<512x1xf32>
    %mul3A_186 = arith.mulf %broadcast_in_dim3A_185, %select_n3A_169 : vector<512x1xf32>
    %sub3A_187 = arith.subf %broadcast_in_dim3A_177, %mul3A_186 : vector<512x1xf32>
    %sub3A_188 = arith.constant 1.000000e+00 : f32
    %sub3A_189 = vector.broadcast %sub3A_188 : f32 to vector<512x1xf32>
    %sub3A_190 = arith.subf %sub3A_187, %sub3A_189 : vector<512x1xf32>
    %gt3A_191 = arith.constant 0.000000e+00 : f32
    %gt3A_192 = vector.broadcast %gt3A_191 : f32 to vector<512x1xf32>
    %gt3A_193 = arith.cmpf ogt, %sub3A_190, %gt3A_192 : vector<512x1xf32>
    %select_n3A_194 = arith.select %gt3A_193, %select_n3A_169, %select_n3A_152 : vector<512x1xi1>, vector<512x1xf32>
    %select_n3A_195 = arith.select %gt3A_193, %select_n3A_153, %select_n3A_169 : vector<512x1xi1>, vector<512x1xf32>
    %max3A_196 = arith.constant 1.000000e+00 : f32
    %max3A_197 = vector.broadcast %max3A_196 : f32 to vector<512x1xf32>
    %max3A_198 = arith.maximumf %broadcast_in_dim3A_185, %max3A_197 : vector<512x1xf32>
    %div3A_199 = arith.divf %sub3A_190, %max3A_198 : vector<512x1xf32>
    %add3A_200 = arith.addf %select_n3A_169, %div3A_199 : vector<512x1xf32>
    %add3A_201 = arith.addf %select_n3A_194, %select_n3A_195 : vector<512x1xf32>
    %mul3A_202 = arith.constant 5.000000e-01 : f32
    %mul3A_203 = vector.broadcast %mul3A_202 : f32 to vector<512x1xf32>
    %mul3A_204 = arith.mulf %mul3A_203, %add3A_201 : vector<512x1xf32>
    %gt3A_205 = arith.cmpf ogt, %add3A_200, %select_n3A_194 : vector<512x1xf32>
    %lt3A_206 = arith.cmpf olt, %add3A_200, %select_n3A_195 : vector<512x1xf32>
    %and3A_207 = arith.andi %gt3A_205, %lt3A_206 : vector<512x1xi1>
    %eq3A_208 = arith.constant 0.000000e+00 : f32
    %eq3A_209 = vector.broadcast %eq3A_208 : f32 to vector<512x1xf32>
    %eq3A_210 = arith.cmpf oeq, %sub3A_190, %eq3A_209 : vector<512x1xf32>
    %select_n3A_211 = arith.select %and3A_207, %add3A_200, %mul3A_204 : vector<512x1xi1>, vector<512x1xf32>
    %select_n3A_212 = arith.select %eq3A_210, %select_n3A_169, %select_n3A_211 : vector<512x1xi1>, vector<512x1xf32>
    %gt3A_213 = vector.broadcast %select_n3A_212 : vector<512x1xf32> to vector<512x1024xf32>
    %gt3A_214 = arith.cmpf ogt, %get3A_1, %gt3A_213 : vector<512x1024xf32>
    %jit3A_215 = arith.constant 0.000000e+00 : f32
    %broadcast_in_dim3A_216 = vector.broadcast %jit3A_215 : f32 to vector<512x1024xf32>
    %select_n3A_217 = arith.select %gt3A_214, %get3A_1, %broadcast_in_dim3A_216 : vector<512x1024xi1>, vector<512x1024xf32>
    %reduce_sum3A_218 = arith.constant dense<0.000000e+00> : vector<512xf32>
    %reduce_sum3A_219 = vector.multi_reduction <add>, %select_n3A_217, %reduce_sum3A_218 [1] : vector<512x1024xf32> to vector<512xf32>
    %broadcast_in_dim3A_220 = vector.shape_cast %reduce_sum3A_219 : vector<512xf32> to vector<512x1xf32>
    %jit3A_221 = arith.constant 1.000000e+00 : f32
    %jit3A_222 = arith.constant 0.000000e+00 : f32
    %broadcast_in_dim3A_223 = vector.broadcast %jit3A_221 : f32 to vector<512x1024xf32>
    %broadcast_in_dim3A_224 = vector.broadcast %jit3A_222 : f32 to vector<512x1024xf32>
    %select_n3A_225 = arith.select %gt3A_214, %broadcast_in_dim3A_223, %broadcast_in_dim3A_224 : vector<512x1024xi1>, vector<512x1024xf32>
    %reduce_sum3A_226 = arith.constant dense<0.000000e+00> : vector<512xf32>
    %reduce_sum3A_227 = vector.multi_reduction <add>, %select_n3A_225, %reduce_sum3A_226 [1] : vector<512x1024xf32> to vector<512xf32>
    %broadcast_in_dim3A_228 = vector.shape_cast %reduce_sum3A_227 : vector<512xf32> to vector<512x1xf32>
    %mul3A_229 = arith.mulf %broadcast_in_dim3A_228, %select_n3A_212 : vector<512x1xf32>
    %sub3A_230 = arith.subf %broadcast_in_dim3A_220, %mul3A_229 : vector<512x1xf32>
    %sub3A_231 = arith.constant 1.000000e+00 : f32
    %sub3A_232 = vector.broadcast %sub3A_231 : f32 to vector<512x1xf32>
    %sub3A_233 = arith.subf %sub3A_230, %sub3A_232 : vector<512x1xf32>
    %gt3A_234 = arith.constant 0.000000e+00 : f32
    %gt3A_235 = vector.broadcast %gt3A_234 : f32 to vector<512x1xf32>
    %gt3A_236 = arith.cmpf ogt, %sub3A_233, %gt3A_235 : vector<512x1xf32>
    %select_n3A_237 = arith.select %gt3A_236, %select_n3A_212, %select_n3A_194 : vector<512x1xi1>, vector<512x1xf32>
    %select_n3A_238 = arith.select %gt3A_236, %select_n3A_195, %select_n3A_212 : vector<512x1xi1>, vector<512x1xf32>
    %max3A_239 = arith.constant 1.000000e+00 : f32
    %max3A_240 = vector.broadcast %max3A_239 : f32 to vector<512x1xf32>
    %max3A_241 = arith.maximumf %broadcast_in_dim3A_228, %max3A_240 : vector<512x1xf32>
    %div3A_242 = arith.divf %sub3A_233, %max3A_241 : vector<512x1xf32>
    %add3A_243 = arith.addf %select_n3A_212, %div3A_242 : vector<512x1xf32>
    %add3A_244 = arith.addf %select_n3A_237, %select_n3A_238 : vector<512x1xf32>
    %mul3A_245 = arith.constant 5.000000e-01 : f32
    %mul3A_246 = vector.broadcast %mul3A_245 : f32 to vector<512x1xf32>
    %mul3A_247 = arith.mulf %mul3A_246, %add3A_244 : vector<512x1xf32>
    %gt3A_248 = arith.cmpf ogt, %add3A_243, %select_n3A_237 : vector<512x1xf32>
    %lt3A_249 = arith.cmpf olt, %add3A_243, %select_n3A_238 : vector<512x1xf32>
    %and3A_250 = arith.andi %gt3A_248, %lt3A_249 : vector<512x1xi1>
    %eq3A_251 = arith.constant 0.000000e+00 : f32
    %eq3A_252 = vector.broadcast %eq3A_251 : f32 to vector<512x1xf32>
    %eq3A_253 = arith.cmpf oeq, %sub3A_233, %eq3A_252 : vector<512x1xf32>
    %select_n3A_254 = arith.select %and3A_250, %add3A_243, %mul3A_247 : vector<512x1xi1>, vector<512x1xf32>
    %select_n3A_255 = arith.select %eq3A_253, %select_n3A_212, %select_n3A_254 : vector<512x1xi1>, vector<512x1xf32>
    %sub3A_256 = vector.broadcast %select_n3A_255 : vector<512x1xf32> to vector<512x1024xf32>
    %sub3A_257 = arith.subf %get3A_1, %sub3A_256 : vector<512x1024xf32>
    %max3A_258 = arith.constant 0.000000e+00 : f32
    %max3A_259 = vector.broadcast %max3A_258 : f32 to vector<512x1024xf32>
    %max3A_260 = arith.maximumf %sub3A_257, %max3A_259 : vector<512x1024xf32>
    %get3A_261 = arith.constant 0 : index
    %get3A_262 = arith.constant 0 : index
    %get3A_263 = vector.load %arg2[%get3A_261, %get3A_262] : memref<1024x128xf32, #tpu.memory_space<vmem>>, vector<1024x128xf32>
    %dot_general3A = arith.constant dense<0.000000e+00> : vector<512x128xf32>
    %dot_general3A_264 = tpu.matmul %max3A_260, %get3A_263, %dot_general3A {dimension_numbers = #tpu.dot_dimension_numbers<[1], [0], [0], [1], [0, 0, 1, 1], [], []>, transpose_lhs_hint = false} : vector<512x1024xf32>, vector<1024x128xf32>, vector<512x128xf32> -> vector<512x128xf32>
    %swap3A = arith.constant 0 : index
    %swap3A_265 = arith.constant 0 : index
    %swap3A_266 = vector.load %arg4[%swap3A, %swap3A_265] : memref<512x128xf32, #tpu.memory_space<vmem>>, vector<512x128xf32>
    tpu.vector_store %arg4[%swap3A, %swap3A_265], %dot_general3A_264 {strides = array<i32>} : memref<512x128xf32, #tpu.memory_space<vmem>>, vector<512x128xf32>,
    return
  }
  func.func @transform_0(%arg0: i32) -> (i32, i32) {
    %c0_i32 = arith.constant 0 : i32
    %c0_i32_0 = arith.constant 0 : i32
    return %arg0, %c0_i32 : i32, i32
  }
  func.func @transform_1(%arg0: i32) -> (i32, i32) {
    %c0_i32 = arith.constant 0 : i32
    %c0_i32_0 = arith.constant 0 : i32
    %c0_i32_1 = arith.constant 0 : i32
    return %c0_i32, %c0_i32_0 : i32, i32
  }
  func.func @transform_3(%arg0: i32) -> (i32, i32) {
    %add3A = arith.constant 4 : i32
    %add3A_0 = arith.addi %add3A, %arg0 : i32
    %c0_i32 = arith.constant 0 : i32
    %c0_i32_1 = arith.constant 0 : i32
    return %add3A_0, %c0_i32 : i32, i32
  }
}

module attributes {stable_mosaic.version = 14 : i64} {
  func.func @_levels_body(%arg0: memref<1024x256xf32, #tpu.memory_space<vmem>>, %arg1: memref<256x64xf32, #tpu.memory_space<vmem>>, %arg2: memref<64x128xf32, #tpu.memory_space<vmem>>, %arg3: memref<1024x128xf32, #tpu.memory_space<vmem>>) attributes {dimension_semantics = [], scalar_prefetch = 0 : i64, scratch_operands = 0 : i64, tpu.core_type = #tpu.core_type<tc>} {
    %get3A = arith.constant 0 : index
    %get3A_0 = arith.constant 0 : index
    %get3A_1 = vector.load %arg1[%get3A, %get3A_0] : memref<256x64xf32, #tpu.memory_space<vmem>>, vector<256x64xf32>
    %reduce_max3A = arith.constant dense<0xFF800000> : vector<256xf32>
    %reduce_max3A_2 = vector.multi_reduction <maximumf>, %get3A_1, %reduce_max3A [1] : vector<256x64xf32> to vector<256xf32>
    %broadcast_in_dim3A = vector.shape_cast %reduce_max3A_2 : vector<256xf32> to vector<256x1xf32>
    %sub3A = arith.constant 1.000000e+00 : f32
    %sub3A_3 = vector.broadcast %sub3A : f32 to vector<256x1xf32>
    %sub3A_4 = arith.subf %broadcast_in_dim3A, %sub3A_3 : vector<256x1xf32>
    %gt3A = vector.broadcast %sub3A_4 : vector<256x1xf32> to vector<256x64xf32>
    %gt3A_5 = arith.cmpf ogt, %get3A_1, %gt3A : vector<256x64xf32>
    %jit3A = arith.constant 0.000000e+00 : f32
    %broadcast_in_dim3A_6 = vector.broadcast %jit3A : f32 to vector<256x64xf32>
    %select_n3A = arith.select %gt3A_5, %get3A_1, %broadcast_in_dim3A_6 : vector<256x64xi1>, vector<256x64xf32>
    %reduce_sum3A = arith.constant dense<0.000000e+00> : vector<256xf32>
    %reduce_sum3A_7 = vector.multi_reduction <add>, %select_n3A, %reduce_sum3A [1] : vector<256x64xf32> to vector<256xf32>
    %broadcast_in_dim3A_8 = vector.shape_cast %reduce_sum3A_7 : vector<256xf32> to vector<256x1xf32>
    %jit3A_9 = arith.constant 1.000000e+00 : f32
    %jit3A_10 = arith.constant 0.000000e+00 : f32
    %broadcast_in_dim3A_11 = vector.broadcast %jit3A_9 : f32 to vector<256x64xf32>
    %broadcast_in_dim3A_12 = vector.broadcast %jit3A_10 : f32 to vector<256x64xf32>
    %select_n3A_13 = arith.select %gt3A_5, %broadcast_in_dim3A_11, %broadcast_in_dim3A_12 : vector<256x64xi1>, vector<256x64xf32>
    %reduce_sum3A_14 = arith.constant dense<0.000000e+00> : vector<256xf32>
    %reduce_sum3A_15 = vector.multi_reduction <add>, %select_n3A_13, %reduce_sum3A_14 [1] : vector<256x64xf32> to vector<256xf32>
    %broadcast_in_dim3A_16 = vector.shape_cast %reduce_sum3A_15 : vector<256xf32> to vector<256x1xf32>
    %mul3A = arith.mulf %broadcast_in_dim3A_16, %sub3A_4 : vector<256x1xf32>
    %sub3A_17 = arith.subf %broadcast_in_dim3A_8, %mul3A : vector<256x1xf32>
    %sub3A_18 = arith.constant 1.000000e+00 : f32
    %sub3A_19 = vector.broadcast %sub3A_18 : f32 to vector<256x1xf32>
    %sub3A_20 = arith.subf %sub3A_17, %sub3A_19 : vector<256x1xf32>
    %gt3A_21 = arith.constant 0.000000e+00 : f32
    %gt3A_22 = vector.broadcast %gt3A_21 : f32 to vector<256x1xf32>
    %gt3A_23 = arith.cmpf ogt, %sub3A_20, %gt3A_22 : vector<256x1xf32>
    %select_n3A_24 = arith.select %gt3A_23, %sub3A_4, %sub3A_4 : vector<256x1xi1>, vector<256x1xf32>
    %select_n3A_25 = arith.select %gt3A_23, %broadcast_in_dim3A, %sub3A_4 : vector<256x1xi1>, vector<256x1xf32>
    %max3A = arith.constant 1.000000e+00 : f32
    %max3A_26 = vector.broadcast %max3A : f32 to vector<256x1xf32>
    %max3A_27 = arith.maximumf %broadcast_in_dim3A_16, %max3A_26 : vector<256x1xf32>
    %div3A = arith.divf %sub3A_20, %max3A_27 : vector<256x1xf32>
    %add3A = arith.addf %sub3A_4, %div3A : vector<256x1xf32>
    %add3A_28 = arith.addf %select_n3A_24, %select_n3A_25 : vector<256x1xf32>
    %mul3A_29 = arith.constant 5.000000e-01 : f32
    %mul3A_30 = vector.broadcast %mul3A_29 : f32 to vector<256x1xf32>
    %mul3A_31 = arith.mulf %mul3A_30, %add3A_28 : vector<256x1xf32>
    %gt3A_32 = arith.cmpf ogt, %add3A, %select_n3A_24 : vector<256x1xf32>
    %lt3A = arith.cmpf olt, %add3A, %select_n3A_25 : vector<256x1xf32>
    %and3A = arith.andi %gt3A_32, %lt3A : vector<256x1xi1>
    %eq3A = arith.constant 0.000000e+00 : f32
    %eq3A_33 = vector.broadcast %eq3A : f32 to vector<256x1xf32>
    %eq3A_34 = arith.cmpf oeq, %sub3A_20, %eq3A_33 : vector<256x1xf32>
    %select_n3A_35 = arith.select %and3A, %add3A, %mul3A_31 : vector<256x1xi1>, vector<256x1xf32>
    %select_n3A_36 = arith.select %eq3A_34, %sub3A_4, %select_n3A_35 : vector<256x1xi1>, vector<256x1xf32>
    %gt3A_37 = vector.broadcast %select_n3A_36 : vector<256x1xf32> to vector<256x64xf32>
    %gt3A_38 = arith.cmpf ogt, %get3A_1, %gt3A_37 : vector<256x64xf32>
    %jit3A_39 = arith.constant 0.000000e+00 : f32
    %broadcast_in_dim3A_40 = vector.broadcast %jit3A_39 : f32 to vector<256x64xf32>
    %select_n3A_41 = arith.select %gt3A_38, %get3A_1, %broadcast_in_dim3A_40 : vector<256x64xi1>, vector<256x64xf32>
    %reduce_sum3A_42 = arith.constant dense<0.000000e+00> : vector<256xf32>
    %reduce_sum3A_43 = vector.multi_reduction <add>, %select_n3A_41, %reduce_sum3A_42 [1] : vector<256x64xf32> to vector<256xf32>
    %broadcast_in_dim3A_44 = vector.shape_cast %reduce_sum3A_43 : vector<256xf32> to vector<256x1xf32>
    %jit3A_45 = arith.constant 1.000000e+00 : f32
    %jit3A_46 = arith.constant 0.000000e+00 : f32
    %broadcast_in_dim3A_47 = vector.broadcast %jit3A_45 : f32 to vector<256x64xf32>
    %broadcast_in_dim3A_48 = vector.broadcast %jit3A_46 : f32 to vector<256x64xf32>
    %select_n3A_49 = arith.select %gt3A_38, %broadcast_in_dim3A_47, %broadcast_in_dim3A_48 : vector<256x64xi1>, vector<256x64xf32>
    %reduce_sum3A_50 = arith.constant dense<0.000000e+00> : vector<256xf32>
    %reduce_sum3A_51 = vector.multi_reduction <add>, %select_n3A_49, %reduce_sum3A_50 [1] : vector<256x64xf32> to vector<256xf32>
    %broadcast_in_dim3A_52 = vector.shape_cast %reduce_sum3A_51 : vector<256xf32> to vector<256x1xf32>
    %mul3A_53 = arith.mulf %broadcast_in_dim3A_52, %select_n3A_36 : vector<256x1xf32>
    %sub3A_54 = arith.subf %broadcast_in_dim3A_44, %mul3A_53 : vector<256x1xf32>
    %sub3A_55 = arith.constant 1.000000e+00 : f32
    %sub3A_56 = vector.broadcast %sub3A_55 : f32 to vector<256x1xf32>
    %sub3A_57 = arith.subf %sub3A_54, %sub3A_56 : vector<256x1xf32>
    %gt3A_58 = arith.constant 0.000000e+00 : f32
    %gt3A_59 = vector.broadcast %gt3A_58 : f32 to vector<256x1xf32>
    %gt3A_60 = arith.cmpf ogt, %sub3A_57, %gt3A_59 : vector<256x1xf32>
    %select_n3A_61 = arith.select %gt3A_60, %select_n3A_36, %select_n3A_24 : vector<256x1xi1>, vector<256x1xf32>
    %select_n3A_62 = arith.select %gt3A_60, %select_n3A_25, %select_n3A_36 : vector<256x1xi1>, vector<256x1xf32>
    %max3A_63 = arith.constant 1.000000e+00 : f32
    %max3A_64 = vector.broadcast %max3A_63 : f32 to vector<256x1xf32>
    %max3A_65 = arith.maximumf %broadcast_in_dim3A_52, %max3A_64 : vector<256x1xf32>
    %div3A_66 = arith.divf %sub3A_57, %max3A_65 : vector<256x1xf32>
    %add3A_67 = arith.addf %select_n3A_36, %div3A_66 : vector<256x1xf32>
    %add3A_68 = arith.addf %select_n3A_61, %select_n3A_62 : vector<256x1xf32>
    %mul3A_69 = arith.constant 5.000000e-01 : f32
    %mul3A_70 = vector.broadcast %mul3A_69 : f32 to vector<256x1xf32>
    %mul3A_71 = arith.mulf %mul3A_70, %add3A_68 : vector<256x1xf32>
    %gt3A_72 = arith.cmpf ogt, %add3A_67, %select_n3A_61 : vector<256x1xf32>
    %lt3A_73 = arith.cmpf olt, %add3A_67, %select_n3A_62 : vector<256x1xf32>
    %and3A_74 = arith.andi %gt3A_72, %lt3A_73 : vector<256x1xi1>
    %eq3A_75 = arith.constant 0.000000e+00 : f32
    %eq3A_76 = vector.broadcast %eq3A_75 : f32 to vector<256x1xf32>
    %eq3A_77 = arith.cmpf oeq, %sub3A_57, %eq3A_76 : vector<256x1xf32>
    %select_n3A_78 = arith.select %and3A_74, %add3A_67, %mul3A_71 : vector<256x1xi1>, vector<256x1xf32>
    %select_n3A_79 = arith.select %eq3A_77, %select_n3A_36, %select_n3A_78 : vector<256x1xi1>, vector<256x1xf32>
    %gt3A_80 = vector.broadcast %select_n3A_79 : vector<256x1xf32> to vector<256x64xf32>
    %gt3A_81 = arith.cmpf ogt, %get3A_1, %gt3A_80 : vector<256x64xf32>
    %jit3A_82 = arith.constant 0.000000e+00 : f32
    %broadcast_in_dim3A_83 = vector.broadcast %jit3A_82 : f32 to vector<256x64xf32>
    %select_n3A_84 = arith.select %gt3A_81, %get3A_1, %broadcast_in_dim3A_83 : vector<256x64xi1>, vector<256x64xf32>
    %reduce_sum3A_85 = arith.constant dense<0.000000e+00> : vector<256xf32>
    %reduce_sum3A_86 = vector.multi_reduction <add>, %select_n3A_84, %reduce_sum3A_85 [1] : vector<256x64xf32> to vector<256xf32>
    %broadcast_in_dim3A_87 = vector.shape_cast %reduce_sum3A_86 : vector<256xf32> to vector<256x1xf32>
    %jit3A_88 = arith.constant 1.000000e+00 : f32
    %jit3A_89 = arith.constant 0.000000e+00 : f32
    %broadcast_in_dim3A_90 = vector.broadcast %jit3A_88 : f32 to vector<256x64xf32>
    %broadcast_in_dim3A_91 = vector.broadcast %jit3A_89 : f32 to vector<256x64xf32>
    %select_n3A_92 = arith.select %gt3A_81, %broadcast_in_dim3A_90, %broadcast_in_dim3A_91 : vector<256x64xi1>, vector<256x64xf32>
    %reduce_sum3A_93 = arith.constant dense<0.000000e+00> : vector<256xf32>
    %reduce_sum3A_94 = vector.multi_reduction <add>, %select_n3A_92, %reduce_sum3A_93 [1] : vector<256x64xf32> to vector<256xf32>
    %broadcast_in_dim3A_95 = vector.shape_cast %reduce_sum3A_94 : vector<256xf32> to vector<256x1xf32>
    %mul3A_96 = arith.mulf %broadcast_in_dim3A_95, %select_n3A_79 : vector<256x1xf32>
    %sub3A_97 = arith.subf %broadcast_in_dim3A_87, %mul3A_96 : vector<256x1xf32>
    %sub3A_98 = arith.constant 1.000000e+00 : f32
    %sub3A_99 = vector.broadcast %sub3A_98 : f32 to vector<256x1xf32>
    %sub3A_100 = arith.subf %sub3A_97, %sub3A_99 : vector<256x1xf32>
    %gt3A_101 = arith.constant 0.000000e+00 : f32
    %gt3A_102 = vector.broadcast %gt3A_101 : f32 to vector<256x1xf32>
    %gt3A_103 = arith.cmpf ogt, %sub3A_100, %gt3A_102 : vector<256x1xf32>
    %select_n3A_104 = arith.select %gt3A_103, %select_n3A_79, %select_n3A_61 : vector<256x1xi1>, vector<256x1xf32>
    %select_n3A_105 = arith.select %gt3A_103, %select_n3A_62, %select_n3A_79 : vector<256x1xi1>, vector<256x1xf32>
    %max3A_106 = arith.constant 1.000000e+00 : f32
    %max3A_107 = vector.broadcast %max3A_106 : f32 to vector<256x1xf32>
    %max3A_108 = arith.maximumf %broadcast_in_dim3A_95, %max3A_107 : vector<256x1xf32>
    %div3A_109 = arith.divf %sub3A_100, %max3A_108 : vector<256x1xf32>
    %add3A_110 = arith.addf %select_n3A_79, %div3A_109 : vector<256x1xf32>
    %add3A_111 = arith.addf %select_n3A_104, %select_n3A_105 : vector<256x1xf32>
    %mul3A_112 = arith.constant 5.000000e-01 : f32
    %mul3A_113 = vector.broadcast %mul3A_112 : f32 to vector<256x1xf32>
    %mul3A_114 = arith.mulf %mul3A_113, %add3A_111 : vector<256x1xf32>
    %gt3A_115 = arith.cmpf ogt, %add3A_110, %select_n3A_104 : vector<256x1xf32>
    %lt3A_116 = arith.cmpf olt, %add3A_110, %select_n3A_105 : vector<256x1xf32>
    %and3A_117 = arith.andi %gt3A_115, %lt3A_116 : vector<256x1xi1>
    %eq3A_118 = arith.constant 0.000000e+00 : f32
    %eq3A_119 = vector.broadcast %eq3A_118 : f32 to vector<256x1xf32>
    %eq3A_120 = arith.cmpf oeq, %sub3A_100, %eq3A_119 : vector<256x1xf32>
    %select_n3A_121 = arith.select %and3A_117, %add3A_110, %mul3A_114 : vector<256x1xi1>, vector<256x1xf32>
    %select_n3A_122 = arith.select %eq3A_120, %select_n3A_79, %select_n3A_121 : vector<256x1xi1>, vector<256x1xf32>
    %gt3A_123 = vector.broadcast %select_n3A_122 : vector<256x1xf32> to vector<256x64xf32>
    %gt3A_124 = arith.cmpf ogt, %get3A_1, %gt3A_123 : vector<256x64xf32>
    %jit3A_125 = arith.constant 0.000000e+00 : f32
    %broadcast_in_dim3A_126 = vector.broadcast %jit3A_125 : f32 to vector<256x64xf32>
    %select_n3A_127 = arith.select %gt3A_124, %get3A_1, %broadcast_in_dim3A_126 : vector<256x64xi1>, vector<256x64xf32>
    %reduce_sum3A_128 = arith.constant dense<0.000000e+00> : vector<256xf32>
    %reduce_sum3A_129 = vector.multi_reduction <add>, %select_n3A_127, %reduce_sum3A_128 [1] : vector<256x64xf32> to vector<256xf32>
    %broadcast_in_dim3A_130 = vector.shape_cast %reduce_sum3A_129 : vector<256xf32> to vector<256x1xf32>
    %jit3A_131 = arith.constant 1.000000e+00 : f32
    %jit3A_132 = arith.constant 0.000000e+00 : f32
    %broadcast_in_dim3A_133 = vector.broadcast %jit3A_131 : f32 to vector<256x64xf32>
    %broadcast_in_dim3A_134 = vector.broadcast %jit3A_132 : f32 to vector<256x64xf32>
    %select_n3A_135 = arith.select %gt3A_124, %broadcast_in_dim3A_133, %broadcast_in_dim3A_134 : vector<256x64xi1>, vector<256x64xf32>
    %reduce_sum3A_136 = arith.constant dense<0.000000e+00> : vector<256xf32>
    %reduce_sum3A_137 = vector.multi_reduction <add>, %select_n3A_135, %reduce_sum3A_136 [1] : vector<256x64xf32> to vector<256xf32>
    %broadcast_in_dim3A_138 = vector.shape_cast %reduce_sum3A_137 : vector<256xf32> to vector<256x1xf32>
    %mul3A_139 = arith.mulf %broadcast_in_dim3A_138, %select_n3A_122 : vector<256x1xf32>
    %sub3A_140 = arith.subf %broadcast_in_dim3A_130, %mul3A_139 : vector<256x1xf32>
    %sub3A_141 = arith.constant 1.000000e+00 : f32
    %sub3A_142 = vector.broadcast %sub3A_141 : f32 to vector<256x1xf32>
    %sub3A_143 = arith.subf %sub3A_140, %sub3A_142 : vector<256x1xf32>
    %gt3A_144 = arith.constant 0.000000e+00 : f32
    %gt3A_145 = vector.broadcast %gt3A_144 : f32 to vector<256x1xf32>
    %gt3A_146 = arith.cmpf ogt, %sub3A_143, %gt3A_145 : vector<256x1xf32>
    %select_n3A_147 = arith.select %gt3A_146, %select_n3A_122, %select_n3A_104 : vector<256x1xi1>, vector<256x1xf32>
    %select_n3A_148 = arith.select %gt3A_146, %select_n3A_105, %select_n3A_122 : vector<256x1xi1>, vector<256x1xf32>
    %max3A_149 = arith.constant 1.000000e+00 : f32
    %max3A_150 = vector.broadcast %max3A_149 : f32 to vector<256x1xf32>
    %max3A_151 = arith.maximumf %broadcast_in_dim3A_138, %max3A_150 : vector<256x1xf32>
    %div3A_152 = arith.divf %sub3A_143, %max3A_151 : vector<256x1xf32>
    %add3A_153 = arith.addf %select_n3A_122, %div3A_152 : vector<256x1xf32>
    %add3A_154 = arith.addf %select_n3A_147, %select_n3A_148 : vector<256x1xf32>
    %mul3A_155 = arith.constant 5.000000e-01 : f32
    %mul3A_156 = vector.broadcast %mul3A_155 : f32 to vector<256x1xf32>
    %mul3A_157 = arith.mulf %mul3A_156, %add3A_154 : vector<256x1xf32>
    %gt3A_158 = arith.cmpf ogt, %add3A_153, %select_n3A_147 : vector<256x1xf32>
    %lt3A_159 = arith.cmpf olt, %add3A_153, %select_n3A_148 : vector<256x1xf32>
    %and3A_160 = arith.andi %gt3A_158, %lt3A_159 : vector<256x1xi1>
    %eq3A_161 = arith.constant 0.000000e+00 : f32
    %eq3A_162 = vector.broadcast %eq3A_161 : f32 to vector<256x1xf32>
    %eq3A_163 = arith.cmpf oeq, %sub3A_143, %eq3A_162 : vector<256x1xf32>
    %select_n3A_164 = arith.select %and3A_160, %add3A_153, %mul3A_157 : vector<256x1xi1>, vector<256x1xf32>
    %select_n3A_165 = arith.select %eq3A_163, %select_n3A_122, %select_n3A_164 : vector<256x1xi1>, vector<256x1xf32>
    %gt3A_166 = vector.broadcast %select_n3A_165 : vector<256x1xf32> to vector<256x64xf32>
    %gt3A_167 = arith.cmpf ogt, %get3A_1, %gt3A_166 : vector<256x64xf32>
    %jit3A_168 = arith.constant 0.000000e+00 : f32
    %broadcast_in_dim3A_169 = vector.broadcast %jit3A_168 : f32 to vector<256x64xf32>
    %select_n3A_170 = arith.select %gt3A_167, %get3A_1, %broadcast_in_dim3A_169 : vector<256x64xi1>, vector<256x64xf32>
    %reduce_sum3A_171 = arith.constant dense<0.000000e+00> : vector<256xf32>
    %reduce_sum3A_172 = vector.multi_reduction <add>, %select_n3A_170, %reduce_sum3A_171 [1] : vector<256x64xf32> to vector<256xf32>
    %broadcast_in_dim3A_173 = vector.shape_cast %reduce_sum3A_172 : vector<256xf32> to vector<256x1xf32>
    %jit3A_174 = arith.constant 1.000000e+00 : f32
    %jit3A_175 = arith.constant 0.000000e+00 : f32
    %broadcast_in_dim3A_176 = vector.broadcast %jit3A_174 : f32 to vector<256x64xf32>
    %broadcast_in_dim3A_177 = vector.broadcast %jit3A_175 : f32 to vector<256x64xf32>
    %select_n3A_178 = arith.select %gt3A_167, %broadcast_in_dim3A_176, %broadcast_in_dim3A_177 : vector<256x64xi1>, vector<256x64xf32>
    %reduce_sum3A_179 = arith.constant dense<0.000000e+00> : vector<256xf32>
    %reduce_sum3A_180 = vector.multi_reduction <add>, %select_n3A_178, %reduce_sum3A_179 [1] : vector<256x64xf32> to vector<256xf32>
    %broadcast_in_dim3A_181 = vector.shape_cast %reduce_sum3A_180 : vector<256xf32> to vector<256x1xf32>
    %mul3A_182 = arith.mulf %broadcast_in_dim3A_181, %select_n3A_165 : vector<256x1xf32>
    %sub3A_183 = arith.subf %broadcast_in_dim3A_173, %mul3A_182 : vector<256x1xf32>
    %sub3A_184 = arith.constant 1.000000e+00 : f32
    %sub3A_185 = vector.broadcast %sub3A_184 : f32 to vector<256x1xf32>
    %sub3A_186 = arith.subf %sub3A_183, %sub3A_185 : vector<256x1xf32>
    %gt3A_187 = arith.constant 0.000000e+00 : f32
    %gt3A_188 = vector.broadcast %gt3A_187 : f32 to vector<256x1xf32>
    %gt3A_189 = arith.cmpf ogt, %sub3A_186, %gt3A_188 : vector<256x1xf32>
    %select_n3A_190 = arith.select %gt3A_189, %select_n3A_165, %select_n3A_147 : vector<256x1xi1>, vector<256x1xf32>
    %select_n3A_191 = arith.select %gt3A_189, %select_n3A_148, %select_n3A_165 : vector<256x1xi1>, vector<256x1xf32>
    %max3A_192 = arith.constant 1.000000e+00 : f32
    %max3A_193 = vector.broadcast %max3A_192 : f32 to vector<256x1xf32>
    %max3A_194 = arith.maximumf %broadcast_in_dim3A_181, %max3A_193 : vector<256x1xf32>
    %div3A_195 = arith.divf %sub3A_186, %max3A_194 : vector<256x1xf32>
    %add3A_196 = arith.addf %select_n3A_165, %div3A_195 : vector<256x1xf32>
    %add3A_197 = arith.addf %select_n3A_190, %select_n3A_191 : vector<256x1xf32>
    %mul3A_198 = arith.constant 5.000000e-01 : f32
    %mul3A_199 = vector.broadcast %mul3A_198 : f32 to vector<256x1xf32>
    %mul3A_200 = arith.mulf %mul3A_199, %add3A_197 : vector<256x1xf32>
    %gt3A_201 = arith.cmpf ogt, %add3A_196, %select_n3A_190 : vector<256x1xf32>
    %lt3A_202 = arith.cmpf olt, %add3A_196, %select_n3A_191 : vector<256x1xf32>
    %and3A_203 = arith.andi %gt3A_201, %lt3A_202 : vector<256x1xi1>
    %eq3A_204 = arith.constant 0.000000e+00 : f32
    %eq3A_205 = vector.broadcast %eq3A_204 : f32 to vector<256x1xf32>
    %eq3A_206 = arith.cmpf oeq, %sub3A_186, %eq3A_205 : vector<256x1xf32>
    %select_n3A_207 = arith.select %and3A_203, %add3A_196, %mul3A_200 : vector<256x1xi1>, vector<256x1xf32>
    %select_n3A_208 = arith.select %eq3A_206, %select_n3A_165, %select_n3A_207 : vector<256x1xi1>, vector<256x1xf32>
    %gt3A_209 = vector.broadcast %select_n3A_208 : vector<256x1xf32> to vector<256x64xf32>
    %gt3A_210 = arith.cmpf ogt, %get3A_1, %gt3A_209 : vector<256x64xf32>
    %jit3A_211 = arith.constant 0.000000e+00 : f32
    %broadcast_in_dim3A_212 = vector.broadcast %jit3A_211 : f32 to vector<256x64xf32>
    %select_n3A_213 = arith.select %gt3A_210, %get3A_1, %broadcast_in_dim3A_212 : vector<256x64xi1>, vector<256x64xf32>
    %reduce_sum3A_214 = arith.constant dense<0.000000e+00> : vector<256xf32>
    %reduce_sum3A_215 = vector.multi_reduction <add>, %select_n3A_213, %reduce_sum3A_214 [1] : vector<256x64xf32> to vector<256xf32>
    %broadcast_in_dim3A_216 = vector.shape_cast %reduce_sum3A_215 : vector<256xf32> to vector<256x1xf32>
    %jit3A_217 = arith.constant 1.000000e+00 : f32
    %jit3A_218 = arith.constant 0.000000e+00 : f32
    %broadcast_in_dim3A_219 = vector.broadcast %jit3A_217 : f32 to vector<256x64xf32>
    %broadcast_in_dim3A_220 = vector.broadcast %jit3A_218 : f32 to vector<256x64xf32>
    %select_n3A_221 = arith.select %gt3A_210, %broadcast_in_dim3A_219, %broadcast_in_dim3A_220 : vector<256x64xi1>, vector<256x64xf32>
    %reduce_sum3A_222 = arith.constant dense<0.000000e+00> : vector<256xf32>
    %reduce_sum3A_223 = vector.multi_reduction <add>, %select_n3A_221, %reduce_sum3A_222 [1] : vector<256x64xf32> to vector<256xf32>
    %broadcast_in_dim3A_224 = vector.shape_cast %reduce_sum3A_223 : vector<256xf32> to vector<256x1xf32>
    %mul3A_225 = arith.mulf %broadcast_in_dim3A_224, %select_n3A_208 : vector<256x1xf32>
    %sub3A_226 = arith.subf %broadcast_in_dim3A_216, %mul3A_225 : vector<256x1xf32>
    %sub3A_227 = arith.constant 1.000000e+00 : f32
    %sub3A_228 = vector.broadcast %sub3A_227 : f32 to vector<256x1xf32>
    %sub3A_229 = arith.subf %sub3A_226, %sub3A_228 : vector<256x1xf32>
    %gt3A_230 = arith.constant 0.000000e+00 : f32
    %gt3A_231 = vector.broadcast %gt3A_230 : f32 to vector<256x1xf32>
    %gt3A_232 = arith.cmpf ogt, %sub3A_229, %gt3A_231 : vector<256x1xf32>
    %select_n3A_233 = arith.select %gt3A_232, %select_n3A_208, %select_n3A_190 : vector<256x1xi1>, vector<256x1xf32>
    %select_n3A_234 = arith.select %gt3A_232, %select_n3A_191, %select_n3A_208 : vector<256x1xi1>, vector<256x1xf32>
    %max3A_235 = arith.constant 1.000000e+00 : f32
    %max3A_236 = vector.broadcast %max3A_235 : f32 to vector<256x1xf32>
    %max3A_237 = arith.maximumf %broadcast_in_dim3A_224, %max3A_236 : vector<256x1xf32>
    %div3A_238 = arith.divf %sub3A_229, %max3A_237 : vector<256x1xf32>
    %add3A_239 = arith.addf %select_n3A_208, %div3A_238 : vector<256x1xf32>
    %add3A_240 = arith.addf %select_n3A_233, %select_n3A_234 : vector<256x1xf32>
    %mul3A_241 = arith.constant 5.000000e-01 : f32
    %mul3A_242 = vector.broadcast %mul3A_241 : f32 to vector<256x1xf32>
    %mul3A_243 = arith.mulf %mul3A_242, %add3A_240 : vector<256x1xf32>
    %gt3A_244 = arith.cmpf ogt, %add3A_239, %select_n3A_233 : vector<256x1xf32>
    %lt3A_245 = arith.cmpf olt, %add3A_239, %select_n3A_234 : vector<256x1xf32>
    %and3A_246 = arith.andi %gt3A_244, %lt3A_245 : vector<256x1xi1>
    %eq3A_247 = arith.constant 0.000000e+00 : f32
    %eq3A_248 = vector.broadcast %eq3A_247 : f32 to vector<256x1xf32>
    %eq3A_249 = arith.cmpf oeq, %sub3A_229, %eq3A_248 : vector<256x1xf32>
    %select_n3A_250 = arith.select %and3A_246, %add3A_239, %mul3A_243 : vector<256x1xi1>, vector<256x1xf32>
    %select_n3A_251 = arith.select %eq3A_249, %select_n3A_208, %select_n3A_250 : vector<256x1xi1>, vector<256x1xf32>
    %sub3A_252 = vector.broadcast %select_n3A_251 : vector<256x1xf32> to vector<256x64xf32>
    %sub3A_253 = arith.subf %get3A_1, %sub3A_252 : vector<256x64xf32>
    %max3A_254 = arith.constant 0.000000e+00 : f32
    %max3A_255 = vector.broadcast %max3A_254 : f32 to vector<256x64xf32>
    %max3A_256 = arith.maximumf %sub3A_253, %max3A_255 : vector<256x64xf32>
    %get3A_257 = arith.constant 0 : index
    %get3A_258 = arith.constant 0 : index
    %get3A_259 = vector.load %arg2[%get3A_257, %get3A_258] : memref<64x128xf32, #tpu.memory_space<vmem>>, vector<64x128xf32>
    %dot_general3A = arith.constant dense<0.000000e+00> : vector<256x128xf32>
    %dot_general3A_260 = tpu.matmul %max3A_256, %get3A_259, %dot_general3A {dimension_numbers = #tpu.dot_dimension_numbers<[1], [0], [0], [1], [0, 0, 1, 1], [], []>, transpose_lhs_hint = false} : vector<256x64xf32>, vector<64x128xf32>, vector<256x128xf32> -> vector<256x128xf32>
    %get3A_261 = arith.constant 0 : index
    %get3A_262 = arith.constant 0 : index
    %get3A_263 = vector.load %arg0[%get3A_261, %get3A_262] : memref<1024x256xf32, #tpu.memory_space<vmem>>, vector<1024x256xf32>
    %reduce_max3A_264 = arith.constant dense<0xFF800000> : vector<1024xf32>
    %reduce_max3A_265 = vector.multi_reduction <maximumf>, %get3A_263, %reduce_max3A_264 [1] : vector<1024x256xf32> to vector<1024xf32>
    %broadcast_in_dim3A_266 = vector.shape_cast %reduce_max3A_265 : vector<1024xf32> to vector<1024x1xf32>
    %sub3A_267 = arith.constant 1.000000e+00 : f32
    %sub3A_268 = vector.broadcast %sub3A_267 : f32 to vector<1024x1xf32>
    %sub3A_269 = arith.subf %broadcast_in_dim3A_266, %sub3A_268 : vector<1024x1xf32>
    %gt3A_270 = vector.broadcast %sub3A_269 : vector<1024x1xf32> to vector<1024x256xf32>
    %gt3A_271 = arith.cmpf ogt, %get3A_263, %gt3A_270 : vector<1024x256xf32>
    %jit3A_272 = arith.constant 0.000000e+00 : f32
    %broadcast_in_dim3A_273 = vector.broadcast %jit3A_272 : f32 to vector<1024x256xf32>
    %select_n3A_274 = arith.select %gt3A_271, %get3A_263, %broadcast_in_dim3A_273 : vector<1024x256xi1>, vector<1024x256xf32>
    %reduce_sum3A_275 = arith.constant dense<0.000000e+00> : vector<1024xf32>
    %reduce_sum3A_276 = vector.multi_reduction <add>, %select_n3A_274, %reduce_sum3A_275 [1] : vector<1024x256xf32> to vector<1024xf32>
    %broadcast_in_dim3A_277 = vector.shape_cast %reduce_sum3A_276 : vector<1024xf32> to vector<1024x1xf32>
    %jit3A_278 = arith.constant 1.000000e+00 : f32
    %jit3A_279 = arith.constant 0.000000e+00 : f32
    %broadcast_in_dim3A_280 = vector.broadcast %jit3A_278 : f32 to vector<1024x256xf32>
    %broadcast_in_dim3A_281 = vector.broadcast %jit3A_279 : f32 to vector<1024x256xf32>
    %select_n3A_282 = arith.select %gt3A_271, %broadcast_in_dim3A_280, %broadcast_in_dim3A_281 : vector<1024x256xi1>, vector<1024x256xf32>
    %reduce_sum3A_283 = arith.constant dense<0.000000e+00> : vector<1024xf32>
    %reduce_sum3A_284 = vector.multi_reduction <add>, %select_n3A_282, %reduce_sum3A_283 [1] : vector<1024x256xf32> to vector<1024xf32>
    %broadcast_in_dim3A_285 = vector.shape_cast %reduce_sum3A_284 : vector<1024xf32> to vector<1024x1xf32>
    %mul3A_286 = arith.mulf %broadcast_in_dim3A_285, %sub3A_269 : vector<1024x1xf32>
    %sub3A_287 = arith.subf %broadcast_in_dim3A_277, %mul3A_286 : vector<1024x1xf32>
    %sub3A_288 = arith.constant 1.000000e+00 : f32
    %sub3A_289 = vector.broadcast %sub3A_288 : f32 to vector<1024x1xf32>
    %sub3A_290 = arith.subf %sub3A_287, %sub3A_289 : vector<1024x1xf32>
    %gt3A_291 = arith.constant 0.000000e+00 : f32
    %gt3A_292 = vector.broadcast %gt3A_291 : f32 to vector<1024x1xf32>
    %gt3A_293 = arith.cmpf ogt, %sub3A_290, %gt3A_292 : vector<1024x1xf32>
    %select_n3A_294 = arith.select %gt3A_293, %sub3A_269, %sub3A_269 : vector<1024x1xi1>, vector<1024x1xf32>
    %select_n3A_295 = arith.select %gt3A_293, %broadcast_in_dim3A_266, %sub3A_269 : vector<1024x1xi1>, vector<1024x1xf32>
    %max3A_296 = arith.constant 1.000000e+00 : f32
    %max3A_297 = vector.broadcast %max3A_296 : f32 to vector<1024x1xf32>
    %max3A_298 = arith.maximumf %broadcast_in_dim3A_285, %max3A_297 : vector<1024x1xf32>
    %div3A_299 = arith.divf %sub3A_290, %max3A_298 : vector<1024x1xf32>
    %add3A_300 = arith.addf %sub3A_269, %div3A_299 : vector<1024x1xf32>
    %add3A_301 = arith.addf %select_n3A_294, %select_n3A_295 : vector<1024x1xf32>
    %mul3A_302 = arith.constant 5.000000e-01 : f32
    %mul3A_303 = vector.broadcast %mul3A_302 : f32 to vector<1024x1xf32>
    %mul3A_304 = arith.mulf %mul3A_303, %add3A_301 : vector<1024x1xf32>
    %gt3A_305 = arith.cmpf ogt, %add3A_300, %select_n3A_294 : vector<1024x1xf32>
    %lt3A_306 = arith.cmpf olt, %add3A_300, %select_n3A_295 : vector<1024x1xf32>
    %and3A_307 = arith.andi %gt3A_305, %lt3A_306 : vector<1024x1xi1>
    %eq3A_308 = arith.constant 0.000000e+00 : f32
    %eq3A_309 = vector.broadcast %eq3A_308 : f32 to vector<1024x1xf32>
    %eq3A_310 = arith.cmpf oeq, %sub3A_290, %eq3A_309 : vector<1024x1xf32>
    %select_n3A_311 = arith.select %and3A_307, %add3A_300, %mul3A_304 : vector<1024x1xi1>, vector<1024x1xf32>
    %select_n3A_312 = arith.select %eq3A_310, %sub3A_269, %select_n3A_311 : vector<1024x1xi1>, vector<1024x1xf32>
    %gt3A_313 = vector.broadcast %select_n3A_312 : vector<1024x1xf32> to vector<1024x256xf32>
    %gt3A_314 = arith.cmpf ogt, %get3A_263, %gt3A_313 : vector<1024x256xf32>
    %jit3A_315 = arith.constant 0.000000e+00 : f32
    %broadcast_in_dim3A_316 = vector.broadcast %jit3A_315 : f32 to vector<1024x256xf32>
    %select_n3A_317 = arith.select %gt3A_314, %get3A_263, %broadcast_in_dim3A_316 : vector<1024x256xi1>, vector<1024x256xf32>
    %reduce_sum3A_318 = arith.constant dense<0.000000e+00> : vector<1024xf32>
    %reduce_sum3A_319 = vector.multi_reduction <add>, %select_n3A_317, %reduce_sum3A_318 [1] : vector<1024x256xf32> to vector<1024xf32>
    %broadcast_in_dim3A_320 = vector.shape_cast %reduce_sum3A_319 : vector<1024xf32> to vector<1024x1xf32>
    %jit3A_321 = arith.constant 1.000000e+00 : f32
    %jit3A_322 = arith.constant 0.000000e+00 : f32
    %broadcast_in_dim3A_323 = vector.broadcast %jit3A_321 : f32 to vector<1024x256xf32>
    %broadcast_in_dim3A_324 = vector.broadcast %jit3A_322 : f32 to vector<1024x256xf32>
    %select_n3A_325 = arith.select %gt3A_314, %broadcast_in_dim3A_323, %broadcast_in_dim3A_324 : vector<1024x256xi1>, vector<1024x256xf32>
    %reduce_sum3A_326 = arith.constant dense<0.000000e+00> : vector<1024xf32>
    %reduce_sum3A_327 = vector.multi_reduction <add>, %select_n3A_325, %reduce_sum3A_326 [1] : vector<1024x256xf32> to vector<1024xf32>
    %broadcast_in_dim3A_328 = vector.shape_cast %reduce_sum3A_327 : vector<1024xf32> to vector<1024x1xf32>
    %mul3A_329 = arith.mulf %broadcast_in_dim3A_328, %select_n3A_312 : vector<1024x1xf32>
    %sub3A_330 = arith.subf %broadcast_in_dim3A_320, %mul3A_329 : vector<1024x1xf32>
    %sub3A_331 = arith.constant 1.000000e+00 : f32
    %sub3A_332 = vector.broadcast %sub3A_331 : f32 to vector<1024x1xf32>
    %sub3A_333 = arith.subf %sub3A_330, %sub3A_332 : vector<1024x1xf32>
    %gt3A_334 = arith.constant 0.000000e+00 : f32
    %gt3A_335 = vector.broadcast %gt3A_334 : f32 to vector<1024x1xf32>
    %gt3A_336 = arith.cmpf ogt, %sub3A_333, %gt3A_335 : vector<1024x1xf32>
    %select_n3A_337 = arith.select %gt3A_336, %select_n3A_312, %select_n3A_294 : vector<1024x1xi1>, vector<1024x1xf32>
    %select_n3A_338 = arith.select %gt3A_336, %select_n3A_295, %select_n3A_312 : vector<1024x1xi1>, vector<1024x1xf32>
    %max3A_339 = arith.constant 1.000000e+00 : f32
    %max3A_340 = vector.broadcast %max3A_339 : f32 to vector<1024x1xf32>
    %max3A_341 = arith.maximumf %broadcast_in_dim3A_328, %max3A_340 : vector<1024x1xf32>
    %div3A_342 = arith.divf %sub3A_333, %max3A_341 : vector<1024x1xf32>
    %add3A_343 = arith.addf %select_n3A_312, %div3A_342 : vector<1024x1xf32>
    %add3A_344 = arith.addf %select_n3A_337, %select_n3A_338 : vector<1024x1xf32>
    %mul3A_345 = arith.constant 5.000000e-01 : f32
    %mul3A_346 = vector.broadcast %mul3A_345 : f32 to vector<1024x1xf32>
    %mul3A_347 = arith.mulf %mul3A_346, %add3A_344 : vector<1024x1xf32>
    %gt3A_348 = arith.cmpf ogt, %add3A_343, %select_n3A_337 : vector<1024x1xf32>
    %lt3A_349 = arith.cmpf olt, %add3A_343, %select_n3A_338 : vector<1024x1xf32>
    %and3A_350 = arith.andi %gt3A_348, %lt3A_349 : vector<1024x1xi1>
    %eq3A_351 = arith.constant 0.000000e+00 : f32
    %eq3A_352 = vector.broadcast %eq3A_351 : f32 to vector<1024x1xf32>
    %eq3A_353 = arith.cmpf oeq, %sub3A_333, %eq3A_352 : vector<1024x1xf32>
    %select_n3A_354 = arith.select %and3A_350, %add3A_343, %mul3A_347 : vector<1024x1xi1>, vector<1024x1xf32>
    %select_n3A_355 = arith.select %eq3A_353, %select_n3A_312, %select_n3A_354 : vector<1024x1xi1>, vector<1024x1xf32>
    %gt3A_356 = vector.broadcast %select_n3A_355 : vector<1024x1xf32> to vector<1024x256xf32>
    %gt3A_357 = arith.cmpf ogt, %get3A_263, %gt3A_356 : vector<1024x256xf32>
    %jit3A_358 = arith.constant 0.000000e+00 : f32
    %broadcast_in_dim3A_359 = vector.broadcast %jit3A_358 : f32 to vector<1024x256xf32>
    %select_n3A_360 = arith.select %gt3A_357, %get3A_263, %broadcast_in_dim3A_359 : vector<1024x256xi1>, vector<1024x256xf32>
    %reduce_sum3A_361 = arith.constant dense<0.000000e+00> : vector<1024xf32>
    %reduce_sum3A_362 = vector.multi_reduction <add>, %select_n3A_360, %reduce_sum3A_361 [1] : vector<1024x256xf32> to vector<1024xf32>
    %broadcast_in_dim3A_363 = vector.shape_cast %reduce_sum3A_362 : vector<1024xf32> to vector<1024x1xf32>
    %jit3A_364 = arith.constant 1.000000e+00 : f32
    %jit3A_365 = arith.constant 0.000000e+00 : f32
    %broadcast_in_dim3A_366 = vector.broadcast %jit3A_364 : f32 to vector<1024x256xf32>
    %broadcast_in_dim3A_367 = vector.broadcast %jit3A_365 : f32 to vector<1024x256xf32>
    %select_n3A_368 = arith.select %gt3A_357, %broadcast_in_dim3A_366, %broadcast_in_dim3A_367 : vector<1024x256xi1>, vector<1024x256xf32>
    %reduce_sum3A_369 = arith.constant dense<0.000000e+00> : vector<1024xf32>
    %reduce_sum3A_370 = vector.multi_reduction <add>, %select_n3A_368, %reduce_sum3A_369 [1] : vector<1024x256xf32> to vector<1024xf32>
    %broadcast_in_dim3A_371 = vector.shape_cast %reduce_sum3A_370 : vector<1024xf32> to vector<1024x1xf32>
    %mul3A_372 = arith.mulf %broadcast_in_dim3A_371, %select_n3A_355 : vector<1024x1xf32>
    %sub3A_373 = arith.subf %broadcast_in_dim3A_363, %mul3A_372 : vector<1024x1xf32>
    %sub3A_374 = arith.constant 1.000000e+00 : f32
    %sub3A_375 = vector.broadcast %sub3A_374 : f32 to vector<1024x1xf32>
    %sub3A_376 = arith.subf %sub3A_373, %sub3A_375 : vector<1024x1xf32>
    %gt3A_377 = arith.constant 0.000000e+00 : f32
    %gt3A_378 = vector.broadcast %gt3A_377 : f32 to vector<1024x1xf32>
    %gt3A_379 = arith.cmpf ogt, %sub3A_376, %gt3A_378 : vector<1024x1xf32>
    %select_n3A_380 = arith.select %gt3A_379, %select_n3A_355, %select_n3A_337 : vector<1024x1xi1>, vector<1024x1xf32>
    %select_n3A_381 = arith.select %gt3A_379, %select_n3A_338, %select_n3A_355 : vector<1024x1xi1>, vector<1024x1xf32>
    %max3A_382 = arith.constant 1.000000e+00 : f32
    %max3A_383 = vector.broadcast %max3A_382 : f32 to vector<1024x1xf32>
    %max3A_384 = arith.maximumf %broadcast_in_dim3A_371, %max3A_383 : vector<1024x1xf32>
    %div3A_385 = arith.divf %sub3A_376, %max3A_384 : vector<1024x1xf32>
    %add3A_386 = arith.addf %select_n3A_355, %div3A_385 : vector<1024x1xf32>
    %add3A_387 = arith.addf %select_n3A_380, %select_n3A_381 : vector<1024x1xf32>
    %mul3A_388 = arith.constant 5.000000e-01 : f32
    %mul3A_389 = vector.broadcast %mul3A_388 : f32 to vector<1024x1xf32>
    %mul3A_390 = arith.mulf %mul3A_389, %add3A_387 : vector<1024x1xf32>
    %gt3A_391 = arith.cmpf ogt, %add3A_386, %select_n3A_380 : vector<1024x1xf32>
    %lt3A_392 = arith.cmpf olt, %add3A_386, %select_n3A_381 : vector<1024x1xf32>
    %and3A_393 = arith.andi %gt3A_391, %lt3A_392 : vector<1024x1xi1>
    %eq3A_394 = arith.constant 0.000000e+00 : f32
    %eq3A_395 = vector.broadcast %eq3A_394 : f32 to vector<1024x1xf32>
    %eq3A_396 = arith.cmpf oeq, %sub3A_376, %eq3A_395 : vector<1024x1xf32>
    %select_n3A_397 = arith.select %and3A_393, %add3A_386, %mul3A_390 : vector<1024x1xi1>, vector<1024x1xf32>
    %select_n3A_398 = arith.select %eq3A_396, %select_n3A_355, %select_n3A_397 : vector<1024x1xi1>, vector<1024x1xf32>
    %gt3A_399 = vector.broadcast %select_n3A_398 : vector<1024x1xf32> to vector<1024x256xf32>
    %gt3A_400 = arith.cmpf ogt, %get3A_263, %gt3A_399 : vector<1024x256xf32>
    %jit3A_401 = arith.constant 0.000000e+00 : f32
    %broadcast_in_dim3A_402 = vector.broadcast %jit3A_401 : f32 to vector<1024x256xf32>
    %select_n3A_403 = arith.select %gt3A_400, %get3A_263, %broadcast_in_dim3A_402 : vector<1024x256xi1>, vector<1024x256xf32>
    %reduce_sum3A_404 = arith.constant dense<0.000000e+00> : vector<1024xf32>
    %reduce_sum3A_405 = vector.multi_reduction <add>, %select_n3A_403, %reduce_sum3A_404 [1] : vector<1024x256xf32> to vector<1024xf32>
    %broadcast_in_dim3A_406 = vector.shape_cast %reduce_sum3A_405 : vector<1024xf32> to vector<1024x1xf32>
    %jit3A_407 = arith.constant 1.000000e+00 : f32
    %jit3A_408 = arith.constant 0.000000e+00 : f32
    %broadcast_in_dim3A_409 = vector.broadcast %jit3A_407 : f32 to vector<1024x256xf32>
    %broadcast_in_dim3A_410 = vector.broadcast %jit3A_408 : f32 to vector<1024x256xf32>
    %select_n3A_411 = arith.select %gt3A_400, %broadcast_in_dim3A_409, %broadcast_in_dim3A_410 : vector<1024x256xi1>, vector<1024x256xf32>
    %reduce_sum3A_412 = arith.constant dense<0.000000e+00> : vector<1024xf32>
    %reduce_sum3A_413 = vector.multi_reduction <add>, %select_n3A_411, %reduce_sum3A_412 [1] : vector<1024x256xf32> to vector<1024xf32>
    %broadcast_in_dim3A_414 = vector.shape_cast %reduce_sum3A_413 : vector<1024xf32> to vector<1024x1xf32>
    %mul3A_415 = arith.mulf %broadcast_in_dim3A_414, %select_n3A_398 : vector<1024x1xf32>
    %sub3A_416 = arith.subf %broadcast_in_dim3A_406, %mul3A_415 : vector<1024x1xf32>
    %sub3A_417 = arith.constant 1.000000e+00 : f32
    %sub3A_418 = vector.broadcast %sub3A_417 : f32 to vector<1024x1xf32>
    %sub3A_419 = arith.subf %sub3A_416, %sub3A_418 : vector<1024x1xf32>
    %gt3A_420 = arith.constant 0.000000e+00 : f32
    %gt3A_421 = vector.broadcast %gt3A_420 : f32 to vector<1024x1xf32>
    %gt3A_422 = arith.cmpf ogt, %sub3A_419, %gt3A_421 : vector<1024x1xf32>
    %select_n3A_423 = arith.select %gt3A_422, %select_n3A_398, %select_n3A_380 : vector<1024x1xi1>, vector<1024x1xf32>
    %select_n3A_424 = arith.select %gt3A_422, %select_n3A_381, %select_n3A_398 : vector<1024x1xi1>, vector<1024x1xf32>
    %max3A_425 = arith.constant 1.000000e+00 : f32
    %max3A_426 = vector.broadcast %max3A_425 : f32 to vector<1024x1xf32>
    %max3A_427 = arith.maximumf %broadcast_in_dim3A_414, %max3A_426 : vector<1024x1xf32>
    %div3A_428 = arith.divf %sub3A_419, %max3A_427 : vector<1024x1xf32>
    %add3A_429 = arith.addf %select_n3A_398, %div3A_428 : vector<1024x1xf32>
    %add3A_430 = arith.addf %select_n3A_423, %select_n3A_424 : vector<1024x1xf32>
    %mul3A_431 = arith.constant 5.000000e-01 : f32
    %mul3A_432 = vector.broadcast %mul3A_431 : f32 to vector<1024x1xf32>
    %mul3A_433 = arith.mulf %mul3A_432, %add3A_430 : vector<1024x1xf32>
    %gt3A_434 = arith.cmpf ogt, %add3A_429, %select_n3A_423 : vector<1024x1xf32>
    %lt3A_435 = arith.cmpf olt, %add3A_429, %select_n3A_424 : vector<1024x1xf32>
    %and3A_436 = arith.andi %gt3A_434, %lt3A_435 : vector<1024x1xi1>
    %eq3A_437 = arith.constant 0.000000e+00 : f32
    %eq3A_438 = vector.broadcast %eq3A_437 : f32 to vector<1024x1xf32>
    %eq3A_439 = arith.cmpf oeq, %sub3A_419, %eq3A_438 : vector<1024x1xf32>
    %select_n3A_440 = arith.select %and3A_436, %add3A_429, %mul3A_433 : vector<1024x1xi1>, vector<1024x1xf32>
    %select_n3A_441 = arith.select %eq3A_439, %select_n3A_398, %select_n3A_440 : vector<1024x1xi1>, vector<1024x1xf32>
    %gt3A_442 = vector.broadcast %select_n3A_441 : vector<1024x1xf32> to vector<1024x256xf32>
    %gt3A_443 = arith.cmpf ogt, %get3A_263, %gt3A_442 : vector<1024x256xf32>
    %jit3A_444 = arith.constant 0.000000e+00 : f32
    %broadcast_in_dim3A_445 = vector.broadcast %jit3A_444 : f32 to vector<1024x256xf32>
    %select_n3A_446 = arith.select %gt3A_443, %get3A_263, %broadcast_in_dim3A_445 : vector<1024x256xi1>, vector<1024x256xf32>
    %reduce_sum3A_447 = arith.constant dense<0.000000e+00> : vector<1024xf32>
    %reduce_sum3A_448 = vector.multi_reduction <add>, %select_n3A_446, %reduce_sum3A_447 [1] : vector<1024x256xf32> to vector<1024xf32>
    %broadcast_in_dim3A_449 = vector.shape_cast %reduce_sum3A_448 : vector<1024xf32> to vector<1024x1xf32>
    %jit3A_450 = arith.constant 1.000000e+00 : f32
    %jit3A_451 = arith.constant 0.000000e+00 : f32
    %broadcast_in_dim3A_452 = vector.broadcast %jit3A_450 : f32 to vector<1024x256xf32>
    %broadcast_in_dim3A_453 = vector.broadcast %jit3A_451 : f32 to vector<1024x256xf32>
    %select_n3A_454 = arith.select %gt3A_443, %broadcast_in_dim3A_452, %broadcast_in_dim3A_453 : vector<1024x256xi1>, vector<1024x256xf32>
    %reduce_sum3A_455 = arith.constant dense<0.000000e+00> : vector<1024xf32>
    %reduce_sum3A_456 = vector.multi_reduction <add>, %select_n3A_454, %reduce_sum3A_455 [1] : vector<1024x256xf32> to vector<1024xf32>
    %broadcast_in_dim3A_457 = vector.shape_cast %reduce_sum3A_456 : vector<1024xf32> to vector<1024x1xf32>
    %mul3A_458 = arith.mulf %broadcast_in_dim3A_457, %select_n3A_441 : vector<1024x1xf32>
    %sub3A_459 = arith.subf %broadcast_in_dim3A_449, %mul3A_458 : vector<1024x1xf32>
    %sub3A_460 = arith.constant 1.000000e+00 : f32
    %sub3A_461 = vector.broadcast %sub3A_460 : f32 to vector<1024x1xf32>
    %sub3A_462 = arith.subf %sub3A_459, %sub3A_461 : vector<1024x1xf32>
    %gt3A_463 = arith.constant 0.000000e+00 : f32
    %gt3A_464 = vector.broadcast %gt3A_463 : f32 to vector<1024x1xf32>
    %gt3A_465 = arith.cmpf ogt, %sub3A_462, %gt3A_464 : vector<1024x1xf32>
    %select_n3A_466 = arith.select %gt3A_465, %select_n3A_441, %select_n3A_423 : vector<1024x1xi1>, vector<1024x1xf32>
    %select_n3A_467 = arith.select %gt3A_465, %select_n3A_424, %select_n3A_441 : vector<1024x1xi1>, vector<1024x1xf32>
    %max3A_468 = arith.constant 1.000000e+00 : f32
    %max3A_469 = vector.broadcast %max3A_468 : f32 to vector<1024x1xf32>
    %max3A_470 = arith.maximumf %broadcast_in_dim3A_457, %max3A_469 : vector<1024x1xf32>
    %div3A_471 = arith.divf %sub3A_462, %max3A_470 : vector<1024x1xf32>
    %add3A_472 = arith.addf %select_n3A_441, %div3A_471 : vector<1024x1xf32>
    %add3A_473 = arith.addf %select_n3A_466, %select_n3A_467 : vector<1024x1xf32>
    %mul3A_474 = arith.constant 5.000000e-01 : f32
    %mul3A_475 = vector.broadcast %mul3A_474 : f32 to vector<1024x1xf32>
    %mul3A_476 = arith.mulf %mul3A_475, %add3A_473 : vector<1024x1xf32>
    %gt3A_477 = arith.cmpf ogt, %add3A_472, %select_n3A_466 : vector<1024x1xf32>
    %lt3A_478 = arith.cmpf olt, %add3A_472, %select_n3A_467 : vector<1024x1xf32>
    %and3A_479 = arith.andi %gt3A_477, %lt3A_478 : vector<1024x1xi1>
    %eq3A_480 = arith.constant 0.000000e+00 : f32
    %eq3A_481 = vector.broadcast %eq3A_480 : f32 to vector<1024x1xf32>
    %eq3A_482 = arith.cmpf oeq, %sub3A_462, %eq3A_481 : vector<1024x1xf32>
    %select_n3A_483 = arith.select %and3A_479, %add3A_472, %mul3A_476 : vector<1024x1xi1>, vector<1024x1xf32>
    %select_n3A_484 = arith.select %eq3A_482, %select_n3A_441, %select_n3A_483 : vector<1024x1xi1>, vector<1024x1xf32>
    %gt3A_485 = vector.broadcast %select_n3A_484 : vector<1024x1xf32> to vector<1024x256xf32>
    %gt3A_486 = arith.cmpf ogt, %get3A_263, %gt3A_485 : vector<1024x256xf32>
    %jit3A_487 = arith.constant 0.000000e+00 : f32
    %broadcast_in_dim3A_488 = vector.broadcast %jit3A_487 : f32 to vector<1024x256xf32>
    %select_n3A_489 = arith.select %gt3A_486, %get3A_263, %broadcast_in_dim3A_488 : vector<1024x256xi1>, vector<1024x256xf32>
    %reduce_sum3A_490 = arith.constant dense<0.000000e+00> : vector<1024xf32>
    %reduce_sum3A_491 = vector.multi_reduction <add>, %select_n3A_489, %reduce_sum3A_490 [1] : vector<1024x256xf32> to vector<1024xf32>
    %broadcast_in_dim3A_492 = vector.shape_cast %reduce_sum3A_491 : vector<1024xf32> to vector<1024x1xf32>
    %jit3A_493 = arith.constant 1.000000e+00 : f32
    %jit3A_494 = arith.constant 0.000000e+00 : f32
    %broadcast_in_dim3A_495 = vector.broadcast %jit3A_493 : f32 to vector<1024x256xf32>
    %broadcast_in_dim3A_496 = vector.broadcast %jit3A_494 : f32 to vector<1024x256xf32>
    %select_n3A_497 = arith.select %gt3A_486, %broadcast_in_dim3A_495, %broadcast_in_dim3A_496 : vector<1024x256xi1>, vector<1024x256xf32>
    %reduce_sum3A_498 = arith.constant dense<0.000000e+00> : vector<1024xf32>
    %reduce_sum3A_499 = vector.multi_reduction <add>, %select_n3A_497, %reduce_sum3A_498 [1] : vector<1024x256xf32> to vector<1024xf32>
    %broadcast_in_dim3A_500 = vector.shape_cast %reduce_sum3A_499 : vector<1024xf32> to vector<1024x1xf32>
    %mul3A_501 = arith.mulf %broadcast_in_dim3A_500, %select_n3A_484 : vector<1024x1xf32>
    %sub3A_502 = arith.subf %broadcast_in_dim3A_492, %mul3A_501 : vector<1024x1xf32>
    %sub3A_503 = arith.constant 1.000000e+00 : f32
    %sub3A_504 = vector.broadcast %sub3A_503 : f32 to vector<1024x1xf32>
    %sub3A_505 = arith.subf %sub3A_502, %sub3A_504 : vector<1024x1xf32>
    %gt3A_506 = arith.constant 0.000000e+00 : f32
    %gt3A_507 = vector.broadcast %gt3A_506 : f32 to vector<1024x1xf32>
    %gt3A_508 = arith.cmpf ogt, %sub3A_505, %gt3A_507 : vector<1024x1xf32>
    %select_n3A_509 = arith.select %gt3A_508, %select_n3A_484, %select_n3A_466 : vector<1024x1xi1>, vector<1024x1xf32>
    %select_n3A_510 = arith.select %gt3A_508, %select_n3A_467, %select_n3A_484 : vector<1024x1xi1>, vector<1024x1xf32>
    %max3A_511 = arith.constant 1.000000e+00 : f32
    %max3A_512 = vector.broadcast %max3A_511 : f32 to vector<1024x1xf32>
    %max3A_513 = arith.maximumf %broadcast_in_dim3A_500, %max3A_512 : vector<1024x1xf32>
    %div3A_514 = arith.divf %sub3A_505, %max3A_513 : vector<1024x1xf32>
    %add3A_515 = arith.addf %select_n3A_484, %div3A_514 : vector<1024x1xf32>
    %add3A_516 = arith.addf %select_n3A_509, %select_n3A_510 : vector<1024x1xf32>
    %mul3A_517 = arith.constant 5.000000e-01 : f32
    %mul3A_518 = vector.broadcast %mul3A_517 : f32 to vector<1024x1xf32>
    %mul3A_519 = arith.mulf %mul3A_518, %add3A_516 : vector<1024x1xf32>
    %gt3A_520 = arith.cmpf ogt, %add3A_515, %select_n3A_509 : vector<1024x1xf32>
    %lt3A_521 = arith.cmpf olt, %add3A_515, %select_n3A_510 : vector<1024x1xf32>
    %and3A_522 = arith.andi %gt3A_520, %lt3A_521 : vector<1024x1xi1>
    %eq3A_523 = arith.constant 0.000000e+00 : f32
    %eq3A_524 = vector.broadcast %eq3A_523 : f32 to vector<1024x1xf32>
    %eq3A_525 = arith.cmpf oeq, %sub3A_505, %eq3A_524 : vector<1024x1xf32>
    %select_n3A_526 = arith.select %and3A_522, %add3A_515, %mul3A_519 : vector<1024x1xi1>, vector<1024x1xf32>
    %select_n3A_527 = arith.select %eq3A_525, %select_n3A_484, %select_n3A_526 : vector<1024x1xi1>, vector<1024x1xf32>
    %sub3A_528 = vector.broadcast %select_n3A_527 : vector<1024x1xf32> to vector<1024x256xf32>
    %sub3A_529 = arith.subf %get3A_263, %sub3A_528 : vector<1024x256xf32>
    %max3A_530 = arith.constant 0.000000e+00 : f32
    %max3A_531 = vector.broadcast %max3A_530 : f32 to vector<1024x256xf32>
    %max3A_532 = arith.maximumf %sub3A_529, %max3A_531 : vector<1024x256xf32>
    %dot_general3A_533 = arith.constant dense<0.000000e+00> : vector<1024x128xf32>
    %dot_general3A_534 = tpu.matmul %max3A_532, %dot_general3A_260, %dot_general3A_533 {dimension_numbers = #tpu.dot_dimension_numbers<[1], [0], [0], [1], [0, 0, 1, 1], [], []>, transpose_lhs_hint = false} : vector<1024x256xf32>, vector<256x128xf32>, vector<1024x128xf32> -> vector<1024x128xf32>
    %swap3A = arith.constant 0 : index
    %swap3A_535 = arith.constant 0 : index
    %swap3A_536 = vector.load %arg3[%swap3A, %swap3A_535] : memref<1024x128xf32, #tpu.memory_space<vmem>>, vector<1024x128xf32>
    tpu.vector_store %arg3[%swap3A, %swap3A_535], %dot_general3A_534 {strides = array<i32>} : memref<1024x128xf32, #tpu.memory_space<vmem>>, vector<1024x128xf32>,
    return
  }
}

module attributes {stable_mosaic.version = 14 : i64} {
  func.func @_main_body_first(%arg0: i32, %arg1: memref<512x1024xf32, #tpu.memory_space<vmem>>, %arg2: memref<1024x128xf32, #tpu.memory_space<vmem>>, %arg3: memref<512x128xf32, #tpu.memory_space<vmem>>) attributes {dimension_semantics = [#tpu.dimension_semantics<arbitrary>], iteration_bounds = array<i64: 4>, scalar_prefetch = 0 : i64, scratch_operands = 0 : i64, tpu.core_type = #tpu.core_type<tc>, window_params = [{transform_indices = @transform_0, window_bounds = array<i64: 512, 1024>}, {pipeline_mode = #tpu.pipeline_mode<synchronous>, transform_indices = @transform_1, window_bounds = array<i64: 1024, 128>}, {transform_indices = @transform_2, window_bounds = array<i64: 512, 128>}]} {
    %get3A = arith.constant 0 : index
    %get3A_0 = arith.constant 0 : index
    %get3A_1 = vector.load %arg1[%get3A, %get3A_0] : memref<512x1024xf32, #tpu.memory_space<vmem>>, vector<512x1024xf32>
    %reduce_max3A = arith.constant dense<0xFF800000> : vector<512xf32>
    %reduce_max3A_2 = vector.multi_reduction <maximumf>, %get3A_1, %reduce_max3A [1] : vector<512x1024xf32> to vector<512xf32>
    %broadcast_in_dim3A = vector.shape_cast %reduce_max3A_2 : vector<512xf32> to vector<512x1xf32>
    %sub3A = arith.constant 1.000000e+00 : f32
    %sub3A_3 = vector.broadcast %sub3A : f32 to vector<512x1xf32>
    %sub3A_4 = arith.subf %broadcast_in_dim3A, %sub3A_3 : vector<512x1xf32>
    %convert_element_type3A = arith.truncf %get3A_1 : vector<512x1024xf32> to vector<512x1024xbf16>
    %convert_element_type3A_5 = arith.truncf %sub3A_4 : vector<512x1xf32> to vector<512x1xbf16>
    %gt3A = vector.broadcast %convert_element_type3A_5 : vector<512x1xbf16> to vector<512x1024xbf16>
    %gt3A_6 = arith.cmpf ogt, %convert_element_type3A, %gt3A : vector<512x1024xbf16>
    %jit3A = arith.constant 0.000000e+00 : bf16
    %broadcast_in_dim3A_7 = vector.broadcast %jit3A : bf16 to vector<512x1024xbf16>
    %select_n3A = arith.select %gt3A_6, %convert_element_type3A, %broadcast_in_dim3A_7 : vector<512x1024xi1>, vector<512x1024xbf16>
    %reduce_sum3A = arith.constant dense<0.000000e+00> : vector<512xbf16>
    %reduce_sum3A_8 = vector.multi_reduction <add>, %select_n3A, %reduce_sum3A [1] : vector<512x1024xbf16> to vector<512xbf16>
    %broadcast_in_dim3A_9 = vector.shape_cast %reduce_sum3A_8 : vector<512xbf16> to vector<512x1xbf16>
    %convert_element_type3A_10 = arith.extf %broadcast_in_dim3A_9 : vector<512x1xbf16> to vector<512x1xf32>
    %jit3A_11 = arith.constant 1.000000e+00 : bf16
    %jit3A_12 = arith.constant 0.000000e+00 : bf16
    %broadcast_in_dim3A_13 = vector.broadcast %jit3A_11 : bf16 to vector<512x1024xbf16>
    %broadcast_in_dim3A_14 = vector.broadcast %jit3A_12 : bf16 to vector<512x1024xbf16>
    %select_n3A_15 = arith.select %gt3A_6, %broadcast_in_dim3A_13, %broadcast_in_dim3A_14 : vector<512x1024xi1>, vector<512x1024xbf16>
    %reduce_sum3A_16 = arith.constant dense<0.000000e+00> : vector<512xbf16>
    %reduce_sum3A_17 = vector.multi_reduction <add>, %select_n3A_15, %reduce_sum3A_16 [1] : vector<512x1024xbf16> to vector<512xbf16>
    %broadcast_in_dim3A_18 = vector.shape_cast %reduce_sum3A_17 : vector<512xbf16> to vector<512x1xbf16>
    %convert_element_type3A_19 = arith.extf %broadcast_in_dim3A_18 : vector<512x1xbf16> to vector<512x1xf32>
    %mul3A = arith.mulf %convert_element_type3A_19, %sub3A_4 : vector<512x1xf32>
    %sub3A_20 = arith.subf %convert_element_type3A_10, %mul3A : vector<512x1xf32>
    %sub3A_21 = arith.constant 1.000000e+00 : f32
    %sub3A_22 = vector.broadcast %sub3A_21 : f32 to vector<512x1xf32>
    %sub3A_23 = arith.subf %sub3A_20, %sub3A_22 : vector<512x1xf32>
    %gt3A_24 = arith.constant 0.000000e+00 : f32
    %gt3A_25 = vector.broadcast %gt3A_24 : f32 to vector<512x1xf32>
    %gt3A_26 = arith.cmpf ogt, %sub3A_23, %gt3A_25 : vector<512x1xf32>
    %select_n3A_27 = arith.select %gt3A_26, %sub3A_4, %sub3A_4 : vector<512x1xi1>, vector<512x1xf32>
    %select_n3A_28 = arith.select %gt3A_26, %broadcast_in_dim3A, %sub3A_4 : vector<512x1xi1>, vector<512x1xf32>
    %max3A = arith.constant 1.000000e+00 : f32
    %max3A_29 = vector.broadcast %max3A : f32 to vector<512x1xf32>
    %max3A_30 = arith.maximumf %convert_element_type3A_19, %max3A_29 : vector<512x1xf32>
    %div3A = arith.divf %sub3A_23, %max3A_30 : vector<512x1xf32>
    %add3A = arith.addf %sub3A_4, %div3A : vector<512x1xf32>
    %add3A_31 = arith.addf %select_n3A_27, %select_n3A_28 : vector<512x1xf32>
    %mul3A_32 = arith.constant 5.000000e-01 : f32
    %mul3A_33 = vector.broadcast %mul3A_32 : f32 to vector<512x1xf32>
    %mul3A_34 = arith.mulf %mul3A_33, %add3A_31 : vector<512x1xf32>
    %gt3A_35 = arith.cmpf ogt, %add3A, %select_n3A_27 : vector<512x1xf32>
    %lt3A = arith.cmpf olt, %add3A, %select_n3A_28 : vector<512x1xf32>
    %and3A = arith.andi %gt3A_35, %lt3A : vector<512x1xi1>
    %select_n3A_36 = arith.select %and3A, %add3A, %mul3A_34 : vector<512x1xi1>, vector<512x1xf32>
    %convert_element_type3A_37 = arith.truncf %select_n3A_36 : vector<512x1xf32> to vector<512x1xbf16>
    %gt3A_38 = vector.broadcast %convert_element_type3A_37 : vector<512x1xbf16> to vector<512x1024xbf16>
    %gt3A_39 = arith.cmpf ogt, %convert_element_type3A, %gt3A_38 : vector<512x1024xbf16>
    %jit3A_40 = arith.constant 0.000000e+00 : bf16
    %broadcast_in_dim3A_41 = vector.broadcast %jit3A_40 : bf16 to vector<512x1024xbf16>
    %select_n3A_42 = arith.select %gt3A_39, %convert_element_type3A, %broadcast_in_dim3A_41 : vector<512x1024xi1>, vector<512x1024xbf16>
    %reduce_sum3A_43 = arith.constant dense<0.000000e+00> : vector<512xbf16>
    %reduce_sum3A_44 = vector.multi_reduction <add>, %select_n3A_42, %reduce_sum3A_43 [1] : vector<512x1024xbf16> to vector<512xbf16>
    %broadcast_in_dim3A_45 = vector.shape_cast %reduce_sum3A_44 : vector<512xbf16> to vector<512x1xbf16>
    %convert_element_type3A_46 = arith.extf %broadcast_in_dim3A_45 : vector<512x1xbf16> to vector<512x1xf32>
    %jit3A_47 = arith.constant 1.000000e+00 : bf16
    %jit3A_48 = arith.constant 0.000000e+00 : bf16
    %broadcast_in_dim3A_49 = vector.broadcast %jit3A_47 : bf16 to vector<512x1024xbf16>
    %broadcast_in_dim3A_50 = vector.broadcast %jit3A_48 : bf16 to vector<512x1024xbf16>
    %select_n3A_51 = arith.select %gt3A_39, %broadcast_in_dim3A_49, %broadcast_in_dim3A_50 : vector<512x1024xi1>, vector<512x1024xbf16>
    %reduce_sum3A_52 = arith.constant dense<0.000000e+00> : vector<512xbf16>
    %reduce_sum3A_53 = vector.multi_reduction <add>, %select_n3A_51, %reduce_sum3A_52 [1] : vector<512x1024xbf16> to vector<512xbf16>
    %broadcast_in_dim3A_54 = vector.shape_cast %reduce_sum3A_53 : vector<512xbf16> to vector<512x1xbf16>
    %convert_element_type3A_55 = arith.extf %broadcast_in_dim3A_54 : vector<512x1xbf16> to vector<512x1xf32>
    %mul3A_56 = arith.mulf %convert_element_type3A_55, %select_n3A_36 : vector<512x1xf32>
    %sub3A_57 = arith.subf %convert_element_type3A_46, %mul3A_56 : vector<512x1xf32>
    %sub3A_58 = arith.constant 1.000000e+00 : f32
    %sub3A_59 = vector.broadcast %sub3A_58 : f32 to vector<512x1xf32>
    %sub3A_60 = arith.subf %sub3A_57, %sub3A_59 : vector<512x1xf32>
    %gt3A_61 = arith.constant 0.000000e+00 : f32
    %gt3A_62 = vector.broadcast %gt3A_61 : f32 to vector<512x1xf32>
    %gt3A_63 = arith.cmpf ogt, %sub3A_60, %gt3A_62 : vector<512x1xf32>
    %select_n3A_64 = arith.select %gt3A_63, %select_n3A_36, %select_n3A_27 : vector<512x1xi1>, vector<512x1xf32>
    %select_n3A_65 = arith.select %gt3A_63, %select_n3A_28, %select_n3A_36 : vector<512x1xi1>, vector<512x1xf32>
    %max3A_66 = arith.constant 1.000000e+00 : f32
    %max3A_67 = vector.broadcast %max3A_66 : f32 to vector<512x1xf32>
    %max3A_68 = arith.maximumf %convert_element_type3A_55, %max3A_67 : vector<512x1xf32>
    %div3A_69 = arith.divf %sub3A_60, %max3A_68 : vector<512x1xf32>
    %add3A_70 = arith.addf %select_n3A_36, %div3A_69 : vector<512x1xf32>
    %add3A_71 = arith.addf %select_n3A_64, %select_n3A_65 : vector<512x1xf32>
    %mul3A_72 = arith.constant 5.000000e-01 : f32
    %mul3A_73 = vector.broadcast %mul3A_72 : f32 to vector<512x1xf32>
    %mul3A_74 = arith.mulf %mul3A_73, %add3A_71 : vector<512x1xf32>
    %gt3A_75 = arith.cmpf ogt, %add3A_70, %select_n3A_64 : vector<512x1xf32>
    %lt3A_76 = arith.cmpf olt, %add3A_70, %select_n3A_65 : vector<512x1xf32>
    %and3A_77 = arith.andi %gt3A_75, %lt3A_76 : vector<512x1xi1>
    %select_n3A_78 = arith.select %and3A_77, %add3A_70, %mul3A_74 : vector<512x1xi1>, vector<512x1xf32>
    %convert_element_type3A_79 = arith.truncf %select_n3A_78 : vector<512x1xf32> to vector<512x1xbf16>
    %gt3A_80 = vector.broadcast %convert_element_type3A_79 : vector<512x1xbf16> to vector<512x1024xbf16>
    %gt3A_81 = arith.cmpf ogt, %convert_element_type3A, %gt3A_80 : vector<512x1024xbf16>
    %jit3A_82 = arith.constant 0.000000e+00 : bf16
    %broadcast_in_dim3A_83 = vector.broadcast %jit3A_82 : bf16 to vector<512x1024xbf16>
    %select_n3A_84 = arith.select %gt3A_81, %convert_element_type3A, %broadcast_in_dim3A_83 : vector<512x1024xi1>, vector<512x1024xbf16>
    %reduce_sum3A_85 = arith.constant dense<0.000000e+00> : vector<512xbf16>
    %reduce_sum3A_86 = vector.multi_reduction <add>, %select_n3A_84, %reduce_sum3A_85 [1] : vector<512x1024xbf16> to vector<512xbf16>
    %broadcast_in_dim3A_87 = vector.shape_cast %reduce_sum3A_86 : vector<512xbf16> to vector<512x1xbf16>
    %convert_element_type3A_88 = arith.extf %broadcast_in_dim3A_87 : vector<512x1xbf16> to vector<512x1xf32>
    %jit3A_89 = arith.constant 1.000000e+00 : bf16
    %jit3A_90 = arith.constant 0.000000e+00 : bf16
    %broadcast_in_dim3A_91 = vector.broadcast %jit3A_89 : bf16 to vector<512x1024xbf16>
    %broadcast_in_dim3A_92 = vector.broadcast %jit3A_90 : bf16 to vector<512x1024xbf16>
    %select_n3A_93 = arith.select %gt3A_81, %broadcast_in_dim3A_91, %broadcast_in_dim3A_92 : vector<512x1024xi1>, vector<512x1024xbf16>
    %reduce_sum3A_94 = arith.constant dense<0.000000e+00> : vector<512xbf16>
    %reduce_sum3A_95 = vector.multi_reduction <add>, %select_n3A_93, %reduce_sum3A_94 [1] : vector<512x1024xbf16> to vector<512xbf16>
    %broadcast_in_dim3A_96 = vector.shape_cast %reduce_sum3A_95 : vector<512xbf16> to vector<512x1xbf16>
    %convert_element_type3A_97 = arith.extf %broadcast_in_dim3A_96 : vector<512x1xbf16> to vector<512x1xf32>
    %mul3A_98 = arith.mulf %convert_element_type3A_97, %select_n3A_78 : vector<512x1xf32>
    %sub3A_99 = arith.subf %convert_element_type3A_88, %mul3A_98 : vector<512x1xf32>
    %sub3A_100 = arith.constant 1.000000e+00 : f32
    %sub3A_101 = vector.broadcast %sub3A_100 : f32 to vector<512x1xf32>
    %sub3A_102 = arith.subf %sub3A_99, %sub3A_101 : vector<512x1xf32>
    %gt3A_103 = arith.constant 0.000000e+00 : f32
    %gt3A_104 = vector.broadcast %gt3A_103 : f32 to vector<512x1xf32>
    %gt3A_105 = arith.cmpf ogt, %sub3A_102, %gt3A_104 : vector<512x1xf32>
    %select_n3A_106 = arith.select %gt3A_105, %select_n3A_78, %select_n3A_64 : vector<512x1xi1>, vector<512x1xf32>
    %select_n3A_107 = arith.select %gt3A_105, %select_n3A_65, %select_n3A_78 : vector<512x1xi1>, vector<512x1xf32>
    %max3A_108 = arith.constant 1.000000e+00 : f32
    %max3A_109 = vector.broadcast %max3A_108 : f32 to vector<512x1xf32>
    %max3A_110 = arith.maximumf %convert_element_type3A_97, %max3A_109 : vector<512x1xf32>
    %div3A_111 = arith.divf %sub3A_102, %max3A_110 : vector<512x1xf32>
    %add3A_112 = arith.addf %select_n3A_78, %div3A_111 : vector<512x1xf32>
    %add3A_113 = arith.addf %select_n3A_106, %select_n3A_107 : vector<512x1xf32>
    %mul3A_114 = arith.constant 5.000000e-01 : f32
    %mul3A_115 = vector.broadcast %mul3A_114 : f32 to vector<512x1xf32>
    %mul3A_116 = arith.mulf %mul3A_115, %add3A_113 : vector<512x1xf32>
    %gt3A_117 = arith.cmpf ogt, %add3A_112, %select_n3A_106 : vector<512x1xf32>
    %lt3A_118 = arith.cmpf olt, %add3A_112, %select_n3A_107 : vector<512x1xf32>
    %and3A_119 = arith.andi %gt3A_117, %lt3A_118 : vector<512x1xi1>
    %select_n3A_120 = arith.select %and3A_119, %add3A_112, %mul3A_116 : vector<512x1xi1>, vector<512x1xf32>
    %sub3A_121 = arith.constant 1.000000e+00 : f32
    %sub3A_122 = vector.broadcast %sub3A_121 : f32 to vector<512x1xf32>
    %sub3A_123 = arith.subf %broadcast_in_dim3A, %sub3A_122 : vector<512x1xf32>
    %sub3A_124 = arith.constant 6.000000e-02 : f32
    %sub3A_125 = vector.broadcast %sub3A_124 : f32 to vector<512x1xf32>
    %sub3A_126 = arith.subf %select_n3A_120, %sub3A_125 : vector<512x1xf32>
    %max3A_127 = arith.maximumf %sub3A_126, %sub3A_123 : vector<512x1xf32>
    %gt3A_128 = vector.broadcast %max3A_127 : vector<512x1xf32> to vector<512x1024xf32>
    %gt3A_129 = arith.cmpf ogt, %get3A_1, %gt3A_128 : vector<512x1024xf32>
    %jit3A_130 = arith.constant 0.000000e+00 : f32
    %broadcast_in_dim3A_131 = vector.broadcast %jit3A_130 : f32 to vector<512x1024xf32>
    %select_n3A_132 = arith.select %gt3A_129, %get3A_1, %broadcast_in_dim3A_131 : vector<512x1024xi1>, vector<512x1024xf32>
    %reduce_sum3A_133 = arith.constant dense<0.000000e+00> : vector<512xf32>
    %reduce_sum3A_134 = vector.multi_reduction <add>, %select_n3A_132, %reduce_sum3A_133 [1] : vector<512x1024xf32> to vector<512xf32>
    %broadcast_in_dim3A_135 = vector.shape_cast %reduce_sum3A_134 : vector<512xf32> to vector<512x1xf32>
    %jit3A_136 = arith.constant 1.000000e+00 : f32
    %jit3A_137 = arith.constant 0.000000e+00 : f32
    %broadcast_in_dim3A_138 = vector.broadcast %jit3A_136 : f32 to vector<512x1024xf32>
    %broadcast_in_dim3A_139 = vector.broadcast %jit3A_137 : f32 to vector<512x1024xf32>
    %select_n3A_140 = arith.select %gt3A_129, %broadcast_in_dim3A_138, %broadcast_in_dim3A_139 : vector<512x1024xi1>, vector<512x1024xf32>
    %reduce_sum3A_141 = arith.constant dense<0.000000e+00> : vector<512xf32>
    %reduce_sum3A_142 = vector.multi_reduction <add>, %select_n3A_140, %reduce_sum3A_141 [1] : vector<512x1024xf32> to vector<512xf32>
    %broadcast_in_dim3A_143 = vector.shape_cast %reduce_sum3A_142 : vector<512xf32> to vector<512x1xf32>
    %mul3A_144 = arith.mulf %broadcast_in_dim3A_143, %max3A_127 : vector<512x1xf32>
    %sub3A_145 = arith.subf %broadcast_in_dim3A_135, %mul3A_144 : vector<512x1xf32>
    %sub3A_146 = arith.constant 1.000000e+00 : f32
    %sub3A_147 = vector.broadcast %sub3A_146 : f32 to vector<512x1xf32>
    %sub3A_148 = arith.subf %sub3A_145, %sub3A_147 : vector<512x1xf32>
    %gt3A_149 = arith.constant 0.000000e+00 : f32
    %gt3A_150 = vector.broadcast %gt3A_149 : f32 to vector<512x1xf32>
    %gt3A_151 = arith.cmpf ogt, %sub3A_148, %gt3A_150 : vector<512x1xf32>
    %select_n3A_152 = arith.select %gt3A_151, %max3A_127, %sub3A_123 : vector<512x1xi1>, vector<512x1xf32>
    %select_n3A_153 = arith.select %gt3A_151, %broadcast_in_dim3A, %max3A_127 : vector<512x1xi1>, vector<512x1xf32>
    %max3A_154 = arith.constant 1.000000e+00 : f32
    %max3A_155 = vector.broadcast %max3A_154 : f32 to vector<512x1xf32>
    %max3A_156 = arith.maximumf %broadcast_in_dim3A_143, %max3A_155 : vector<512x1xf32>
    %div3A_157 = arith.divf %sub3A_148, %max3A_156 : vector<512x1xf32>
    %add3A_158 = arith.addf %max3A_127, %div3A_157 : vector<512x1xf32>
    %add3A_159 = arith.addf %select_n3A_152, %select_n3A_153 : vector<512x1xf32>
    %mul3A_160 = arith.constant 5.000000e-01 : f32
    %mul3A_161 = vector.broadcast %mul3A_160 : f32 to vector<512x1xf32>
    %mul3A_162 = arith.mulf %mul3A_161, %add3A_159 : vector<512x1xf32>
    %gt3A_163 = arith.cmpf ogt, %add3A_158, %select_n3A_152 : vector<512x1xf32>
    %lt3A_164 = arith.cmpf olt, %add3A_158, %select_n3A_153 : vector<512x1xf32>
    %and3A_165 = arith.andi %gt3A_163, %lt3A_164 : vector<512x1xi1>
    %eq3A = arith.constant 0.000000e+00 : f32
    %eq3A_166 = vector.broadcast %eq3A : f32 to vector<512x1xf32>
    %eq3A_167 = arith.cmpf oeq, %sub3A_148, %eq3A_166 : vector<512x1xf32>
    %select_n3A_168 = arith.select %and3A_165, %add3A_158, %mul3A_162 : vector<512x1xi1>, vector<512x1xf32>
    %select_n3A_169 = arith.select %eq3A_167, %max3A_127, %select_n3A_168 : vector<512x1xi1>, vector<512x1xf32>
    %gt3A_170 = vector.broadcast %select_n3A_169 : vector<512x1xf32> to vector<512x1024xf32>
    %gt3A_171 = arith.cmpf ogt, %get3A_1, %gt3A_170 : vector<512x1024xf32>
    %jit3A_172 = arith.constant 0.000000e+00 : f32
    %broadcast_in_dim3A_173 = vector.broadcast %jit3A_172 : f32 to vector<512x1024xf32>
    %select_n3A_174 = arith.select %gt3A_171, %get3A_1, %broadcast_in_dim3A_173 : vector<512x1024xi1>, vector<512x1024xf32>
    %reduce_sum3A_175 = arith.constant dense<0.000000e+00> : vector<512xf32>
    %reduce_sum3A_176 = vector.multi_reduction <add>, %select_n3A_174, %reduce_sum3A_175 [1] : vector<512x1024xf32> to vector<512xf32>
    %broadcast_in_dim3A_177 = vector.shape_cast %reduce_sum3A_176 : vector<512xf32> to vector<512x1xf32>
    %jit3A_178 = arith.constant 1.000000e+00 : f32
    %jit3A_179 = arith.constant 0.000000e+00 : f32
    %broadcast_in_dim3A_180 = vector.broadcast %jit3A_178 : f32 to vector<512x1024xf32>
    %broadcast_in_dim3A_181 = vector.broadcast %jit3A_179 : f32 to vector<512x1024xf32>
    %select_n3A_182 = arith.select %gt3A_171, %broadcast_in_dim3A_180, %broadcast_in_dim3A_181 : vector<512x1024xi1>, vector<512x1024xf32>
    %reduce_sum3A_183 = arith.constant dense<0.000000e+00> : vector<512xf32>
    %reduce_sum3A_184 = vector.multi_reduction <add>, %select_n3A_182, %reduce_sum3A_183 [1] : vector<512x1024xf32> to vector<512xf32>
    %broadcast_in_dim3A_185 = vector.shape_cast %reduce_sum3A_184 : vector<512xf32> to vector<512x1xf32>
    %mul3A_186 = arith.mulf %broadcast_in_dim3A_185, %select_n3A_169 : vector<512x1xf32>
    %sub3A_187 = arith.subf %broadcast_in_dim3A_177, %mul3A_186 : vector<512x1xf32>
    %sub3A_188 = arith.constant 1.000000e+00 : f32
    %sub3A_189 = vector.broadcast %sub3A_188 : f32 to vector<512x1xf32>
    %sub3A_190 = arith.subf %sub3A_187, %sub3A_189 : vector<512x1xf32>
    %gt3A_191 = arith.constant 0.000000e+00 : f32
    %gt3A_192 = vector.broadcast %gt3A_191 : f32 to vector<512x1xf32>
    %gt3A_193 = arith.cmpf ogt, %sub3A_190, %gt3A_192 : vector<512x1xf32>
    %select_n3A_194 = arith.select %gt3A_193, %select_n3A_169, %select_n3A_152 : vector<512x1xi1>, vector<512x1xf32>
    %select_n3A_195 = arith.select %gt3A_193, %select_n3A_153, %select_n3A_169 : vector<512x1xi1>, vector<512x1xf32>
    %max3A_196 = arith.constant 1.000000e+00 : f32
    %max3A_197 = vector.broadcast %max3A_196 : f32 to vector<512x1xf32>
    %max3A_198 = arith.maximumf %broadcast_in_dim3A_185, %max3A_197 : vector<512x1xf32>
    %div3A_199 = arith.divf %sub3A_190, %max3A_198 : vector<512x1xf32>
    %add3A_200 = arith.addf %select_n3A_169, %div3A_199 : vector<512x1xf32>
    %add3A_201 = arith.addf %select_n3A_194, %select_n3A_195 : vector<512x1xf32>
    %mul3A_202 = arith.constant 5.000000e-01 : f32
    %mul3A_203 = vector.broadcast %mul3A_202 : f32 to vector<512x1xf32>
    %mul3A_204 = arith.mulf %mul3A_203, %add3A_201 : vector<512x1xf32>
    %gt3A_205 = arith.cmpf ogt, %add3A_200, %select_n3A_194 : vector<512x1xf32>
    %lt3A_206 = arith.cmpf olt, %add3A_200, %select_n3A_195 : vector<512x1xf32>
    %and3A_207 = arith.andi %gt3A_205, %lt3A_206 : vector<512x1xi1>
    %eq3A_208 = arith.constant 0.000000e+00 : f32
    %eq3A_209 = vector.broadcast %eq3A_208 : f32 to vector<512x1xf32>
    %eq3A_210 = arith.cmpf oeq, %sub3A_190, %eq3A_209 : vector<512x1xf32>
    %select_n3A_211 = arith.select %and3A_207, %add3A_200, %mul3A_204 : vector<512x1xi1>, vector<512x1xf32>
    %select_n3A_212 = arith.select %eq3A_210, %select_n3A_169, %select_n3A_211 : vector<512x1xi1>, vector<512x1xf32>
    %gt3A_213 = vector.broadcast %select_n3A_212 : vector<512x1xf32> to vector<512x1024xf32>
    %gt3A_214 = arith.cmpf ogt, %get3A_1, %gt3A_213 : vector<512x1024xf32>
    %jit3A_215 = arith.constant 0.000000e+00 : f32
    %broadcast_in_dim3A_216 = vector.broadcast %jit3A_215 : f32 to vector<512x1024xf32>
    %select_n3A_217 = arith.select %gt3A_214, %get3A_1, %broadcast_in_dim3A_216 : vector<512x1024xi1>, vector<512x1024xf32>
    %reduce_sum3A_218 = arith.constant dense<0.000000e+00> : vector<512xf32>
    %reduce_sum3A_219 = vector.multi_reduction <add>, %select_n3A_217, %reduce_sum3A_218 [1] : vector<512x1024xf32> to vector<512xf32>
    %broadcast_in_dim3A_220 = vector.shape_cast %reduce_sum3A_219 : vector<512xf32> to vector<512x1xf32>
    %jit3A_221 = arith.constant 1.000000e+00 : f32
    %jit3A_222 = arith.constant 0.000000e+00 : f32
    %broadcast_in_dim3A_223 = vector.broadcast %jit3A_221 : f32 to vector<512x1024xf32>
    %broadcast_in_dim3A_224 = vector.broadcast %jit3A_222 : f32 to vector<512x1024xf32>
    %select_n3A_225 = arith.select %gt3A_214, %broadcast_in_dim3A_223, %broadcast_in_dim3A_224 : vector<512x1024xi1>, vector<512x1024xf32>
    %reduce_sum3A_226 = arith.constant dense<0.000000e+00> : vector<512xf32>
    %reduce_sum3A_227 = vector.multi_reduction <add>, %select_n3A_225, %reduce_sum3A_226 [1] : vector<512x1024xf32> to vector<512xf32>
    %broadcast_in_dim3A_228 = vector.shape_cast %reduce_sum3A_227 : vector<512xf32> to vector<512x1xf32>
    %mul3A_229 = arith.mulf %broadcast_in_dim3A_228, %select_n3A_212 : vector<512x1xf32>
    %sub3A_230 = arith.subf %broadcast_in_dim3A_220, %mul3A_229 : vector<512x1xf32>
    %sub3A_231 = arith.constant 1.000000e+00 : f32
    %sub3A_232 = vector.broadcast %sub3A_231 : f32 to vector<512x1xf32>
    %sub3A_233 = arith.subf %sub3A_230, %sub3A_232 : vector<512x1xf32>
    %gt3A_234 = arith.constant 0.000000e+00 : f32
    %gt3A_235 = vector.broadcast %gt3A_234 : f32 to vector<512x1xf32>
    %gt3A_236 = arith.cmpf ogt, %sub3A_233, %gt3A_235 : vector<512x1xf32>
    %select_n3A_237 = arith.select %gt3A_236, %select_n3A_212, %select_n3A_194 : vector<512x1xi1>, vector<512x1xf32>
    %select_n3A_238 = arith.select %gt3A_236, %select_n3A_195, %select_n3A_212 : vector<512x1xi1>, vector<512x1xf32>
    %max3A_239 = arith.constant 1.000000e+00 : f32
    %max3A_240 = vector.broadcast %max3A_239 : f32 to vector<512x1xf32>
    %max3A_241 = arith.maximumf %broadcast_in_dim3A_228, %max3A_240 : vector<512x1xf32>
    %div3A_242 = arith.divf %sub3A_233, %max3A_241 : vector<512x1xf32>
    %add3A_243 = arith.addf %select_n3A_212, %div3A_242 : vector<512x1xf32>
    %add3A_244 = arith.addf %select_n3A_237, %select_n3A_238 : vector<512x1xf32>
    %mul3A_245 = arith.constant 5.000000e-01 : f32
    %mul3A_246 = vector.broadcast %mul3A_245 : f32 to vector<512x1xf32>
    %mul3A_247 = arith.mulf %mul3A_246, %add3A_244 : vector<512x1xf32>
    %gt3A_248 = arith.cmpf ogt, %add3A_243, %select_n3A_237 : vector<512x1xf32>
    %lt3A_249 = arith.cmpf olt, %add3A_243, %select_n3A_238 : vector<512x1xf32>
    %and3A_250 = arith.andi %gt3A_248, %lt3A_249 : vector<512x1xi1>
    %eq3A_251 = arith.constant 0.000000e+00 : f32
    %eq3A_252 = vector.broadcast %eq3A_251 : f32 to vector<512x1xf32>
    %eq3A_253 = arith.cmpf oeq, %sub3A_233, %eq3A_252 : vector<512x1xf32>
    %select_n3A_254 = arith.select %and3A_250, %add3A_243, %mul3A_247 : vector<512x1xi1>, vector<512x1xf32>
    %select_n3A_255 = arith.select %eq3A_253, %select_n3A_212, %select_n3A_254 : vector<512x1xi1>, vector<512x1xf32>
    %sub3A_256 = vector.broadcast %select_n3A_255 : vector<512x1xf32> to vector<512x1024xf32>
    %sub3A_257 = arith.subf %get3A_1, %sub3A_256 : vector<512x1024xf32>
    %max3A_258 = arith.constant 0.000000e+00 : f32
    %max3A_259 = vector.broadcast %max3A_258 : f32 to vector<512x1024xf32>
    %max3A_260 = arith.maximumf %sub3A_257, %max3A_259 : vector<512x1024xf32>
    %get3A_261 = arith.constant 0 : index
    %get3A_262 = arith.constant 0 : index
    %get3A_263 = vector.load %arg2[%get3A_261, %get3A_262] : memref<1024x128xf32, #tpu.memory_space<vmem>>, vector<1024x128xf32>
    %dot_general3A = arith.constant dense<0.000000e+00> : vector<512x128xf32>
    %dot_general3A_264 = tpu.matmul %max3A_260, %get3A_263, %dot_general3A {dimension_numbers = #tpu.dot_dimension_numbers<[1], [0], [0], [1], [0, 0, 1, 1], [], []>, transpose_lhs_hint = false} : vector<512x1024xf32>, vector<1024x128xf32>, vector<512x128xf32> -> vector<512x128xf32>
    %swap3A = arith.constant 0 : index
    %swap3A_265 = arith.constant 0 : index
    %swap3A_266 = vector.load %arg3[%swap3A, %swap3A_265] : memref<512x128xf32, #tpu.memory_space<vmem>>, vector<512x128xf32>
    tpu.vector_store %arg3[%swap3A, %swap3A_265], %dot_general3A_264 {strides = array<i32>} : memref<512x128xf32, #tpu.memory_space<vmem>>, vector<512x128xf32>,
    return
  }
  func.func @transform_0(%arg0: i32) -> (i32, i32) {
    %c0_i32 = arith.constant 0 : i32
    %c0_i32_0 = arith.constant 0 : i32
    return %arg0, %c0_i32 : i32, i32
  }
  func.func @transform_1(%arg0: i32) -> (i32, i32) {
    %c0_i32 = arith.constant 0 : i32
    %c0_i32_0 = arith.constant 0 : i32
    %c0_i32_1 = arith.constant 0 : i32
    return %c0_i32, %c0_i32_0 : i32, i32
  }
  func.func @transform_2(%arg0: i32) -> (i32, i32) {
    %add3A = arith.constant 0 : i32
    %add3A_0 = arith.addi %add3A, %arg0 : i32
    %c0_i32 = arith.constant 0 : i32
    %c0_i32_1 = arith.constant 0 : i32
    return %add3A_0, %c0_i32 : i32, i32
  }
}

module attributes {stable_mosaic.version = 14 : i64} {
  func.func @_main_body_carry(%arg0: i32, %arg1: memref<512x1024xf32, #tpu.memory_space<vmem>>, %arg2: memref<1024x128xf32, #tpu.memory_space<vmem>>, %arg3: memref<16384x128xf32, #tpu.memory_space<hbm>>, %arg4: memref<512x128xf32, #tpu.memory_space<vmem>>) attributes {dimension_semantics = [#tpu.dimension_semantics<arbitrary>], iteration_bounds = array<i64: 10>, scalar_prefetch = 0 : i64, scratch_operands = 0 : i64, tpu.core_type = #tpu.core_type<tc>, window_params = [{transform_indices = @transform_0, window_bounds = array<i64: 512, 1024>}, {pipeline_mode = #tpu.pipeline_mode<synchronous>, transform_indices = @transform_1, window_bounds = array<i64: 1024, 128>}, {}, {transform_indices = @transform_3, window_bounds = array<i64: 512, 128>}]} {
    %get3A = arith.constant 0 : index
    %get3A_0 = arith.constant 0 : index
    %get3A_1 = vector.load %arg1[%get3A, %get3A_0] : memref<512x1024xf32, #tpu.memory_space<vmem>>, vector<512x1024xf32>
    %reduce_max3A = arith.constant dense<0xFF800000> : vector<512xf32>
    %reduce_max3A_2 = vector.multi_reduction <maximumf>, %get3A_1, %reduce_max3A [1] : vector<512x1024xf32> to vector<512xf32>
    %broadcast_in_dim3A = vector.shape_cast %reduce_max3A_2 : vector<512xf32> to vector<512x1xf32>
    %sub3A = arith.constant 1.000000e+00 : f32
    %sub3A_3 = vector.broadcast %sub3A : f32 to vector<512x1xf32>
    %sub3A_4 = arith.subf %broadcast_in_dim3A, %sub3A_3 : vector<512x1xf32>
    %convert_element_type3A = arith.truncf %get3A_1 : vector<512x1024xf32> to vector<512x1024xbf16>
    %convert_element_type3A_5 = arith.truncf %sub3A_4 : vector<512x1xf32> to vector<512x1xbf16>
    %gt3A = vector.broadcast %convert_element_type3A_5 : vector<512x1xbf16> to vector<512x1024xbf16>
    %gt3A_6 = arith.cmpf ogt, %convert_element_type3A, %gt3A : vector<512x1024xbf16>
    %jit3A = arith.constant 0.000000e+00 : bf16
    %broadcast_in_dim3A_7 = vector.broadcast %jit3A : bf16 to vector<512x1024xbf16>
    %select_n3A = arith.select %gt3A_6, %convert_element_type3A, %broadcast_in_dim3A_7 : vector<512x1024xi1>, vector<512x1024xbf16>
    %reduce_sum3A = arith.constant dense<0.000000e+00> : vector<512xbf16>
    %reduce_sum3A_8 = vector.multi_reduction <add>, %select_n3A, %reduce_sum3A [1] : vector<512x1024xbf16> to vector<512xbf16>
    %broadcast_in_dim3A_9 = vector.shape_cast %reduce_sum3A_8 : vector<512xbf16> to vector<512x1xbf16>
    %convert_element_type3A_10 = arith.extf %broadcast_in_dim3A_9 : vector<512x1xbf16> to vector<512x1xf32>
    %jit3A_11 = arith.constant 1.000000e+00 : bf16
    %jit3A_12 = arith.constant 0.000000e+00 : bf16
    %broadcast_in_dim3A_13 = vector.broadcast %jit3A_11 : bf16 to vector<512x1024xbf16>
    %broadcast_in_dim3A_14 = vector.broadcast %jit3A_12 : bf16 to vector<512x1024xbf16>
    %select_n3A_15 = arith.select %gt3A_6, %broadcast_in_dim3A_13, %broadcast_in_dim3A_14 : vector<512x1024xi1>, vector<512x1024xbf16>
    %reduce_sum3A_16 = arith.constant dense<0.000000e+00> : vector<512xbf16>
    %reduce_sum3A_17 = vector.multi_reduction <add>, %select_n3A_15, %reduce_sum3A_16 [1] : vector<512x1024xbf16> to vector<512xbf16>
    %broadcast_in_dim3A_18 = vector.shape_cast %reduce_sum3A_17 : vector<512xbf16> to vector<512x1xbf16>
    %convert_element_type3A_19 = arith.extf %broadcast_in_dim3A_18 : vector<512x1xbf16> to vector<512x1xf32>
    %mul3A = arith.mulf %convert_element_type3A_19, %sub3A_4 : vector<512x1xf32>
    %sub3A_20 = arith.subf %convert_element_type3A_10, %mul3A : vector<512x1xf32>
    %sub3A_21 = arith.constant 1.000000e+00 : f32
    %sub3A_22 = vector.broadcast %sub3A_21 : f32 to vector<512x1xf32>
    %sub3A_23 = arith.subf %sub3A_20, %sub3A_22 : vector<512x1xf32>
    %gt3A_24 = arith.constant 0.000000e+00 : f32
    %gt3A_25 = vector.broadcast %gt3A_24 : f32 to vector<512x1xf32>
    %gt3A_26 = arith.cmpf ogt, %sub3A_23, %gt3A_25 : vector<512x1xf32>
    %select_n3A_27 = arith.select %gt3A_26, %sub3A_4, %sub3A_4 : vector<512x1xi1>, vector<512x1xf32>
    %select_n3A_28 = arith.select %gt3A_26, %broadcast_in_dim3A, %sub3A_4 : vector<512x1xi1>, vector<512x1xf32>
    %max3A = arith.constant 1.000000e+00 : f32
    %max3A_29 = vector.broadcast %max3A : f32 to vector<512x1xf32>
    %max3A_30 = arith.maximumf %convert_element_type3A_19, %max3A_29 : vector<512x1xf32>
    %div3A = arith.divf %sub3A_23, %max3A_30 : vector<512x1xf32>
    %add3A = arith.addf %sub3A_4, %div3A : vector<512x1xf32>
    %add3A_31 = arith.addf %select_n3A_27, %select_n3A_28 : vector<512x1xf32>
    %mul3A_32 = arith.constant 5.000000e-01 : f32
    %mul3A_33 = vector.broadcast %mul3A_32 : f32 to vector<512x1xf32>
    %mul3A_34 = arith.mulf %mul3A_33, %add3A_31 : vector<512x1xf32>
    %gt3A_35 = arith.cmpf ogt, %add3A, %select_n3A_27 : vector<512x1xf32>
    %lt3A = arith.cmpf olt, %add3A, %select_n3A_28 : vector<512x1xf32>
    %and3A = arith.andi %gt3A_35, %lt3A : vector<512x1xi1>
    %select_n3A_36 = arith.select %and3A, %add3A, %mul3A_34 : vector<512x1xi1>, vector<512x1xf32>
    %convert_element_type3A_37 = arith.truncf %select_n3A_36 : vector<512x1xf32> to vector<512x1xbf16>
    %gt3A_38 = vector.broadcast %convert_element_type3A_37 : vector<512x1xbf16> to vector<512x1024xbf16>
    %gt3A_39 = arith.cmpf ogt, %convert_element_type3A, %gt3A_38 : vector<512x1024xbf16>
    %jit3A_40 = arith.constant 0.000000e+00 : bf16
    %broadcast_in_dim3A_41 = vector.broadcast %jit3A_40 : bf16 to vector<512x1024xbf16>
    %select_n3A_42 = arith.select %gt3A_39, %convert_element_type3A, %broadcast_in_dim3A_41 : vector<512x1024xi1>, vector<512x1024xbf16>
    %reduce_sum3A_43 = arith.constant dense<0.000000e+00> : vector<512xbf16>
    %reduce_sum3A_44 = vector.multi_reduction <add>, %select_n3A_42, %reduce_sum3A_43 [1] : vector<512x1024xbf16> to vector<512xbf16>
    %broadcast_in_dim3A_45 = vector.shape_cast %reduce_sum3A_44 : vector<512xbf16> to vector<512x1xbf16>
    %convert_element_type3A_46 = arith.extf %broadcast_in_dim3A_45 : vector<512x1xbf16> to vector<512x1xf32>
    %jit3A_47 = arith.constant 1.000000e+00 : bf16
    %jit3A_48 = arith.constant 0.000000e+00 : bf16
    %broadcast_in_dim3A_49 = vector.broadcast %jit3A_47 : bf16 to vector<512x1024xbf16>
    %broadcast_in_dim3A_50 = vector.broadcast %jit3A_48 : bf16 to vector<512x1024xbf16>
    %select_n3A_51 = arith.select %gt3A_39, %broadcast_in_dim3A_49, %broadcast_in_dim3A_50 : vector<512x1024xi1>, vector<512x1024xbf16>
    %reduce_sum3A_52 = arith.constant dense<0.000000e+00> : vector<512xbf16>
    %reduce_sum3A_53 = vector.multi_reduction <add>, %select_n3A_51, %reduce_sum3A_52 [1] : vector<512x1024xbf16> to vector<512xbf16>
    %broadcast_in_dim3A_54 = vector.shape_cast %reduce_sum3A_53 : vector<512xbf16> to vector<512x1xbf16>
    %convert_element_type3A_55 = arith.extf %broadcast_in_dim3A_54 : vector<512x1xbf16> to vector<512x1xf32>
    %mul3A_56 = arith.mulf %convert_element_type3A_55, %select_n3A_36 : vector<512x1xf32>
    %sub3A_57 = arith.subf %convert_element_type3A_46, %mul3A_56 : vector<512x1xf32>
    %sub3A_58 = arith.constant 1.000000e+00 : f32
    %sub3A_59 = vector.broadcast %sub3A_58 : f32 to vector<512x1xf32>
    %sub3A_60 = arith.subf %sub3A_57, %sub3A_59 : vector<512x1xf32>
    %gt3A_61 = arith.constant 0.000000e+00 : f32
    %gt3A_62 = vector.broadcast %gt3A_61 : f32 to vector<512x1xf32>
    %gt3A_63 = arith.cmpf ogt, %sub3A_60, %gt3A_62 : vector<512x1xf32>
    %select_n3A_64 = arith.select %gt3A_63, %select_n3A_36, %select_n3A_27 : vector<512x1xi1>, vector<512x1xf32>
    %select_n3A_65 = arith.select %gt3A_63, %select_n3A_28, %select_n3A_36 : vector<512x1xi1>, vector<512x1xf32>
    %max3A_66 = arith.constant 1.000000e+00 : f32
    %max3A_67 = vector.broadcast %max3A_66 : f32 to vector<512x1xf32>
    %max3A_68 = arith.maximumf %convert_element_type3A_55, %max3A_67 : vector<512x1xf32>
    %div3A_69 = arith.divf %sub3A_60, %max3A_68 : vector<512x1xf32>
    %add3A_70 = arith.addf %select_n3A_36, %div3A_69 : vector<512x1xf32>
    %add3A_71 = arith.addf %select_n3A_64, %select_n3A_65 : vector<512x1xf32>
    %mul3A_72 = arith.constant 5.000000e-01 : f32
    %mul3A_73 = vector.broadcast %mul3A_72 : f32 to vector<512x1xf32>
    %mul3A_74 = arith.mulf %mul3A_73, %add3A_71 : vector<512x1xf32>
    %gt3A_75 = arith.cmpf ogt, %add3A_70, %select_n3A_64 : vector<512x1xf32>
    %lt3A_76 = arith.cmpf olt, %add3A_70, %select_n3A_65 : vector<512x1xf32>
    %and3A_77 = arith.andi %gt3A_75, %lt3A_76 : vector<512x1xi1>
    %select_n3A_78 = arith.select %and3A_77, %add3A_70, %mul3A_74 : vector<512x1xi1>, vector<512x1xf32>
    %convert_element_type3A_79 = arith.truncf %select_n3A_78 : vector<512x1xf32> to vector<512x1xbf16>
    %gt3A_80 = vector.broadcast %convert_element_type3A_79 : vector<512x1xbf16> to vector<512x1024xbf16>
    %gt3A_81 = arith.cmpf ogt, %convert_element_type3A, %gt3A_80 : vector<512x1024xbf16>
    %jit3A_82 = arith.constant 0.000000e+00 : bf16
    %broadcast_in_dim3A_83 = vector.broadcast %jit3A_82 : bf16 to vector<512x1024xbf16>
    %select_n3A_84 = arith.select %gt3A_81, %convert_element_type3A, %broadcast_in_dim3A_83 : vector<512x1024xi1>, vector<512x1024xbf16>
    %reduce_sum3A_85 = arith.constant dense<0.000000e+00> : vector<512xbf16>
    %reduce_sum3A_86 = vector.multi_reduction <add>, %select_n3A_84, %reduce_sum3A_85 [1] : vector<512x1024xbf16> to vector<512xbf16>
    %broadcast_in_dim3A_87 = vector.shape_cast %reduce_sum3A_86 : vector<512xbf16> to vector<512x1xbf16>
    %convert_element_type3A_88 = arith.extf %broadcast_in_dim3A_87 : vector<512x1xbf16> to vector<512x1xf32>
    %jit3A_89 = arith.constant 1.000000e+00 : bf16
    %jit3A_90 = arith.constant 0.000000e+00 : bf16
    %broadcast_in_dim3A_91 = vector.broadcast %jit3A_89 : bf16 to vector<512x1024xbf16>
    %broadcast_in_dim3A_92 = vector.broadcast %jit3A_90 : bf16 to vector<512x1024xbf16>
    %select_n3A_93 = arith.select %gt3A_81, %broadcast_in_dim3A_91, %broadcast_in_dim3A_92 : vector<512x1024xi1>, vector<512x1024xbf16>
    %reduce_sum3A_94 = arith.constant dense<0.000000e+00> : vector<512xbf16>
    %reduce_sum3A_95 = vector.multi_reduction <add>, %select_n3A_93, %reduce_sum3A_94 [1] : vector<512x1024xbf16> to vector<512xbf16>
    %broadcast_in_dim3A_96 = vector.shape_cast %reduce_sum3A_95 : vector<512xbf16> to vector<512x1xbf16>
    %convert_element_type3A_97 = arith.extf %broadcast_in_dim3A_96 : vector<512x1xbf16> to vector<512x1xf32>
    %mul3A_98 = arith.mulf %convert_element_type3A_97, %select_n3A_78 : vector<512x1xf32>
    %sub3A_99 = arith.subf %convert_element_type3A_88, %mul3A_98 : vector<512x1xf32>
    %sub3A_100 = arith.constant 1.000000e+00 : f32
    %sub3A_101 = vector.broadcast %sub3A_100 : f32 to vector<512x1xf32>
    %sub3A_102 = arith.subf %sub3A_99, %sub3A_101 : vector<512x1xf32>
    %gt3A_103 = arith.constant 0.000000e+00 : f32
    %gt3A_104 = vector.broadcast %gt3A_103 : f32 to vector<512x1xf32>
    %gt3A_105 = arith.cmpf ogt, %sub3A_102, %gt3A_104 : vector<512x1xf32>
    %select_n3A_106 = arith.select %gt3A_105, %select_n3A_78, %select_n3A_64 : vector<512x1xi1>, vector<512x1xf32>
    %select_n3A_107 = arith.select %gt3A_105, %select_n3A_65, %select_n3A_78 : vector<512x1xi1>, vector<512x1xf32>
    %max3A_108 = arith.constant 1.000000e+00 : f32
    %max3A_109 = vector.broadcast %max3A_108 : f32 to vector<512x1xf32>
    %max3A_110 = arith.maximumf %convert_element_type3A_97, %max3A_109 : vector<512x1xf32>
    %div3A_111 = arith.divf %sub3A_102, %max3A_110 : vector<512x1xf32>
    %add3A_112 = arith.addf %select_n3A_78, %div3A_111 : vector<512x1xf32>
    %add3A_113 = arith.addf %select_n3A_106, %select_n3A_107 : vector<512x1xf32>
    %mul3A_114 = arith.constant 5.000000e-01 : f32
    %mul3A_115 = vector.broadcast %mul3A_114 : f32 to vector<512x1xf32>
    %mul3A_116 = arith.mulf %mul3A_115, %add3A_113 : vector<512x1xf32>
    %gt3A_117 = arith.cmpf ogt, %add3A_112, %select_n3A_106 : vector<512x1xf32>
    %lt3A_118 = arith.cmpf olt, %add3A_112, %select_n3A_107 : vector<512x1xf32>
    %and3A_119 = arith.andi %gt3A_117, %lt3A_118 : vector<512x1xi1>
    %select_n3A_120 = arith.select %and3A_119, %add3A_112, %mul3A_116 : vector<512x1xi1>, vector<512x1xf32>
    %sub3A_121 = arith.constant 1.000000e+00 : f32
    %sub3A_122 = vector.broadcast %sub3A_121 : f32 to vector<512x1xf32>
    %sub3A_123 = arith.subf %broadcast_in_dim3A, %sub3A_122 : vector<512x1xf32>
    %sub3A_124 = arith.constant 6.000000e-02 : f32
    %sub3A_125 = vector.broadcast %sub3A_124 : f32 to vector<512x1xf32>
    %sub3A_126 = arith.subf %select_n3A_120, %sub3A_125 : vector<512x1xf32>
    %max3A_127 = arith.maximumf %sub3A_126, %sub3A_123 : vector<512x1xf32>
    %gt3A_128 = vector.broadcast %max3A_127 : vector<512x1xf32> to vector<512x1024xf32>
    %gt3A_129 = arith.cmpf ogt, %get3A_1, %gt3A_128 : vector<512x1024xf32>
    %jit3A_130 = arith.constant 0.000000e+00 : f32
    %broadcast_in_dim3A_131 = vector.broadcast %jit3A_130 : f32 to vector<512x1024xf32>
    %select_n3A_132 = arith.select %gt3A_129, %get3A_1, %broadcast_in_dim3A_131 : vector<512x1024xi1>, vector<512x1024xf32>
    %reduce_sum3A_133 = arith.constant dense<0.000000e+00> : vector<512xf32>
    %reduce_sum3A_134 = vector.multi_reduction <add>, %select_n3A_132, %reduce_sum3A_133 [1] : vector<512x1024xf32> to vector<512xf32>
    %broadcast_in_dim3A_135 = vector.shape_cast %reduce_sum3A_134 : vector<512xf32> to vector<512x1xf32>
    %jit3A_136 = arith.constant 1.000000e+00 : f32
    %jit3A_137 = arith.constant 0.000000e+00 : f32
    %broadcast_in_dim3A_138 = vector.broadcast %jit3A_136 : f32 to vector<512x1024xf32>
    %broadcast_in_dim3A_139 = vector.broadcast %jit3A_137 : f32 to vector<512x1024xf32>
    %select_n3A_140 = arith.select %gt3A_129, %broadcast_in_dim3A_138, %broadcast_in_dim3A_139 : vector<512x1024xi1>, vector<512x1024xf32>
    %reduce_sum3A_141 = arith.constant dense<0.000000e+00> : vector<512xf32>
    %reduce_sum3A_142 = vector.multi_reduction <add>, %select_n3A_140, %reduce_sum3A_141 [1] : vector<512x1024xf32> to vector<512xf32>
    %broadcast_in_dim3A_143 = vector.shape_cast %reduce_sum3A_142 : vector<512xf32> to vector<512x1xf32>
    %mul3A_144 = arith.mulf %broadcast_in_dim3A_143, %max3A_127 : vector<512x1xf32>
    %sub3A_145 = arith.subf %broadcast_in_dim3A_135, %mul3A_144 : vector<512x1xf32>
    %sub3A_146 = arith.constant 1.000000e+00 : f32
    %sub3A_147 = vector.broadcast %sub3A_146 : f32 to vector<512x1xf32>
    %sub3A_148 = arith.subf %sub3A_145, %sub3A_147 : vector<512x1xf32>
    %gt3A_149 = arith.constant 0.000000e+00 : f32
    %gt3A_150 = vector.broadcast %gt3A_149 : f32 to vector<512x1xf32>
    %gt3A_151 = arith.cmpf ogt, %sub3A_148, %gt3A_150 : vector<512x1xf32>
    %select_n3A_152 = arith.select %gt3A_151, %max3A_127, %sub3A_123 : vector<512x1xi1>, vector<512x1xf32>
    %select_n3A_153 = arith.select %gt3A_151, %broadcast_in_dim3A, %max3A_127 : vector<512x1xi1>, vector<512x1xf32>
    %max3A_154 = arith.constant 1.000000e+00 : f32
    %max3A_155 = vector.broadcast %max3A_154 : f32 to vector<512x1xf32>
    %max3A_156 = arith.maximumf %broadcast_in_dim3A_143, %max3A_155 : vector<512x1xf32>
    %div3A_157 = arith.divf %sub3A_148, %max3A_156 : vector<512x1xf32>
    %add3A_158 = arith.addf %max3A_127, %div3A_157 : vector<512x1xf32>
    %add3A_159 = arith.addf %select_n3A_152, %select_n3A_153 : vector<512x1xf32>
    %mul3A_160 = arith.constant 5.000000e-01 : f32
    %mul3A_161 = vector.broadcast %mul3A_160 : f32 to vector<512x1xf32>
    %mul3A_162 = arith.mulf %mul3A_161, %add3A_159 : vector<512x1xf32>
    %gt3A_163 = arith.cmpf ogt, %add3A_158, %select_n3A_152 : vector<512x1xf32>
    %lt3A_164 = arith.cmpf olt, %add3A_158, %select_n3A_153 : vector<512x1xf32>
    %and3A_165 = arith.andi %gt3A_163, %lt3A_164 : vector<512x1xi1>
    %eq3A = arith.constant 0.000000e+00 : f32
    %eq3A_166 = vector.broadcast %eq3A : f32 to vector<512x1xf32>
    %eq3A_167 = arith.cmpf oeq, %sub3A_148, %eq3A_166 : vector<512x1xf32>
    %select_n3A_168 = arith.select %and3A_165, %add3A_158, %mul3A_162 : vector<512x1xi1>, vector<512x1xf32>
    %select_n3A_169 = arith.select %eq3A_167, %max3A_127, %select_n3A_168 : vector<512x1xi1>, vector<512x1xf32>
    %gt3A_170 = vector.broadcast %select_n3A_169 : vector<512x1xf32> to vector<512x1024xf32>
    %gt3A_171 = arith.cmpf ogt, %get3A_1, %gt3A_170 : vector<512x1024xf32>
    %jit3A_172 = arith.constant 0.000000e+00 : f32
    %broadcast_in_dim3A_173 = vector.broadcast %jit3A_172 : f32 to vector<512x1024xf32>
    %select_n3A_174 = arith.select %gt3A_171, %get3A_1, %broadcast_in_dim3A_173 : vector<512x1024xi1>, vector<512x1024xf32>
    %reduce_sum3A_175 = arith.constant dense<0.000000e+00> : vector<512xf32>
    %reduce_sum3A_176 = vector.multi_reduction <add>, %select_n3A_174, %reduce_sum3A_175 [1] : vector<512x1024xf32> to vector<512xf32>
    %broadcast_in_dim3A_177 = vector.shape_cast %reduce_sum3A_176 : vector<512xf32> to vector<512x1xf32>
    %jit3A_178 = arith.constant 1.000000e+00 : f32
    %jit3A_179 = arith.constant 0.000000e+00 : f32
    %broadcast_in_dim3A_180 = vector.broadcast %jit3A_178 : f32 to vector<512x1024xf32>
    %broadcast_in_dim3A_181 = vector.broadcast %jit3A_179 : f32 to vector<512x1024xf32>
    %select_n3A_182 = arith.select %gt3A_171, %broadcast_in_dim3A_180, %broadcast_in_dim3A_181 : vector<512x1024xi1>, vector<512x1024xf32>
    %reduce_sum3A_183 = arith.constant dense<0.000000e+00> : vector<512xf32>
    %reduce_sum3A_184 = vector.multi_reduction <add>, %select_n3A_182, %reduce_sum3A_183 [1] : vector<512x1024xf32> to vector<512xf32>
    %broadcast_in_dim3A_185 = vector.shape_cast %reduce_sum3A_184 : vector<512xf32> to vector<512x1xf32>
    %mul3A_186 = arith.mulf %broadcast_in_dim3A_185, %select_n3A_169 : vector<512x1xf32>
    %sub3A_187 = arith.subf %broadcast_in_dim3A_177, %mul3A_186 : vector<512x1xf32>
    %sub3A_188 = arith.constant 1.000000e+00 : f32
    %sub3A_189 = vector.broadcast %sub3A_188 : f32 to vector<512x1xf32>
    %sub3A_190 = arith.subf %sub3A_187, %sub3A_189 : vector<512x1xf32>
    %gt3A_191 = arith.constant 0.000000e+00 : f32
    %gt3A_192 = vector.broadcast %gt3A_191 : f32 to vector<512x1xf32>
    %gt3A_193 = arith.cmpf ogt, %sub3A_190, %gt3A_192 : vector<512x1xf32>
    %select_n3A_194 = arith.select %gt3A_193, %select_n3A_169, %select_n3A_152 : vector<512x1xi1>, vector<512x1xf32>
    %select_n3A_195 = arith.select %gt3A_193, %select_n3A_153, %select_n3A_169 : vector<512x1xi1>, vector<512x1xf32>
    %max3A_196 = arith.constant 1.000000e+00 : f32
    %max3A_197 = vector.broadcast %max3A_196 : f32 to vector<512x1xf32>
    %max3A_198 = arith.maximumf %broadcast_in_dim3A_185, %max3A_197 : vector<512x1xf32>
    %div3A_199 = arith.divf %sub3A_190, %max3A_198 : vector<512x1xf32>
    %add3A_200 = arith.addf %select_n3A_169, %div3A_199 : vector<512x1xf32>
    %add3A_201 = arith.addf %select_n3A_194, %select_n3A_195 : vector<512x1xf32>
    %mul3A_202 = arith.constant 5.000000e-01 : f32
    %mul3A_203 = vector.broadcast %mul3A_202 : f32 to vector<512x1xf32>
    %mul3A_204 = arith.mulf %mul3A_203, %add3A_201 : vector<512x1xf32>
    %gt3A_205 = arith.cmpf ogt, %add3A_200, %select_n3A_194 : vector<512x1xf32>
    %lt3A_206 = arith.cmpf olt, %add3A_200, %select_n3A_195 : vector<512x1xf32>
    %and3A_207 = arith.andi %gt3A_205, %lt3A_206 : vector<512x1xi1>
    %eq3A_208 = arith.constant 0.000000e+00 : f32
    %eq3A_209 = vector.broadcast %eq3A_208 : f32 to vector<512x1xf32>
    %eq3A_210 = arith.cmpf oeq, %sub3A_190, %eq3A_209 : vector<512x1xf32>
    %select_n3A_211 = arith.select %and3A_207, %add3A_200, %mul3A_204 : vector<512x1xi1>, vector<512x1xf32>
    %select_n3A_212 = arith.select %eq3A_210, %select_n3A_169, %select_n3A_211 : vector<512x1xi1>, vector<512x1xf32>
    %gt3A_213 = vector.broadcast %select_n3A_212 : vector<512x1xf32> to vector<512x1024xf32>
    %gt3A_214 = arith.cmpf ogt, %get3A_1, %gt3A_213 : vector<512x1024xf32>
    %jit3A_215 = arith.constant 0.000000e+00 : f32
    %broadcast_in_dim3A_216 = vector.broadcast %jit3A_215 : f32 to vector<512x1024xf32>
    %select_n3A_217 = arith.select %gt3A_214, %get3A_1, %broadcast_in_dim3A_216 : vector<512x1024xi1>, vector<512x1024xf32>
    %reduce_sum3A_218 = arith.constant dense<0.000000e+00> : vector<512xf32>
    %reduce_sum3A_219 = vector.multi_reduction <add>, %select_n3A_217, %reduce_sum3A_218 [1] : vector<512x1024xf32> to vector<512xf32>
    %broadcast_in_dim3A_220 = vector.shape_cast %reduce_sum3A_219 : vector<512xf32> to vector<512x1xf32>
    %jit3A_221 = arith.constant 1.000000e+00 : f32
    %jit3A_222 = arith.constant 0.000000e+00 : f32
    %broadcast_in_dim3A_223 = vector.broadcast %jit3A_221 : f32 to vector<512x1024xf32>
    %broadcast_in_dim3A_224 = vector.broadcast %jit3A_222 : f32 to vector<512x1024xf32>
    %select_n3A_225 = arith.select %gt3A_214, %broadcast_in_dim3A_223, %broadcast_in_dim3A_224 : vector<512x1024xi1>, vector<512x1024xf32>
    %reduce_sum3A_226 = arith.constant dense<0.000000e+00> : vector<512xf32>
    %reduce_sum3A_227 = vector.multi_reduction <add>, %select_n3A_225, %reduce_sum3A_226 [1] : vector<512x1024xf32> to vector<512xf32>
    %broadcast_in_dim3A_228 = vector.shape_cast %reduce_sum3A_227 : vector<512xf32> to vector<512x1xf32>
    %mul3A_229 = arith.mulf %broadcast_in_dim3A_228, %select_n3A_212 : vector<512x1xf32>
    %sub3A_230 = arith.subf %broadcast_in_dim3A_220, %mul3A_229 : vector<512x1xf32>
    %sub3A_231 = arith.constant 1.000000e+00 : f32
    %sub3A_232 = vector.broadcast %sub3A_231 : f32 to vector<512x1xf32>
    %sub3A_233 = arith.subf %sub3A_230, %sub3A_232 : vector<512x1xf32>
    %gt3A_234 = arith.constant 0.000000e+00 : f32
    %gt3A_235 = vector.broadcast %gt3A_234 : f32 to vector<512x1xf32>
    %gt3A_236 = arith.cmpf ogt, %sub3A_233, %gt3A_235 : vector<512x1xf32>
    %select_n3A_237 = arith.select %gt3A_236, %select_n3A_212, %select_n3A_194 : vector<512x1xi1>, vector<512x1xf32>
    %select_n3A_238 = arith.select %gt3A_236, %select_n3A_195, %select_n3A_212 : vector<512x1xi1>, vector<512x1xf32>
    %max3A_239 = arith.constant 1.000000e+00 : f32
    %max3A_240 = vector.broadcast %max3A_239 : f32 to vector<512x1xf32>
    %max3A_241 = arith.maximumf %broadcast_in_dim3A_228, %max3A_240 : vector<512x1xf32>
    %div3A_242 = arith.divf %sub3A_233, %max3A_241 : vector<512x1xf32>
    %add3A_243 = arith.addf %select_n3A_212, %div3A_242 : vector<512x1xf32>
    %add3A_244 = arith.addf %select_n3A_237, %select_n3A_238 : vector<512x1xf32>
    %mul3A_245 = arith.constant 5.000000e-01 : f32
    %mul3A_246 = vector.broadcast %mul3A_245 : f32 to vector<512x1xf32>
    %mul3A_247 = arith.mulf %mul3A_246, %add3A_244 : vector<512x1xf32>
    %gt3A_248 = arith.cmpf ogt, %add3A_243, %select_n3A_237 : vector<512x1xf32>
    %lt3A_249 = arith.cmpf olt, %add3A_243, %select_n3A_238 : vector<512x1xf32>
    %and3A_250 = arith.andi %gt3A_248, %lt3A_249 : vector<512x1xi1>
    %eq3A_251 = arith.constant 0.000000e+00 : f32
    %eq3A_252 = vector.broadcast %eq3A_251 : f32 to vector<512x1xf32>
    %eq3A_253 = arith.cmpf oeq, %sub3A_233, %eq3A_252 : vector<512x1xf32>
    %select_n3A_254 = arith.select %and3A_250, %add3A_243, %mul3A_247 : vector<512x1xi1>, vector<512x1xf32>
    %select_n3A_255 = arith.select %eq3A_253, %select_n3A_212, %select_n3A_254 : vector<512x1xi1>, vector<512x1xf32>
    %sub3A_256 = vector.broadcast %select_n3A_255 : vector<512x1xf32> to vector<512x1024xf32>
    %sub3A_257 = arith.subf %get3A_1, %sub3A_256 : vector<512x1024xf32>
    %max3A_258 = arith.constant 0.000000e+00 : f32
    %max3A_259 = vector.broadcast %max3A_258 : f32 to vector<512x1024xf32>
    %max3A_260 = arith.maximumf %sub3A_257, %max3A_259 : vector<512x1024xf32>
    %get3A_261 = arith.constant 0 : index
    %get3A_262 = arith.constant 0 : index
    %get3A_263 = vector.load %arg2[%get3A_261, %get3A_262] : memref<1024x128xf32, #tpu.memory_space<vmem>>, vector<1024x128xf32>
    %dot_general3A = arith.constant dense<0.000000e+00> : vector<512x128xf32>
    %dot_general3A_264 = tpu.matmul %max3A_260, %get3A_263, %dot_general3A {dimension_numbers = #tpu.dot_dimension_numbers<[1], [0], [0], [1], [0, 0, 1, 1], [], []>, transpose_lhs_hint = false} : vector<512x1024xf32>, vector<1024x128xf32>, vector<512x128xf32> -> vector<512x128xf32>
    %swap3A = arith.constant 0 : index
    %swap3A_265 = arith.constant 0 : index
    %swap3A_266 = vector.load %arg4[%swap3A, %swap3A_265] : memref<512x128xf32, #tpu.memory_space<vmem>>, vector<512x128xf32>
    tpu.vector_store %arg4[%swap3A, %swap3A_265], %dot_general3A_264 {strides = array<i32>} : memref<512x128xf32, #tpu.memory_space<vmem>>, vector<512x128xf32>,
    return
  }
  func.func @transform_0(%arg0: i32) -> (i32, i32) {
    %c0_i32 = arith.constant 0 : i32
    %c0_i32_0 = arith.constant 0 : i32
    return %arg0, %c0_i32 : i32, i32
  }
  func.func @transform_1(%arg0: i32) -> (i32, i32) {
    %c0_i32 = arith.constant 0 : i32
    %c0_i32_0 = arith.constant 0 : i32
    %c0_i32_1 = arith.constant 0 : i32
    return %c0_i32, %c0_i32_0 : i32, i32
  }
  func.func @transform_3(%arg0: i32) -> (i32, i32) {
    %add3A = arith.constant 12 : i32
    %add3A_0 = arith.addi %add3A, %arg0 : i32
    %c0_i32 = arith.constant 0 : i32
    %c0_i32_1 = arith.constant 0 : i32
    return %add3A_0, %c0_i32 : i32, i32
  }
}

module attributes {stable_mosaic.version = 14 : i64} {
  func.func @_main_body_carry(%arg0: i32, %arg1: memref<512x1024xf32, #tpu.memory_space<vmem>>, %arg2: memref<1024x128xf32, #tpu.memory_space<vmem>>, %arg3: memref<16384x128xf32, #tpu.memory_space<hbm>>, %arg4: memref<512x128xf32, #tpu.memory_space<vmem>>) attributes {dimension_semantics = [#tpu.dimension_semantics<arbitrary>], iteration_bounds = array<i64: 10>, scalar_prefetch = 0 : i64, scratch_operands = 0 : i64, tpu.core_type = #tpu.core_type<tc>, window_params = [{transform_indices = @transform_0, window_bounds = array<i64: 512, 1024>}, {pipeline_mode = #tpu.pipeline_mode<synchronous>, transform_indices = @transform_1, window_bounds = array<i64: 1024, 128>}, {}, {transform_indices = @transform_3, window_bounds = array<i64: 512, 128>}]} {
    %get3A = arith.constant 0 : index
    %get3A_0 = arith.constant 0 : index
    %get3A_1 = vector.load %arg1[%get3A, %get3A_0] : memref<512x1024xf32, #tpu.memory_space<vmem>>, vector<512x1024xf32>
    %reduce_max3A = arith.constant dense<0xFF800000> : vector<512xf32>
    %reduce_max3A_2 = vector.multi_reduction <maximumf>, %get3A_1, %reduce_max3A [1] : vector<512x1024xf32> to vector<512xf32>
    %broadcast_in_dim3A = vector.shape_cast %reduce_max3A_2 : vector<512xf32> to vector<512x1xf32>
    %sub3A = arith.constant 1.000000e+00 : f32
    %sub3A_3 = vector.broadcast %sub3A : f32 to vector<512x1xf32>
    %sub3A_4 = arith.subf %broadcast_in_dim3A, %sub3A_3 : vector<512x1xf32>
    %convert_element_type3A = arith.truncf %get3A_1 : vector<512x1024xf32> to vector<512x1024xbf16>
    %convert_element_type3A_5 = arith.truncf %sub3A_4 : vector<512x1xf32> to vector<512x1xbf16>
    %gt3A = vector.broadcast %convert_element_type3A_5 : vector<512x1xbf16> to vector<512x1024xbf16>
    %gt3A_6 = arith.cmpf ogt, %convert_element_type3A, %gt3A : vector<512x1024xbf16>
    %jit3A = arith.constant 0.000000e+00 : bf16
    %broadcast_in_dim3A_7 = vector.broadcast %jit3A : bf16 to vector<512x1024xbf16>
    %select_n3A = arith.select %gt3A_6, %convert_element_type3A, %broadcast_in_dim3A_7 : vector<512x1024xi1>, vector<512x1024xbf16>
    %reduce_sum3A = arith.constant dense<0.000000e+00> : vector<512xbf16>
    %reduce_sum3A_8 = vector.multi_reduction <add>, %select_n3A, %reduce_sum3A [1] : vector<512x1024xbf16> to vector<512xbf16>
    %broadcast_in_dim3A_9 = vector.shape_cast %reduce_sum3A_8 : vector<512xbf16> to vector<512x1xbf16>
    %convert_element_type3A_10 = arith.extf %broadcast_in_dim3A_9 : vector<512x1xbf16> to vector<512x1xf32>
    %jit3A_11 = arith.constant 1.000000e+00 : bf16
    %jit3A_12 = arith.constant 0.000000e+00 : bf16
    %broadcast_in_dim3A_13 = vector.broadcast %jit3A_11 : bf16 to vector<512x1024xbf16>
    %broadcast_in_dim3A_14 = vector.broadcast %jit3A_12 : bf16 to vector<512x1024xbf16>
    %select_n3A_15 = arith.select %gt3A_6, %broadcast_in_dim3A_13, %broadcast_in_dim3A_14 : vector<512x1024xi1>, vector<512x1024xbf16>
    %reduce_sum3A_16 = arith.constant dense<0.000000e+00> : vector<512xbf16>
    %reduce_sum3A_17 = vector.multi_reduction <add>, %select_n3A_15, %reduce_sum3A_16 [1] : vector<512x1024xbf16> to vector<512xbf16>
    %broadcast_in_dim3A_18 = vector.shape_cast %reduce_sum3A_17 : vector<512xbf16> to vector<512x1xbf16>
    %convert_element_type3A_19 = arith.extf %broadcast_in_dim3A_18 : vector<512x1xbf16> to vector<512x1xf32>
    %mul3A = arith.mulf %convert_element_type3A_19, %sub3A_4 : vector<512x1xf32>
    %sub3A_20 = arith.subf %convert_element_type3A_10, %mul3A : vector<512x1xf32>
    %sub3A_21 = arith.constant 1.000000e+00 : f32
    %sub3A_22 = vector.broadcast %sub3A_21 : f32 to vector<512x1xf32>
    %sub3A_23 = arith.subf %sub3A_20, %sub3A_22 : vector<512x1xf32>
    %gt3A_24 = arith.constant 0.000000e+00 : f32
    %gt3A_25 = vector.broadcast %gt3A_24 : f32 to vector<512x1xf32>
    %gt3A_26 = arith.cmpf ogt, %sub3A_23, %gt3A_25 : vector<512x1xf32>
    %select_n3A_27 = arith.select %gt3A_26, %sub3A_4, %sub3A_4 : vector<512x1xi1>, vector<512x1xf32>
    %select_n3A_28 = arith.select %gt3A_26, %broadcast_in_dim3A, %sub3A_4 : vector<512x1xi1>, vector<512x1xf32>
    %max3A = arith.constant 1.000000e+00 : f32
    %max3A_29 = vector.broadcast %max3A : f32 to vector<512x1xf32>
    %max3A_30 = arith.maximumf %convert_element_type3A_19, %max3A_29 : vector<512x1xf32>
    %div3A = arith.divf %sub3A_23, %max3A_30 : vector<512x1xf32>
    %add3A = arith.addf %sub3A_4, %div3A : vector<512x1xf32>
    %add3A_31 = arith.addf %select_n3A_27, %select_n3A_28 : vector<512x1xf32>
    %mul3A_32 = arith.constant 5.000000e-01 : f32
    %mul3A_33 = vector.broadcast %mul3A_32 : f32 to vector<512x1xf32>
    %mul3A_34 = arith.mulf %mul3A_33, %add3A_31 : vector<512x1xf32>
    %gt3A_35 = arith.cmpf ogt, %add3A, %select_n3A_27 : vector<512x1xf32>
    %lt3A = arith.cmpf olt, %add3A, %select_n3A_28 : vector<512x1xf32>
    %and3A = arith.andi %gt3A_35, %lt3A : vector<512x1xi1>
    %select_n3A_36 = arith.select %and3A, %add3A, %mul3A_34 : vector<512x1xi1>, vector<512x1xf32>
    %convert_element_type3A_37 = arith.truncf %select_n3A_36 : vector<512x1xf32> to vector<512x1xbf16>
    %gt3A_38 = vector.broadcast %convert_element_type3A_37 : vector<512x1xbf16> to vector<512x1024xbf16>
    %gt3A_39 = arith.cmpf ogt, %convert_element_type3A, %gt3A_38 : vector<512x1024xbf16>
    %jit3A_40 = arith.constant 0.000000e+00 : bf16
    %broadcast_in_dim3A_41 = vector.broadcast %jit3A_40 : bf16 to vector<512x1024xbf16>
    %select_n3A_42 = arith.select %gt3A_39, %convert_element_type3A, %broadcast_in_dim3A_41 : vector<512x1024xi1>, vector<512x1024xbf16>
    %reduce_sum3A_43 = arith.constant dense<0.000000e+00> : vector<512xbf16>
    %reduce_sum3A_44 = vector.multi_reduction <add>, %select_n3A_42, %reduce_sum3A_43 [1] : vector<512x1024xbf16> to vector<512xbf16>
    %broadcast_in_dim3A_45 = vector.shape_cast %reduce_sum3A_44 : vector<512xbf16> to vector<512x1xbf16>
    %convert_element_type3A_46 = arith.extf %broadcast_in_dim3A_45 : vector<512x1xbf16> to vector<512x1xf32>
    %jit3A_47 = arith.constant 1.000000e+00 : bf16
    %jit3A_48 = arith.constant 0.000000e+00 : bf16
    %broadcast_in_dim3A_49 = vector.broadcast %jit3A_47 : bf16 to vector<512x1024xbf16>
    %broadcast_in_dim3A_50 = vector.broadcast %jit3A_48 : bf16 to vector<512x1024xbf16>
    %select_n3A_51 = arith.select %gt3A_39, %broadcast_in_dim3A_49, %broadcast_in_dim3A_50 : vector<512x1024xi1>, vector<512x1024xbf16>
    %reduce_sum3A_52 = arith.constant dense<0.000000e+00> : vector<512xbf16>
    %reduce_sum3A_53 = vector.multi_reduction <add>, %select_n3A_51, %reduce_sum3A_52 [1] : vector<512x1024xbf16> to vector<512xbf16>
    %broadcast_in_dim3A_54 = vector.shape_cast %reduce_sum3A_53 : vector<512xbf16> to vector<512x1xbf16>
    %convert_element_type3A_55 = arith.extf %broadcast_in_dim3A_54 : vector<512x1xbf16> to vector<512x1xf32>
    %mul3A_56 = arith.mulf %convert_element_type3A_55, %select_n3A_36 : vector<512x1xf32>
    %sub3A_57 = arith.subf %convert_element_type3A_46, %mul3A_56 : vector<512x1xf32>
    %sub3A_58 = arith.constant 1.000000e+00 : f32
    %sub3A_59 = vector.broadcast %sub3A_58 : f32 to vector<512x1xf32>
    %sub3A_60 = arith.subf %sub3A_57, %sub3A_59 : vector<512x1xf32>
    %gt3A_61 = arith.constant 0.000000e+00 : f32
    %gt3A_62 = vector.broadcast %gt3A_61 : f32 to vector<512x1xf32>
    %gt3A_63 = arith.cmpf ogt, %sub3A_60, %gt3A_62 : vector<512x1xf32>
    %select_n3A_64 = arith.select %gt3A_63, %select_n3A_36, %select_n3A_27 : vector<512x1xi1>, vector<512x1xf32>
    %select_n3A_65 = arith.select %gt3A_63, %select_n3A_28, %select_n3A_36 : vector<512x1xi1>, vector<512x1xf32>
    %max3A_66 = arith.constant 1.000000e+00 : f32
    %max3A_67 = vector.broadcast %max3A_66 : f32 to vector<512x1xf32>
    %max3A_68 = arith.maximumf %convert_element_type3A_55, %max3A_67 : vector<512x1xf32>
    %div3A_69 = arith.divf %sub3A_60, %max3A_68 : vector<512x1xf32>
    %add3A_70 = arith.addf %select_n3A_36, %div3A_69 : vector<512x1xf32>
    %add3A_71 = arith.addf %select_n3A_64, %select_n3A_65 : vector<512x1xf32>
    %mul3A_72 = arith.constant 5.000000e-01 : f32
    %mul3A_73 = vector.broadcast %mul3A_72 : f32 to vector<512x1xf32>
    %mul3A_74 = arith.mulf %mul3A_73, %add3A_71 : vector<512x1xf32>
    %gt3A_75 = arith.cmpf ogt, %add3A_70, %select_n3A_64 : vector<512x1xf32>
    %lt3A_76 = arith.cmpf olt, %add3A_70, %select_n3A_65 : vector<512x1xf32>
    %and3A_77 = arith.andi %gt3A_75, %lt3A_76 : vector<512x1xi1>
    %select_n3A_78 = arith.select %and3A_77, %add3A_70, %mul3A_74 : vector<512x1xi1>, vector<512x1xf32>
    %convert_element_type3A_79 = arith.truncf %select_n3A_78 : vector<512x1xf32> to vector<512x1xbf16>
    %gt3A_80 = vector.broadcast %convert_element_type3A_79 : vector<512x1xbf16> to vector<512x1024xbf16>
    %gt3A_81 = arith.cmpf ogt, %convert_element_type3A, %gt3A_80 : vector<512x1024xbf16>
    %jit3A_82 = arith.constant 0.000000e+00 : bf16
    %broadcast_in_dim3A_83 = vector.broadcast %jit3A_82 : bf16 to vector<512x1024xbf16>
    %select_n3A_84 = arith.select %gt3A_81, %convert_element_type3A, %broadcast_in_dim3A_83 : vector<512x1024xi1>, vector<512x1024xbf16>
    %reduce_sum3A_85 = arith.constant dense<0.000000e+00> : vector<512xbf16>
    %reduce_sum3A_86 = vector.multi_reduction <add>, %select_n3A_84, %reduce_sum3A_85 [1] : vector<512x1024xbf16> to vector<512xbf16>
    %broadcast_in_dim3A_87 = vector.shape_cast %reduce_sum3A_86 : vector<512xbf16> to vector<512x1xbf16>
    %convert_element_type3A_88 = arith.extf %broadcast_in_dim3A_87 : vector<512x1xbf16> to vector<512x1xf32>
    %jit3A_89 = arith.constant 1.000000e+00 : bf16
    %jit3A_90 = arith.constant 0.000000e+00 : bf16
    %broadcast_in_dim3A_91 = vector.broadcast %jit3A_89 : bf16 to vector<512x1024xbf16>
    %broadcast_in_dim3A_92 = vector.broadcast %jit3A_90 : bf16 to vector<512x1024xbf16>
    %select_n3A_93 = arith.select %gt3A_81, %broadcast_in_dim3A_91, %broadcast_in_dim3A_92 : vector<512x1024xi1>, vector<512x1024xbf16>
    %reduce_sum3A_94 = arith.constant dense<0.000000e+00> : vector<512xbf16>
    %reduce_sum3A_95 = vector.multi_reduction <add>, %select_n3A_93, %reduce_sum3A_94 [1] : vector<512x1024xbf16> to vector<512xbf16>
    %broadcast_in_dim3A_96 = vector.shape_cast %reduce_sum3A_95 : vector<512xbf16> to vector<512x1xbf16>
    %convert_element_type3A_97 = arith.extf %broadcast_in_dim3A_96 : vector<512x1xbf16> to vector<512x1xf32>
    %mul3A_98 = arith.mulf %convert_element_type3A_97, %select_n3A_78 : vector<512x1xf32>
    %sub3A_99 = arith.subf %convert_element_type3A_88, %mul3A_98 : vector<512x1xf32>
    %sub3A_100 = arith.constant 1.000000e+00 : f32
    %sub3A_101 = vector.broadcast %sub3A_100 : f32 to vector<512x1xf32>
    %sub3A_102 = arith.subf %sub3A_99, %sub3A_101 : vector<512x1xf32>
    %gt3A_103 = arith.constant 0.000000e+00 : f32
    %gt3A_104 = vector.broadcast %gt3A_103 : f32 to vector<512x1xf32>
    %gt3A_105 = arith.cmpf ogt, %sub3A_102, %gt3A_104 : vector<512x1xf32>
    %select_n3A_106 = arith.select %gt3A_105, %select_n3A_78, %select_n3A_64 : vector<512x1xi1>, vector<512x1xf32>
    %select_n3A_107 = arith.select %gt3A_105, %select_n3A_65, %select_n3A_78 : vector<512x1xi1>, vector<512x1xf32>
    %max3A_108 = arith.constant 1.000000e+00 : f32
    %max3A_109 = vector.broadcast %max3A_108 : f32 to vector<512x1xf32>
    %max3A_110 = arith.maximumf %convert_element_type3A_97, %max3A_109 : vector<512x1xf32>
    %div3A_111 = arith.divf %sub3A_102, %max3A_110 : vector<512x1xf32>
    %add3A_112 = arith.addf %select_n3A_78, %div3A_111 : vector<512x1xf32>
    %add3A_113 = arith.addf %select_n3A_106, %select_n3A_107 : vector<512x1xf32>
    %mul3A_114 = arith.constant 5.000000e-01 : f32
    %mul3A_115 = vector.broadcast %mul3A_114 : f32 to vector<512x1xf32>
    %mul3A_116 = arith.mulf %mul3A_115, %add3A_113 : vector<512x1xf32>
    %gt3A_117 = arith.cmpf ogt, %add3A_112, %select_n3A_106 : vector<512x1xf32>
    %lt3A_118 = arith.cmpf olt, %add3A_112, %select_n3A_107 : vector<512x1xf32>
    %and3A_119 = arith.andi %gt3A_117, %lt3A_118 : vector<512x1xi1>
    %select_n3A_120 = arith.select %and3A_119, %add3A_112, %mul3A_116 : vector<512x1xi1>, vector<512x1xf32>
    %sub3A_121 = arith.constant 1.000000e+00 : f32
    %sub3A_122 = vector.broadcast %sub3A_121 : f32 to vector<512x1xf32>
    %sub3A_123 = arith.subf %broadcast_in_dim3A, %sub3A_122 : vector<512x1xf32>
    %sub3A_124 = arith.constant 6.000000e-02 : f32
    %sub3A_125 = vector.broadcast %sub3A_124 : f32 to vector<512x1xf32>
    %sub3A_126 = arith.subf %select_n3A_120, %sub3A_125 : vector<512x1xf32>
    %max3A_127 = arith.maximumf %sub3A_126, %sub3A_123 : vector<512x1xf32>
    %gt3A_128 = vector.broadcast %max3A_127 : vector<512x1xf32> to vector<512x1024xf32>
    %gt3A_129 = arith.cmpf ogt, %get3A_1, %gt3A_128 : vector<512x1024xf32>
    %jit3A_130 = arith.constant 0.000000e+00 : f32
    %broadcast_in_dim3A_131 = vector.broadcast %jit3A_130 : f32 to vector<512x1024xf32>
    %select_n3A_132 = arith.select %gt3A_129, %get3A_1, %broadcast_in_dim3A_131 : vector<512x1024xi1>, vector<512x1024xf32>
    %reduce_sum3A_133 = arith.constant dense<0.000000e+00> : vector<512xf32>
    %reduce_sum3A_134 = vector.multi_reduction <add>, %select_n3A_132, %reduce_sum3A_133 [1] : vector<512x1024xf32> to vector<512xf32>
    %broadcast_in_dim3A_135 = vector.shape_cast %reduce_sum3A_134 : vector<512xf32> to vector<512x1xf32>
    %jit3A_136 = arith.constant 1.000000e+00 : f32
    %jit3A_137 = arith.constant 0.000000e+00 : f32
    %broadcast_in_dim3A_138 = vector.broadcast %jit3A_136 : f32 to vector<512x1024xf32>
    %broadcast_in_dim3A_139 = vector.broadcast %jit3A_137 : f32 to vector<512x1024xf32>
    %select_n3A_140 = arith.select %gt3A_129, %broadcast_in_dim3A_138, %broadcast_in_dim3A_139 : vector<512x1024xi1>, vector<512x1024xf32>
    %reduce_sum3A_141 = arith.constant dense<0.000000e+00> : vector<512xf32>
    %reduce_sum3A_142 = vector.multi_reduction <add>, %select_n3A_140, %reduce_sum3A_141 [1] : vector<512x1024xf32> to vector<512xf32>
    %broadcast_in_dim3A_143 = vector.shape_cast %reduce_sum3A_142 : vector<512xf32> to vector<512x1xf32>
    %mul3A_144 = arith.mulf %broadcast_in_dim3A_143, %max3A_127 : vector<512x1xf32>
    %sub3A_145 = arith.subf %broadcast_in_dim3A_135, %mul3A_144 : vector<512x1xf32>
    %sub3A_146 = arith.constant 1.000000e+00 : f32
    %sub3A_147 = vector.broadcast %sub3A_146 : f32 to vector<512x1xf32>
    %sub3A_148 = arith.subf %sub3A_145, %sub3A_147 : vector<512x1xf32>
    %gt3A_149 = arith.constant 0.000000e+00 : f32
    %gt3A_150 = vector.broadcast %gt3A_149 : f32 to vector<512x1xf32>
    %gt3A_151 = arith.cmpf ogt, %sub3A_148, %gt3A_150 : vector<512x1xf32>
    %select_n3A_152 = arith.select %gt3A_151, %max3A_127, %sub3A_123 : vector<512x1xi1>, vector<512x1xf32>
    %select_n3A_153 = arith.select %gt3A_151, %broadcast_in_dim3A, %max3A_127 : vector<512x1xi1>, vector<512x1xf32>
    %max3A_154 = arith.constant 1.000000e+00 : f32
    %max3A_155 = vector.broadcast %max3A_154 : f32 to vector<512x1xf32>
    %max3A_156 = arith.maximumf %broadcast_in_dim3A_143, %max3A_155 : vector<512x1xf32>
    %div3A_157 = arith.divf %sub3A_148, %max3A_156 : vector<512x1xf32>
    %add3A_158 = arith.addf %max3A_127, %div3A_157 : vector<512x1xf32>
    %add3A_159 = arith.addf %select_n3A_152, %select_n3A_153 : vector<512x1xf32>
    %mul3A_160 = arith.constant 5.000000e-01 : f32
    %mul3A_161 = vector.broadcast %mul3A_160 : f32 to vector<512x1xf32>
    %mul3A_162 = arith.mulf %mul3A_161, %add3A_159 : vector<512x1xf32>
    %gt3A_163 = arith.cmpf ogt, %add3A_158, %select_n3A_152 : vector<512x1xf32>
    %lt3A_164 = arith.cmpf olt, %add3A_158, %select_n3A_153 : vector<512x1xf32>
    %and3A_165 = arith.andi %gt3A_163, %lt3A_164 : vector<512x1xi1>
    %eq3A = arith.constant 0.000000e+00 : f32
    %eq3A_166 = vector.broadcast %eq3A : f32 to vector<512x1xf32>
    %eq3A_167 = arith.cmpf oeq, %sub3A_148, %eq3A_166 : vector<512x1xf32>
    %select_n3A_168 = arith.select %and3A_165, %add3A_158, %mul3A_162 : vector<512x1xi1>, vector<512x1xf32>
    %select_n3A_169 = arith.select %eq3A_167, %max3A_127, %select_n3A_168 : vector<512x1xi1>, vector<512x1xf32>
    %gt3A_170 = vector.broadcast %select_n3A_169 : vector<512x1xf32> to vector<512x1024xf32>
    %gt3A_171 = arith.cmpf ogt, %get3A_1, %gt3A_170 : vector<512x1024xf32>
    %jit3A_172 = arith.constant 0.000000e+00 : f32
    %broadcast_in_dim3A_173 = vector.broadcast %jit3A_172 : f32 to vector<512x1024xf32>
    %select_n3A_174 = arith.select %gt3A_171, %get3A_1, %broadcast_in_dim3A_173 : vector<512x1024xi1>, vector<512x1024xf32>
    %reduce_sum3A_175 = arith.constant dense<0.000000e+00> : vector<512xf32>
    %reduce_sum3A_176 = vector.multi_reduction <add>, %select_n3A_174, %reduce_sum3A_175 [1] : vector<512x1024xf32> to vector<512xf32>
    %broadcast_in_dim3A_177 = vector.shape_cast %reduce_sum3A_176 : vector<512xf32> to vector<512x1xf32>
    %jit3A_178 = arith.constant 1.000000e+00 : f32
    %jit3A_179 = arith.constant 0.000000e+00 : f32
    %broadcast_in_dim3A_180 = vector.broadcast %jit3A_178 : f32 to vector<512x1024xf32>
    %broadcast_in_dim3A_181 = vector.broadcast %jit3A_179 : f32 to vector<512x1024xf32>
    %select_n3A_182 = arith.select %gt3A_171, %broadcast_in_dim3A_180, %broadcast_in_dim3A_181 : vector<512x1024xi1>, vector<512x1024xf32>
    %reduce_sum3A_183 = arith.constant dense<0.000000e+00> : vector<512xf32>
    %reduce_sum3A_184 = vector.multi_reduction <add>, %select_n3A_182, %reduce_sum3A_183 [1] : vector<512x1024xf32> to vector<512xf32>
    %broadcast_in_dim3A_185 = vector.shape_cast %reduce_sum3A_184 : vector<512xf32> to vector<512x1xf32>
    %mul3A_186 = arith.mulf %broadcast_in_dim3A_185, %select_n3A_169 : vector<512x1xf32>
    %sub3A_187 = arith.subf %broadcast_in_dim3A_177, %mul3A_186 : vector<512x1xf32>
    %sub3A_188 = arith.constant 1.000000e+00 : f32
    %sub3A_189 = vector.broadcast %sub3A_188 : f32 to vector<512x1xf32>
    %sub3A_190 = arith.subf %sub3A_187, %sub3A_189 : vector<512x1xf32>
    %gt3A_191 = arith.constant 0.000000e+00 : f32
    %gt3A_192 = vector.broadcast %gt3A_191 : f32 to vector<512x1xf32>
    %gt3A_193 = arith.cmpf ogt, %sub3A_190, %gt3A_192 : vector<512x1xf32>
    %select_n3A_194 = arith.select %gt3A_193, %select_n3A_169, %select_n3A_152 : vector<512x1xi1>, vector<512x1xf32>
    %select_n3A_195 = arith.select %gt3A_193, %select_n3A_153, %select_n3A_169 : vector<512x1xi1>, vector<512x1xf32>
    %max3A_196 = arith.constant 1.000000e+00 : f32
    %max3A_197 = vector.broadcast %max3A_196 : f32 to vector<512x1xf32>
    %max3A_198 = arith.maximumf %broadcast_in_dim3A_185, %max3A_197 : vector<512x1xf32>
    %div3A_199 = arith.divf %sub3A_190, %max3A_198 : vector<512x1xf32>
    %add3A_200 = arith.addf %select_n3A_169, %div3A_199 : vector<512x1xf32>
    %add3A_201 = arith.addf %select_n3A_194, %select_n3A_195 : vector<512x1xf32>
    %mul3A_202 = arith.constant 5.000000e-01 : f32
    %mul3A_203 = vector.broadcast %mul3A_202 : f32 to vector<512x1xf32>
    %mul3A_204 = arith.mulf %mul3A_203, %add3A_201 : vector<512x1xf32>
    %gt3A_205 = arith.cmpf ogt, %add3A_200, %select_n3A_194 : vector<512x1xf32>
    %lt3A_206 = arith.cmpf olt, %add3A_200, %select_n3A_195 : vector<512x1xf32>
    %and3A_207 = arith.andi %gt3A_205, %lt3A_206 : vector<512x1xi1>
    %eq3A_208 = arith.constant 0.000000e+00 : f32
    %eq3A_209 = vector.broadcast %eq3A_208 : f32 to vector<512x1xf32>
    %eq3A_210 = arith.cmpf oeq, %sub3A_190, %eq3A_209 : vector<512x1xf32>
    %select_n3A_211 = arith.select %and3A_207, %add3A_200, %mul3A_204 : vector<512x1xi1>, vector<512x1xf32>
    %select_n3A_212 = arith.select %eq3A_210, %select_n3A_169, %select_n3A_211 : vector<512x1xi1>, vector<512x1xf32>
    %gt3A_213 = vector.broadcast %select_n3A_212 : vector<512x1xf32> to vector<512x1024xf32>
    %gt3A_214 = arith.cmpf ogt, %get3A_1, %gt3A_213 : vector<512x1024xf32>
    %jit3A_215 = arith.constant 0.000000e+00 : f32
    %broadcast_in_dim3A_216 = vector.broadcast %jit3A_215 : f32 to vector<512x1024xf32>
    %select_n3A_217 = arith.select %gt3A_214, %get3A_1, %broadcast_in_dim3A_216 : vector<512x1024xi1>, vector<512x1024xf32>
    %reduce_sum3A_218 = arith.constant dense<0.000000e+00> : vector<512xf32>
    %reduce_sum3A_219 = vector.multi_reduction <add>, %select_n3A_217, %reduce_sum3A_218 [1] : vector<512x1024xf32> to vector<512xf32>
    %broadcast_in_dim3A_220 = vector.shape_cast %reduce_sum3A_219 : vector<512xf32> to vector<512x1xf32>
    %jit3A_221 = arith.constant 1.000000e+00 : f32
    %jit3A_222 = arith.constant 0.000000e+00 : f32
    %broadcast_in_dim3A_223 = vector.broadcast %jit3A_221 : f32 to vector<512x1024xf32>
    %broadcast_in_dim3A_224 = vector.broadcast %jit3A_222 : f32 to vector<512x1024xf32>
    %select_n3A_225 = arith.select %gt3A_214, %broadcast_in_dim3A_223, %broadcast_in_dim3A_224 : vector<512x1024xi1>, vector<512x1024xf32>
    %reduce_sum3A_226 = arith.constant dense<0.000000e+00> : vector<512xf32>
    %reduce_sum3A_227 = vector.multi_reduction <add>, %select_n3A_225, %reduce_sum3A_226 [1] : vector<512x1024xf32> to vector<512xf32>
    %broadcast_in_dim3A_228 = vector.shape_cast %reduce_sum3A_227 : vector<512xf32> to vector<512x1xf32>
    %mul3A_229 = arith.mulf %broadcast_in_dim3A_228, %select_n3A_212 : vector<512x1xf32>
    %sub3A_230 = arith.subf %broadcast_in_dim3A_220, %mul3A_229 : vector<512x1xf32>
    %sub3A_231 = arith.constant 1.000000e+00 : f32
    %sub3A_232 = vector.broadcast %sub3A_231 : f32 to vector<512x1xf32>
    %sub3A_233 = arith.subf %sub3A_230, %sub3A_232 : vector<512x1xf32>
    %gt3A_234 = arith.constant 0.000000e+00 : f32
    %gt3A_235 = vector.broadcast %gt3A_234 : f32 to vector<512x1xf32>
    %gt3A_236 = arith.cmpf ogt, %sub3A_233, %gt3A_235 : vector<512x1xf32>
    %select_n3A_237 = arith.select %gt3A_236, %select_n3A_212, %select_n3A_194 : vector<512x1xi1>, vector<512x1xf32>
    %select_n3A_238 = arith.select %gt3A_236, %select_n3A_195, %select_n3A_212 : vector<512x1xi1>, vector<512x1xf32>
    %max3A_239 = arith.constant 1.000000e+00 : f32
    %max3A_240 = vector.broadcast %max3A_239 : f32 to vector<512x1xf32>
    %max3A_241 = arith.maximumf %broadcast_in_dim3A_228, %max3A_240 : vector<512x1xf32>
    %div3A_242 = arith.divf %sub3A_233, %max3A_241 : vector<512x1xf32>
    %add3A_243 = arith.addf %select_n3A_212, %div3A_242 : vector<512x1xf32>
    %add3A_244 = arith.addf %select_n3A_237, %select_n3A_238 : vector<512x1xf32>
    %mul3A_245 = arith.constant 5.000000e-01 : f32
    %mul3A_246 = vector.broadcast %mul3A_245 : f32 to vector<512x1xf32>
    %mul3A_247 = arith.mulf %mul3A_246, %add3A_244 : vector<512x1xf32>
    %gt3A_248 = arith.cmpf ogt, %add3A_243, %select_n3A_237 : vector<512x1xf32>
    %lt3A_249 = arith.cmpf olt, %add3A_243, %select_n3A_238 : vector<512x1xf32>
    %and3A_250 = arith.andi %gt3A_248, %lt3A_249 : vector<512x1xi1>
    %eq3A_251 = arith.constant 0.000000e+00 : f32
    %eq3A_252 = vector.broadcast %eq3A_251 : f32 to vector<512x1xf32>
    %eq3A_253 = arith.cmpf oeq, %sub3A_233, %eq3A_252 : vector<512x1xf32>
    %select_n3A_254 = arith.select %and3A_250, %add3A_243, %mul3A_247 : vector<512x1xi1>, vector<512x1xf32>
    %select_n3A_255 = arith.select %eq3A_253, %select_n3A_212, %select_n3A_254 : vector<512x1xi1>, vector<512x1xf32>
    %sub3A_256 = vector.broadcast %select_n3A_255 : vector<512x1xf32> to vector<512x1024xf32>
    %sub3A_257 = arith.subf %get3A_1, %sub3A_256 : vector<512x1024xf32>
    %max3A_258 = arith.constant 0.000000e+00 : f32
    %max3A_259 = vector.broadcast %max3A_258 : f32 to vector<512x1024xf32>
    %max3A_260 = arith.maximumf %sub3A_257, %max3A_259 : vector<512x1024xf32>
    %get3A_261 = arith.constant 0 : index
    %get3A_262 = arith.constant 0 : index
    %get3A_263 = vector.load %arg2[%get3A_261, %get3A_262] : memref<1024x128xf32, #tpu.memory_space<vmem>>, vector<1024x128xf32>
    %dot_general3A = arith.constant dense<0.000000e+00> : vector<512x128xf32>
    %dot_general3A_264 = tpu.matmul %max3A_260, %get3A_263, %dot_general3A {dimension_numbers = #tpu.dot_dimension_numbers<[1], [0], [0], [1], [0, 0, 1, 1], [], []>, transpose_lhs_hint = false} : vector<512x1024xf32>, vector<1024x128xf32>, vector<512x128xf32> -> vector<512x128xf32>
    %swap3A = arith.constant 0 : index
    %swap3A_265 = arith.constant 0 : index
    %swap3A_266 = vector.load %arg4[%swap3A, %swap3A_265] : memref<512x128xf32, #tpu.memory_space<vmem>>, vector<512x128xf32>
    tpu.vector_store %arg4[%swap3A, %swap3A_265], %dot_general3A_264 {strides = array<i32>} : memref<512x128xf32, #tpu.memory_space<vmem>>, vector<512x128xf32>,
    return
  }
  func.func @transform_0(%arg0: i32) -> (i32, i32) {
    %c0_i32 = arith.constant 0 : i32
    %c0_i32_0 = arith.constant 0 : i32
    return %arg0, %c0_i32 : i32, i32
  }
  func.func @transform_1(%arg0: i32) -> (i32, i32) {
    %c0_i32 = arith.constant 0 : i32
    %c0_i32_0 = arith.constant 0 : i32
    %c0_i32_1 = arith.constant 0 : i32
    return %c0_i32, %c0_i32_0 : i32, i32
  }
  func.func @transform_3(%arg0: i32) -> (i32, i32) {
    %add3A = arith.constant 22 : i32
    %add3A_0 = arith.addi %add3A, %arg0 : i32
    %c0_i32 = arith.constant 0 : i32
    %c0_i32_1 = arith.constant 0 : i32
    return %add3A_0, %c0_i32 : i32, i32
  }
}

</mosaic_0001>

<sc_bundles>
// kernel: kernel.11.cloned.1.call-start
scs
__scs_entry_jumppad:
0x0: {  	(pc) =	sbr.rel $0x88, $3  }
0x1: {  	(tag) =	ssettag $0x0;
	lr =	simm.s32 $0x1  }
0x2: {  	[smem:$0x3F9C] =	sst lr;
	_ =	strace $0xD0000000  }
0x3: {  	_ = 	snop  }
0x4: {  	_ = 	snop  }
0x5: {  	_ = 	snop  }
0x6: {  	_ = 	snop  }
0x7: {  	_ = 	snop  }
__scs_overlays_trampoline_lowered:
0x8: {  	[smem:$0x3FAB] =	sst s0  }
0x9: {  	[smem:$0x3FAC] =	sst s1  }
0xa: {  	[smem:$0x3FAD] =	sst s2  }
0xb: {  	[smem:$0x3FAE] =	sst s3  }
0xc: {  	[smem:$0x3FAF] =	sst s4  }
0xd: {  	[smem:$0x3FB0] =	sst s5  }
0xe: {  	[smem:$0x3FB1] =	sst s6  }
0xf: {  	[smem:$0x3FB2] =	sst s7  }
0x10: {  	[smem:$0x3FB3] =	sst s8  }
0x11: {  	[smem:$0x3FB4] =	sst s9;
	s0 =	simm.s32 @!p0 $0x0  }
0x12: {  	s1 =	sld [smem:$0x3F9A];
	s0 =	simm.s32 @p0 $0x1  }
0x13: {  	[smem:$0x3FB5] =	sst s0;
	s0 =	simm.s32 @!p1 $0x0  }
0x14: {  	s2 =	sld [smem:$0x3F99];
	s0 =	simm.s32 @p1 $0x1  }
0x15: {  	[smem:$0x3FB6] =	sst s0;
	s0 =	simm.s32 @!p2 $0x0  }
0x16: {  	s3 =	sld [smem:$0x3FDB];
	s0 =	simm.s32 @p2 $0x1  }
0x17: {  	s4 =	simm.s32 $0x1BF5;
	[smem:$0x3FB8] =	sst s0  }
0x18: {  	s0 =	sld [smem:$0x3F9B];
	_ =	swait.ge [sflag:s4], $0x0  }
0x19: {  	s7 =	sld [smem:$0x3F9C]  }
0x1a: {  	s8 =	sadd.s32 $0xFFFFE003, lr  }
0x1b: {  	s9 =	sadd.s32 $0xFFFFFEF7, lr;
	s5 =	simm.s32 $0xFFFFFFFF;
	p2 =	slt.u32 s8, $0xFFFFF086  }
0x1c: {  	p1 =	slt.u32 s9, $0xF7A;
	s5 =	simm.s32 @!p2 $0x0  }
0x1d: {  	s5 =	simm.s32 @p1 $0x1;
	p0 =	seq.s32 s7, s2  }
0x1e: {  	s7 =	smul.u32 @!p0 $0xF7A, s2;
	p2 =	seq.s32 @!p0 s5, $0x0  }
0x1f: {  	s9 =	smul.u32 $0xF7A, s1;
	s8 =	simm.s32 @!p0 $0x1BF5;
	p2 =	por !p2, p0  }
0x20: {  	[sflag:s8] =	ssyncset.s32 @!p0 $0xFFFFF086;
	s6 =	sadd.s32 @!p0 s3, s7;
	s7 =	simm.s32 @!p0 $0x108  }
0x21: {  	s3 =	sadd.s32 s3, s9;
	s6 =	sadd.s32 @!p0 $0x88, s6;
	s7 =	simm.s32 @p2 $0x1082  }
0x22: {  	[simem:s7], [sflag:s8] =	dma.local @!p0 [hbm:s6], $0xF7A  }
0x23: {  	s9 =	sor.u32 $0xD0000000, s2;
	s6 =	simm.s32 $0x108;
	_ =	swait.ge @!p0 [sflag:s8], $0x0  }
0x24: {  	s3 =	sadd.s32 $0x88, s3;
	s6 =	simm.s32 @!p1 $0x1082;
	[sflag:s4] =	ssyncset.s32 $0xFFFFF086  }
0x25: {  	[simem:s6], [sflag:s4] =	dma.local [hbm:s3], $0xF7A  }
0x26: {  	[smem:$0x3F9C] =	sst s1;
	(tag) =	ssettag s2;
	_ =	strace s9  }
0x27: {  	s1 =	sld [smem:$0x3FAC]  }
0x28: {  	s2 =	sld [smem:$0x3FAD]  }
0x29: {  	s4 =	sld [smem:$0x3FAF]  }
0x2a: {  	p0 =	seq.s32 s5, $0x0;
	s5 =	sld [smem:$0x3FB0]  }
0x2b: {  	s6 =	sld [smem:$0x3FB1]  }
0x2c: {  	s7 =	sld [smem:$0x3FB2]  }
0x2d: {  	s3 =	simm.s32 $0x108;
	s8 =	sld [smem:$0x3FB3]  }
0x2e: {  	s3 =	simm.s32 @!p0 $0x1082;
	s9 =	sld [smem:$0x3FB4]  }
0x2f: {  	lr =	sadd.s32 s0, s3;
	s0 =	sld [smem:$0x3FAB]  }
0x30: {  	s3 =	sld [smem:$0x3FAE]  }
0x31: {  	[smem:$0x3FB7] =	sst s10  }
0x32: {  	s10 =	sld [smem:$0x3FB5];
	_ =	sdelay $0x3  }
0x33: {  	p0 =	seq.s32 s10, $0x1;
	s10 =	sld [smem:$0x3FB7];
	_ =	sdelay $0x3  }
0x34: {  	[smem:$0x3FB7] =	sst s10  }
0x35: {  	s10 =	sld [smem:$0x3FB6];
	_ =	sdelay $0x3  }
0x36: {  	p1 =	seq.s32 s10, $0x1;
	s10 =	sld [smem:$0x3FB7];
	_ =	sdelay $0x3  }
0x37: {  	[smem:$0x3FB7] =	sst s10  }
0x38: {  	s10 =	sld [smem:$0x3FB8]  }
0x39: {  	_ = 	snop;
	(pc) =	sbr.ind lr, $3  }
0x3a: {  	_ = 	snop  }
0x3b: {  	_ = 	snop  }
0x3c: {  	p2 =	seq.s32 s10, $0x1;
	s10 =	sld [smem:$0x3FB7]  }
0x3d: {  	_ =	shalt  }
0x3e: {  	_ =	shalt  }
0x3f: {  	_ =	shalt  }
0x40: {  	_ =	shalt  }
0x41: {  	_ =	shalt  }
0x42: {  	_ =	shalt  }
0x43: {  	_ =	shalt  }
0x44: {  	_ =	shalt  }
0x45: {  	_ =	shalt  }
0x46: {  	_ =	shalt  }
0x47: {  	_ =	shalt  }
0x48: {  	_ =	shalt  }
0x49: {  	_ =	shalt  }
0x4a: {  	_ =	shalt  }
0x4b: {  	_ =	shalt  }
0x4c: {  	_ =	shalt  }
0x4d: {  	_ =	shalt  }
0x4e: {  	_ =	shalt  }
0x4f: {  	_ =	shalt  }
0x50: {  	_ =	shalt  }
0x51: {  	_ =	shalt  }
0x52: {  	_ =	shalt  }
0x53: {  	_ =	shalt  }
0x54: {  	_ =	shalt  }
0x55: {  	_ =	shalt  }
0x56: {  	_ =	shalt  }
0x57: {  	_ =	shalt  }
0x58: {  	_ =	shalt  }
0x59: {  	_ =	shalt  }
0x5a: {  	_ =	shalt  }
0x5b: {  	_ =	shalt  }
0x5c: {  	_ =	shalt  }
0x5d: {  	_ =	shalt  }
0x5e: {  	_ =	shalt  }
0x5f: {  	_ =	shalt  }
0x60: {  	_ =	shalt  }
0x61: {  	_ =	shalt  }
0x62: {  	_ =	shalt  }
0x63: {  	_ =	shalt  }
0x64: {  	_ =	shalt  }
0x65: {  	_ =	shalt  }
0x66: {  	_ =	shalt  }
0x67: {  	_ =	shalt  }
0x68: {  	_ =	shalt  }
0x69: {  	_ =	shalt  }
0x6a: {  	_ =	shalt  }
0x6b: {  	_ =	shalt  }
0x6c: {  	_ =	shalt  }
0x6d: {  	_ =	shalt  }
0x6e: {  	_ =	shalt  }
0x6f: {  	_ =	shalt  }
0x70: {  	_ =	shalt  }
0x71: {  	_ =	shalt  }
0x72: {  	_ =	shalt  }
0x73: {  	_ =	shalt  }
0x74: {  	_ =	shalt  }
0x75: {  	_ =	shalt  }
0x76: {  	_ =	shalt  }
0x77: {  	_ =	shalt  }
0x78: {  	_ =	shalt  }
0x79: {  	_ =	shalt  }
0x7a: {  	_ =	shalt  }
0x7b: {  	_ =	shalt  }
0x7c: {  	_ =	shalt  }
0x7d: {  	_ =	shalt  }
0x7e: {  	_ =	shalt  }
0x7f: {  	_ =	shalt  }
0x80: {  	_ =	shalt  }
0x81: {  	_ =	shalt  }
0x82: {  	_ =	shalt  }
0x83: {  	_ =	shalt  }
0x84: {  	_ =	shalt  }
0x85: {  	_ =	shalt  }
0x86: {  	_ =	shalt  }
0x87: {  	_ =	shalt  }
.Lfunc_end0:
.L_simem_size_0:
called_computation_lowered:
.L_overlay_start_0:
0x88: {  	s2 =	sld [smem:$0x3FD9]  }
0x89: {  	s3 =	sld [smem:$0x3FFE];
	_ =	sdelay $0x1  }
0x8a: {  	s1 =	srdreg.scid  }
0x8b: {  	s0 =	sand.u32 $0x1, s1  }
0x8c: {  	s17 =	sshll.u32 s0, $0xA;
	s2 =	sadd.s32 s3, s2  }
0x8d: {  	s2 =	sadd.s32 s2, s17  }
0x8e: {  	[smem:$0x3FC3] =	sst s2  }
0x8f: {  	_ = 	snop  }
0x90: {  	s2 =	sld [smem:$0x3FC8]  }
0x91: {  	s18 =	sld [smem:$0x3FD0];
	(tm) =	ssettm $0x1  }
0x92: {  	s4 =	sld [smem:$0x3FFB];
	_ =	sdelay $0x3  }
0x93: {  	_ =	strace s4  }
0x94: {  	s4 =	sld [smem:$0x3FFC];
	_ =	sdelay $0x3  }
0x95: {  	_ =	strace s4  }
0x96: {  	s4 =	sld [smem:$0x3FFD];
	_ =	sdelay $0x3  }
0x97: {  	_ =	strace s4  }
0x98: {  	_ =	strace $0x8FFFFFFF  }
0x99: {  	s19 =	sld [smem:$0x3FDB];
	_ =	sdelay $0x1  }
0x9a: {  	s5 =	simm.s32 $_scs_section_size  }
0x9b: {  	s6 =	simm.s32 $_size__tile_overlayer_lowered;
	s7 =	simm.s32 $_tile_overlayer_lowered  }
0x9c: {  	s22 =	simm.s32 $0x1BFF;
	s21 =	sshll.u32 s7, $0x1;
	s4 =	sadd.s32 s5, s19  }
0x9d: {  	s8 =	simm.s32 $0x0;
	s20 =	sshll.u32 s6, $0x1;
	s6 =	sadd.s32 s21, s4  }
0x9e: {  	[timem:s8], [sflag:s22] =	dma.local [hbm:s6], s20  }
0x9f: {  	_ =	swait.ge [sflag:s22], s20  }
0xa0: {  	s5 =	ssub.s32 $0x0, s20;
	[sflag:s22] =	ssyncset.done $0x0  }
0xa1: {  	[sflag:s22] =	ssyncadd.s32 s5;
	_ =	sdelay $0x1  }
0xa2: {  	s23 =	simm.s32 $0x1B8B  }
0xa3: {  	_ =	swait.ge [sflag:s23], $0x1  }
0xa4: {  	[sflag:s23] =	ssyncset.done $0x0  }
0xa5: {  	s25 =	simm.s32 $0x1B8E;
	s24 =	sld [smem:$0x3FFE];
	[sflag:s23] =	ssyncadd.s32 $0xFFFFFFFF  }
0xa6: {  	s26 =	simm.s32 $execute0_lowered;
	[smem:$0x3FD2] =	sst s25  }
0xa7: {  	s6 =	sshll.u32 s26, $0x1;
	_ =	strace $0x80000046;
	[dreg:$0x1] =	wrdreg $0xFFFFFFFF  }
0xa8: {  	s28 =	simm.s32 $_size_execute0_lowered;
	s4 =	sadd.s32 s4, s6;
	[dreg:$0x0] =	wrdreg $0x0  }
0xa9: {  	s6 =	sshll.u32 s28, $0x1;
	[dreg:$0x2] =	wrdreg s4  }
0xaa: {  	[dreg:$0x3] =	wrdreg s6  }
0xab: {  	[dreg:$0x4] =	wrdreg $0xC0  }
0xac: {  	_ =	task [dreg:s8], $0x5FFFF  }
0xad: {  	[dreg:$0x1] =	wrdreg $0xFFFFFFFF  }
0xae: {  	[dreg:$0x0] =	wrdreg $0x60  }
0xaf: {  	[dreg:$0x2] =	wrdreg s2  }
0xb0: {  	[dreg:$0x3] =	wrdreg s24  }
0xb1: {  	[dreg:$0x4] =	wrdreg s18  }
0xb2: {  	[dreg:$0x5] =	wrdreg $0x9  }
0xb3: {  	_ =	task.clear_ibuf [dreg:s8], $0x6FFFF;
	_ =	strace $0x90000046  }
0xb4: {  	s29 =	simm.s32 $0x9;
	_ =	strace $0x80000048  }
0xb5: {  	_ =	swait.ge [sflag:s29], $0x1  }
0xb6: {  	[sflag:s29] =	ssyncadd.s32 $0xFFFFFFFF  }
0xb7: {  	_ =	strace $0x90000048  }
0xb8: {  	_ =	sfence  }
0xb9: {  	s30 =	sld [smem:$0x0];
	_ =	sdelay $0x2  }
0xba: {  	s31 =	sshll.u32 s1, $0xD;
	s1 =	sshrl.u32 s1, $0x2  }
0xbb: {  	s3 =	sand.u32 $0x4000, s31;
	s1 =	sadd.s32 s1, s30  }
0xbc: {  	s0 =	sor.u32 s3, s0;
	s1 =	sshll.u32 s1, $0x11  }
0xbd: {  	s0 =	sor.u32 s1, s0  }
0xbe: {  	s0 =	sadd.s32 $0x8F2B, s0  }
0xbf: {  	[sflag:s0] =	ssyncadd.remote.s32 $0x1  }
0xc0: {  	_ =	sfence.sel $0xFFFF  }
0xc1: {  	[dreg:$0x0] =	wrdreg $0xFFFFFFFF;
	(pc) =	sbr.abs _section_cstart, $3  }
0xc2: {  	[dreg:$0x1] =	wrdreg $0xFFFFFFFF  }
0xc3: {  	_ =	task.clear_ibuf [dreg:s8], $0x2FFFF;
	_ =	strace $0x9FFFFFFF  }
0xc4: {  	(tm) =	ssettm $0x7FFFFFFF  }
0xc5: {  	_ =	shalt  }
tec
execute0_lowered:
.L_overlay_start_1:
0x0: {  	(tag) =	ssettag $0x1  }
0x1: {  	s2 =	srdreg.scid;
	s1 =	rddreg [dreg:$0x0]  }
0x2: {  	s0 =	stileid.u32;
	s4 =	rddreg [dreg:$0x1];
	s2 =	sand.u32 $0x1, s2  }
0x3: {  	s6 =	rddreg [dreg:$0x2];
	s3 =	sshll.u32 s0, $0x7;
	s5 =	sshll.u32 s2, $0x6  }
0x4: {  	s14 =	simm.s32 $0x880;
	s5 =	sor.u32 s5, s3;
	s3 =	simm.s32 $0x0  }
0x5: {  	s15 =	simm.s32 $0x1080;
	s16 =	simm.s32 $0x1880;
	[smem:$0x7FF] =	sst s3  }
0x6: {  	s17 =	simm.s32 $0x2080;
	_ =	strace $0x80000047;
	[dreg:$0x6] =	wrdreg s14  }
0x7: {  	s18 =	simm.s32 $0x2880;
	s19 =	simm.s32 $0x3080;
	[dreg:$0x7] =	wrdreg s15  }
0x8: {  	s20 =	simm.s32 $0x3880;
	s21 =	simm.s32 $0x4080;
	[dreg:$0x8] =	wrdreg s16  }
0x9: {  	s23 =	simm.s32 $0x4880;
	s24 =	simm.s32 $0x5080;
	[dreg:$0x9] =	wrdreg s17  }
0xa: {  	s25 =	simm.s32 $0x5880;
	s8 =	simm.s32 $0x6080;
	[dreg:$0xa] =	wrdreg s18  }
0xb: {  	s9 =	simm.s32 $0x6880;
	s26 =	simm.s32 $0x7080;
	[dreg:$0xb] =	wrdreg s19  }
0xc: {  	s10 =	simm.s32 $0x80;
	s12 =	simm.s32 $0x8080;
	[dreg:$0xc] =	wrdreg s20  }
0xd: {  	s13 =	simm.s32 $0x8880;
	s28 =	simm.s32 $0xF880;
	[dreg:$0xd] =	wrdreg s21  }
0xe: {  	s29 =	simm.s32 $0x1;
	s30 =	simm.s32 $0x2;
	[dreg:$0xe] =	wrdreg s23  }
0xf: {  	s31 =	simm.s32 $0x3;
	s2 =	ssub.s32 $0x2, s2;
	[dreg:$0xf] =	wrdreg s24  }
0x10: {  	s22 =	sshrl.u32 s2, $0x1;
	s7 =	sshrl.u32 s5, $0x3;
	[dreg:$0x10] =	wrdreg s25  }
0x11: {  	s5 =	sshll.u32 s5, $0x7;
	s2 =	ssub.s32 s2, s22;
	[dreg:$0x11] =	wrdreg s8  }
0x12: {  	s22 =	simm.s32 $0xD080;
	s4 =	sadd.s32 s7, s4;
	[dreg:$0x12] =	wrdreg s9  }
0x13: {  	s8 =	smax.u32 s2, $0x1;
	s9 =	simm.s32 $0x5;
	[dreg:$0x13] =	wrdreg s26  }
0x14: {  	s14 =	simm.s32 $0x9080;
	s15 =	simm.s32 $0x9880;
	s16 =	simm.s32 $0xA080  }
0x15: {  	s17 =	simm.s32 $0xA880;
	s18 =	simm.s32 $0xB080;
	s19 =	simm.s32 $0xB880  }
0x16: {  	s20 =	simm.s32 $0xC080;
	s21 =	simm.s32 $0xC880;
	s23 =	simm.s32 $0xD880  }
0x17: {  	s24 =	simm.s32 $0xE080;
	s25 =	simm.s32 $0xE880;
	s26 =	simm.s32 $0xF080  }
0x18: {  	v2 =	vlaneseq.u32;
	s2 =	simm.s32 $0x4;
	s7 =	sadd.s32 $0x2200, s4;
	s4 =	sadd.s32 s6, s5  }
0x19: {  	vm0 =	vmmov $0xffff;
	v1 =	vshrl.u32 v2, $0x3;
	s6 =	sadd.s32 $0x200, s1;
	[dreg:$0x4] =	wrdreg s7;
	s5 =	sadd.s32 $0x1000, s4  }
0x1a: {  	v0 =	vand.u32 $0x7, v2;
	v2 =	vor.u32 $0x8, v2;
	v1 =	vmul.u32 $0x8, v1;
	s7 =	sadd.s32 $0x300, s1;
	[dreg:$0x5] =	wrdreg s5;
	s5 =	sadd.s32 $0x100, s1  }
.LBB2_1:
0x1b: {  	s0 =	rddreg [dreg:$0x4]  }
0x1c: {  	[tilespmem:s3], [sflag:$0x5] =	stream.linear.gather [hbm4b:s0+s3], $0x40, $0x38;
	[tilespmem:$0x10080] =	vst v63  }
0x1d: {  	_ =	swait.ge [sflag:s9], $0x40  }
0x1e: {  	[sflag:s9] =	ssyncset.done $0x0  }
0x1f: {  	[sflag:s9] =	ssyncadd.s32 $0xFFFFFFC0  }
0x20: {  	v3 =	vld [tilespmem:$0x0];
	_ =	sdelay $0x4  }
0x21: {  	v4 =	vshll.u32 v3, $0x3  }
0x22: {  	v3 =	vand.u32 $0x7, v3;
	v4 =	vand.u32 $0xFFFFFFC0, v4  }
0x23: {  	v3 =	vor.u32 v3, v4  }
0x24: {  	v4 =	vperm.xlane v3, v0;
	_ =	sdelay $0x1  }
0x25: {  	v4 =	vadd.s32 v1, v4;
	_ =	sdelay $0x4  }
0x26: {  	[tilespmem:s10], [sflag:$0x1] =	stream.indirect_vreg.gather [hbm4b:s1+s3], $0x80, v4, vm0, $0xb8;
	[tilespmem:$0x10080] =	vst v63  }
0x27: {  	s0 =	rddreg [dreg:$0x6];
	v3 =	vperm.xlane v3, v2  }
0x28: {  	[tilespmem:s0], [sflag:$0x1] =	stream.indirect_vreg.gather [hbm4b:s5+s3], $0x80, v4, vm0, $0xb8;
	[tilespmem:$0x10080] =	vst v63  }
0x29: {  	s11 =	rddreg [dreg:$0x7];
	v3 =	vadd.s32 v1, v3  }
0x2a: {  	[tilespmem:s11], [sflag:$0x1] =	stream.indirect_vreg.gather [hbm4b:s6+s3], $0x80, v4, vm0, $0xb8;
	[tilespmem:$0x10080] =	vst v63  }
0x2b: {  	s0 =	rddreg [dreg:$0x8]  }
0x2c: {  	[tilespmem:s0], [sflag:$0x1] =	stream.indirect_vreg.gather [hbm4b:s7+s3], $0x80, v4, vm0, $0xb8;
	[tilespmem:$0x10080] =	vst v63  }
0x2d: {  	s11 =	rddreg [dreg:$0x9]  }
0x2e: {  	[tilespmem:s11], [sflag:$0x1] =	stream.indirect_vreg.gather [hbm4b:s1+s3], $0x80, v3, vm0, $0xb8;
	[tilespmem:$0x10080] =	vst v63  }
0x2f: {  	s0 =	rddreg [dreg:$0xa]  }
0x30: {  	[tilespmem:s0], [sflag:$0x1] =	stream.indirect_vreg.gather [hbm4b:s5+s3], $0x80, v3, vm0, $0xb8;
	[tilespmem:$0x10080] =	vst v63  }
0x31: {  	s11 =	rddreg [dreg:$0xb]  }
0x32: {  	[tilespmem:s11], [sflag:$0x1] =	stream.indirect_vreg.gather [hbm4b:s6+s3], $0x80, v3, vm0, $0xb8;
	[tilespmem:$0x10080] =	vst v63  }
0x33: {  	s0 =	rddreg [dreg:$0xc]  }
0x34: {  	[tilespmem:s0], [sflag:$0x1] =	stream.indirect_vreg.gather [hbm4b:s7+s3], $0x80, v3, vm0, $0xb8;
	[tilespmem:$0x10080] =	vst v63  }
0x35: {  	v3 =	vld [tilespmem:$0x10];
	_ =	sdelay $0x4  }
0x36: {  	v61 =	vshll.u32 v3, $0x3  }
0x37: {  	v3 =	vand.u32 $0x7, v3;
	v4 =	vand.u32 $0xFFFFFFC0, v61  }
0x38: {  	v3 =	vor.u32 v3, v4  }
0x39: {  	v4 =	vperm.xlane v3, v0;
	_ =	sdelay $0x1  }
0x3a: {  	v4 =	vadd.s32 v1, v4;
	_ =	sdelay $0x3  }
0x3b: {  	s0 =	rddreg [dreg:$0xd]  }
0x3c: {  	[tilespmem:s0], [sflag:$0x1] =	stream.indirect_vreg.gather [hbm4b:s1+s3], $0x80, v4, vm0, $0xb8;
	[tilespmem:$0x10080] =	vst v63  }
0x3d: {  	s11 =	rddreg [dreg:$0xe];
	v3 =	vperm.xlane v3, v2  }
0x3e: {  	[tilespmem:s11], [sflag:$0x1] =	stream.indirect_vreg.gather [hbm4b:s5+s3], $0x80, v4, vm0, $0xb8;
	[tilespmem:$0x10080] =	vst v63  }
0x3f: {  	v3 =	vadd.s32 v1, v3;
	s0 =	rddreg [dreg:$0xf]  }
0x40: {  	[tilespmem:s0], [sflag:$0x1] =	stream.indirect_vreg.gather [hbm4b:s6+s3], $0x80, v4, vm0, $0xb8;
	[tilespmem:$0x10080] =	vst v63  }
0x41: {  	s11 =	rddreg [dreg:$0x10]  }
0x42: {  	[tilespmem:s11], [sflag:$0x1] =	stream.indirect_vreg.gather [hbm4b:s7+s3], $0x80, v4, vm0, $0xb8;
	[tilespmem:$0x10080] =	vst v63  }
0x43: {  	s0 =	rddreg [dreg:$0x11]  }
0x44: {  	[tilespmem:s0], [sflag:$0x1] =	stream.indirect_vreg.gather [hbm4b:s1+s3], $0x80, v3, vm0, $0xb8;
	[tilespmem:$0x10080] =	vst v63  }
0x45: {  	s11 =	rddreg [dreg:$0x12]  }
0x46: {  	[tilespmem:s11], [sflag:$0x1] =	stream.indirect_vreg.gather [hbm4b:s5+s3], $0x80, v3, vm0, $0xb8;
	[tilespmem:$0x10080] =	vst v63  }
0x47: {  	s0 =	rddreg [dreg:$0x13]  }
0x48: {  	[tilespmem:s0], [sflag:$0x1] =	stream.indirect_vreg.gather [hbm4b:s6+s3], $0x80, v3, vm0, $0xb8;
	[tilespmem:$0x10080] =	vst v63  }
0x49: {  	s11 =	simm.s32 $0x7880  }
0x4a: {  	[tilespmem:s11], [sflag:$0x1] =	stream.indirect_vreg.gather [hbm4b:s7+s3], $0x80, v3, vm0, $0xb8;
	[tilespmem:$0x10080] =	vst v63  }
0x4b: {  	v3 =	vld [tilespmem:$0x20];
	_ =	sdelay $0x4  }
0x4c: {  	v62 =	vshll.u32 v3, $0x3  }
0x4d: {  	v3 =	vand.u32 $0x7, v3;
	v4 =	vand.u32 $0xFFFFFFC0, v62  }
0x4e: {  	v3 =	vor.u32 v3, v4  }
0x4f: {  	v4 =	vperm.xlane v3, v0;
	_ =	sdelay $0x1  }
0x50: {  	v4 =	vadd.s32 v1, v4;
	_ =	sdelay $0x4  }
0x51: {  	[tilespmem:s12], [sflag:$0x2] =	stream.indirect_vreg.gather [hbm4b:s1+s3], $0x80, v4, vm0, $0xb8;
	[tilespmem:$0x10080] =	vst v63  }
0x52: {  	v3 =	vperm.xlane v3, v2  }
0x53: {  	[tilespmem:s13], [sflag:$0x2] =	stream.indirect_vreg.gather [hbm4b:s5+s3], $0x80, v4, vm0, $0xb8;
	[tilespmem:$0x10080] =	vst v63  }
0x54: {  	v3 =	vadd.s32 v1, v3  }
0x55: {  	[tilespmem:s14], [sflag:$0x2] =	stream.indirect_vreg.gather [hbm4b:s6+s3], $0x80, v4, vm0, $0xb8;
	[tilespmem:$0x10080] =	vst v63  }
0x56: {  	_ = 	snop  }
0x57: {  	[tilespmem:s15], [sflag:$0x2] =	stream.indirect_vreg.gather [hbm4b:s7+s3], $0x80, v4, vm0, $0xb8;
	[tilespmem:$0x10080] =	vst v63  }
0x58: {  	_ = 	snop  }
0x59: {  	[tilespmem:s16], [sflag:$0x2] =	stream.indirect_vreg.gather [hbm4b:s1+s3], $0x80, v3, vm0, $0xb8;
	[tilespmem:$0x10080] =	vst v63  }
0x5a: {  	_ = 	snop  }
0x5b: {  	[tilespmem:s17], [sflag:$0x2] =	stream.indirect_vreg.gather [hbm4b:s5+s3], $0x80, v3, vm0, $0xb8;
	[tilespmem:$0x10080] =	vst v63  }
0x5c: {  	_ = 	snop  }
0x5d: {  	[tilespmem:s18], [sflag:$0x2] =	stream.indirect_vreg.gather [hbm4b:s6+s3], $0x80, v3, vm0, $0xb8;
	[tilespmem:$0x10080] =	vst v63  }
0x5e: {  	_ = 	snop  }
0x5f: {  	[tilespmem:s19], [sflag:$0x2] =	stream.indirect_vreg.gather [hbm4b:s7+s3], $0x80, v3, vm0, $0xb8;
	[tilespmem:$0x10080] =	vst v63  }
0x60: {  	v3 =	vld [tilespmem:$0x30];
	_ =	sdelay $0x4  }
0x61: {  	v63 =	vshll.u32 v3, $0x3  }
0x62: {  	v3 =	vand.u32 $0x7, v3;
	v4 =	vand.u32 $0xFFFFFFC0, v63  }
0x63: {  	v3 =	vor.u32 v3, v4  }
0x64: {  	v4 =	vperm.xlane v3, v0;
	_ =	sdelay $0x1  }
0x65: {  	v4 =	vadd.s32 v1, v4;
	_ =	sdelay $0x4  }
0x66: {  	[tilespmem:s20], [sflag:$0x2] =	stream.indirect_vreg.gather [hbm4b:s1+s3], $0x80, v4, vm0, $0xb8;
	[tilespmem:$0x10080] =	vst v63  }
0x67: {  	v3 =	vperm.xlane v3, v2  }
0x68: {  	[tilespmem:s21], [sflag:$0x2] =	stream.indirect_vreg.gather [hbm4b:s5+s3], $0x80, v4, vm0, $0xb8;
	[tilespmem:$0x10080] =	vst v63  }
0x69: {  	v3 =	vadd.s32 v1, v3  }
0x6a: {  	[tilespmem:s22], [sflag:$0x2] =	stream.indirect_vreg.gather [hbm4b:s6+s3], $0x80, v4, vm0, $0xb8;
	[tilespmem:$0x10080] =	vst v63  }
0x6b: {  	_ = 	snop  }
0x6c: {  	[tilespmem:s23], [sflag:$0x2] =	stream.indirect_vreg.gather [hbm4b:s7+s3], $0x80, v4, vm0, $0xb8;
	[tilespmem:$0x10080] =	vst v63  }
0x6d: {  	_ = 	snop  }
0x6e: {  	[tilespmem:s24], [sflag:$0x2] =	stream.indirect_vreg.gather [hbm4b:s1+s3], $0x80, v3, vm0, $0xb8;
	[tilespmem:$0x10080] =	vst v63  }
0x6f: {  	_ = 	snop  }
0x70: {  	[tilespmem:s25], [sflag:$0x2] =	stream.indirect_vreg.gather [hbm4b:s5+s3], $0x80, v3, vm0, $0xb8;
	[tilespmem:$0x10080] =	vst v63  }
0x71: {  	_ = 	snop  }
0x72: {  	[tilespmem:s26], [sflag:$0x2] =	stream.indirect_vreg.gather [hbm4b:s6+s3], $0x80, v3, vm0, $0xb8;
	[tilespmem:$0x10080] =	vst v63  }
0x73: {  	_ = 	snop  }
0x74: {  	[tilespmem:s28], [sflag:$0x2] =	stream.indirect_vreg.gather [hbm4b:s7+s3], $0x80, v3, vm0, $0xb8;
	[tilespmem:$0x10080] =	vst v63  }
0x75: {  	_ =	swait.ge [sflag:s29], $0x8000  }
0x76: {  	[sflag:s29] =	ssyncset.done $0x0  }
0x77: {  	[sflag:s29] =	ssyncadd.s32 $0xFFFF8000  }
0x78: {  	[hbm4b:s4+s3] =	stream.linear.scatter [tilespmem:s10], [sflag:$0x3], $0x8000, $0x38;
	[tilespmem:$0x10080] =	vst v63  }
0x79: {  	_ =	swait.ge [sflag:s30], $0x8000  }
0x7a: {  	[sflag:s30] =	ssyncset.done $0x0  }
0x7b: {  	s11 =	rddreg [dreg:$0x5];
	[sflag:s30] =	ssyncadd.s32 $0xFFFF8000  }
0x7c: {  	[hbm4b:s11+s3] =	stream.linear.scatter [tilespmem:s12], [sflag:$0x4], $0x8000, $0x38;
	[tilespmem:$0x10080] =	vst v63  }
0x7d: {  	p0 =	sne.s32 s8, $0x1;
	_ =	swait.ge [sflag:s31], $0x8000  }
.Ltmp0:
0x7e: {  	[sflag:s31] =	ssyncset.done $0x0;
	(pc) =	sbr.rel @p0 .LBB2_1-.Ltmp0, $4  }
0x7f: {  	[sflag:s31] =	ssyncadd.s32 $0xFFFF8000  }
0x80: {  	_ =	swait.ge [sflag:s2], $0x8000  }
0x81: {  	[sflag:s2] =	ssyncset.done $0x0  }
0x82: {  	s8 =	sadd.s32 $0xFFFFFFFF, s8;
	[sflag:s2] =	ssyncadd.s32 $0xFFFF8000  }
0x83: {  	_ =	sfence.sel $0x180000  }
0x84: {  	[bflag:$0x0] =	sbarrier.arrive $0xFFFF  }
0x85: {  	_ =	strace $0x90000047  }
0x86: {  	s0 =	stileid.u32;
	[bflag:$0x2] =	sbarrier.arrive $0xFFFF  }
0x87: {  	p0 =	sne.s32 s0, $0x0;
	s0 =	rddreg [dreg:$0x3]  }
0x88: {  	s0 =	sadd.s32 @!p0 $0x100000, s0  }
0x89: {  	[sflag:s0] =	ssyncadd.tile.s32 @!p0 $0x1;
	_ =	shalt  }
.Lfunc_end2:
_tile_overlayer_lowered:
.L_overlay_start_2:
0x8a: {  	(tag) =	ssettag $0x2  }
0x8b: {  	s0 =	rddreg [dreg:$0x0];
	s2 =	stileid.u32  }
0x8c: {  	s1 =	rddreg [dreg:$0x1];
	p0 =	sne.s32 s2, $0x0  }
0x8d: {  	s3 =	rddreg [dreg:$0x2];
	[bflag:$0x3] =	sbarrier.arrive $0xFFFF;
	s2 =	simm.s32 @!p0 $0x1C05  }
0x8e: {  	[timem:s3], [sflag:s2] =	dma.local @!p0 [hbm:s0], s1  }
0x8f: {  	s0 =	simm.s32 @!p0 $0x5  }
0x90: {  	_ =	swait.ge @!p0 [sflag:s0], s1  }
0x91: {  	s1 =	ssub.s32 @!p0 $0x0, s1;
	[sflag:s0] =	ssyncset.done @!p0 $0x0  }
0x92: {  	[sflag:s0] =	ssyncadd.s32 @!p0 s1  }
0x93: {  	[bflag:$0x3] =	sbarrier.arrive $0xFFFF  }
0x94: {  	_ =	shalt  }

// kernel: kernel.14.cloned.1.call-start
scs
__scs_entry_jumppad:
0x0: {  	(pc) =	sbr.rel $0x88, $3  }
0x1: {  	(tag) =	ssettag $0x0;
	lr =	simm.s32 $0x1  }
0x2: {  	[smem:$0x3F9C] =	sst lr;
	_ =	strace $0xD0000000  }
0x3: {  	_ = 	snop  }
0x4: {  	_ = 	snop  }
0x5: {  	_ = 	snop  }
0x6: {  	_ = 	snop  }
0x7: {  	_ = 	snop  }
__scs_overlays_trampoline_lowered:
0x8: {  	[smem:$0x3FAB] =	sst s0  }
0x9: {  	[smem:$0x3FAC] =	sst s1  }
0xa: {  	[smem:$0x3FAD] =	sst s2  }
0xb: {  	[smem:$0x3FAE] =	sst s3  }
0xc: {  	[smem:$0x3FAF] =	sst s4  }
0xd: {  	[smem:$0x3FB0] =	sst s5  }
0xe: {  	[smem:$0x3FB1] =	sst s6  }
0xf: {  	[smem:$0x3FB2] =	sst s7  }
0x10: {  	[smem:$0x3FB3] =	sst s8  }
0x11: {  	[smem:$0x3FB4] =	sst s9;
	s0 =	simm.s32 @!p0 $0x0  }
0x12: {  	s1 =	sld [smem:$0x3F9A];
	s0 =	simm.s32 @p0 $0x1  }
0x13: {  	[smem:$0x3FB5] =	sst s0;
	s0 =	simm.s32 @!p1 $0x0  }
0x14: {  	s2 =	sld [smem:$0x3F99];
	s0 =	simm.s32 @p1 $0x1  }
0x15: {  	[smem:$0x3FB6] =	sst s0;
	s0 =	simm.s32 @!p2 $0x0  }
0x16: {  	s3 =	sld [smem:$0x3FDB];
	s0 =	simm.s32 @p2 $0x1  }
0x17: {  	s4 =	simm.s32 $0x1BF5;
	[smem:$0x3FB8] =	sst s0  }
0x18: {  	s0 =	sld [smem:$0x3F9B];
	_ =	swait.ge [sflag:s4], $0x0  }
0x19: {  	s7 =	sld [smem:$0x3F9C]  }
0x1a: {  	s8 =	sadd.s32 $0xFFFFE003, lr  }
0x1b: {  	s9 =	sadd.s32 $0xFFFFFEF7, lr;
	s5 =	simm.s32 $0xFFFFFFFF;
	p2 =	slt.u32 s8, $0xFFFFF086  }
0x1c: {  	p1 =	slt.u32 s9, $0xF7A;
	s5 =	simm.s32 @!p2 $0x0  }
0x1d: {  	s5 =	simm.s32 @p1 $0x1;
	p0 =	seq.s32 s7, s2  }
0x1e: {  	s7 =	smul.u32 @!p0 $0xF7A, s2;
	p2 =	seq.s32 @!p0 s5, $0x0  }
0x1f: {  	s9 =	smul.u32 $0xF7A, s1;
	s8 =	simm.s32 @!p0 $0x1BF5;
	p2 =	por !p2, p0  }
0x20: {  	[sflag:s8] =	ssyncset.s32 @!p0 $0xFFFFF086;
	s6 =	sadd.s32 @!p0 s3, s7;
	s7 =	simm.s32 @!p0 $0x108  }
0x21: {  	s3 =	sadd.s32 s3, s9;
	s6 =	sadd.s32 @!p0 $0x88, s6;
	s7 =	simm.s32 @p2 $0x1082  }
0x22: {  	[simem:s7], [sflag:s8] =	dma.local @!p0 [hbm:s6], $0xF7A  }
0x23: {  	s9 =	sor.u32 $0xD0000000, s2;
	s6 =	simm.s32 $0x108;
	_ =	swait.ge @!p0 [sflag:s8], $0x0  }
0x24: {  	s3 =	sadd.s32 $0x88, s3;
	s6 =	simm.s32 @!p1 $0x1082;
	[sflag:s4] =	ssyncset.s32 $0xFFFFF086  }
0x25: {  	[simem:s6], [sflag:s4] =	dma.local [hbm:s3], $0xF7A  }
0x26: {  	[smem:$0x3F9C] =	sst s1;
	(tag) =	ssettag s2;
	_ =	strace s9  }
0x27: {  	s1 =	sld [smem:$0x3FAC]  }
0x28: {  	s2 =	sld [smem:$0x3FAD]  }
0x29: {  	s4 =	sld [smem:$0x3FAF]  }
0x2a: {  	p0 =	seq.s32 s5, $0x0;
	s5 =	sld [smem:$0x3FB0]  }
0x2b: {  	s6 =	sld [smem:$0x3FB1]  }
0x2c: {  	s7 =	sld [smem:$0x3FB2]  }
0x2d: {  	s3 =	simm.s32 $0x108;
	s8 =	sld [smem:$0x3FB3]  }
0x2e: {  	s3 =	simm.s32 @!p0 $0x1082;
	s9 =	sld [smem:$0x3FB4]  }
0x2f: {  	lr =	sadd.s32 s0, s3;
	s0 =	sld [smem:$0x3FAB]  }
0x30: {  	s3 =	sld [smem:$0x3FAE]  }
0x31: {  	[smem:$0x3FB7] =	sst s10  }
0x32: {  	s10 =	sld [smem:$0x3FB5];
	_ =	sdelay $0x3  }
0x33: {  	p0 =	seq.s32 s10, $0x1;
	s10 =	sld [smem:$0x3FB7];
	_ =	sdelay $0x3  }
0x34: {  	[smem:$0x3FB7] =	sst s10  }
0x35: {  	s10 =	sld [smem:$0x3FB6];
	_ =	sdelay $0x3  }
0x36: {  	p1 =	seq.s32 s10, $0x1;
	s10 =	sld [smem:$0x3FB7];
	_ =	sdelay $0x3  }
0x37: {  	[smem:$0x3FB7] =	sst s10  }
0x38: {  	s10 =	sld [smem:$0x3FB8]  }
0x39: {  	_ = 	snop;
	(pc) =	sbr.ind lr, $3  }
0x3a: {  	_ = 	snop  }
0x3b: {  	_ = 	snop  }
0x3c: {  	p2 =	seq.s32 s10, $0x1;
	s10 =	sld [smem:$0x3FB7]  }
0x3d: {  	_ =	shalt  }
0x3e: {  	_ =	shalt  }
0x3f: {  	_ =	shalt  }
0x40: {  	_ =	shalt  }
0x41: {  	_ =	shalt  }
0x42: {  	_ =	shalt  }
0x43: {  	_ =	shalt  }
0x44: {  	_ =	shalt  }
0x45: {  	_ =	shalt  }
0x46: {  	_ =	shalt  }
0x47: {  	_ =	shalt  }
0x48: {  	_ =	shalt  }
0x49: {  	_ =	shalt  }
0x4a: {  	_ =	shalt  }
0x4b: {  	_ =	shalt  }
0x4c: {  	_ =	shalt  }
0x4d: {  	_ =	shalt  }
0x4e: {  	_ =	shalt  }
0x4f: {  	_ =	shalt  }
0x50: {  	_ =	shalt  }
0x51: {  	_ =	shalt  }
0x52: {  	_ =	shalt  }
0x53: {  	_ =	shalt  }
0x54: {  	_ =	shalt  }
0x55: {  	_ =	shalt  }
0x56: {  	_ =	shalt  }
0x57: {  	_ =	shalt  }
0x58: {  	_ =	shalt  }
0x59: {  	_ =	shalt  }
0x5a: {  	_ =	shalt  }
0x5b: {  	_ =	shalt  }
0x5c: {  	_ =	shalt  }
0x5d: {  	_ =	shalt  }
0x5e: {  	_ =	shalt  }
0x5f: {  	_ =	shalt  }
0x60: {  	_ =	shalt  }
0x61: {  	_ =	shalt  }
0x62: {  	_ =	shalt  }
0x63: {  	_ =	shalt  }
0x64: {  	_ =	shalt  }
0x65: {  	_ =	shalt  }
0x66: {  	_ =	shalt  }
0x67: {  	_ =	shalt  }
0x68: {  	_ =	shalt  }
0x69: {  	_ =	shalt  }
0x6a: {  	_ =	shalt  }
0x6b: {  	_ =	shalt  }
0x6c: {  	_ =	shalt  }
0x6d: {  	_ =	shalt  }
0x6e: {  	_ =	shalt  }
0x6f: {  	_ =	shalt  }
0x70: {  	_ =	shalt  }
0x71: {  	_ =	shalt  }
0x72: {  	_ =	shalt  }
0x73: {  	_ =	shalt  }
0x74: {  	_ =	shalt  }
0x75: {  	_ =	shalt  }
0x76: {  	_ =	shalt  }
0x77: {  	_ =	shalt  }
0x78: {  	_ =	shalt  }
0x79: {  	_ =	shalt  }
0x7a: {  	_ =	shalt  }
0x7b: {  	_ =	shalt  }
0x7c: {  	_ =	shalt  }
0x7d: {  	_ =	shalt  }
0x7e: {  	_ =	shalt  }
0x7f: {  	_ =	shalt  }
0x80: {  	_ =	shalt  }
0x81: {  	_ =	shalt  }
0x82: {  	_ =	shalt  }
0x83: {  	_ =	shalt  }
0x84: {  	_ =	shalt  }
0x85: {  	_ =	shalt  }
0x86: {  	_ =	shalt  }
0x87: {  	_ =	shalt  }
.Lfunc_end0:
.L_simem_size_0:
called_computation.1_lowered:
.L_overlay_start_0:
0x88: {  	s2 =	sld [smem:$0x3FD9]  }
0x89: {  	s3 =	sld [smem:$0x3FFE];
	_ =	sdelay $0x1  }
0x8a: {  	s1 =	srdreg.scid  }
0x8b: {  	s0 =	sand.u32 $0x1, s1  }
0x8c: {  	s17 =	sshll.u32 s0, $0xA;
	s2 =	sadd.s32 s3, s2  }
0x8d: {  	s2 =	sadd.s32 s2, s17  }
0x8e: {  	[smem:$0x3FC3] =	sst s2  }
0x8f: {  	_ = 	snop  }
0x90: {  	s18 =	sld [smem:$0x3FC8];
	(tm) =	ssettm $0x1  }
0x91: {  	s19 =	sld [smem:$0x3FFB];
	_ =	sdelay $0x3  }
0x92: {  	_ =	strace s19  }
0x93: {  	s2 =	sld [smem:$0x3FFC];
	_ =	sdelay $0x3  }
0x94: {  	_ =	strace s2  }
0x95: {  	s2 =	sld [smem:$0x3FFD];
	_ =	sdelay $0x3  }
0x96: {  	_ =	strace s2  }
0x97: {  	_ =	strace $0x8FFFFFFF  }
0x98: {  	s20 =	sld [smem:$0x3FDB];
	_ =	sdelay $0x1  }
0x99: {  	s4 =	simm.s32 $_scs_section_size  }
0x9a: {  	s5 =	simm.s32 $_size__tile_overlayer_lowered;
	s6 =	simm.s32 $_tile_overlayer_lowered  }
0x9b: {  	s7 =	simm.s32 $0x1BFF;
	s21 =	sshll.u32 s6, $0x1;
	s4 =	sadd.s32 s4, s20  }
0x9c: {  	s22 =	simm.s32 $0x0;
	s5 =	sshll.u32 s5, $0x1;
	s6 =	sadd.s32 s21, s4  }
0x9d: {  	[timem:s22], [sflag:s7] =	dma.local [hbm:s6], s5  }
0x9e: {  	_ =	swait.ge [sflag:s7], s5  }
0x9f: {  	s5 =	ssub.s32 $0x0, s5;
	[sflag:s7] =	ssyncset.done $0x0  }
0xa0: {  	[sflag:s7] =	ssyncadd.s32 s5;
	_ =	sdelay $0x1  }
0xa1: {  	s23 =	simm.s32 $0x1B8B  }
0xa2: {  	_ =	swait.ge [sflag:s23], $0x1  }
0xa3: {  	[sflag:s23] =	ssyncset.done $0x0  }
0xa4: {  	[sflag:s23] =	ssyncadd.s32 $0xFFFFFFFF  }
0xa5: {  	s5 =	sld [smem:$0x0]  }
0xa6: {  	s6 =	sand.u32 $0xFFFFFFFE, s1  }
0xa7: {  	p0 =	sne.s32 s1, s6  }
0xa8: {  	s6 =	sshll.u32 @p0 s6, $0xE  }
0xa9: {  	s6 =	sadd.s32 @p0 $0x11B8D, s6;
	s7 =	sshll.u32 @p0 s5, $0x11  }
0xaa: {  	s6 =	sor.u32 @p0 s7, s6  }
0xab: {  	[sflag:s6] =	ssyncadd.remote.s32 @p0 $0x1;
	_ =	sdelay $0x1  }
0xac: {  	s6 =	simm.s32 @p0 $0x1B8D  }
0xad: {  	_ =	swait.eq @p0 [sflag:s6], $0x1  }
0xae: {  	[sflag:s6] =	ssyncadd.s32 @p0 $0xFFFFFFFF  }
0xaf: {  	s7 =	sshll.u32 @!p0 s1, $0xE  }
0xb0: {  	s7 =	sor.u32 @!p0 $0x4000, s7;
	s6 =	simm.s32 @!p0 $0x1B8D  }
0xb1: {  	s5 =	sshll.u32 @!p0 s5, $0x11;
	s7 =	sadd.s32 @!p0 $0x11B8D, s7;
	_ =	swait.eq @!p0 [sflag:s6], $0x1  }
0xb2: {  	s5 =	sor.u32 @!p0 s5, s7;
	[sflag:s6] =	ssyncadd.s32 @!p0 $0xFFFFFFFF  }
0xb3: {  	s25 =	simm.s32 $0x1B8E;
	s24 =	sld [smem:$0x3FFE];
	[sflag:s5] =	ssyncadd.remote.s32 @!p0 $0x1  }
0xb4: {  	s26 =	simm.s32 $execute0_lowered;
	[smem:$0x3FD2] =	sst s25  }
0xb5: {  	s6 =	sshll.u32 s26, $0x1;
	_ =	strace $0x80000049;
	[dreg:$0x1] =	wrdreg $0xFFFFFFFF  }
0xb6: {  	s28 =	simm.s32 $_size_execute0_lowered;
	s4 =	sadd.s32 s4, s6;
	[dreg:$0x0] =	wrdreg $0x0  }
0xb7: {  	s6 =	sshll.u32 s28, $0x1;
	[dreg:$0x2] =	wrdreg s4  }
0xb8: {  	[dreg:$0x3] =	wrdreg s6  }
0xb9: {  	[dreg:$0x4] =	wrdreg $0xC0  }
0xba: {  	_ =	task [dreg:s22], $0x5FFFF  }
0xbb: {  	[dreg:$0x1] =	wrdreg $0xFFFFFFFF  }
0xbc: {  	[dreg:$0x0] =	wrdreg $0x60  }
0xbd: {  	[dreg:$0x2] =	wrdreg s18  }
0xbe: {  	[dreg:$0x3] =	wrdreg s24  }
0xbf: {  	[dreg:$0x4] =	wrdreg $0xA  }
0xc0: {  	_ =	task.clear_ibuf [dreg:s22], $0x5FFFF;
	_ =	strace $0x90000049  }
0xc1: {  	s29 =	simm.s32 $0xA;
	_ =	strace $0x8000004B  }
0xc2: {  	_ =	swait.ge [sflag:s29], $0x1  }
0xc3: {  	[sflag:s29] =	ssyncadd.s32 $0xFFFFFFFF  }
0xc4: {  	_ =	strace $0x9000004B  }
0xc5: {  	_ =	sfence  }
0xc6: {  	s30 =	sld [smem:$0x0];
	_ =	sdelay $0x2  }
0xc7: {  	s31 =	sshll.u32 s1, $0xD;
	s1 =	sshrl.u32 s1, $0x2  }
0xc8: {  	s4 =	sand.u32 $0x4000, s31;
	s1 =	sadd.s32 s1, s30  }
0xc9: {  	s0 =	sor.u32 s4, s0;
	s1 =	sshll.u32 s1, $0x11  }
0xca: {  	s0 =	sor.u32 s1, s0  }
0xcb: {  	s0 =	sadd.s32 $0x8F2B, s0  }
0xcc: {  	[sflag:s0] =	ssyncadd.remote.s32 $0x1  }
0xcd: {  	_ =	sfence.sel $0xFFFF  }
0xce: {  	[dreg:$0x0] =	wrdreg $0xFFFFFFFF;
	(pc) =	sbr.abs _section_cstart, $3  }
0xcf: {  	[dreg:$0x1] =	wrdreg $0xFFFFFFFF  }
0xd0: {  	_ =	task.clear_ibuf [dreg:s22], $0x2FFFF;
	_ =	strace $0x9FFFFFFF  }
0xd1: {  	(tm) =	ssettm $0x7FFFFFFF  }
tec
execute0_lowered:
.L_overlay_start_1:
0x0: {  	(tag) =	ssettag $0x1  }
0x1: {  	s2 =	rddreg [dreg:$0x0]  }
0x2: {  	s0 =	rddreg [dreg:$0x1];
	s1 =	srdreg.scid  }
0x3: {  	s4 =	stileid.u32;
	s3 =	simm.s32 $0x0;
	s8 =	simm.s32 $0x1  }
0x4: {  	s19 =	simm.s32 $0x3;
	s20 =	simm.s32 $0x2;
	s21 =	simm.s32 $0x4  }
0x5: {  	s23 =	simm.s32 $0x880;
	s24 =	simm.s32 $0x1080;
	s28 =	simm.s32 $0x2080  }
0x6: {  	s29 =	simm.s32 $0x2880;
	s30 =	simm.s32 $0x3080;
	s31 =	simm.s32 $0x3880  }
0x7: {  	s10 =	simm.s32 $0x5080;
	s11 =	simm.s32 $0x5880;
	s12 =	simm.s32 $0x6080  }
0x8: {  	s13 =	simm.s32 $0x6880;
	s14 =	simm.s32 $0x7080;
	s1 =	sand.u32 $0x1, s1  }
0x9: {  	s15 =	simm.s32 $0x7880;
	s4 =	sshll.u32 s4, $0x8;
	s5 =	sshll.u32 s1, $0x7  }
0xa: {  	s18 =	simm.s32 $0x8080;
	s16 =	simm.s32 $0x8880;
	s4 =	sor.u32 s5, s4  }
0xb: {  	s17 =	simm.s32 $0x9080;
	[smem:$0x7FF] =	sst s3;
	s5 =	sshrl.u32 s4, $0x3  }
0xc: {  	_ =	strace $0x8000004A;
	s4 =	sshll.u32 s4, $0x7;
	s5 =	sadd.s32 s5, s0  }
0xd: {  	s1 =	ssub.s32 $0x2, s1;
	s0 =	sadd.s32 s4, s0;
	s5 =	sadd.s32 $0x2400, s5  }
0xe: {  	s25 =	sshrl.u32 s1, $0x1;
	s26 =	sadd.s32 $0x2600, s0;
	[dreg:$0x3] =	wrdreg s5  }
0xf: {  	s1 =	ssub.s32 s1, s25;
	s6 =	sadd.s32 $0x3600, s0;
	[dreg:$0x4] =	wrdreg s26  }
0x10: {  	s25 =	simm.s32 $0x80;
	s7 =	sadd.s32 $0x4600, s0;
	[dreg:$0x5] =	wrdreg s6  }
0x11: {  	v2 =	vlaneseq.u32;
	s4 =	sadd.s32 $0x100, s2;
	s0 =	sadd.s32 $0x5600, s0;
	[dreg:$0x6] =	wrdreg s7  }
0x12: {  	vm0 =	vmmov $0xffff;
	v1 =	vshrl.u32 v2, $0x3;
	s5 =	sadd.s32 $0x200, s2;
	s6 =	sadd.s32 $0x300, s2;
	[dreg:$0x7] =	wrdreg s0  }
0x13: {  	v0 =	vand.u32 $0x7, v2;
	v2 =	vor.u32 $0x8, v2;
	v1 =	vmul.u32 $0x8, v1;
	s7 =	smax.u32 s1, $0x1;
	s26 =	simm.s32 $0x1880;
	s1 =	simm.s32 $0x4880  }
.LBB2_1:
0x14: {  	s22 =	rddreg [dreg:$0x3];
	s0 =	simm.s32 $0x5  }
0x15: {  	[tilespmem:s3], [sflag:$0x5] =	stream.linear.gather [hbm4b:s22+s3], $0x80, $0x38;
	[tilespmem:$0x10080] =	vst v63  }
0x16: {  	_ =	swait.ge [sflag:s0], $0x80  }
0x17: {  	[sflag:s0] =	ssyncset.done $0x0  }
0x18: {  	[sflag:s0] =	ssyncadd.s32 $0xFFFFFF80  }
0x19: {  	v3 =	vld [tilespmem:$0x0];
	_ =	sdelay $0x4  }
0x1a: {  	v4 =	vshll.u32 v3, $0x3  }
0x1b: {  	v3 =	vand.u32 $0x7, v3;
	v4 =	vand.u32 $0xFFFFFFC0, v4  }
0x1c: {  	v3 =	vor.u32 v3, v4  }
0x1d: {  	v4 =	vperm.xlane v3, v0;
	_ =	sdelay $0x1  }
0x1e: {  	v4 =	vadd.s32 v1, v4;
	_ =	sdelay $0x4  }
0x1f: {  	[tilespmem:s25], [sflag:$0x1] =	stream.indirect_vreg.gather [hbm4b:s2+s3], $0x80, v4, vm0, $0xb8;
	[tilespmem:$0x10080] =	vst v63  }
0x20: {  	v3 =	vperm.xlane v3, v2  }
0x21: {  	[tilespmem:s23], [sflag:$0x1] =	stream.indirect_vreg.gather [hbm4b:s4+s3], $0x80, v4, vm0, $0xb8;
	[tilespmem:$0x10080] =	vst v63  }
0x22: {  	v3 =	vadd.s32 v1, v3  }
0x23: {  	[tilespmem:s24], [sflag:$0x1] =	stream.indirect_vreg.gather [hbm4b:s5+s3], $0x80, v4, vm0, $0xb8;
	[tilespmem:$0x10080] =	vst v63  }
0x24: {  	_ = 	snop  }
0x25: {  	[tilespmem:s26], [sflag:$0x1] =	stream.indirect_vreg.gather [hbm4b:s6+s3], $0x80, v4, vm0, $0xb8;
	[tilespmem:$0x10080] =	vst v63  }
0x26: {  	_ = 	snop  }
0x27: {  	[tilespmem:s28], [sflag:$0x1] =	stream.indirect_vreg.gather [hbm4b:s2+s3], $0x80, v3, vm0, $0xb8;
	[tilespmem:$0x10080] =	vst v63  }
0x28: {  	_ = 	snop  }
0x29: {  	[tilespmem:s29], [sflag:$0x1] =	stream.indirect_vreg.gather [hbm4b:s4+s3], $0x80, v3, vm0, $0xb8;
	[tilespmem:$0x10080] =	vst v63  }
0x2a: {  	_ = 	snop  }
0x2b: {  	[tilespmem:s30], [sflag:$0x1] =	stream.indirect_vreg.gather [hbm4b:s5+s3], $0x80, v3, vm0, $0xb8;
	[tilespmem:$0x10080] =	vst v63  }
0x2c: {  	_ = 	snop  }
0x2d: {  	[tilespmem:s31], [sflag:$0x1] =	stream.indirect_vreg.gather [hbm4b:s6+s3], $0x80, v3, vm0, $0xb8;
	[tilespmem:$0x10080] =	vst v63  }
0x2e: {  	v3 =	vld [tilespmem:$0x10];
	_ =	sdelay $0x4  }
0x2f: {  	v57 =	vshll.u32 v3, $0x3  }
0x30: {  	v3 =	vand.u32 $0x7, v3;
	v4 =	vand.u32 $0xFFFFFFC0, v57  }
0x31: {  	v3 =	vor.u32 v3, v4  }
0x32: {  	v4 =	vperm.xlane v3, v0;
	_ =	sdelay $0x1  }
0x33: {  	v4 =	vadd.s32 v1, v4;
	_ =	sdelay $0x3  }
0x34: {  	s0 =	simm.s32 $0x4080  }
0x35: {  	[tilespmem:s0], [sflag:$0x1] =	stream.indirect_vreg.gather [hbm4b:s2+s3], $0x80, v4, vm0, $0xb8;
	[tilespmem:$0x10080] =	vst v63  }
0x36: {  	v3 =	vperm.xlane v3, v2  }
0x37: {  	[tilespmem:s1], [sflag:$0x1] =	stream.indirect_vreg.gather [hbm4b:s4+s3], $0x80, v4, vm0, $0xb8;
	[tilespmem:$0x10080] =	vst v63  }
0x38: {  	v3 =	vadd.s32 v1, v3  }
0x39: {  	[tilespmem:s10], [sflag:$0x1] =	stream.indirect_vreg.gather [hbm4b:s5+s3], $0x80, v4, vm0, $0xb8;
	[tilespmem:$0x10080] =	vst v63  }
0x3a: {  	_ = 	snop  }
0x3b: {  	[tilespmem:s11], [sflag:$0x1] =	stream.indirect_vreg.gather [hbm4b:s6+s3], $0x80, v4, vm0, $0xb8;
	[tilespmem:$0x10080] =	vst v63  }
0x3c: {  	_ = 	snop  }
0x3d: {  	[tilespmem:s12], [sflag:$0x1] =	stream.indirect_vreg.gather [hbm4b:s2+s3], $0x80, v3, vm0, $0xb8;
	[tilespmem:$0x10080] =	vst v63  }
0x3e: {  	_ = 	snop  }
0x3f: {  	[tilespmem:s13], [sflag:$0x1] =	stream.indirect_vreg.gather [hbm4b:s4+s3], $0x80, v3, vm0, $0xb8;
	[tilespmem:$0x10080] =	vst v63  }
0x40: {  	_ = 	snop  }
0x41: {  	[tilespmem:s14], [sflag:$0x1] =	stream.indirect_vreg.gather [hbm4b:s5+s3], $0x80, v3, vm0, $0xb8;
	[tilespmem:$0x10080] =	vst v63  }
0x42: {  	_ = 	snop  }
0x43: {  	[tilespmem:s15], [sflag:$0x1] =	stream.indirect_vreg.gather [hbm4b:s6+s3], $0x80, v3, vm0, $0xb8;
	[tilespmem:$0x10080] =	vst v63  }
0x44: {  	v3 =	vld [tilespmem:$0x20];
	_ =	sdelay $0x4  }
0x45: {  	v58 =	vshll.u32 v3, $0x3  }
0x46: {  	v3 =	vand.u32 $0x7, v3;
	v4 =	vand.u32 $0xFFFFFFC0, v58  }
0x47: {  	v3 =	vor.u32 v3, v4  }
0x48: {  	v4 =	vperm.xlane v3, v0;
	_ =	sdelay $0x1  }
0x49: {  	v4 =	vadd.s32 v1, v4;
	_ =	sdelay $0x4  }
0x4a: {  	[tilespmem:s18], [sflag:$0x2] =	stream.indirect_vreg.gather [hbm4b:s2+s3], $0x80, v4, vm0, $0xb8;
	[tilespmem:$0x10080] =	vst v63  }
0x4b: {  	v3 =	vperm.xlane v3, v2  }
0x4c: {  	[tilespmem:s16], [sflag:$0x2] =	stream.indirect_vreg.gather [hbm4b:s4+s3], $0x80, v4, vm0, $0xb8;
	[tilespmem:$0x10080] =	vst v63  }
0x4d: {  	v3 =	vadd.s32 v1, v3  }
0x4e: {  	[tilespmem:s17], [sflag:$0x2] =	stream.indirect_vreg.gather [hbm4b:s5+s3], $0x80, v4, vm0, $0xb8;
	[tilespmem:$0x10080] =	vst v63  }
0x4f: {  	s9 =	simm.s32 $0x9880  }
0x50: {  	[tilespmem:s9], [sflag:$0x2] =	stream.indirect_vreg.gather [hbm4b:s6+s3], $0x80, v4, vm0, $0xb8;
	[tilespmem:$0x10080] =	vst v63  }
0x51: {  	s9 =	simm.s32 $0xA080  }
0x52: {  	[tilespmem:s9], [sflag:$0x2] =	stream.indirect_vreg.gather [hbm4b:s2+s3], $0x80, v3, vm0, $0xb8;
	[tilespmem:$0x10080] =	vst v63  }
0x53: {  	s22 =	simm.s32 $0xA880  }
0x54: {  	[tilespmem:s22], [sflag:$0x2] =	stream.indirect_vreg.gather [hbm4b:s4+s3], $0x80, v3, vm0, $0xb8;
	[tilespmem:$0x10080] =	vst v63  }
0x55: {  	s22 =	simm.s32 $0xB080  }
0x56: {  	[tilespmem:s22], [sflag:$0x2] =	stream.indirect_vreg.gather [hbm4b:s5+s3], $0x80, v3, vm0, $0xb8;
	[tilespmem:$0x10080] =	vst v63  }
0x57: {  	s22 =	simm.s32 $0xB880  }
0x58: {  	[tilespmem:s22], [sflag:$0x2] =	stream.indirect_vreg.gather [hbm4b:s6+s3], $0x80, v3, vm0, $0xb8;
	[tilespmem:$0x10080] =	vst v63  }
0x59: {  	v3 =	vld [tilespmem:$0x30];
	_ =	sdelay $0x4  }
0x5a: {  	v59 =	vshll.u32 v3, $0x3  }
0x5b: {  	v3 =	vand.u32 $0x7, v3;
	v4 =	vand.u32 $0xFFFFFFC0, v59  }
0x5c: {  	v3 =	vor.u32 v3, v4  }
0x5d: {  	v4 =	vperm.xlane v3, v0;
	_ =	sdelay $0x1  }
0x5e: {  	v4 =	vadd.s32 v1, v4;
	_ =	sdelay $0x3  }
0x5f: {  	s22 =	simm.s32 $0xC080  }
0x60: {  	[tilespmem:s22], [sflag:$0x2] =	stream.indirect_vreg.gather [hbm4b:s2+s3], $0x80, v4, vm0, $0xb8;
	[tilespmem:$0x10080] =	vst v63  }
0x61: {  	v3 =	vperm.xlane v3, v2;
	s22 =	simm.s32 $0xC880  }
0x62: {  	[tilespmem:s22], [sflag:$0x2] =	stream.indirect_vreg.gather [hbm4b:s4+s3], $0x80, v4, vm0, $0xb8;
	[tilespmem:$0x10080] =	vst v63  }
0x63: {  	v3 =	vadd.s32 v1, v3;
	s22 =	simm.s32 $0xD080  }
0x64: {  	[tilespmem:s22], [sflag:$0x2] =	stream.indirect_vreg.gather [hbm4b:s5+s3], $0x80, v4, vm0, $0xb8;
	[tilespmem:$0x10080] =	vst v63  }
0x65: {  	s22 =	simm.s32 $0xD880  }
0x66: {  	[tilespmem:s22], [sflag:$0x2] =	stream.indirect_vreg.gather [hbm4b:s6+s3], $0x80, v4, vm0, $0xb8;
	[tilespmem:$0x10080] =	vst v63  }
0x67: {  	s22 =	simm.s32 $0xE080  }
0x68: {  	[tilespmem:s22], [sflag:$0x2] =	stream.indirect_vreg.gather [hbm4b:s2+s3], $0x80, v3, vm0, $0xb8;
	[tilespmem:$0x10080] =	vst v63  }
0x69: {  	s22 =	simm.s32 $0xE880  }
0x6a: {  	[tilespmem:s22], [sflag:$0x2] =	stream.indirect_vreg.gather [hbm4b:s4+s3], $0x80, v3, vm0, $0xb8;
	[tilespmem:$0x10080] =	vst v63  }
0x6b: {  	s22 =	simm.s32 $0xF080  }
0x6c: {  	[tilespmem:s22], [sflag:$0x2] =	stream.indirect_vreg.gather [hbm4b:s5+s3], $0x80, v3, vm0, $0xb8;
	[tilespmem:$0x10080] =	vst v63  }
0x6d: {  	s22 =	simm.s32 $0xF880  }
0x6e: {  	[tilespmem:s22], [sflag:$0x2] =	stream.indirect_vreg.gather [hbm4b:s6+s3], $0x80, v3, vm0, $0xb8;
	[tilespmem:$0x10080] =	vst v63  }
0x6f: {  	_ =	swait.ge [sflag:s8], $0x8000  }
0x70: {  	[sflag:s8] =	ssyncset.done $0x0  }
0x71: {  	s22 =	rddreg [dreg:$0x4];
	[sflag:s8] =	ssyncadd.s32 $0xFFFF8000  }
0x72: {  	[hbm4b:s22+s3] =	stream.linear.scatter [tilespmem:s25], [sflag:$0x3], $0x8000, $0x38;
	[tilespmem:$0x10080] =	vst v63  }
0x73: {  	_ =	swait.ge [sflag:s19], $0x8000  }
0x74: {  	[sflag:s19] =	ssyncset.done $0x0  }
0x75: {  	[sflag:s19] =	ssyncadd.s32 $0xFFFF8000  }
0x76: {  	v3 =	vld [tilespmem:$0x40];
	_ =	sdelay $0x4  }
0x77: {  	v60 =	vshll.u32 v3, $0x3  }
0x78: {  	v3 =	vand.u32 $0x7, v3;
	v4 =	vand.u32 $0xFFFFFFC0, v60  }
0x79: {  	v3 =	vor.u32 v3, v4  }
0x7a: {  	v4 =	vperm.xlane v3, v0;
	_ =	sdelay $0x1  }
0x7b: {  	v4 =	vadd.s32 v1, v4;
	_ =	sdelay $0x4  }
0x7c: {  	[tilespmem:s25], [sflag:$0x1] =	stream.indirect_vreg.gather [hbm4b:s2+s3], $0x80, v4, vm0, $0xb8;
	[tilespmem:$0x10080] =	vst v63  }
0x7d: {  	v3 =	vperm.xlane v3, v2  }
0x7e: {  	[tilespmem:s23], [sflag:$0x1] =	stream.indirect_vreg.gather [hbm4b:s4+s3], $0x80, v4, vm0, $0xb8;
	[tilespmem:$0x10080] =	vst v63  }
0x7f: {  	v3 =	vadd.s32 v1, v3  }
0x80: {  	[tilespmem:s24], [sflag:$0x1] =	stream.indirect_vreg.gather [hbm4b:s5+s3], $0x80, v4, vm0, $0xb8;
	[tilespmem:$0x10080] =	vst v63  }
0x81: {  	_ = 	snop  }
0x82: {  	[tilespmem:s26], [sflag:$0x1] =	stream.indirect_vreg.gather [hbm4b:s6+s3], $0x80, v4, vm0, $0xb8;
	[tilespmem:$0x10080] =	vst v63  }
0x83: {  	_ = 	snop  }
0x84: {  	[tilespmem:s28], [sflag:$0x1] =	stream.indirect_vreg.gather [hbm4b:s2+s3], $0x80, v3, vm0, $0xb8;
	[tilespmem:$0x10080] =	vst v63  }
0x85: {  	_ = 	snop  }
0x86: {  	[tilespmem:s29], [sflag:$0x1] =	stream.indirect_vreg.gather [hbm4b:s4+s3], $0x80, v3, vm0, $0xb8;
	[tilespmem:$0x10080] =	vst v63  }
0x87: {  	_ = 	snop  }
0x88: {  	[tilespmem:s30], [sflag:$0x1] =	stream.indirect_vreg.gather [hbm4b:s5+s3], $0x80, v3, vm0, $0xb8;
	[tilespmem:$0x10080] =	vst v63  }
0x89: {  	_ = 	snop  }
0x8a: {  	[tilespmem:s31], [sflag:$0x1] =	stream.indirect_vreg.gather [hbm4b:s6+s3], $0x80, v3, vm0, $0xb8;
	[tilespmem:$0x10080] =	vst v63  }
0x8b: {  	v3 =	vld [tilespmem:$0x50];
	_ =	sdelay $0x4  }
0x8c: {  	v61 =	vshll.u32 v3, $0x3  }
0x8d: {  	v3 =	vand.u32 $0x7, v3;
	v4 =	vand.u32 $0xFFFFFFC0, v61  }
0x8e: {  	v3 =	vor.u32 v3, v4  }
0x8f: {  	v4 =	vperm.xlane v3, v0;
	_ =	sdelay $0x1  }
0x90: {  	v4 =	vadd.s32 v1, v4;
	_ =	sdelay $0x4  }
0x91: {  	[tilespmem:s0], [sflag:$0x1] =	stream.indirect_vreg.gather [hbm4b:s2+s3], $0x80, v4, vm0, $0xb8;
	[tilespmem:$0x10080] =	vst v63  }
0x92: {  	v3 =	vperm.xlane v3, v2  }
0x93: {  	[tilespmem:s1], [sflag:$0x1] =	stream.indirect_vreg.gather [hbm4b:s4+s3], $0x80, v4, vm0, $0xb8;
	[tilespmem:$0x10080] =	vst v63  }
0x94: {  	v3 =	vadd.s32 v1, v3  }
0x95: {  	[tilespmem:s10], [sflag:$0x1] =	stream.indirect_vreg.gather [hbm4b:s5+s3], $0x80, v4, vm0, $0xb8;
	[tilespmem:$0x10080] =	vst v63  }
0x96: {  	_ = 	snop  }
0x97: {  	[tilespmem:s11], [sflag:$0x1] =	stream.indirect_vreg.gather [hbm4b:s6+s3], $0x80, v4, vm0, $0xb8;
	[tilespmem:$0x10080] =	vst v63  }
0x98: {  	_ = 	snop  }
0x99: {  	[tilespmem:s12], [sflag:$0x1] =	stream.indirect_vreg.gather [hbm4b:s2+s3], $0x80, v3, vm0, $0xb8;
	[tilespmem:$0x10080] =	vst v63  }
0x9a: {  	_ = 	snop  }
0x9b: {  	[tilespmem:s13], [sflag:$0x1] =	stream.indirect_vreg.gather [hbm4b:s4+s3], $0x80, v3, vm0, $0xb8;
	[tilespmem:$0x10080] =	vst v63  }
0x9c: {  	_ = 	snop  }
0x9d: {  	[tilespmem:s14], [sflag:$0x1] =	stream.indirect_vreg.gather [hbm4b:s5+s3], $0x80, v3, vm0, $0xb8;
	[tilespmem:$0x10080] =	vst v63  }
0x9e: {  	_ = 	snop  }
0x9f: {  	[tilespmem:s15], [sflag:$0x1] =	stream.indirect_vreg.gather [hbm4b:s6+s3], $0x80, v3, vm0, $0xb8;
	[tilespmem:$0x10080] =	vst v63  }
0xa0: {  	_ =	swait.ge [sflag:s20], $0x8000  }
0xa1: {  	[sflag:s20] =	ssyncset.done $0x0  }
0xa2: {  	s0 =	rddreg [dreg:$0x5];
	[sflag:s20] =	ssyncadd.s32 $0xFFFF8000  }
0xa3: {  	[hbm4b:s0+s3] =	stream.linear.scatter [tilespmem:s18], [sflag:$0x4], $0x8000, $0x38;
	[tilespmem:$0x10080] =	vst v63  }
0xa4: {  	_ =	swait.ge [sflag:s21], $0x8000  }
0xa5: {  	[sflag:s21] =	ssyncset.done $0x0  }
0xa6: {  	[sflag:s21] =	ssyncadd.s32 $0xFFFF8000  }
0xa7: {  	v3 =	vld [tilespmem:$0x60];
	_ =	sdelay $0x4  }
0xa8: {  	v62 =	vshll.u32 v3, $0x3  }
0xa9: {  	v3 =	vand.u32 $0x7, v3;
	v4 =	vand.u32 $0xFFFFFFC0, v62  }
0xaa: {  	v3 =	vor.u32 v3, v4  }
0xab: {  	v4 =	vperm.xlane v3, v0;
	_ =	sdelay $0x1  }
0xac: {  	v4 =	vadd.s32 v1, v4;
	_ =	sdelay $0x4  }
0xad: {  	[tilespmem:s18], [sflag:$0x2] =	stream.indirect_vreg.gather [hbm4b:s2+s3], $0x80, v4, vm0, $0xb8;
	[tilespmem:$0x10080] =	vst v63  }
0xae: {  	v3 =	vperm.xlane v3, v2  }
0xaf: {  	[tilespmem:s16], [sflag:$0x2] =	stream.indirect_vreg.gather [hbm4b:s4+s3], $0x80, v4, vm0, $0xb8;
	[tilespmem:$0x10080] =	vst v63  }
0xb0: {  	v3 =	vadd.s32 v1, v3  }
0xb1: {  	[tilespmem:s17], [sflag:$0x2] =	stream.indirect_vreg.gather [hbm4b:s5+s3], $0x80, v4, vm0, $0xb8;
	[tilespmem:$0x10080] =	vst v63  }
0xb2: {  	s22 =	simm.s32 $0x9880  }
0xb3: {  	[tilespmem:s22], [sflag:$0x2] =	stream.indirect_vreg.gather [hbm4b:s6+s3], $0x80, v4, vm0, $0xb8;
	[tilespmem:$0x10080] =	vst v63  }
0xb4: {  	_ = 	snop  }
0xb5: {  	[tilespmem:s9], [sflag:$0x2] =	stream.indirect_vreg.gather [hbm4b:s2+s3], $0x80, v3, vm0, $0xb8;
	[tilespmem:$0x10080] =	vst v63  }
0xb6: {  	s22 =	simm.s32 $0xA880  }
0xb7: {  	[tilespmem:s22], [sflag:$0x2] =	stream.indirect_vreg.gather [hbm4b:s4+s3], $0x80, v3, vm0, $0xb8;
	[tilespmem:$0x10080] =	vst v63  }
0xb8: {  	s9 =	simm.s32 $0xB080  }
0xb9: {  	[tilespmem:s9], [sflag:$0x2] =	stream.indirect_vreg.gather [hbm4b:s5+s3], $0x80, v3, vm0, $0xb8;
	[tilespmem:$0x10080] =	vst v63  }
0xba: {  	s22 =	simm.s32 $0xB880  }
0xbb: {  	[tilespmem:s22], [sflag:$0x2] =	stream.indirect_vreg.gather [hbm4b:s6+s3], $0x80, v3, vm0, $0xb8;
	[tilespmem:$0x10080] =	vst v63  }
0xbc: {  	v3 =	vld [tilespmem:$0x70];
	_ =	sdelay $0x4  }
0xbd: {  	v63 =	vshll.u32 v3, $0x3  }
0xbe: {  	v3 =	vand.u32 $0x7, v3;
	v4 =	vand.u32 $0xFFFFFFC0, v63  }
0xbf: {  	v3 =	vor.u32 v3, v4  }
0xc0: {  	v4 =	vperm.xlane v3, v0;
	_ =	sdelay $0x1  }
0xc1: {  	v4 =	vadd.s32 v1, v4;
	_ =	sdelay $0x3  }
0xc2: {  	s9 =	simm.s32 $0xC080  }
0xc3: {  	[tilespmem:s9], [sflag:$0x2] =	stream.indirect_vreg.gather [hbm4b:s2+s3], $0x80, v4, vm0, $0xb8;
	[tilespmem:$0x10080] =	vst v63  }
0xc4: {  	s22 =	simm.s32 $0xC880;
	v3 =	vperm.xlane v3, v2  }
0xc5: {  	[tilespmem:s22], [sflag:$0x2] =	stream.indirect_vreg.gather [hbm4b:s4+s3], $0x80, v4, vm0, $0xb8;
	[tilespmem:$0x10080] =	vst v63  }
0xc6: {  	v3 =	vadd.s32 v1, v3;
	s9 =	simm.s32 $0xD080  }
0xc7: {  	[tilespmem:s9], [sflag:$0x2] =	stream.indirect_vreg.gather [hbm4b:s5+s3], $0x80, v4, vm0, $0xb8;
	[tilespmem:$0x10080] =	vst v63  }
0xc8: {  	s22 =	simm.s32 $0xD880  }
0xc9: {  	[tilespmem:s22], [sflag:$0x2] =	stream.indirect_vreg.gather [hbm4b:s6+s3], $0x80, v4, vm0, $0xb8;
	[tilespmem:$0x10080] =	vst v63  }
0xca: {  	s9 =	simm.s32 $0xE080  }
0xcb: {  	[tilespmem:s9], [sflag:$0x2] =	stream.indirect_vreg.gather [hbm4b:s2+s3], $0x80, v3, vm0, $0xb8;
	[tilespmem:$0x10080] =	vst v63  }
0xcc: {  	s22 =	simm.s32 $0xE880  }
0xcd: {  	[tilespmem:s22], [sflag:$0x2] =	stream.indirect_vreg.gather [hbm4b:s4+s3], $0x80, v3, vm0, $0xb8;
	[tilespmem:$0x10080] =	vst v63  }
0xce: {  	s9 =	simm.s32 $0xF080  }
0xcf: {  	[tilespmem:s9], [sflag:$0x2] =	stream.indirect_vreg.gather [hbm4b:s5+s3], $0x80, v3, vm0, $0xb8;
	[tilespmem:$0x10080] =	vst v63  }
0xd0: {  	s22 =	simm.s32 $0xF880  }
0xd1: {  	[tilespmem:s22], [sflag:$0x2] =	stream.indirect_vreg.gather [hbm4b:s6+s3], $0x80, v3, vm0, $0xb8;
	[tilespmem:$0x10080] =	vst v63  }
0xd2: {  	_ =	swait.ge [sflag:s8], $0x8000  }
0xd3: {  	[sflag:s8] =	ssyncset.done $0x0  }
0xd4: {  	s0 =	rddreg [dreg:$0x6];
	[sflag:s8] =	ssyncadd.s32 $0xFFFF8000  }
0xd5: {  	[hbm4b:s0+s3] =	stream.linear.scatter [tilespmem:s25], [sflag:$0x3], $0x8000, $0x38;
	[tilespmem:$0x10080] =	vst v63  }
0xd6: {  	_ =	swait.ge [sflag:s20], $0x8000  }
0xd7: {  	[sflag:s20] =	ssyncset.done $0x0  }
0xd8: {  	s9 =	rddreg [dreg:$0x7];
	[sflag:s20] =	ssyncadd.s32 $0xFFFF8000  }
0xd9: {  	[hbm4b:s9+s3] =	stream.linear.scatter [tilespmem:s18], [sflag:$0x4], $0x8000, $0x38;
	[tilespmem:$0x10080] =	vst v63  }
0xda: {  	p0 =	sne.s32 s7, $0x1;
	_ =	swait.ge [sflag:s19], $0x8000  }
.Ltmp0:
0xdb: {  	[sflag:s19] =	ssyncset.done $0x0;
	(pc) =	sbr.rel @p0 .LBB2_1-.Ltmp0, $4  }
0xdc: {  	[sflag:s19] =	ssyncadd.s32 $0xFFFF8000  }
0xdd: {  	_ =	swait.ge [sflag:s21], $0x8000  }
0xde: {  	[sflag:s21] =	ssyncset.done $0x0  }
0xdf: {  	s7 =	sadd.s32 $0xFFFFFFFF, s7;
	[sflag:s21] =	ssyncadd.s32 $0xFFFF8000  }
0xe0: {  	_ =	sfence.sel $0x180000  }
0xe1: {  	[bflag:$0x0] =	sbarrier.arrive $0xFFFF  }
0xe2: {  	_ =	strace $0x9000004A  }
0xe3: {  	s0 =	stileid.u32;
	[bflag:$0x2] =	sbarrier.arrive $0xFFFF  }
0xe4: {  	p0 =	sne.s32 s0, $0x0;
	s0 =	rddreg [dreg:$0x2]  }
0xe5: {  	s0 =	sadd.s32 @!p0 $0x100000, s0  }
0xe6: {  	[sflag:s0] =	ssyncadd.tile.s32 @!p0 $0x1;
	_ =	shalt  }
.Lfunc_end2:
_tile_overlayer_lowered:
.L_overlay_start_2:
0xe7: {  	(tag) =	ssettag $0x2  }
0xe8: {  	s0 =	rddreg [dreg:$0x0];
	s2 =	stileid.u32  }
0xe9: {  	s1 =	rddreg [dreg:$0x1];
	p0 =	sne.s32 s2, $0x0  }
0xea: {  	s3 =	rddreg [dreg:$0x2];
	[bflag:$0x3] =	sbarrier.arrive $0xFFFF;
	s2 =	simm.s32 @!p0 $0x1C05  }
0xeb: {  	[timem:s3], [sflag:s2] =	dma.local @!p0 [hbm:s0], s1  }
0xec: {  	s0 =	simm.s32 @!p0 $0x5  }
0xed: {  	_ =	swait.ge @!p0 [sflag:s0], s1  }
0xee: {  	s1 =	ssub.s32 @!p0 $0x0, s1;
	[sflag:s0] =	ssyncset.done @!p0 $0x0  }
0xef: {  	[sflag:s0] =	ssyncadd.s32 @!p0 s1  }
0xf0: {  	[bflag:$0x3] =	sbarrier.arrive $0xFFFF  }
0xf1: {  	_ =	shalt  }

// kernel: kernel.17.cloned.1.call-start
scs
__scs_entry_jumppad:
0x0: {  	(pc) =	sbr.rel $0x88, $3  }
0x1: {  	(tag) =	ssettag $0x0;
	lr =	simm.s32 $0x1  }
0x2: {  	[smem:$0x3F9C] =	sst lr;
	_ =	strace $0xD0000000  }
0x3: {  	_ = 	snop  }
0x4: {  	_ = 	snop  }
0x5: {  	_ = 	snop  }
0x6: {  	_ = 	snop  }
0x7: {  	_ = 	snop  }
__scs_overlays_trampoline_lowered:
0x8: {  	[smem:$0x3FAB] =	sst s0  }
0x9: {  	[smem:$0x3FAC] =	sst s1  }
0xa: {  	[smem:$0x3FAD] =	sst s2  }
0xb: {  	[smem:$0x3FAE] =	sst s3  }
0xc: {  	[smem:$0x3FAF] =	sst s4  }
0xd: {  	[smem:$0x3FB0] =	sst s5  }
0xe: {  	[smem:$0x3FB1] =	sst s6  }
0xf: {  	[smem:$0x3FB2] =	sst s7  }
0x10: {  	[smem:$0x3FB3] =	sst s8  }
0x11: {  	[smem:$0x3FB4] =	sst s9;
	s0 =	simm.s32 @!p0 $0x0  }
0x12: {  	s1 =	sld [smem:$0x3F9A];
	s0 =	simm.s32 @p0 $0x1  }
0x13: {  	[smem:$0x3FB5] =	sst s0;
	s0 =	simm.s32 @!p1 $0x0  }
0x14: {  	s2 =	sld [smem:$0x3F99];
	s0 =	simm.s32 @p1 $0x1  }
0x15: {  	[smem:$0x3FB6] =	sst s0;
	s0 =	simm.s32 @!p2 $0x0  }
0x16: {  	s3 =	sld [smem:$0x3FDB];
	s0 =	simm.s32 @p2 $0x1  }
0x17: {  	s4 =	simm.s32 $0x1BF5;
	[smem:$0x3FB8] =	sst s0  }
0x18: {  	s0 =	sld [smem:$0x3F9B];
	_ =	swait.ge [sflag:s4], $0x0  }
0x19: {  	s7 =	sld [smem:$0x3F9C]  }
0x1a: {  	s8 =	sadd.s32 $0xFFFFE003, lr  }
0x1b: {  	s9 =	sadd.s32 $0xFFFFFEF7, lr;
	s5 =	simm.s32 $0xFFFFFFFF;
	p2 =	slt.u32 s8, $0xFFFFF086  }
0x1c: {  	p1 =	slt.u32 s9, $0xF7A;
	s5 =	simm.s32 @!p2 $0x0  }
0x1d: {  	s5 =	simm.s32 @p1 $0x1;
	p0 =	seq.s32 s7, s2  }
0x1e: {  	s7 =	smul.u32 @!p0 $0xF7A, s2;
	p2 =	seq.s32 @!p0 s5, $0x0  }
0x1f: {  	s9 =	smul.u32 $0xF7A, s1;
	s8 =	simm.s32 @!p0 $0x1BF5;
	p2 =	por !p2, p0  }
0x20: {  	[sflag:s8] =	ssyncset.s32 @!p0 $0xFFFFF086;
	s6 =	sadd.s32 @!p0 s3, s7;
	s7 =	simm.s32 @!p0 $0x108  }
0x21: {  	s3 =	sadd.s32 s3, s9;
	s6 =	sadd.s32 @!p0 $0x88, s6;
	s7 =	simm.s32 @p2 $0x1082  }
0x22: {  	[simem:s7], [sflag:s8] =	dma.local @!p0 [hbm:s6], $0xF7A  }
0x23: {  	s9 =	sor.u32 $0xD0000000, s2;
	s6 =	simm.s32 $0x108;
	_ =	swait.ge @!p0 [sflag:s8], $0x0  }
0x24: {  	s3 =	sadd.s32 $0x88, s3;
	s6 =	simm.s32 @!p1 $0x1082;
	[sflag:s4] =	ssyncset.s32 $0xFFFFF086  }
0x25: {  	[simem:s6], [sflag:s4] =	dma.local [hbm:s3], $0xF7A  }
0x26: {  	[smem:$0x3F9C] =	sst s1;
	(tag) =	ssettag s2;
	_ =	strace s9  }
0x27: {  	s1 =	sld [smem:$0x3FAC]  }
0x28: {  	s2 =	sld [smem:$0x3FAD]  }
0x29: {  	s4 =	sld [smem:$0x3FAF]  }
0x2a: {  	p0 =	seq.s32 s5, $0x0;
	s5 =	sld [smem:$0x3FB0]  }
0x2b: {  	s6 =	sld [smem:$0x3FB1]  }
0x2c: {  	s7 =	sld [smem:$0x3FB2]  }
0x2d: {  	s3 =	simm.s32 $0x108;
	s8 =	sld [smem:$0x3FB3]  }
0x2e: {  	s3 =	simm.s32 @!p0 $0x1082;
	s9 =	sld [smem:$0x3FB4]  }
0x2f: {  	lr =	sadd.s32 s0, s3;
	s0 =	sld [smem:$0x3FAB]  }
0x30: {  	s3 =	sld [smem:$0x3FAE]  }
0x31: {  	[smem:$0x3FB7] =	sst s10  }
0x32: {  	s10 =	sld [smem:$0x3FB5];
	_ =	sdelay $0x3  }
0x33: {  	p0 =	seq.s32 s10, $0x1;
	s10 =	sld [smem:$0x3FB7];
	_ =	sdelay $0x3  }
0x34: {  	[smem:$0x3FB7] =	sst s10  }
0x35: {  	s10 =	sld [smem:$0x3FB6];
	_ =	sdelay $0x3  }
0x36: {  	p1 =	seq.s32 s10, $0x1;
	s10 =	sld [smem:$0x3FB7];
	_ =	sdelay $0x3  }
0x37: {  	[smem:$0x3FB7] =	sst s10  }
0x38: {  	s10 =	sld [smem:$0x3FB8]  }
0x39: {  	_ = 	snop;
	(pc) =	sbr.ind lr, $3  }
0x3a: {  	_ = 	snop  }
0x3b: {  	_ = 	snop  }
0x3c: {  	p2 =	seq.s32 s10, $0x1;
	s10 =	sld [smem:$0x3FB7]  }
0x3d: {  	_ =	shalt  }
0x3e: {  	_ =	shalt  }
0x3f: {  	_ =	shalt  }
0x40: {  	_ =	shalt  }
0x41: {  	_ =	shalt  }
0x42: {  	_ =	shalt  }
0x43: {  	_ =	shalt  }
0x44: {  	_ =	shalt  }
0x45: {  	_ =	shalt  }
0x46: {  	_ =	shalt  }
0x47: {  	_ =	shalt  }
0x48: {  	_ =	shalt  }
0x49: {  	_ =	shalt  }
0x4a: {  	_ =	shalt  }
0x4b: {  	_ =	shalt  }
0x4c: {  	_ =	shalt  }
0x4d: {  	_ =	shalt  }
0x4e: {  	_ =	shalt  }
0x4f: {  	_ =	shalt  }
0x50: {  	_ =	shalt  }
0x51: {  	_ =	shalt  }
0x52: {  	_ =	shalt  }
0x53: {  	_ =	shalt  }
0x54: {  	_ =	shalt  }
0x55: {  	_ =	shalt  }
0x56: {  	_ =	shalt  }
0x57: {  	_ =	shalt  }
0x58: {  	_ =	shalt  }
0x59: {  	_ =	shalt  }
0x5a: {  	_ =	shalt  }
0x5b: {  	_ =	shalt  }
0x5c: {  	_ =	shalt  }
0x5d: {  	_ =	shalt  }
0x5e: {  	_ =	shalt  }
0x5f: {  	_ =	shalt  }
0x60: {  	_ =	shalt  }
0x61: {  	_ =	shalt  }
0x62: {  	_ =	shalt  }
0x63: {  	_ =	shalt  }
0x64: {  	_ =	shalt  }
0x65: {  	_ =	shalt  }
0x66: {  	_ =	shalt  }
0x67: {  	_ =	shalt  }
0x68: {  	_ =	shalt  }
0x69: {  	_ =	shalt  }
0x6a: {  	_ =	shalt  }
0x6b: {  	_ =	shalt  }
0x6c: {  	_ =	shalt  }
0x6d: {  	_ =	shalt  }
0x6e: {  	_ =	shalt  }
0x6f: {  	_ =	shalt  }
0x70: {  	_ =	shalt  }
0x71: {  	_ =	shalt  }
0x72: {  	_ =	shalt  }
0x73: {  	_ =	shalt  }
0x74: {  	_ =	shalt  }
0x75: {  	_ =	shalt  }
0x76: {  	_ =	shalt  }
0x77: {  	_ =	shalt  }
0x78: {  	_ =	shalt  }
0x79: {  	_ =	shalt  }
0x7a: {  	_ =	shalt  }
0x7b: {  	_ =	shalt  }
0x7c: {  	_ =	shalt  }
0x7d: {  	_ =	shalt  }
0x7e: {  	_ =	shalt  }
0x7f: {  	_ =	shalt  }
0x80: {  	_ =	shalt  }
0x81: {  	_ =	shalt  }
0x82: {  	_ =	shalt  }
0x83: {  	_ =	shalt  }
0x84: {  	_ =	shalt  }
0x85: {  	_ =	shalt  }
0x86: {  	_ =	shalt  }
0x87: {  	_ =	shalt  }
.Lfunc_end0:
.L_simem_size_0:
called_computation.2_lowered:
.L_overlay_start_0:
0x88: {  	s2 =	sld [smem:$0x3FD9]  }
0x89: {  	s3 =	sld [smem:$0x3FFE];
	_ =	sdelay $0x1  }
0x8a: {  	s1 =	srdreg.scid  }
0x8b: {  	s0 =	sand.u32 $0x1, s1  }
0x8c: {  	s17 =	sshll.u32 s0, $0xA;
	s2 =	sadd.s32 s3, s2  }
0x8d: {  	s2 =	sadd.s32 s2, s17  }
0x8e: {  	[smem:$0x3FC3] =	sst s2  }
0x8f: {  	_ = 	snop  }
0x90: {  	s18 =	sld [smem:$0x3FC8];
	(tm) =	ssettm $0x1  }
0x91: {  	s19 =	sld [smem:$0x3FFB];
	_ =	sdelay $0x3  }
0x92: {  	_ =	strace s19  }
0x93: {  	s2 =	sld [smem:$0x3FFC];
	_ =	sdelay $0x3  }
0x94: {  	_ =	strace s2  }
0x95: {  	s2 =	sld [smem:$0x3FFD];
	_ =	sdelay $0x3  }
0x96: {  	_ =	strace s2  }
0x97: {  	_ =	strace $0x8FFFFFFF  }
0x98: {  	s20 =	sld [smem:$0x3FDB];
	_ =	sdelay $0x1  }
0x99: {  	s4 =	simm.s32 $_scs_section_size  }
0x9a: {  	s5 =	simm.s32 $_size__tile_overlayer_lowered;
	s6 =	simm.s32 $_tile_overlayer_lowered  }
0x9b: {  	s7 =	simm.s32 $0x1BFF;
	s21 =	sshll.u32 s6, $0x1;
	s4 =	sadd.s32 s4, s20  }
0x9c: {  	s22 =	simm.s32 $0x0;
	s5 =	sshll.u32 s5, $0x1;
	s6 =	sadd.s32 s21, s4  }
0x9d: {  	[timem:s22], [sflag:s7] =	dma.local [hbm:s6], s5  }
0x9e: {  	_ =	swait.ge [sflag:s7], s5  }
0x9f: {  	s5 =	ssub.s32 $0x0, s5;
	[sflag:s7] =	ssyncset.done $0x0  }
0xa0: {  	[sflag:s7] =	ssyncadd.s32 s5;
	_ =	sdelay $0x1  }
0xa1: {  	s23 =	simm.s32 $0x1B8B  }
0xa2: {  	_ =	swait.ge [sflag:s23], $0x1  }
0xa3: {  	[sflag:s23] =	ssyncset.done $0x0  }
0xa4: {  	[sflag:s23] =	ssyncadd.s32 $0xFFFFFFFF  }
0xa5: {  	s5 =	sld [smem:$0x0]  }
0xa6: {  	s6 =	sand.u32 $0xFFFFFFFE, s1  }
0xa7: {  	p0 =	sne.s32 s1, s6  }
0xa8: {  	s6 =	sshll.u32 @p0 s6, $0xE  }
0xa9: {  	s6 =	sadd.s32 @p0 $0x11B8D, s6;
	s7 =	sshll.u32 @p0 s5, $0x11  }
0xaa: {  	s6 =	sor.u32 @p0 s7, s6  }
0xab: {  	[sflag:s6] =	ssyncadd.remote.s32 @p0 $0x1;
	_ =	sdelay $0x1  }
0xac: {  	s6 =	simm.s32 @p0 $0x1B8D  }
0xad: {  	_ =	swait.eq @p0 [sflag:s6], $0x1  }
0xae: {  	[sflag:s6] =	ssyncadd.s32 @p0 $0xFFFFFFFF  }
0xaf: {  	s7 =	sshll.u32 @!p0 s1, $0xE  }
0xb0: {  	s7 =	sor.u32 @!p0 $0x4000, s7;
	s6 =	simm.s32 @!p0 $0x1B8D  }
0xb1: {  	s5 =	sshll.u32 @!p0 s5, $0x11;
	s7 =	sadd.s32 @!p0 $0x11B8D, s7;
	_ =	swait.eq @!p0 [sflag:s6], $0x1  }
0xb2: {  	s5 =	sor.u32 @!p0 s5, s7;
	[sflag:s6] =	ssyncadd.s32 @!p0 $0xFFFFFFFF  }
0xb3: {  	s25 =	simm.s32 $0x1B8E;
	s24 =	sld [smem:$0x3FFE];
	[sflag:s5] =	ssyncadd.remote.s32 @!p0 $0x1  }
0xb4: {  	s26 =	simm.s32 $execute0_lowered;
	[smem:$0x3FD2] =	sst s25  }
0xb5: {  	s6 =	sshll.u32 s26, $0x1;
	_ =	strace $0x8000004C;
	[dreg:$0x1] =	wrdreg $0xFFFFFFFF  }
0xb6: {  	s28 =	simm.s32 $_size_execute0_lowered;
	s4 =	sadd.s32 s4, s6;
	[dreg:$0x0] =	wrdreg $0x0  }
0xb7: {  	s6 =	sshll.u32 s28, $0x1;
	[dreg:$0x2] =	wrdreg s4  }
0xb8: {  	[dreg:$0x3] =	wrdreg s6  }
0xb9: {  	[dreg:$0x4] =	wrdreg $0xC0  }
0xba: {  	_ =	task [dreg:s22], $0x5FFFF  }
0xbb: {  	[dreg:$0x1] =	wrdreg $0xFFFFFFFF  }
0xbc: {  	[dreg:$0x0] =	wrdreg $0x60  }
0xbd: {  	[dreg:$0x2] =	wrdreg s18  }
0xbe: {  	[dreg:$0x3] =	wrdreg s24  }
0xbf: {  	[dreg:$0x4] =	wrdreg $0xB  }
0xc0: {  	_ =	task.clear_ibuf [dreg:s22], $0x5FFFF;
	_ =	strace $0x9000004C  }
0xc1: {  	s29 =	simm.s32 $0xB;
	_ =	strace $0x8000004E  }
0xc2: {  	_ =	swait.ge [sflag:s29], $0x1  }
0xc3: {  	[sflag:s29] =	ssyncadd.s32 $0xFFFFFFFF  }
0xc4: {  	_ =	strace $0x9000004E  }
0xc5: {  	_ =	sfence  }
0xc6: {  	s30 =	sld [smem:$0x0];
	_ =	sdelay $0x2  }
0xc7: {  	s31 =	sshll.u32 s1, $0xD;
	s1 =	sshrl.u32 s1, $0x2  }
0xc8: {  	s4 =	sand.u32 $0x4000, s31;
	s1 =	sadd.s32 s1, s30  }
0xc9: {  	s0 =	sor.u32 s4, s0;
	s1 =	sshll.u32 s1, $0x11  }
0xca: {  	s0 =	sor.u32 s1, s0  }
0xcb: {  	s0 =	sadd.s32 $0x8F2B, s0  }
0xcc: {  	[sflag:s0] =	ssyncadd.remote.s32 $0x1  }
0xcd: {  	_ =	sfence.sel $0xFFFF  }
0xce: {  	[dreg:$0x0] =	wrdreg $0xFFFFFFFF;
	(pc) =	sbr.abs _section_cstart, $3  }
0xcf: {  	[dreg:$0x1] =	wrdreg $0xFFFFFFFF  }
0xd0: {  	_ =	task.clear_ibuf [dreg:s22], $0x2FFFF;
	_ =	strace $0x9FFFFFFF  }
0xd1: {  	(tm) =	ssettm $0x7FFFFFFF  }
tec
execute0_lowered:
.L_overlay_start_1:
0x0: {  	(tag) =	ssettag $0x1  }
0x1: {  	s0 =	srdreg.scid;
	s2 =	rddreg [dreg:$0x0]  }
0x2: {  	s1 =	stileid.u32;
	s4 =	rddreg [dreg:$0x1];
	s3 =	simm.s32 $0x0  }
0x3: {  	s28 =	simm.s32 $0x1;
	s29 =	simm.s32 $0x3;
	s22 =	simm.s32 $0x2  }
0x4: {  	s31 =	simm.s32 $0x4;
	s30 =	simm.s32 $0x100;
	s9 =	simm.s32 $0x8100  }
0x5: {  	s10 =	simm.s32 $0xA100;
	s11 =	simm.s32 $0xA900;
	s12 =	simm.s32 $0xB100  }
0x6: {  	s13 =	simm.s32 $0xB900;
	s14 =	simm.s32 $0xC100;
	s15 =	simm.s32 $0xC900  }
0x7: {  	s16 =	simm.s32 $0xD100;
	s17 =	simm.s32 $0xD900;
	s18 =	simm.s32 $0xE100  }
0x8: {  	s19 =	simm.s32 $0xE900;
	s0 =	sand.u32 $0x1, s0;
	s1 =	sshll.u32 s1, $0x1  }
0x9: {  	s20 =	simm.s32 $0xF100;
	s21 =	simm.s32 $0xF900;
	s1 =	sor.u32 s0, s1  }
0xa: {  	[smem:$0x7FF] =	sst s3;
	s0 =	ssub.s32 $0x2, s0;
	s5 =	smul.u32 $0x14, s1  }
0xb: {  	_ =	strace $0x8000004D;
	s6 =	smul.u32 $0x28000, s1;
	s7 =	sshrl.u32 s0, $0x1  }
0xc: {  	s1 =	smul.u32 $0x5000, s1;
	s0 =	ssub.s32 s0, s7;
	s5 =	sadd.s32 s5, s4  }
0xd: {  	s4 =	sadd.s32 $0x82E00, s4;
	s6 =	sshrl.u32 s6, $0x3;
	s5 =	sadd.s32 $0x82600, s5  }
0xe: {  	s1 =	sadd.s32 s4, s1;
	s8 =	sadd.s32 s4, s6;
	[dreg:$0x3] =	wrdreg s5  }
0xf: {  	s7 =	smax.u32 s0, $0x1;
	[dreg:$0x4] =	wrdreg s1;
	s23 =	sadd.s32 $0x1000, s8  }
0x10: {  	s4 =	sadd.s32 $0x100, s2;
	s24 =	sadd.s32 $0x2000, s8;
	[dreg:$0x5] =	wrdreg s23  }
0x11: {  	s6 =	sadd.s32 $0x300, s2;
	s25 =	sadd.s32 $0x3000, s8;
	[dreg:$0x6] =	wrdreg s24  }
0x12: {  	v2 =	vlaneseq.u32;
	s5 =	sadd.s32 $0x200, s2;
	s26 =	sadd.s32 $0x4000, s8;
	[dreg:$0x7] =	wrdreg s25  }
0x13: {  	vm0 =	vmmov $0xffff;
	v1 =	vshrl.u32 v2, $0x3;
	s8 =	simm.s32 $0x9900;
	[dreg:$0x8] =	wrdreg s26;
	s23 =	simm.s32 $0x6900  }
0x14: {  	v0 =	vand.u32 $0x7, v2;
	v2 =	vor.u32 $0x8, v2;
	v1 =	vmul.u32 $0x8, v1;
	s24 =	simm.s32 $0x7100;
	s25 =	simm.s32 $0x7900;
	s26 =	simm.s32 $0x9100  }
.LBB2_1:
0x15: {  	s1 =	rddreg [dreg:$0x3];
	s0 =	simm.s32 $0x5  }
0x16: {  	[tilespmem:s3], [sflag:$0x5] =	stream.linear.gather [hbm4b:s1+s3], $0xA0, $0x38;
	[tilespmem:$0x10100] =	vst v63  }
0x17: {  	_ =	swait.ge [sflag:s0], $0xA0  }
0x18: {  	[sflag:s0] =	ssyncset.done $0x0  }
0x19: {  	[sflag:s0] =	ssyncadd.s32 $0xFFFFFF60  }
0x1a: {  	v3 =	vld [tilespmem:$0x0];
	_ =	sdelay $0x4  }
0x1b: {  	v4 =	vshll.u32 v3, $0x3  }
0x1c: {  	v3 =	vand.u32 $0x7, v3;
	v4 =	vand.u32 $0xFFFFFFC0, v4  }
0x1d: {  	v3 =	vor.u32 v3, v4  }
0x1e: {  	v4 =	vperm.xlane v3, v0;
	_ =	sdelay $0x1  }
0x1f: {  	v4 =	vadd.s32 v1, v4;
	_ =	sdelay $0x4  }
0x20: {  	[tilespmem:s30], [sflag:$0x1] =	stream.indirect_vreg.gather [hbm4b:s2+s3], $0x80, v4, vm0, $0xb8;
	[tilespmem:$0x10100] =	vst v63  }
0x21: {  	s1 =	simm.s32 $0x900;
	v3 =	vperm.xlane v3, v2  }
0x22: {  	[tilespmem:s1], [sflag:$0x1] =	stream.indirect_vreg.gather [hbm4b:s4+s3], $0x80, v4, vm0, $0xb8;
	[tilespmem:$0x10100] =	vst v63  }
0x23: {  	v3 =	vadd.s32 v1, v3;
	s1 =	simm.s32 $0x1100  }
0x24: {  	[tilespmem:s1], [sflag:$0x1] =	stream.indirect_vreg.gather [hbm4b:s5+s3], $0x80, v4, vm0, $0xb8;
	[tilespmem:$0x10100] =	vst v63  }
0x25: {  	s1 =	simm.s32 $0x1900  }
0x26: {  	[tilespmem:s1], [sflag:$0x1] =	stream.indirect_vreg.gather [hbm4b:s6+s3], $0x80, v4, vm0, $0xb8;
	[tilespmem:$0x10100] =	vst v63  }
0x27: {  	s1 =	simm.s32 $0x2100  }
0x28: {  	[tilespmem:s1], [sflag:$0x1] =	stream.indirect_vreg.gather [hbm4b:s2+s3], $0x80, v3, vm0, $0xb8;
	[tilespmem:$0x10100] =	vst v63  }
0x29: {  	s1 =	simm.s32 $0x2900  }
0x2a: {  	[tilespmem:s1], [sflag:$0x1] =	stream.indirect_vreg.gather [hbm4b:s4+s3], $0x80, v3, vm0, $0xb8;
	[tilespmem:$0x10100] =	vst v63  }
0x2b: {  	s1 =	simm.s32 $0x3100  }
0x2c: {  	[tilespmem:s1], [sflag:$0x1] =	stream.indirect_vreg.gather [hbm4b:s5+s3], $0x80, v3, vm0, $0xb8;
	[tilespmem:$0x10100] =	vst v63  }
0x2d: {  	s1 =	simm.s32 $0x3900  }
0x2e: {  	[tilespmem:s1], [sflag:$0x1] =	stream.indirect_vreg.gather [hbm4b:s6+s3], $0x80, v3, vm0, $0xb8;
	[tilespmem:$0x10100] =	vst v63  }
0x2f: {  	v3 =	vld [tilespmem:$0x10];
	_ =	sdelay $0x4  }
0x30: {  	v55 =	vshll.u32 v3, $0x3  }
0x31: {  	v3 =	vand.u32 $0x7, v3;
	v4 =	vand.u32 $0xFFFFFFC0, v55  }
0x32: {  	v3 =	vor.u32 v3, v4  }
0x33: {  	v4 =	vperm.xlane v3, v0;
	_ =	sdelay $0x1  }
0x34: {  	v4 =	vadd.s32 v1, v4;
	_ =	sdelay $0x3  }
0x35: {  	s1 =	simm.s32 $0x4100  }
0x36: {  	[tilespmem:s1], [sflag:$0x1] =	stream.indirect_vreg.gather [hbm4b:s2+s3], $0x80, v4, vm0, $0xb8;
	[tilespmem:$0x10100] =	vst v63  }
0x37: {  	v3 =	vperm.xlane v3, v2;
	s1 =	simm.s32 $0x4900  }
0x38: {  	[tilespmem:s1], [sflag:$0x1] =	stream.indirect_vreg.gather [hbm4b:s4+s3], $0x80, v4, vm0, $0xb8;
	[tilespmem:$0x10100] =	vst v63  }
0x39: {  	v3 =	vadd.s32 v1, v3;
	s1 =	simm.s32 $0x5100  }
0x3a: {  	[tilespmem:s1], [sflag:$0x1] =	stream.indirect_vreg.gather [hbm4b:s5+s3], $0x80, v4, vm0, $0xb8;
	[tilespmem:$0x10100] =	vst v63  }
0x3b: {  	s1 =	simm.s32 $0x5900  }
0x3c: {  	[tilespmem:s1], [sflag:$0x1] =	stream.indirect_vreg.gather [hbm4b:s6+s3], $0x80, v4, vm0, $0xb8;
	[tilespmem:$0x10100] =	vst v63  }
0x3d: {  	s1 =	simm.s32 $0x6100  }
0x3e: {  	[tilespmem:s1], [sflag:$0x1] =	stream.indirect_vreg.gather [hbm4b:s2+s3], $0x80, v3, vm0, $0xb8;
	[tilespmem:$0x10100] =	vst v63  }
0x3f: {  	_ = 	snop  }
0x40: {  	[tilespmem:s23], [sflag:$0x1] =	stream.indirect_vreg.gather [hbm4b:s4+s3], $0x80, v3, vm0, $0xb8;
	[tilespmem:$0x10100] =	vst v63  }
0x41: {  	_ = 	snop  }
0x42: {  	[tilespmem:s24], [sflag:$0x1] =	stream.indirect_vreg.gather [hbm4b:s5+s3], $0x80, v3, vm0, $0xb8;
	[tilespmem:$0x10100] =	vst v63  }
0x43: {  	_ = 	snop  }
0x44: {  	[tilespmem:s25], [sflag:$0x1] =	stream.indirect_vreg.gather [hbm4b:s6+s3], $0x80, v3, vm0, $0xb8;
	[tilespmem:$0x10100] =	vst v63  }
0x45: {  	v3 =	vld [tilespmem:$0x20];
	_ =	sdelay $0x4  }
0x46: {  	v56 =	vshll.u32 v3, $0x3  }
0x47: {  	v3 =	vand.u32 $0x7, v3;
	v4 =	vand.u32 $0xFFFFFFC0, v56  }
0x48: {  	v3 =	vor.u32 v3, v4  }
0x49: {  	v4 =	vperm.xlane v3, v0;
	_ =	sdelay $0x1  }
0x4a: {  	v4 =	vadd.s32 v1, v4;
	_ =	sdelay $0x4  }
0x4b: {  	[tilespmem:s9], [sflag:$0x2] =	stream.indirect_vreg.gather [hbm4b:s2+s3], $0x80, v4, vm0, $0xb8;
	[tilespmem:$0x10100] =	vst v63  }
0x4c: {  	s0 =	simm.s32 $0x8900;
	v3 =	vperm.xlane v3, v2  }
0x4d: {  	[tilespmem:s0], [sflag:$0x2] =	stream.indirect_vreg.gather [hbm4b:s4+s3], $0x80, v4, vm0, $0xb8;
	[tilespmem:$0x10100] =	vst v63  }
0x4e: {  	v3 =	vadd.s32 v1, v3  }
0x4f: {  	[tilespmem:s26], [sflag:$0x2] =	stream.indirect_vreg.gather [hbm4b:s5+s3], $0x80, v4, vm0, $0xb8;
	[tilespmem:$0x10100] =	vst v63  }
0x50: {  	_ = 	snop  }
0x51: {  	[tilespmem:s8], [sflag:$0x2] =	stream.indirect_vreg.gather [hbm4b:s6+s3], $0x80, v4, vm0, $0xb8;
	[tilespmem:$0x10100] =	vst v63  }
0x52: {  	_ = 	snop  }
0x53: {  	[tilespmem:s10], [sflag:$0x2] =	stream.indirect_vreg.gather [hbm4b:s2+s3], $0x80, v3, vm0, $0xb8;
	[tilespmem:$0x10100] =	vst v63  }
0x54: {  	_ = 	snop  }
0x55: {  	[tilespmem:s11], [sflag:$0x2] =	stream.indirect_vreg.gather [hbm4b:s4+s3], $0x80, v3, vm0, $0xb8;
	[tilespmem:$0x10100] =	vst v63  }
0x56: {  	_ = 	snop  }
0x57: {  	[tilespmem:s12], [sflag:$0x2] =	stream.indirect_vreg.gather [hbm4b:s5+s3], $0x80, v3, vm0, $0xb8;
	[tilespmem:$0x10100] =	vst v63  }
0x58: {  	_ = 	snop  }
0x59: {  	[tilespmem:s13], [sflag:$0x2] =	stream.indirect_vreg.gather [hbm4b:s6+s3], $0x80, v3, vm0, $0xb8;
	[tilespmem:$0x10100] =	vst v63  }
0x5a: {  	v3 =	vld [tilespmem:$0x30];
	_ =	sdelay $0x4  }
0x5b: {  	v57 =	vshll.u32 v3, $0x3  }
0x5c: {  	v3 =	vand.u32 $0x7, v3;
	v4 =	vand.u32 $0xFFFFFFC0, v57  }
0x5d: {  	v3 =	vor.u32 v3, v4  }
0x5e: {  	v4 =	vperm.xlane v3, v0;
	_ =	sdelay $0x1  }
0x5f: {  	v4 =	vadd.s32 v1, v4;
	_ =	sdelay $0x4  }
0x60: {  	[tilespmem:s14], [sflag:$0x2] =	stream.indirect_vreg.gather [hbm4b:s2+s3], $0x80, v4, vm0, $0xb8;
	[tilespmem:$0x10100] =	vst v63  }
0x61: {  	v3 =	vperm.xlane v3, v2  }
0x62: {  	[tilespmem:s15], [sflag:$0x2] =	stream.indirect_vreg.gather [hbm4b:s4+s3], $0x80, v4, vm0, $0xb8;
	[tilespmem:$0x10100] =	vst v63  }
0x63: {  	v3 =	vadd.s32 v1, v3  }
0x64: {  	[tilespmem:s16], [sflag:$0x2] =	stream.indirect_vreg.gather [hbm4b:s5+s3], $0x80, v4, vm0, $0xb8;
	[tilespmem:$0x10100] =	vst v63  }
0x65: {  	_ = 	snop  }
0x66: {  	[tilespmem:s17], [sflag:$0x2] =	stream.indirect_vreg.gather [hbm4b:s6+s3], $0x80, v4, vm0, $0xb8;
	[tilespmem:$0x10100] =	vst v63  }
0x67: {  	_ = 	snop  }
0x68: {  	[tilespmem:s18], [sflag:$0x2] =	stream.indirect_vreg.gather [hbm4b:s2+s3], $0x80, v3, vm0, $0xb8;
	[tilespmem:$0x10100] =	vst v63  }
0x69: {  	_ = 	snop  }
0x6a: {  	[tilespmem:s19], [sflag:$0x2] =	stream.indirect_vreg.gather [hbm4b:s4+s3], $0x80, v3, vm0, $0xb8;
	[tilespmem:$0x10100] =	vst v63  }
0x6b: {  	_ = 	snop  }
0x6c: {  	[tilespmem:s20], [sflag:$0x2] =	stream.indirect_vreg.gather [hbm4b:s5+s3], $0x80, v3, vm0, $0xb8;
	[tilespmem:$0x10100] =	vst v63  }
0x6d: {  	_ = 	snop  }
0x6e: {  	[tilespmem:s21], [sflag:$0x2] =	stream.indirect_vreg.gather [hbm4b:s6+s3], $0x80, v3, vm0, $0xb8;
	[tilespmem:$0x10100] =	vst v63  }
0x6f: {  	_ =	swait.ge [sflag:s28], $0x8000  }
0x70: {  	[sflag:s28] =	ssyncset.done $0x0  }
0x71: {  	s1 =	rddreg [dreg:$0x4];
	[sflag:s28] =	ssyncadd.s32 $0xFFFF8000  }
0x72: {  	[hbm4b:s1+s3] =	stream.linear.scatter [tilespmem:s30], [sflag:$0x3], $0x8000, $0x38;
	[tilespmem:$0x10100] =	vst v63  }
0x73: {  	_ =	swait.ge [sflag:s29], $0x8000  }
0x74: {  	[sflag:s29] =	ssyncset.done $0x0  }
0x75: {  	[sflag:s29] =	ssyncadd.s32 $0xFFFF8000  }
0x76: {  	v3 =	vld [tilespmem:$0x40];
	_ =	sdelay $0x4  }
0x77: {  	v58 =	vshll.u32 v3, $0x3  }
0x78: {  	v3 =	vand.u32 $0x7, v3;
	v4 =	vand.u32 $0xFFFFFFC0, v58  }
0x79: {  	v3 =	vor.u32 v3, v4  }
0x7a: {  	v4 =	vperm.xlane v3, v0;
	_ =	sdelay $0x1  }
0x7b: {  	v4 =	vadd.s32 v1, v4;
	_ =	sdelay $0x4  }
0x7c: {  	[tilespmem:s30], [sflag:$0x1] =	stream.indirect_vreg.gather [hbm4b:s2+s3], $0x80, v4, vm0, $0xb8;
	[tilespmem:$0x10100] =	vst v63  }
0x7d: {  	s1 =	simm.s32 $0x900;
	v3 =	vperm.xlane v3, v2  }
0x7e: {  	[tilespmem:s1], [sflag:$0x1] =	stream.indirect_vreg.gather [hbm4b:s4+s3], $0x80, v4, vm0, $0xb8;
	[tilespmem:$0x10100] =	vst v63  }
0x7f: {  	v3 =	vadd.s32 v1, v3;
	s1 =	simm.s32 $0x1100  }
0x80: {  	[tilespmem:s1], [sflag:$0x1] =	stream.indirect_vreg.gather [hbm4b:s5+s3], $0x80, v4, vm0, $0xb8;
	[tilespmem:$0x10100] =	vst v63  }
0x81: {  	s1 =	simm.s32 $0x1900  }
0x82: {  	[tilespmem:s1], [sflag:$0x1] =	stream.indirect_vreg.gather [hbm4b:s6+s3], $0x80, v4, vm0, $0xb8;
	[tilespmem:$0x10100] =	vst v63  }
0x83: {  	s1 =	simm.s32 $0x2100  }
0x84: {  	[tilespmem:s1], [sflag:$0x1] =	stream.indirect_vreg.gather [hbm4b:s2+s3], $0x80, v3, vm0, $0xb8;
	[tilespmem:$0x10100] =	vst v63  }
0x85: {  	s1 =	simm.s32 $0x2900  }
0x86: {  	[tilespmem:s1], [sflag:$0x1] =	stream.indirect_vreg.gather [hbm4b:s4+s3], $0x80, v3, vm0, $0xb8;
	[tilespmem:$0x10100] =	vst v63  }
0x87: {  	s1 =	simm.s32 $0x3100  }
0x88: {  	[tilespmem:s1], [sflag:$0x1] =	stream.indirect_vreg.gather [hbm4b:s5+s3], $0x80, v3, vm0, $0xb8;
	[tilespmem:$0x10100] =	vst v63  }
0x89: {  	s1 =	simm.s32 $0x3900  }
0x8a: {  	[tilespmem:s1], [sflag:$0x1] =	stream.indirect_vreg.gather [hbm4b:s6+s3], $0x80, v3, vm0, $0xb8;
	[tilespmem:$0x10100] =	vst v63  }
0x8b: {  	v3 =	vld [tilespmem:$0x50];
	_ =	sdelay $0x4  }
0x8c: {  	v59 =	vshll.u32 v3, $0x3  }
0x8d: {  	v3 =	vand.u32 $0x7, v3;
	v4 =	vand.u32 $0xFFFFFFC0, v59  }
0x8e: {  	v3 =	vor.u32 v3, v4  }
0x8f: {  	v4 =	vperm.xlane v3, v0;
	_ =	sdelay $0x1  }
0x90: {  	v4 =	vadd.s32 v1, v4;
	_ =	sdelay $0x3  }
0x91: {  	s1 =	simm.s32 $0x4100  }
0x92: {  	[tilespmem:s1], [sflag:$0x1] =	stream.indirect_vreg.gather [hbm4b:s2+s3], $0x80, v4, vm0, $0xb8;
	[tilespmem:$0x10100] =	vst v63  }
0x93: {  	v3 =	vperm.xlane v3, v2;
	s1 =	simm.s32 $0x4900  }
0x94: {  	[tilespmem:s1], [sflag:$0x1] =	stream.indirect_vreg.gather [hbm4b:s4+s3], $0x80, v4, vm0, $0xb8;
	[tilespmem:$0x10100] =	vst v63  }
0x95: {  	v3 =	vadd.s32 v1, v3;
	s1 =	simm.s32 $0x5100  }
0x96: {  	[tilespmem:s1], [sflag:$0x1] =	stream.indirect_vreg.gather [hbm4b:s5+s3], $0x80, v4, vm0, $0xb8;
	[tilespmem:$0x10100] =	vst v63  }
0x97: {  	s1 =	simm.s32 $0x5900  }
0x98: {  	[tilespmem:s1], [sflag:$0x1] =	stream.indirect_vreg.gather [hbm4b:s6+s3], $0x80, v4, vm0, $0xb8;
	[tilespmem:$0x10100] =	vst v63  }
0x99: {  	s1 =	simm.s32 $0x6100  }
0x9a: {  	[tilespmem:s1], [sflag:$0x1] =	stream.indirect_vreg.gather [hbm4b:s2+s3], $0x80, v3, vm0, $0xb8;
	[tilespmem:$0x10100] =	vst v63  }
0x9b: {  	_ = 	snop  }
0x9c: {  	[tilespmem:s23], [sflag:$0x1] =	stream.indirect_vreg.gather [hbm4b:s4+s3], $0x80, v3, vm0, $0xb8;
	[tilespmem:$0x10100] =	vst v63  }
0x9d: {  	_ = 	snop  }
0x9e: {  	[tilespmem:s24], [sflag:$0x1] =	stream.indirect_vreg.gather [hbm4b:s5+s3], $0x80, v3, vm0, $0xb8;
	[tilespmem:$0x10100] =	vst v63  }
0x9f: {  	_ = 	snop  }
0xa0: {  	[tilespmem:s25], [sflag:$0x1] =	stream.indirect_vreg.gather [hbm4b:s6+s3], $0x80, v3, vm0, $0xb8;
	[tilespmem:$0x10100] =	vst v63  }
0xa1: {  	_ =	swait.ge [sflag:s22], $0x8000  }
0xa2: {  	[sflag:s22] =	ssyncset.done $0x0  }
0xa3: {  	s1 =	rddreg [dreg:$0x5];
	[sflag:s22] =	ssyncadd.s32 $0xFFFF8000  }
0xa4: {  	[hbm4b:s1+s3] =	stream.linear.scatter [tilespmem:s9], [sflag:$0x4], $0x8000, $0x38;
	[tilespmem:$0x10100] =	vst v63  }
0xa5: {  	_ =	swait.ge [sflag:s31], $0x8000  }
0xa6: {  	[sflag:s31] =	ssyncset.done $0x0  }
0xa7: {  	[sflag:s31] =	ssyncadd.s32 $0xFFFF8000  }
0xa8: {  	v3 =	vld [tilespmem:$0x60];
	_ =	sdelay $0x4  }
0xa9: {  	v60 =	vshll.u32 v3, $0x3  }
0xaa: {  	v3 =	vand.u32 $0x7, v3;
	v4 =	vand.u32 $0xFFFFFFC0, v60  }
0xab: {  	v3 =	vor.u32 v3, v4  }
0xac: {  	v4 =	vperm.xlane v3, v0;
	_ =	sdelay $0x1  }
0xad: {  	v4 =	vadd.s32 v1, v4;
	_ =	sdelay $0x4  }
0xae: {  	[tilespmem:s9], [sflag:$0x2] =	stream.indirect_vreg.gather [hbm4b:s2+s3], $0x80, v4, vm0, $0xb8;
	[tilespmem:$0x10100] =	vst v63  }
0xaf: {  	v3 =	vperm.xlane v3, v2  }
0xb0: {  	[tilespmem:s0], [sflag:$0x2] =	stream.indirect_vreg.gather [hbm4b:s4+s3], $0x80, v4, vm0, $0xb8;
	[tilespmem:$0x10100] =	vst v63  }
0xb1: {  	v3 =	vadd.s32 v1, v3  }
0xb2: {  	[tilespmem:s26], [sflag:$0x2] =	stream.indirect_vreg.gather [hbm4b:s5+s3], $0x80, v4, vm0, $0xb8;
	[tilespmem:$0x10100] =	vst v63  }
0xb3: {  	_ = 	snop  }
0xb4: {  	[tilespmem:s8], [sflag:$0x2] =	stream.indirect_vreg.gather [hbm4b:s6+s3], $0x80, v4, vm0, $0xb8;
	[tilespmem:$0x10100] =	vst v63  }
0xb5: {  	_ = 	snop  }
0xb6: {  	[tilespmem:s10], [sflag:$0x2] =	stream.indirect_vreg.gather [hbm4b:s2+s3], $0x80, v3, vm0, $0xb8;
	[tilespmem:$0x10100] =	vst v63  }
0xb7: {  	_ = 	snop  }
0xb8: {  	[tilespmem:s11], [sflag:$0x2] =	stream.indirect_vreg.gather [hbm4b:s4+s3], $0x80, v3, vm0, $0xb8;
	[tilespmem:$0x10100] =	vst v63  }
0xb9: {  	_ = 	snop  }
0xba: {  	[tilespmem:s12], [sflag:$0x2] =	stream.indirect_vreg.gather [hbm4b:s5+s3], $0x80, v3, vm0, $0xb8;
	[tilespmem:$0x10100] =	vst v63  }
0xbb: {  	_ = 	snop  }
0xbc: {  	[tilespmem:s13], [sflag:$0x2] =	stream.indirect_vreg.gather [hbm4b:s6+s3], $0x80, v3, vm0, $0xb8;
	[tilespmem:$0x10100] =	vst v63  }
0xbd: {  	v3 =	vld [tilespmem:$0x70];
	_ =	sdelay $0x4  }
0xbe: {  	v61 =	vshll.u32 v3, $0x3  }
0xbf: {  	v3 =	vand.u32 $0x7, v3;
	v4 =	vand.u32 $0xFFFFFFC0, v61  }
0xc0: {  	v3 =	vor.u32 v3, v4  }
0xc1: {  	v4 =	vperm.xlane v3, v0;
	_ =	sdelay $0x1  }
0xc2: {  	v4 =	vadd.s32 v1, v4;
	_ =	sdelay $0x4  }
0xc3: {  	[tilespmem:s14], [sflag:$0x2] =	stream.indirect_vreg.gather [hbm4b:s2+s3], $0x80, v4, vm0, $0xb8;
	[tilespmem:$0x10100] =	vst v63  }
0xc4: {  	v3 =	vperm.xlane v3, v2  }
0xc5: {  	[tilespmem:s15], [sflag:$0x2] =	stream.indirect_vreg.gather [hbm4b:s4+s3], $0x80, v4, vm0, $0xb8;
	[tilespmem:$0x10100] =	vst v63  }
0xc6: {  	v3 =	vadd.s32 v1, v3  }
0xc7: {  	[tilespmem:s16], [sflag:$0x2] =	stream.indirect_vreg.gather [hbm4b:s5+s3], $0x80, v4, vm0, $0xb8;
	[tilespmem:$0x10100] =	vst v63  }
0xc8: {  	_ = 	snop  }
0xc9: {  	[tilespmem:s17], [sflag:$0x2] =	stream.indirect_vreg.gather [hbm4b:s6+s3], $0x80, v4, vm0, $0xb8;
	[tilespmem:$0x10100] =	vst v63  }
0xca: {  	_ = 	snop  }
0xcb: {  	[tilespmem:s18], [sflag:$0x2] =	stream.indirect_vreg.gather [hbm4b:s2+s3], $0x80, v3, vm0, $0xb8;
	[tilespmem:$0x10100] =	vst v63  }
0xcc: {  	_ = 	snop  }
0xcd: {  	[tilespmem:s19], [sflag:$0x2] =	stream.indirect_vreg.gather [hbm4b:s4+s3], $0x80, v3, vm0, $0xb8;
	[tilespmem:$0x10100] =	vst v63  }
0xce: {  	_ = 	snop  }
0xcf: {  	[tilespmem:s20], [sflag:$0x2] =	stream.indirect_vreg.gather [hbm4b:s5+s3], $0x80, v3, vm0, $0xb8;
	[tilespmem:$0x10100] =	vst v63  }
0xd0: {  	_ = 	snop  }
0xd1: {  	[tilespmem:s21], [sflag:$0x2] =	stream.indirect_vreg.gather [hbm4b:s6+s3], $0x80, v3, vm0, $0xb8;
	[tilespmem:$0x10100] =	vst v63  }
0xd2: {  	_ =	swait.ge [sflag:s28], $0x8000  }
0xd3: {  	[sflag:s28] =	ssyncset.done $0x0  }
0xd4: {  	s0 =	rddreg [dreg:$0x6];
	[sflag:s28] =	ssyncadd.s32 $0xFFFF8000  }
0xd5: {  	[hbm4b:s0+s3] =	stream.linear.scatter [tilespmem:s30], [sflag:$0x3], $0x8000, $0x38;
	[tilespmem:$0x10100] =	vst v63  }
0xd6: {  	_ =	swait.ge [sflag:s29], $0x8000  }
0xd7: {  	[sflag:s29] =	ssyncset.done $0x0  }
0xd8: {  	[sflag:s29] =	ssyncadd.s32 $0xFFFF8000  }
0xd9: {  	v3 =	vld [tilespmem:$0x80];
	_ =	sdelay $0x4  }
0xda: {  	v62 =	vshll.u32 v3, $0x3  }
0xdb: {  	v3 =	vand.u32 $0x7, v3;
	v4 =	vand.u32 $0xFFFFFFC0, v62  }
0xdc: {  	v3 =	vor.u32 v3, v4  }
0xdd: {  	v4 =	vperm.xlane v3, v0;
	_ =	sdelay $0x1  }
0xde: {  	v4 =	vadd.s32 v1, v4;
	_ =	sdelay $0x4  }
0xdf: {  	[tilespmem:s30], [sflag:$0x1] =	stream.indirect_vreg.gather [hbm4b:s2+s3], $0x80, v4, vm0, $0xb8;
	[tilespmem:$0x10100] =	vst v63  }
0xe0: {  	s1 =	simm.s32 $0x900;
	v3 =	vperm.xlane v3, v2  }
0xe1: {  	[tilespmem:s1], [sflag:$0x1] =	stream.indirect_vreg.gather [hbm4b:s4+s3], $0x80, v4, vm0, $0xb8;
	[tilespmem:$0x10100] =	vst v63  }
0xe2: {  	v3 =	vadd.s32 v1, v3;
	s1 =	simm.s32 $0x1100  }
0xe3: {  	[tilespmem:s1], [sflag:$0x1] =	stream.indirect_vreg.gather [hbm4b:s5+s3], $0x80, v4, vm0, $0xb8;
	[tilespmem:$0x10100] =	vst v63  }
0xe4: {  	s1 =	simm.s32 $0x1900  }
0xe5: {  	[tilespmem:s1], [sflag:$0x1] =	stream.indirect_vreg.gather [hbm4b:s6+s3], $0x80, v4, vm0, $0xb8;
	[tilespmem:$0x10100] =	vst v63  }
0xe6: {  	s1 =	simm.s32 $0x2100  }
0xe7: {  	[tilespmem:s1], [sflag:$0x1] =	stream.indirect_vreg.gather [hbm4b:s2+s3], $0x80, v3, vm0, $0xb8;
	[tilespmem:$0x10100] =	vst v63  }
0xe8: {  	s1 =	simm.s32 $0x2900  }
0xe9: {  	[tilespmem:s1], [sflag:$0x1] =	stream.indirect_vreg.gather [hbm4b:s4+s3], $0x80, v3, vm0, $0xb8;
	[tilespmem:$0x10100] =	vst v63  }
0xea: {  	s1 =	simm.s32 $0x3100  }
0xeb: {  	[tilespmem:s1], [sflag:$0x1] =	stream.indirect_vreg.gather [hbm4b:s5+s3], $0x80, v3, vm0, $0xb8;
	[tilespmem:$0x10100] =	vst v63  }
0xec: {  	s1 =	simm.s32 $0x3900  }
0xed: {  	[tilespmem:s1], [sflag:$0x1] =	stream.indirect_vreg.gather [hbm4b:s6+s3], $0x80, v3, vm0, $0xb8;
	[tilespmem:$0x10100] =	vst v63  }
0xee: {  	v3 =	vld [tilespmem:$0x90];
	_ =	sdelay $0x4  }
0xef: {  	v63 =	vshll.u32 v3, $0x3  }
0xf0: {  	v3 =	vand.u32 $0x7, v3;
	v4 =	vand.u32 $0xFFFFFFC0, v63  }
0xf1: {  	v3 =	vor.u32 v3, v4  }
0xf2: {  	v4 =	vperm.xlane v3, v0;
	_ =	sdelay $0x1  }
0xf3: {  	v4 =	vadd.s32 v1, v4;
	_ =	sdelay $0x3  }
0xf4: {  	s1 =	simm.s32 $0x4100  }
0xf5: {  	[tilespmem:s1], [sflag:$0x1] =	stream.indirect_vreg.gather [hbm4b:s2+s3], $0x80, v4, vm0, $0xb8;
	[tilespmem:$0x10100] =	vst v63  }
0xf6: {  	v3 =	vperm.xlane v3, v2;
	s1 =	simm.s32 $0x4900  }
0xf7: {  	[tilespmem:s1], [sflag:$0x1] =	stream.indirect_vreg.gather [hbm4b:s4+s3], $0x80, v4, vm0, $0xb8;
	[tilespmem:$0x10100] =	vst v63  }
0xf8: {  	v3 =	vadd.s32 v1, v3;
	s1 =	simm.s32 $0x5100  }
0xf9: {  	[tilespmem:s1], [sflag:$0x1] =	stream.indirect_vreg.gather [hbm4b:s5+s3], $0x80, v4, vm0, $0xb8;
	[tilespmem:$0x10100] =	vst v63  }
0xfa: {  	s1 =	simm.s32 $0x5900  }
0xfb: {  	[tilespmem:s1], [sflag:$0x1] =	stream.indirect_vreg.gather [hbm4b:s6+s3], $0x80, v4, vm0, $0xb8;
	[tilespmem:$0x10100] =	vst v63  }
0xfc: {  	s1 =	simm.s32 $0x6100  }
0xfd: {  	[tilespmem:s1], [sflag:$0x1] =	stream.indirect_vreg.gather [hbm4b:s2+s3], $0x80, v3, vm0, $0xb8;
	[tilespmem:$0x10100] =	vst v63  }
0xfe: {  	_ = 	snop  }
0xff: {  	[tilespmem:s23], [sflag:$0x1] =	stream.indirect_vreg.gather [hbm4b:s4+s3], $0x80, v3, vm0, $0xb8;
	[tilespmem:$0x10100] =	vst v63  }
0x100: {  	_ = 	snop  }
0x101: {  	[tilespmem:s24], [sflag:$0x1] =	stream.indirect_vreg.gather [hbm4b:s5+s3], $0x80, v3, vm0, $0xb8;
	[tilespmem:$0x10100] =	vst v63  }
0x102: {  	_ = 	snop  }
0x103: {  	[tilespmem:s25], [sflag:$0x1] =	stream.indirect_vreg.gather [hbm4b:s6+s3], $0x80, v3, vm0, $0xb8;
	[tilespmem:$0x10100] =	vst v63  }
0x104: {  	_ =	swait.ge [sflag:s22], $0x8000  }
0x105: {  	[sflag:s22] =	ssyncset.done $0x0  }
0x106: {  	s0 =	rddreg [dreg:$0x7];
	[sflag:s22] =	ssyncadd.s32 $0xFFFF8000  }
0x107: {  	[hbm4b:s0+s3] =	stream.linear.scatter [tilespmem:s9], [sflag:$0x4], $0x8000, $0x38;
	[tilespmem:$0x10100] =	vst v63  }
0x108: {  	_ =	swait.ge [sflag:s28], $0x8000  }
0x109: {  	[sflag:s28] =	ssyncset.done $0x0  }
0x10a: {  	s0 =	rddreg [dreg:$0x8];
	[sflag:s28] =	ssyncadd.s32 $0xFFFF8000  }
0x10b: {  	[hbm4b:s0+s3] =	stream.linear.scatter [tilespmem:s30], [sflag:$0x3], $0x8000, $0x38;
	[tilespmem:$0x10100] =	vst v63  }
0x10c: {  	p0 =	sne.s32 s7, $0x1;
	_ =	swait.ge [sflag:s31], $0x8000  }
.Ltmp0:
0x10d: {  	[sflag:s31] =	ssyncset.done $0x0;
	(pc) =	sbr.rel @p0 .LBB2_1-.Ltmp0, $4  }
0x10e: {  	[sflag:s31] =	ssyncadd.s32 $0xFFFF8000  }
0x10f: {  	_ =	swait.ge [sflag:s29], $0x8000  }
0x110: {  	[sflag:s29] =	ssyncset.done $0x0  }
0x111: {  	s7 =	sadd.s32 $0xFFFFFFFF, s7;
	[sflag:s29] =	ssyncadd.s32 $0xFFFF8000  }
0x112: {  	_ =	sfence.sel $0x180000  }
0x113: {  	[bflag:$0x0] =	sbarrier.arrive $0xFFFF  }
0x114: {  	_ =	strace $0x9000004D  }
0x115: {  	s0 =	stileid.u32;
	[bflag:$0x2] =	sbarrier.arrive $0xFFFF  }
0x116: {  	p0 =	sne.s32 s0, $0x0;
	s0 =	rddreg [dreg:$0x2]  }
0x117: {  	s0 =	sadd.s32 @!p0 $0x100000, s0  }
0x118: {  	[sflag:s0] =	ssyncadd.tile.s32 @!p0 $0x1;
	_ =	shalt  }
.Lfunc_end2:
_tile_overlayer_lowered:
.L_overlay_start_2:
0x119: {  	(tag) =	ssettag $0x2  }
0x11a: {  	s0 =	rddreg [dreg:$0x0];
	s2 =	stileid.u32  }
0x11b: {  	s1 =	rddreg [dreg:$0x1];
	p0 =	sne.s32 s2, $0x0  }
0x11c: {  	s3 =	rddreg [dreg:$0x2];
	[bflag:$0x3] =	sbarrier.arrive $0xFFFF;
	s2 =	simm.s32 @!p0 $0x1C05  }
0x11d: {  	[timem:s3], [sflag:s2] =	dma.local @!p0 [hbm:s0], s1  }
0x11e: {  	s0 =	simm.s32 @!p0 $0x5  }
0x11f: {  	_ =	swait.ge @!p0 [sflag:s0], s1  }
0x120: {  	s1 =	ssub.s32 @!p0 $0x0, s1;
	[sflag:s0] =	ssyncset.done @!p0 $0x0  }
0x121: {  	[sflag:s0] =	ssyncadd.s32 @!p0 s1  }
0x122: {  	[bflag:$0x3] =	sbarrier.arrive $0xFFFF  }
0x123: {  	_ =	shalt  }

// kernel: kernel.20.cloned.1.call-start
scs
__scs_entry_jumppad:
0x0: {  	(pc) =	sbr.rel $0x88, $3  }
0x1: {  	(tag) =	ssettag $0x0;
	lr =	simm.s32 $0x1  }
0x2: {  	[smem:$0x3F9C] =	sst lr;
	_ =	strace $0xD0000000  }
0x3: {  	_ = 	snop  }
0x4: {  	_ = 	snop  }
0x5: {  	_ = 	snop  }
0x6: {  	_ = 	snop  }
0x7: {  	_ = 	snop  }
__scs_overlays_trampoline_lowered:
0x8: {  	[smem:$0x3FAB] =	sst s0  }
0x9: {  	[smem:$0x3FAC] =	sst s1  }
0xa: {  	[smem:$0x3FAD] =	sst s2  }
0xb: {  	[smem:$0x3FAE] =	sst s3  }
0xc: {  	[smem:$0x3FAF] =	sst s4  }
0xd: {  	[smem:$0x3FB0] =	sst s5  }
0xe: {  	[smem:$0x3FB1] =	sst s6  }
0xf: {  	[smem:$0x3FB2] =	sst s7  }
0x10: {  	[smem:$0x3FB3] =	sst s8  }
0x11: {  	[smem:$0x3FB4] =	sst s9;
	s0 =	simm.s32 @!p0 $0x0  }
0x12: {  	s1 =	sld [smem:$0x3F9A];
	s0 =	simm.s32 @p0 $0x1  }
0x13: {  	[smem:$0x3FB5] =	sst s0;
	s0 =	simm.s32 @!p1 $0x0  }
0x14: {  	s2 =	sld [smem:$0x3F99];
	s0 =	simm.s32 @p1 $0x1  }
0x15: {  	[smem:$0x3FB6] =	sst s0;
	s0 =	simm.s32 @!p2 $0x0  }
0x16: {  	s3 =	sld [smem:$0x3FDB];
	s0 =	simm.s32 @p2 $0x1  }
0x17: {  	s4 =	simm.s32 $0x1BF5;
	[smem:$0x3FB8] =	sst s0  }
0x18: {  	s0 =	sld [smem:$0x3F9B];
	_ =	swait.ge [sflag:s4], $0x0  }
0x19: {  	s7 =	sld [smem:$0x3F9C]  }
0x1a: {  	s8 =	sadd.s32 $0xFFFFE003, lr  }
0x1b: {  	s9 =	sadd.s32 $0xFFFFFEF7, lr;
	s5 =	simm.s32 $0xFFFFFFFF;
	p2 =	slt.u32 s8, $0xFFFFF086  }
0x1c: {  	p1 =	slt.u32 s9, $0xF7A;
	s5 =	simm.s32 @!p2 $0x0  }
0x1d: {  	s5 =	simm.s32 @p1 $0x1;
	p0 =	seq.s32 s7, s2  }
0x1e: {  	s7 =	smul.u32 @!p0 $0xF7A, s2;
	p2 =	seq.s32 @!p0 s5, $0x0  }
0x1f: {  	s9 =	smul.u32 $0xF7A, s1;
	s8 =	simm.s32 @!p0 $0x1BF5;
	p2 =	por !p2, p0  }
0x20: {  	[sflag:s8] =	ssyncset.s32 @!p0 $0xFFFFF086;
	s6 =	sadd.s32 @!p0 s3, s7;
	s7 =	simm.s32 @!p0 $0x108  }
0x21: {  	s3 =	sadd.s32 s3, s9;
	s6 =	sadd.s32 @!p0 $0x88, s6;
	s7 =	simm.s32 @p2 $0x1082  }
0x22: {  	[simem:s7], [sflag:s8] =	dma.local @!p0 [hbm:s6], $0xF7A  }
0x23: {  	s9 =	sor.u32 $0xD0000000, s2;
	s6 =	simm.s32 $0x108;
	_ =	swait.ge @!p0 [sflag:s8], $0x0  }
0x24: {  	s3 =	sadd.s32 $0x88, s3;
	s6 =	simm.s32 @!p1 $0x1082;
	[sflag:s4] =	ssyncset.s32 $0xFFFFF086  }
0x25: {  	[simem:s6], [sflag:s4] =	dma.local [hbm:s3], $0xF7A  }
0x26: {  	[smem:$0x3F9C] =	sst s1;
	(tag) =	ssettag s2;
	_ =	strace s9  }
0x27: {  	s1 =	sld [smem:$0x3FAC]  }
0x28: {  	s2 =	sld [smem:$0x3FAD]  }
0x29: {  	s4 =	sld [smem:$0x3FAF]  }
0x2a: {  	p0 =	seq.s32 s5, $0x0;
	s5 =	sld [smem:$0x3FB0]  }
0x2b: {  	s6 =	sld [smem:$0x3FB1]  }
0x2c: {  	s7 =	sld [smem:$0x3FB2]  }
0x2d: {  	s3 =	simm.s32 $0x108;
	s8 =	sld [smem:$0x3FB3]  }
0x2e: {  	s3 =	simm.s32 @!p0 $0x1082;
	s9 =	sld [smem:$0x3FB4]  }
0x2f: {  	lr =	sadd.s32 s0, s3;
	s0 =	sld [smem:$0x3FAB]  }
0x30: {  	s3 =	sld [smem:$0x3FAE]  }
0x31: {  	[smem:$0x3FB7] =	sst s10  }
0x32: {  	s10 =	sld [smem:$0x3FB5];
	_ =	sdelay $0x3  }
0x33: {  	p0 =	seq.s32 s10, $0x1;
	s10 =	sld [smem:$0x3FB7];
	_ =	sdelay $0x3  }
0x34: {  	[smem:$0x3FB7] =	sst s10  }
0x35: {  	s10 =	sld [smem:$0x3FB6];
	_ =	sdelay $0x3  }
0x36: {  	p1 =	seq.s32 s10, $0x1;
	s10 =	sld [smem:$0x3FB7];
	_ =	sdelay $0x3  }
0x37: {  	[smem:$0x3FB7] =	sst s10  }
0x38: {  	s10 =	sld [smem:$0x3FB8]  }
0x39: {  	_ = 	snop;
	(pc) =	sbr.ind lr, $3  }
0x3a: {  	_ = 	snop  }
0x3b: {  	_ = 	snop  }
0x3c: {  	p2 =	seq.s32 s10, $0x1;
	s10 =	sld [smem:$0x3FB7]  }
0x3d: {  	_ =	shalt  }
0x3e: {  	_ =	shalt  }
0x3f: {  	_ =	shalt  }
0x40: {  	_ =	shalt  }
0x41: {  	_ =	shalt  }
0x42: {  	_ =	shalt  }
0x43: {  	_ =	shalt  }
0x44: {  	_ =	shalt  }
0x45: {  	_ =	shalt  }
0x46: {  	_ =	shalt  }
0x47: {  	_ =	shalt  }
0x48: {  	_ =	shalt  }
0x49: {  	_ =	shalt  }
0x4a: {  	_ =	shalt  }
0x4b: {  	_ =	shalt  }
0x4c: {  	_ =	shalt  }
0x4d: {  	_ =	shalt  }
0x4e: {  	_ =	shalt  }
0x4f: {  	_ =	shalt  }
0x50: {  	_ =	shalt  }
0x51: {  	_ =	shalt  }
0x52: {  	_ =	shalt  }
0x53: {  	_ =	shalt  }
0x54: {  	_ =	shalt  }
0x55: {  	_ =	shalt  }
0x56: {  	_ =	shalt  }
0x57: {  	_ =	shalt  }
0x58: {  	_ =	shalt  }
0x59: {  	_ =	shalt  }
0x5a: {  	_ =	shalt  }
0x5b: {  	_ =	shalt  }
0x5c: {  	_ =	shalt  }
0x5d: {  	_ =	shalt  }
0x5e: {  	_ =	shalt  }
0x5f: {  	_ =	shalt  }
0x60: {  	_ =	shalt  }
0x61: {  	_ =	shalt  }
0x62: {  	_ =	shalt  }
0x63: {  	_ =	shalt  }
0x64: {  	_ =	shalt  }
0x65: {  	_ =	shalt  }
0x66: {  	_ =	shalt  }
0x67: {  	_ =	shalt  }
0x68: {  	_ =	shalt  }
0x69: {  	_ =	shalt  }
0x6a: {  	_ =	shalt  }
0x6b: {  	_ =	shalt  }
0x6c: {  	_ =	shalt  }
0x6d: {  	_ =	shalt  }
0x6e: {  	_ =	shalt  }
0x6f: {  	_ =	shalt  }
0x70: {  	_ =	shalt  }
0x71: {  	_ =	shalt  }
0x72: {  	_ =	shalt  }
0x73: {  	_ =	shalt  }
0x74: {  	_ =	shalt  }
0x75: {  	_ =	shalt  }
0x76: {  	_ =	shalt  }
0x77: {  	_ =	shalt  }
0x78: {  	_ =	shalt  }
0x79: {  	_ =	shalt  }
0x7a: {  	_ =	shalt  }
0x7b: {  	_ =	shalt  }
0x7c: {  	_ =	shalt  }
0x7d: {  	_ =	shalt  }
0x7e: {  	_ =	shalt  }
0x7f: {  	_ =	shalt  }
0x80: {  	_ =	shalt  }
0x81: {  	_ =	shalt  }
0x82: {  	_ =	shalt  }
0x83: {  	_ =	shalt  }
0x84: {  	_ =	shalt  }
0x85: {  	_ =	shalt  }
0x86: {  	_ =	shalt  }
0x87: {  	_ =	shalt  }
.Lfunc_end0:
.L_simem_size_0:
called_computation.3_lowered:
.L_overlay_start_0:
0x88: {  	s2 =	sld [smem:$0x3FD9]  }
0x89: {  	s3 =	sld [smem:$0x3FFE];
	_ =	sdelay $0x1  }
0x8a: {  	s1 =	srdreg.scid  }
0x8b: {  	s0 =	sand.u32 $0x1, s1  }
0x8c: {  	s17 =	sshll.u32 s0, $0xA;
	s2 =	sadd.s32 s3, s2  }
0x8d: {  	s2 =	sadd.s32 s2, s17  }
0x8e: {  	[smem:$0x3FC3] =	sst s2  }
0x8f: {  	_ = 	snop  }
0x90: {  	s18 =	sld [smem:$0x3FC8];
	(tm) =	ssettm $0x1  }
0x91: {  	s19 =	sld [smem:$0x3FFB];
	_ =	sdelay $0x3  }
0x92: {  	_ =	strace s19  }
0x93: {  	s2 =	sld [smem:$0x3FFC];
	_ =	sdelay $0x3  }
0x94: {  	_ =	strace s2  }
0x95: {  	s2 =	sld [smem:$0x3FFD];
	_ =	sdelay $0x3  }
0x96: {  	_ =	strace s2  }
0x97: {  	_ =	strace $0x8FFFFFFF  }
0x98: {  	s20 =	sld [smem:$0x3FDB];
	_ =	sdelay $0x1  }
0x99: {  	s4 =	simm.s32 $_scs_section_size  }
0x9a: {  	s5 =	simm.s32 $_size__tile_overlayer_lowered;
	s6 =	simm.s32 $_tile_overlayer_lowered  }
0x9b: {  	s7 =	simm.s32 $0x1BFF;
	s21 =	sshll.u32 s6, $0x1;
	s4 =	sadd.s32 s4, s20  }
0x9c: {  	s22 =	simm.s32 $0x0;
	s5 =	sshll.u32 s5, $0x1;
	s6 =	sadd.s32 s21, s4  }
0x9d: {  	[timem:s22], [sflag:s7] =	dma.local [hbm:s6], s5  }
0x9e: {  	_ =	swait.ge [sflag:s7], s5  }
0x9f: {  	s5 =	ssub.s32 $0x0, s5;
	[sflag:s7] =	ssyncset.done $0x0  }
0xa0: {  	[sflag:s7] =	ssyncadd.s32 s5;
	_ =	sdelay $0x1  }
0xa1: {  	s23 =	simm.s32 $0x1B8B  }
0xa2: {  	_ =	swait.ge [sflag:s23], $0x1  }
0xa3: {  	[sflag:s23] =	ssyncset.done $0x0  }
0xa4: {  	[sflag:s23] =	ssyncadd.s32 $0xFFFFFFFF  }
0xa5: {  	s5 =	sld [smem:$0x0]  }
0xa6: {  	s6 =	sand.u32 $0xFFFFFFFE, s1  }
0xa7: {  	p0 =	sne.s32 s1, s6  }
0xa8: {  	s6 =	sshll.u32 @p0 s6, $0xE  }
0xa9: {  	s6 =	sadd.s32 @p0 $0x11B8D, s6;
	s7 =	sshll.u32 @p0 s5, $0x11  }
0xaa: {  	s6 =	sor.u32 @p0 s7, s6  }
0xab: {  	[sflag:s6] =	ssyncadd.remote.s32 @p0 $0x1;
	_ =	sdelay $0x1  }
0xac: {  	s6 =	simm.s32 @p0 $0x1B8D  }
0xad: {  	_ =	swait.eq @p0 [sflag:s6], $0x1  }
0xae: {  	[sflag:s6] =	ssyncadd.s32 @p0 $0xFFFFFFFF  }
0xaf: {  	s7 =	sshll.u32 @!p0 s1, $0xE  }
0xb0: {  	s7 =	sor.u32 @!p0 $0x4000, s7;
	s6 =	simm.s32 @!p0 $0x1B8D  }
0xb1: {  	s5 =	sshll.u32 @!p0 s5, $0x11;
	s7 =	sadd.s32 @!p0 $0x11B8D, s7;
	_ =	swait.eq @!p0 [sflag:s6], $0x1  }
0xb2: {  	s5 =	sor.u32 @!p0 s5, s7;
	[sflag:s6] =	ssyncadd.s32 @!p0 $0xFFFFFFFF  }
0xb3: {  	s25 =	simm.s32 $0x1B8E;
	s24 =	sld [smem:$0x3FFE];
	[sflag:s5] =	ssyncadd.remote.s32 @!p0 $0x1  }
0xb4: {  	s26 =	simm.s32 $execute0_lowered;
	[smem:$0x3FD2] =	sst s25  }
0xb5: {  	s6 =	sshll.u32 s26, $0x1;
	_ =	strace $0x8000004F;
	[dreg:$0x1] =	wrdreg $0xFFFFFFFF  }
0xb6: {  	s28 =	simm.s32 $_size_execute0_lowered;
	s4 =	sadd.s32 s4, s6;
	[dreg:$0x0] =	wrdreg $0x0  }
0xb7: {  	s6 =	sshll.u32 s28, $0x1;
	[dreg:$0x2] =	wrdreg s4  }
0xb8: {  	[dreg:$0x3] =	wrdreg s6  }
0xb9: {  	[dreg:$0x4] =	wrdreg $0xC0  }
0xba: {  	_ =	task [dreg:s22], $0x5FFFF  }
0xbb: {  	[dreg:$0x1] =	wrdreg $0xFFFFFFFF  }
0xbc: {  	[dreg:$0x0] =	wrdreg $0x60  }
0xbd: {  	[dreg:$0x2] =	wrdreg s18  }
0xbe: {  	[dreg:$0x3] =	wrdreg s24  }
0xbf: {  	[dreg:$0x4] =	wrdreg $0xC  }
0xc0: {  	_ =	task.clear_ibuf [dreg:s22], $0x5FFFF;
	_ =	strace $0x9000004F  }
0xc1: {  	s29 =	simm.s32 $0xC;
	_ =	strace $0x80000051  }
0xc2: {  	_ =	swait.ge [sflag:s29], $0x1  }
0xc3: {  	[sflag:s29] =	ssyncadd.s32 $0xFFFFFFFF  }
0xc4: {  	_ =	strace $0x90000051  }
0xc5: {  	_ =	sfence  }
0xc6: {  	s30 =	sld [smem:$0x0];
	_ =	sdelay $0x2  }
0xc7: {  	s31 =	sshll.u32 s1, $0xD;
	s1 =	sshrl.u32 s1, $0x2  }
0xc8: {  	s4 =	sand.u32 $0x4000, s31;
	s1 =	sadd.s32 s1, s30  }
0xc9: {  	s0 =	sor.u32 s4, s0;
	s1 =	sshll.u32 s1, $0x11  }
0xca: {  	s0 =	sor.u32 s1, s0  }
0xcb: {  	s0 =	sadd.s32 $0x8F2B, s0  }
0xcc: {  	[sflag:s0] =	ssyncadd.remote.s32 $0x1  }
0xcd: {  	_ =	sfence.sel $0xFFFF  }
0xce: {  	[dreg:$0x0] =	wrdreg $0xFFFFFFFF;
	(pc) =	sbr.abs _section_cstart, $3  }
0xcf: {  	[dreg:$0x1] =	wrdreg $0xFFFFFFFF  }
0xd0: {  	_ =	task.clear_ibuf [dreg:s22], $0x2FFFF;
	_ =	strace $0x9FFFFFFF  }
0xd1: {  	(tm) =	ssettm $0x7FFFFFFF  }
tec
execute0_lowered:
.L_overlay_start_1:
0x0: {  	(tag) =	ssettag $0x1  }
0x1: {  	s0 =	srdreg.scid;
	s2 =	rddreg [dreg:$0x0]  }
0x2: {  	s1 =	stileid.u32;
	s4 =	rddreg [dreg:$0x1];
	s3 =	simm.s32 $0x0  }
0x3: {  	s28 =	simm.s32 $0x1;
	s29 =	simm.s32 $0x3;
	s22 =	simm.s32 $0x2  }
0x4: {  	s31 =	simm.s32 $0x4;
	s30 =	simm.s32 $0x100;
	s9 =	simm.s32 $0x8100  }
0x5: {  	s10 =	simm.s32 $0xA100;
	s11 =	simm.s32 $0xA900;
	s12 =	simm.s32 $0xB100  }
0x6: {  	s13 =	simm.s32 $0xB900;
	s14 =	simm.s32 $0xC100;
	s15 =	simm.s32 $0xC900  }
0x7: {  	s16 =	simm.s32 $0xD100;
	s17 =	simm.s32 $0xD900;
	s18 =	simm.s32 $0xE100  }
0x8: {  	s19 =	simm.s32 $0xE900;
	s0 =	sand.u32 $0x1, s0;
	s1 =	sshll.u32 s1, $0x1  }
0x9: {  	s20 =	simm.s32 $0xF100;
	s21 =	simm.s32 $0xF900;
	s1 =	sor.u32 s0, s1  }
0xa: {  	[smem:$0x7FF] =	sst s3;
	s0 =	ssub.s32 $0x2, s0;
	s5 =	smul.u32 $0x14, s1  }
0xb: {  	_ =	strace $0x80000050;
	s6 =	smul.u32 $0x28000, s1;
	s7 =	sshrl.u32 s0, $0x1  }
0xc: {  	s1 =	smul.u32 $0x5000, s1;
	s0 =	ssub.s32 s0, s7;
	s5 =	sadd.s32 s5, s4  }
0xd: {  	s4 =	sadd.s32 $0x122E00, s4;
	s6 =	sshrl.u32 s6, $0x3;
	s5 =	sadd.s32 $0x82A00, s5  }
0xe: {  	s1 =	sadd.s32 s4, s1;
	s8 =	sadd.s32 s4, s6;
	[dreg:$0x3] =	wrdreg s5  }
0xf: {  	s7 =	smax.u32 s0, $0x1;
	[dreg:$0x4] =	wrdreg s1;
	s23 =	sadd.s32 $0x1000, s8  }
0x10: {  	s4 =	sadd.s32 $0x100, s2;
	s24 =	sadd.s32 $0x2000, s8;
	[dreg:$0x5] =	wrdreg s23  }
0x11: {  	s6 =	sadd.s32 $0x300, s2;
	s25 =	sadd.s32 $0x3000, s8;
	[dreg:$0x6] =	wrdreg s24  }
0x12: {  	v2 =	vlaneseq.u32;
	s5 =	sadd.s32 $0x200, s2;
	s26 =	sadd.s32 $0x4000, s8;
	[dreg:$0x7] =	wrdreg s25  }
0x13: {  	vm0 =	vmmov $0xffff;
	v1 =	vshrl.u32 v2, $0x3;
	s8 =	simm.s32 $0x9900;
	[dreg:$0x8] =	wrdreg s26;
	s23 =	simm.s32 $0x6900  }
0x14: {  	v0 =	vand.u32 $0x7, v2;
	v2 =	vor.u32 $0x8, v2;
	v1 =	vmul.u32 $0x8, v1;
	s24 =	simm.s32 $0x7100;
	s25 =	simm.s32 $0x7900;
	s26 =	simm.s32 $0x9100  }
.LBB2_1:
0x15: {  	s1 =	rddreg [dreg:$0x3];
	s0 =	simm.s32 $0x5  }
0x16: {  	[tilespmem:s3], [sflag:$0x5] =	stream.linear.gather [hbm4b:s1+s3], $0xA0, $0x38;
	[tilespmem:$0x10100] =	vst v63  }
0x17: {  	_ =	swait.ge [sflag:s0], $0xA0  }
0x18: {  	[sflag:s0] =	ssyncset.done $0x0  }
0x19: {  	[sflag:s0] =	ssyncadd.s32 $0xFFFFFF60  }
0x1a: {  	v3 =	vld [tilespmem:$0x0];
	_ =	sdelay $0x4  }
0x1b: {  	v4 =	vshll.u32 v3, $0x3  }
0x1c: {  	v3 =	vand.u32 $0x7, v3;
	v4 =	vand.u32 $0xFFFFFFC0, v4  }
0x1d: {  	v3 =	vor.u32 v3, v4  }
0x1e: {  	v4 =	vperm.xlane v3, v0;
	_ =	sdelay $0x1  }
0x1f: {  	v4 =	vadd.s32 v1, v4;
	_ =	sdelay $0x4  }
0x20: {  	[tilespmem:s30], [sflag:$0x1] =	stream.indirect_vreg.gather [hbm4b:s2+s3], $0x80, v4, vm0, $0xb8;
	[tilespmem:$0x10100] =	vst v63  }
0x21: {  	s1 =	simm.s32 $0x900;
	v3 =	vperm.xlane v3, v2  }
0x22: {  	[tilespmem:s1], [sflag:$0x1] =	stream.indirect_vreg.gather [hbm4b:s4+s3], $0x80, v4, vm0, $0xb8;
	[tilespmem:$0x10100] =	vst v63  }
0x23: {  	v3 =	vadd.s32 v1, v3;
	s1 =	simm.s32 $0x1100  }
0x24: {  	[tilespmem:s1], [sflag:$0x1] =	stream.indirect_vreg.gather [hbm4b:s5+s3], $0x80, v4, vm0, $0xb8;
	[tilespmem:$0x10100] =	vst v63  }
0x25: {  	s1 =	simm.s32 $0x1900  }
0x26: {  	[tilespmem:s1], [sflag:$0x1] =	stream.indirect_vreg.gather [hbm4b:s6+s3], $0x80, v4, vm0, $0xb8;
	[tilespmem:$0x10100] =	vst v63  }
0x27: {  	s1 =	simm.s32 $0x2100  }
0x28: {  	[tilespmem:s1], [sflag:$0x1] =	stream.indirect_vreg.gather [hbm4b:s2+s3], $0x80, v3, vm0, $0xb8;
	[tilespmem:$0x10100] =	vst v63  }
0x29: {  	s1 =	simm.s32 $0x2900  }
0x2a: {  	[tilespmem:s1], [sflag:$0x1] =	stream.indirect_vreg.gather [hbm4b:s4+s3], $0x80, v3, vm0, $0xb8;
	[tilespmem:$0x10100] =	vst v63  }
0x2b: {  	s1 =	simm.s32 $0x3100  }
0x2c: {  	[tilespmem:s1], [sflag:$0x1] =	stream.indirect_vreg.gather [hbm4b:s5+s3], $0x80, v3, vm0, $0xb8;
	[tilespmem:$0x10100] =	vst v63  }
0x2d: {  	s1 =	simm.s32 $0x3900  }
0x2e: {  	[tilespmem:s1], [sflag:$0x1] =	stream.indirect_vreg.gather [hbm4b:s6+s3], $0x80, v3, vm0, $0xb8;
	[tilespmem:$0x10100] =	vst v63  }
0x2f: {  	v3 =	vld [tilespmem:$0x10];
	_ =	sdelay $0x4  }
0x30: {  	v55 =	vshll.u32 v3, $0x3  }
0x31: {  	v3 =	vand.u32 $0x7, v3;
	v4 =	vand.u32 $0xFFFFFFC0, v55  }
0x32: {  	v3 =	vor.u32 v3, v4  }
0x33: {  	v4 =	vperm.xlane v3, v0;
	_ =	sdelay $0x1  }
0x34: {  	v4 =	vadd.s32 v1, v4;
	_ =	sdelay $0x3  }
0x35: {  	s1 =	simm.s32 $0x4100  }
0x36: {  	[tilespmem:s1], [sflag:$0x1] =	stream.indirect_vreg.gather [hbm4b:s2+s3], $0x80, v4, vm0, $0xb8;
	[tilespmem:$0x10100] =	vst v63  }
0x37: {  	v3 =	vperm.xlane v3, v2;
	s1 =	simm.s32 $0x4900  }
0x38: {  	[tilespmem:s1], [sflag:$0x1] =	stream.indirect_vreg.gather [hbm4b:s4+s3], $0x80, v4, vm0, $0xb8;
	[tilespmem:$0x10100] =	vst v63  }
0x39: {  	v3 =	vadd.s32 v1, v3;
	s1 =	simm.s32 $0x5100  }
0x3a: {  	[tilespmem:s1], [sflag:$0x1] =	stream.indirect_vreg.gather [hbm4b:s5+s3], $0x80, v4, vm0, $0xb8;
	[tilespmem:$0x10100] =	vst v63  }
0x3b: {  	s1 =	simm.s32 $0x5900  }
0x3c: {  	[tilespmem:s1], [sflag:$0x1] =	stream.indirect_vreg.gather [hbm4b:s6+s3], $0x80, v4, vm0, $0xb8;
	[tilespmem:$0x10100] =	vst v63  }
0x3d: {  	s1 =	simm.s32 $0x6100  }
0x3e: {  	[tilespmem:s1], [sflag:$0x1] =	stream.indirect_vreg.gather [hbm4b:s2+s3], $0x80, v3, vm0, $0xb8;
	[tilespmem:$0x10100] =	vst v63  }
0x3f: {  	_ = 	snop  }
0x40: {  	[tilespmem:s23], [sflag:$0x1] =	stream.indirect_vreg.gather [hbm4b:s4+s3], $0x80, v3, vm0, $0xb8;
	[tilespmem:$0x10100] =	vst v63  }
0x41: {  	_ = 	snop  }
0x42: {  	[tilespmem:s24], [sflag:$0x1] =	stream.indirect_vreg.gather [hbm4b:s5+s3], $0x80, v3, vm0, $0xb8;
	[tilespmem:$0x10100] =	vst v63  }
0x43: {  	_ = 	snop  }
0x44: {  	[tilespmem:s25], [sflag:$0x1] =	stream.indirect_vreg.gather [hbm4b:s6+s3], $0x80, v3, vm0, $0xb8;
	[tilespmem:$0x10100] =	vst v63  }
0x45: {  	v3 =	vld [tilespmem:$0x20];
	_ =	sdelay $0x4  }
0x46: {  	v56 =	vshll.u32 v3, $0x3  }
0x47: {  	v3 =	vand.u32 $0x7, v3;
	v4 =	vand.u32 $0xFFFFFFC0, v56  }
0x48: {  	v3 =	vor.u32 v3, v4  }
0x49: {  	v4 =	vperm.xlane v3, v0;
	_ =	sdelay $0x1  }
0x4a: {  	v4 =	vadd.s32 v1, v4;
	_ =	sdelay $0x4  }
0x4b: {  	[tilespmem:s9], [sflag:$0x2] =	stream.indirect_vreg.gather [hbm4b:s2+s3], $0x80, v4, vm0, $0xb8;
	[tilespmem:$0x10100] =	vst v63  }
0x4c: {  	s0 =	simm.s32 $0x8900;
	v3 =	vperm.xlane v3, v2  }
0x4d: {  	[tilespmem:s0], [sflag:$0x2] =	stream.indirect_vreg.gather [hbm4b:s4+s3], $0x80, v4, vm0, $0xb8;
	[tilespmem:$0x10100] =	vst v63  }
0x4e: {  	v3 =	vadd.s32 v1, v3  }
0x4f: {  	[tilespmem:s26], [sflag:$0x2] =	stream.indirect_vreg.gather [hbm4b:s5+s3], $0x80, v4, vm0, $0xb8;
	[tilespmem:$0x10100] =	vst v63  }
0x50: {  	_ = 	snop  }
0x51: {  	[tilespmem:s8], [sflag:$0x2] =	stream.indirect_vreg.gather [hbm4b:s6+s3], $0x80, v4, vm0, $0xb8;
	[tilespmem:$0x10100] =	vst v63  }
0x52: {  	_ = 	snop  }
0x53: {  	[tilespmem:s10], [sflag:$0x2] =	stream.indirect_vreg.gather [hbm4b:s2+s3], $0x80, v3, vm0, $0xb8;
	[tilespmem:$0x10100] =	vst v63  }
0x54: {  	_ = 	snop  }
0x55: {  	[tilespmem:s11], [sflag:$0x2] =	stream.indirect_vreg.gather [hbm4b:s4+s3], $0x80, v3, vm0, $0xb8;
	[tilespmem:$0x10100] =	vst v63  }
0x56: {  	_ = 	snop  }
0x57: {  	[tilespmem:s12], [sflag:$0x2] =	stream.indirect_vreg.gather [hbm4b:s5+s3], $0x80, v3, vm0, $0xb8;
	[tilespmem:$0x10100] =	vst v63  }
0x58: {  	_ = 	snop  }
0x59: {  	[tilespmem:s13], [sflag:$0x2] =	stream.indirect_vreg.gather [hbm4b:s6+s3], $0x80, v3, vm0, $0xb8;
	[tilespmem:$0x10100] =	vst v63  }
0x5a: {  	v3 =	vld [tilespmem:$0x30];
	_ =	sdelay $0x4  }
0x5b: {  	v57 =	vshll.u32 v3, $0x3  }
0x5c: {  	v3 =	vand.u32 $0x7, v3;
	v4 =	vand.u32 $0xFFFFFFC0, v57  }
0x5d: {  	v3 =	vor.u32 v3, v4  }
0x5e: {  	v4 =	vperm.xlane v3, v0;
	_ =	sdelay $0x1  }
0x5f: {  	v4 =	vadd.s32 v1, v4;
	_ =	sdelay $0x4  }
0x60: {  	[tilespmem:s14], [sflag:$0x2] =	stream.indirect_vreg.gather [hbm4b:s2+s3], $0x80, v4, vm0, $0xb8;
	[tilespmem:$0x10100] =	vst v63  }
0x61: {  	v3 =	vperm.xlane v3, v2  }
0x62: {  	[tilespmem:s15], [sflag:$0x2] =	stream.indirect_vreg.gather [hbm4b:s4+s3], $0x80, v4, vm0, $0xb8;
	[tilespmem:$0x10100] =	vst v63  }
0x63: {  	v3 =	vadd.s32 v1, v3  }
0x64: {  	[tilespmem:s16], [sflag:$0x2] =	stream.indirect_vreg.gather [hbm4b:s5+s3], $0x80, v4, vm0, $0xb8;
	[tilespmem:$0x10100] =	vst v63  }
0x65: {  	_ = 	snop  }
0x66: {  	[tilespmem:s17], [sflag:$0x2] =	stream.indirect_vreg.gather [hbm4b:s6+s3], $0x80, v4, vm0, $0xb8;
	[tilespmem:$0x10100] =	vst v63  }
0x67: {  	_ = 	snop  }
0x68: {  	[tilespmem:s18], [sflag:$0x2] =	stream.indirect_vreg.gather [hbm4b:s2+s3], $0x80, v3, vm0, $0xb8;
	[tilespmem:$0x10100] =	vst v63  }
0x69: {  	_ = 	snop  }
0x6a: {  	[tilespmem:s19], [sflag:$0x2] =	stream.indirect_vreg.gather [hbm4b:s4+s3], $0x80, v3, vm0, $0xb8;
	[tilespmem:$0x10100] =	vst v63  }
0x6b: {  	_ = 	snop  }
0x6c: {  	[tilespmem:s20], [sflag:$0x2] =	stream.indirect_vreg.gather [hbm4b:s5+s3], $0x80, v3, vm0, $0xb8;
	[tilespmem:$0x10100] =	vst v63  }
0x6d: {  	_ = 	snop  }
0x6e: {  	[tilespmem:s21], [sflag:$0x2] =	stream.indirect_vreg.gather [hbm4b:s6+s3], $0x80, v3, vm0, $0xb8;
	[tilespmem:$0x10100] =	vst v63  }
0x6f: {  	_ =	swait.ge [sflag:s28], $0x8000  }
0x70: {  	[sflag:s28] =	ssyncset.done $0x0  }
0x71: {  	s1 =	rddreg [dreg:$0x4];
	[sflag:s28] =	ssyncadd.s32 $0xFFFF8000  }
0x72: {  	[hbm4b:s1+s3] =	stream.linear.scatter [tilespmem:s30], [sflag:$0x3], $0x8000, $0x38;
	[tilespmem:$0x10100] =	vst v63  }
0x73: {  	_ =	swait.ge [sflag:s29], $0x8000  }
0x74: {  	[sflag:s29] =	ssyncset.done $0x0  }
0x75: {  	[sflag:s29] =	ssyncadd.s32 $0xFFFF8000  }
0x76: {  	v3 =	vld [tilespmem:$0x40];
	_ =	sdelay $0x4  }
0x77: {  	v58 =	vshll.u32 v3, $0x3  }
0x78: {  	v3 =	vand.u32 $0x7, v3;
	v4 =	vand.u32 $0xFFFFFFC0, v58  }
0x79: {  	v3 =	vor.u32 v3, v4  }
0x7a: {  	v4 =	vperm.xlane v3, v0;
	_ =	sdelay $0x1  }
0x7b: {  	v4 =	vadd.s32 v1, v4;
	_ =	sdelay $0x4  }
0x7c: {  	[tilespmem:s30], [sflag:$0x1] =	stream.indirect_vreg.gather [hbm4b:s2+s3], $0x80, v4, vm0, $0xb8;
	[tilespmem:$0x10100] =	vst v63  }
0x7d: {  	s1 =	simm.s32 $0x900;
	v3 =	vperm.xlane v3, v2  }
0x7e: {  	[tilespmem:s1], [sflag:$0x1] =	stream.indirect_vreg.gather [hbm4b:s4+s3], $0x80, v4, vm0, $0xb8;
	[tilespmem:$0x10100] =	vst v63  }
0x7f: {  	v3 =	vadd.s32 v1, v3;
	s1 =	simm.s32 $0x1100  }
0x80: {  	[tilespmem:s1], [sflag:$0x1] =	stream.indirect_vreg.gather [hbm4b:s5+s3], $0x80, v4, vm0, $0xb8;
	[tilespmem:$0x10100] =	vst v63  }
0x81: {  	s1 =	simm.s32 $0x1900  }
0x82: {  	[tilespmem:s1], [sflag:$0x1] =	stream.indirect_vreg.gather [hbm4b:s6+s3], $0x80, v4, vm0, $0xb8;
	[tilespmem:$0x10100] =	vst v63  }
0x83: {  	s1 =	simm.s32 $0x2100  }
0x84: {  	[tilespmem:s1], [sflag:$0x1] =	stream.indirect_vreg.gather [hbm4b:s2+s3], $0x80, v3, vm0, $0xb8;
	[tilespmem:$0x10100] =	vst v63  }
0x85: {  	s1 =	simm.s32 $0x2900  }
0x86: {  	[tilespmem:s1], [sflag:$0x1] =	stream.indirect_vreg.gather [hbm4b:s4+s3], $0x80, v3, vm0, $0xb8;
	[tilespmem:$0x10100] =	vst v63  }
0x87: {  	s1 =	simm.s32 $0x3100  }
0x88: {  	[tilespmem:s1], [sflag:$0x1] =	stream.indirect_vreg.gather [hbm4b:s5+s3], $0x80, v3, vm0, $0xb8;
	[tilespmem:$0x10100] =	vst v63  }
0x89: {  	s1 =	simm.s32 $0x3900  }
0x8a: {  	[tilespmem:s1], [sflag:$0x1] =	stream.indirect_vreg.gather [hbm4b:s6+s3], $0x80, v3, vm0, $0xb8;
	[tilespmem:$0x10100] =	vst v63  }
0x8b: {  	v3 =	vld [tilespmem:$0x50];
	_ =	sdelay $0x4  }
0x8c: {  	v59 =	vshll.u32 v3, $0x3  }
0x8d: {  	v3 =	vand.u32 $0x7, v3;
	v4 =	vand.u32 $0xFFFFFFC0, v59  }
0x8e: {  	v3 =	vor.u32 v3, v4  }
0x8f: {  	v4 =	vperm.xlane v3, v0;
	_ =	sdelay $0x1  }
0x90: {  	v4 =	vadd.s32 v1, v4;
	_ =	sdelay $0x3  }
0x91: {  	s1 =	simm.s32 $0x4100  }
0x92: {  	[tilespmem:s1], [sflag:$0x1] =	stream.indirect_vreg.gather [hbm4b:s2+s3], $0x80, v4, vm0, $0xb8;
	[tilespmem:$0x10100] =	vst v63  }
0x93: {  	v3 =	vperm.xlane v3, v2;
	s1 =	simm.s32 $0x4900  }
0x94: {  	[tilespmem:s1], [sflag:$0x1] =	stream.indirect_vreg.gather [hbm4b:s4+s3], $0x80, v4, vm0, $0xb8;
	[tilespmem:$0x10100] =	vst v63  }
0x95: {  	v3 =	vadd.s32 v1, v3;
	s1 =	simm.s32 $0x5100  }
0x96: {  	[tilespmem:s1], [sflag:$0x1] =	stream.indirect_vreg.gather [hbm4b:s5+s3], $0x80, v4, vm0, $0xb8;
	[tilespmem:$0x10100] =	vst v63  }
0x97: {  	s1 =	simm.s32 $0x5900  }
0x98: {  	[tilespmem:s1], [sflag:$0x1] =	stream.indirect_vreg.gather [hbm4b:s6+s3], $0x80, v4, vm0, $0xb8;
	[tilespmem:$0x10100] =	vst v63  }
0x99: {  	s1 =	simm.s32 $0x6100  }
0x9a: {  	[tilespmem:s1], [sflag:$0x1] =	stream.indirect_vreg.gather [hbm4b:s2+s3], $0x80, v3, vm0, $0xb8;
	[tilespmem:$0x10100] =	vst v63  }
0x9b: {  	_ = 	snop  }
0x9c: {  	[tilespmem:s23], [sflag:$0x1] =	stream.indirect_vreg.gather [hbm4b:s4+s3], $0x80, v3, vm0, $0xb8;
	[tilespmem:$0x10100] =	vst v63  }
0x9d: {  	_ = 	snop  }
0x9e: {  	[tilespmem:s24], [sflag:$0x1] =	stream.indirect_vreg.gather [hbm4b:s5+s3], $0x80, v3, vm0, $0xb8;
	[tilespmem:$0x10100] =	vst v63  }
0x9f: {  	_ = 	snop  }
0xa0: {  	[tilespmem:s25], [sflag:$0x1] =	stream.indirect_vreg.gather [hbm4b:s6+s3], $0x80, v3, vm0, $0xb8;
	[tilespmem:$0x10100] =	vst v63  }
0xa1: {  	_ =	swait.ge [sflag:s22], $0x8000  }
0xa2: {  	[sflag:s22] =	ssyncset.done $0x0  }
0xa3: {  	s1 =	rddreg [dreg:$0x5];
	[sflag:s22] =	ssyncadd.s32 $0xFFFF8000  }
0xa4: {  	[hbm4b:s1+s3] =	stream.linear.scatter [tilespmem:s9], [sflag:$0x4], $0x8000, $0x38;
	[tilespmem:$0x10100] =	vst v63  }
0xa5: {  	_ =	swait.ge [sflag:s31], $0x8000  }
0xa6: {  	[sflag:s31] =	ssyncset.done $0x0  }
0xa7: {  	[sflag:s31] =	ssyncadd.s32 $0xFFFF8000  }
0xa8: {  	v3 =	vld [tilespmem:$0x60];
	_ =	sdelay $0x4  }
0xa9: {  	v60 =	vshll.u32 v3, $0x3  }
0xaa: {  	v3 =	vand.u32 $0x7, v3;
	v4 =	vand.u32 $0xFFFFFFC0, v60  }
0xab: {  	v3 =	vor.u32 v3, v4  }
0xac: {  	v4 =	vperm.xlane v3, v0;
	_ =	sdelay $0x1  }
0xad: {  	v4 =	vadd.s32 v1, v4;
	_ =	sdelay $0x4  }
0xae: {  	[tilespmem:s9], [sflag:$0x2] =	stream.indirect_vreg.gather [hbm4b:s2+s3], $0x80, v4, vm0, $0xb8;
	[tilespmem:$0x10100] =	vst v63  }
0xaf: {  	v3 =	vperm.xlane v3, v2  }
0xb0: {  	[tilespmem:s0], [sflag:$0x2] =	stream.indirect_vreg.gather [hbm4b:s4+s3], $0x80, v4, vm0, $0xb8;
	[tilespmem:$0x10100] =	vst v63  }
0xb1: {  	v3 =	vadd.s32 v1, v3  }
0xb2: {  	[tilespmem:s26], [sflag:$0x2] =	stream.indirect_vreg.gather [hbm4b:s5+s3], $0x80, v4, vm0, $0xb8;
	[tilespmem:$0x10100] =	vst v63  }
0xb3: {  	_ = 	snop  }
0xb4: {  	[tilespmem:s8], [sflag:$0x2] =	stream.indirect_vreg.gather [hbm4b:s6+s3], $0x80, v4, vm0, $0xb8;
	[tilespmem:$0x10100] =	vst v63  }
0xb5: {  	_ = 	snop  }
0xb6: {  	[tilespmem:s10], [sflag:$0x2] =	stream.indirect_vreg.gather [hbm4b:s2+s3], $0x80, v3, vm0, $0xb8;
	[tilespmem:$0x10100] =	vst v63  }
0xb7: {  	_ = 	snop  }
0xb8: {  	[tilespmem:s11], [sflag:$0x2] =	stream.indirect_vreg.gather [hbm4b:s4+s3], $0x80, v3, vm0, $0xb8;
	[tilespmem:$0x10100] =	vst v63  }
0xb9: {  	_ = 	snop  }
0xba: {  	[tilespmem:s12], [sflag:$0x2] =	stream.indirect_vreg.gather [hbm4b:s5+s3], $0x80, v3, vm0, $0xb8;
	[tilespmem:$0x10100] =	vst v63  }
0xbb: {  	_ = 	snop  }
0xbc: {  	[tilespmem:s13], [sflag:$0x2] =	stream.indirect_vreg.gather [hbm4b:s6+s3], $0x80, v3, vm0, $0xb8;
	[tilespmem:$0x10100] =	vst v63  }
0xbd: {  	v3 =	vld [tilespmem:$0x70];
	_ =	sdelay $0x4  }
0xbe: {  	v61 =	vshll.u32 v3, $0x3  }
0xbf: {  	v3 =	vand.u32 $0x7, v3;
	v4 =	vand.u32 $0xFFFFFFC0, v61  }
0xc0: {  	v3 =	vor.u32 v3, v4  }
0xc1: {  	v4 =	vperm.xlane v3, v0;
	_ =	sdelay $0x1  }
0xc2: {  	v4 =	vadd.s32 v1, v4;
	_ =	sdelay $0x4  }
0xc3: {  	[tilespmem:s14], [sflag:$0x2] =	stream.indirect_vreg.gather [hbm4b:s2+s3], $0x80, v4, vm0, $0xb8;
	[tilespmem:$0x10100] =	vst v63  }
0xc4: {  	v3 =	vperm.xlane v3, v2  }
0xc5: {  	[tilespmem:s15], [sflag:$0x2] =	stream.indirect_vreg.gather [hbm4b:s4+s3], $0x80, v4, vm0, $0xb8;
	[tilespmem:$0x10100] =	vst v63  }
0xc6: {  	v3 =	vadd.s32 v1, v3  }
0xc7: {  	[tilespmem:s16], [sflag:$0x2] =	stream.indirect_vreg.gather [hbm4b:s5+s3], $0x80, v4, vm0, $0xb8;
	[tilespmem:$0x10100] =	vst v63  }
0xc8: {  	_ = 	snop  }
0xc9: {  	[tilespmem:s17], [sflag:$0x2] =	stream.indirect_vreg.gather [hbm4b:s6+s3], $0x80, v4, vm0, $0xb8;
	[tilespmem:$0x10100] =	vst v63  }
0xca: {  	_ = 	snop  }
0xcb: {  	[tilespmem:s18], [sflag:$0x2] =	stream.indirect_vreg.gather [hbm4b:s2+s3], $0x80, v3, vm0, $0xb8;
	[tilespmem:$0x10100] =	vst v63  }
0xcc: {  	_ = 	snop  }
0xcd: {  	[tilespmem:s19], [sflag:$0x2] =	stream.indirect_vreg.gather [hbm4b:s4+s3], $0x80, v3, vm0, $0xb8;
	[tilespmem:$0x10100] =	vst v63  }
0xce: {  	_ = 	snop  }
0xcf: {  	[tilespmem:s20], [sflag:$0x2] =	stream.indirect_vreg.gather [hbm4b:s5+s3], $0x80, v3, vm0, $0xb8;
	[tilespmem:$0x10100] =	vst v63  }
0xd0: {  	_ = 	snop  }
0xd1: {  	[tilespmem:s21], [sflag:$0x2] =	stream.indirect_vreg.gather [hbm4b:s6+s3], $0x80, v3, vm0, $0xb8;
	[tilespmem:$0x10100] =	vst v63  }
0xd2: {  	_ =	swait.ge [sflag:s28], $0x8000  }
0xd3: {  	[sflag:s28] =	ssyncset.done $0x0  }
0xd4: {  	s0 =	rddreg [dreg:$0x6];
	[sflag:s28] =	ssyncadd.s32 $0xFFFF8000  }
0xd5: {  	[hbm4b:s0+s3] =	stream.linear.scatter [tilespmem:s30], [sflag:$0x3], $0x8000, $0x38;
	[tilespmem:$0x10100] =	vst v63  }
0xd6: {  	_ =	swait.ge [sflag:s29], $0x8000  }
0xd7: {  	[sflag:s29] =	ssyncset.done $0x0  }
0xd8: {  	[sflag:s29] =	ssyncadd.s32 $0xFFFF8000  }
0xd9: {  	v3 =	vld [tilespmem:$0x80];
	_ =	sdelay $0x4  }
0xda: {  	v62 =	vshll.u32 v3, $0x3  }
0xdb: {  	v3 =	vand.u32 $0x7, v3;
	v4 =	vand.u32 $0xFFFFFFC0, v62  }
0xdc: {  	v3 =	vor.u32 v3, v4  }
0xdd: {  	v4 =	vperm.xlane v3, v0;
	_ =	sdelay $0x1  }
0xde: {  	v4 =	vadd.s32 v1, v4;
	_ =	sdelay $0x4  }
0xdf: {  	[tilespmem:s30], [sflag:$0x1] =	stream.indirect_vreg.gather [hbm4b:s2+s3], $0x80, v4, vm0, $0xb8;
	[tilespmem:$0x10100] =	vst v63  }
0xe0: {  	s1 =	simm.s32 $0x900;
	v3 =	vperm.xlane v3, v2  }
0xe1: {  	[tilespmem:s1], [sflag:$0x1] =	stream.indirect_vreg.gather [hbm4b:s4+s3], $0x80, v4, vm0, $0xb8;
	[tilespmem:$0x10100] =	vst v63  }
0xe2: {  	v3 =	vadd.s32 v1, v3;
	s1 =	simm.s32 $0x1100  }
0xe3: {  	[tilespmem:s1], [sflag:$0x1] =	stream.indirect_vreg.gather [hbm4b:s5+s3], $0x80, v4, vm0, $0xb8;
	[tilespmem:$0x10100] =	vst v63  }
0xe4: {  	s1 =	simm.s32 $0x1900  }
0xe5: {  	[tilespmem:s1], [sflag:$0x1] =	stream.indirect_vreg.gather [hbm4b:s6+s3], $0x80, v4, vm0, $0xb8;
	[tilespmem:$0x10100] =	vst v63  }
0xe6: {  	s1 =	simm.s32 $0x2100  }
0xe7: {  	[tilespmem:s1], [sflag:$0x1] =	stream.indirect_vreg.gather [hbm4b:s2+s3], $0x80, v3, vm0, $0xb8;
	[tilespmem:$0x10100] =	vst v63  }
0xe8: {  	s1 =	simm.s32 $0x2900  }
0xe9: {  	[tilespmem:s1], [sflag:$0x1] =	stream.indirect_vreg.gather [hbm4b:s4+s3], $0x80, v3, vm0, $0xb8;
	[tilespmem:$0x10100] =	vst v63  }
0xea: {  	s1 =	simm.s32 $0x3100  }
0xeb: {  	[tilespmem:s1], [sflag:$0x1] =	stream.indirect_vreg.gather [hbm4b:s5+s3], $0x80, v3, vm0, $0xb8;
	[tilespmem:$0x10100] =	vst v63  }
0xec: {  	s1 =	simm.s32 $0x3900  }
0xed: {  	[tilespmem:s1], [sflag:$0x1] =	stream.indirect_vreg.gather [hbm4b:s6+s3], $0x80, v3, vm0, $0xb8;
	[tilespmem:$0x10100] =	vst v63  }
0xee: {  	v3 =	vld [tilespmem:$0x90];
	_ =	sdelay $0x4  }
0xef: {  	v63 =	vshll.u32 v3, $0x3  }
0xf0: {  	v3 =	vand.u32 $0x7, v3;
	v4 =	vand.u32 $0xFFFFFFC0, v63  }
0xf1: {  	v3 =	vor.u32 v3, v4  }
0xf2: {  	v4 =	vperm.xlane v3, v0;
	_ =	sdelay $0x1  }
0xf3: {  	v4 =	vadd.s32 v1, v4;
	_ =	sdelay $0x3  }
0xf4: {  	s1 =	simm.s32 $0x4100  }
0xf5: {  	[tilespmem:s1], [sflag:$0x1] =	stream.indirect_vreg.gather [hbm4b:s2+s3], $0x80, v4, vm0, $0xb8;
	[tilespmem:$0x10100] =	vst v63  }
0xf6: {  	v3 =	vperm.xlane v3, v2;
	s1 =	simm.s32 $0x4900  }
0xf7: {  	[tilespmem:s1], [sflag:$0x1] =	stream.indirect_vreg.gather [hbm4b:s4+s3], $0x80, v4, vm0, $0xb8;
	[tilespmem:$0x10100] =	vst v63  }
0xf8: {  	v3 =	vadd.s32 v1, v3;
	s1 =	simm.s32 $0x5100  }
0xf9: {  	[tilespmem:s1], [sflag:$0x1] =	stream.indirect_vreg.gather [hbm4b:s5+s3], $0x80, v4, vm0, $0xb8;
	[tilespmem:$0x10100] =	vst v63  }
0xfa: {  	s1 =	simm.s32 $0x5900  }
0xfb: {  	[tilespmem:s1], [sflag:$0x1] =	stream.indirect_vreg.gather [hbm4b:s6+s3], $0x80, v4, vm0, $0xb8;
	[tilespmem:$0x10100] =	vst v63  }
0xfc: {  	s1 =	simm.s32 $0x6100  }
0xfd: {  	[tilespmem:s1], [sflag:$0x1] =	stream.indirect_vreg.gather [hbm4b:s2+s3], $0x80, v3, vm0, $0xb8;
	[tilespmem:$0x10100] =	vst v63  }
0xfe: {  	_ = 	snop  }
0xff: {  	[tilespmem:s23], [sflag:$0x1] =	stream.indirect_vreg.gather [hbm4b:s4+s3], $0x80, v3, vm0, $0xb8;
	[tilespmem:$0x10100] =	vst v63  }
0x100: {  	_ = 	snop  }
0x101: {  	[tilespmem:s24], [sflag:$0x1] =	stream.indirect_vreg.gather [hbm4b:s5+s3], $0x80, v3, vm0, $0xb8;
	[tilespmem:$0x10100] =	vst v63  }
0x102: {  	_ = 	snop  }
0x103: {  	[tilespmem:s25], [sflag:$0x1] =	stream.indirect_vreg.gather [hbm4b:s6+s3], $0x80, v3, vm0, $0xb8;
	[tilespmem:$0x10100] =	vst v63  }
0x104: {  	_ =	swait.ge [sflag:s22], $0x8000  }
0x105: {  	[sflag:s22] =	ssyncset.done $0x0  }
0x106: {  	s0 =	rddreg [dreg:$0x7];
	[sflag:s22] =	ssyncadd.s32 $0xFFFF8000  }
0x107: {  	[hbm4b:s0+s3] =	stream.linear.scatter [tilespmem:s9], [sflag:$0x4], $0x8000, $0x38;
	[tilespmem:$0x10100] =	vst v63  }
0x108: {  	_ =	swait.ge [sflag:s28], $0x8000  }
0x109: {  	[sflag:s28] =	ssyncset.done $0x0  }
0x10a: {  	s0 =	rddreg [dreg:$0x8];
	[sflag:s28] =	ssyncadd.s32 $0xFFFF8000  }
0x10b: {  	[hbm4b:s0+s3] =	stream.linear.scatter [tilespmem:s30], [sflag:$0x3], $0x8000, $0x38;
	[tilespmem:$0x10100] =	vst v63  }
0x10c: {  	p0 =	sne.s32 s7, $0x1;
	_ =	swait.ge [sflag:s31], $0x8000  }
.Ltmp0:
0x10d: {  	[sflag:s31] =	ssyncset.done $0x0;
	(pc) =	sbr.rel @p0 .LBB2_1-.Ltmp0, $4  }
0x10e: {  	[sflag:s31] =	ssyncadd.s32 $0xFFFF8000  }
0x10f: {  	_ =	swait.ge [sflag:s29], $0x8000  }
0x110: {  	[sflag:s29] =	ssyncset.done $0x0  }
0x111: {  	s7 =	sadd.s32 $0xFFFFFFFF, s7;
	[sflag:s29] =	ssyncadd.s32 $0xFFFF8000  }
0x112: {  	_ =	sfence.sel $0x180000  }
0x113: {  	[bflag:$0x0] =	sbarrier.arrive $0xFFFF  }
0x114: {  	_ =	strace $0x90000050  }
0x115: {  	s0 =	stileid.u32;
	[bflag:$0x2] =	sbarrier.arrive $0xFFFF  }
0x116: {  	p0 =	sne.s32 s0, $0x0;
	s0 =	rddreg [dreg:$0x2]  }
0x117: {  	s0 =	sadd.s32 @!p0 $0x100000, s0  }
0x118: {  	[sflag:s0] =	ssyncadd.tile.s32 @!p0 $0x1;
	_ =	shalt  }
.Lfunc_end2:
_tile_overlayer_lowered:
.L_overlay_start_2:
0x119: {  	(tag) =	ssettag $0x2  }
0x11a: {  	s0 =	rddreg [dreg:$0x0];
	s2 =	stileid.u32  }
0x11b: {  	s1 =	rddreg [dreg:$0x1];
	p0 =	sne.s32 s2, $0x0  }
0x11c: {  	s3 =	rddreg [dreg:$0x2];
	[bflag:$0x3] =	sbarrier.arrive $0xFFFF;
	s2 =	simm.s32 @!p0 $0x1C05  }
0x11d: {  	[timem:s3], [sflag:s2] =	dma.local @!p0 [hbm:s0], s1  }
0x11e: {  	s0 =	simm.s32 @!p0 $0x5  }
0x11f: {  	_ =	swait.ge @!p0 [sflag:s0], s1  }
0x120: {  	s1 =	ssub.s32 @!p0 $0x0, s1;
	[sflag:s0] =	ssyncset.done @!p0 $0x0  }
0x121: {  	[sflag:s0] =	ssyncadd.s32 @!p0 s1  }
0x122: {  	[bflag:$0x3] =	sbarrier.arrive $0xFFFF  }
0x123: {  	_ =	shalt  }

</sc_bundles>
